<compile_context>
chip_gen: v7x
topology: tpu7x:2x2x1
jax: 0.10.2.dev20260603
libtpu: 0.0.44.dev20260713+nightly
codegen_flags: <defaults>
</compile_context>

<pallas_src>
import functools

import numpy as np
import jax
import jax.numpy as jnp
from jax import lax
from jax.experimental import pallas as pl
from jax.experimental.pallas import tpu as pltpu
from jax.experimental.pallas import tpu_sc as plsc

_NODE = 512
_B = 64
_E = 8192
_HEADS = 2
_SLOPE = 0.2
_SELU_SCALE = 1.0507009873554805
_SELU_ALPHA = 1.6732632423543772

_ROWS_PER_TILE = 16
_LANES = 16


def _sc_count_body(src_hbm, dst_hbm, out_hbm, src_v, dst_v, cnt_v):
    lanes_c = np.int32(_LANES)
    node_c = np.int32(_NODE)
    wid = lax.axis_index("s") * np.int32(2) + lax.axis_index("c")
    lo = wid * np.int32(_ROWS_PER_TILE)
    pltpu.sync_copy(src_hbm, src_v)
    pltpu.sync_copy(dst_hbm, dst_v)

    zeros = jnp.zeros((_LANES,), jnp.float32)
    ones = jnp.ones((_LANES,), jnp.float32)
    lane = lax.iota(jnp.int32, _LANES)

    def zero_body(c):
        cnt_v[pl.ds(c * lanes_c, _LANES)] = zeros
        return c + np.int32(1)

    lax.while_loop(lambda c: c < np.int32((_ROWS_PER_TILE * _NODE) // _LANES),
                   zero_body, np.int32(0))

    def edge_body(c):
        s = src_v[pl.ds(c * lanes_c, _LANES)]
        d = dst_v[pl.ds(c * lanes_c, _LANES)]
        rel = d - lo
        inr = (rel >= np.int32(0)) & (rel < np.int32(_ROWS_PER_TILE))
        idx = jnp.clip(rel, np.int32(0), np.int32(_ROWS_PER_TILE - 1)) * node_c + s
        for j in range(_LANES):
            plsc.addupdate_scatter(cnt_v, [idx], ones, mask=inr & (lane == j))
        return c + np.int32(1)

    lax.while_loop(lambda c: c < np.int32(_E // _LANES), edge_body, np.int32(0))

    diag_idx = lane * node_c + (lo + lane)
    plsc.store_scatter(cnt_v, [diag_idx], ones)

    pltpu.sync_copy(cnt_v, out_hbm.at[pl.ds(wid * np.int32(_ROWS_PER_TILE * _NODE),
                                            _ROWS_PER_TILE * _NODE)])


@functools.cache
def _sc_count_call():
    return pl.kernel(
        _sc_count_body,
        out_type=jax.ShapeDtypeStruct((_NODE * _NODE,), jnp.float32),
        mesh=plsc.VectorSubcoreMesh(core_axis_name="c", subcore_axis_name="s"),
        compiler_params=pltpu.CompilerParams(needs_layout_passes=False),
        scratch_types=[
            pltpu.VMEM((_E,), jnp.int32),
            pltpu.VMEM((_E,), jnp.int32),
            pltpu.VMEM((_ROWS_PER_TILE * _NODE,), jnp.float32),
        ],
    )


def _blockdiag2(a_ref, dout):
    zrow = jnp.zeros((1, dout), jnp.float32)
    return jnp.concatenate(
        [jnp.concatenate([a_ref[pl.ds(0, 1), :], zrow], axis=1),
         jnp.concatenate([zrow, a_ref[pl.ds(1, 1), :]], axis=1)], axis=0)


def _gat_layer(xp, asT, adT, b_ref, C, dout):
    dcols = lax.dot_general(xp, adT, (((1,), (1,)), ((), ())),
                            preferred_element_type=jnp.float32)
    srows = lax.dot_general(asT, xp, (((1,), (1,)), ((), ())),
                            preferred_element_type=jnp.float32)
    ones_col = jnp.ones((_NODE, 1), jnp.bfloat16)
    aggs = []
    for hh in range(_HEADS):
        xph = xp[:, hh * dout:(hh + 1) * dout]
        s_row = srows[hh:hh + 1, :]
        d_col = dcols[:, hh:hh + 1]
        smax = jnp.max(s_row)
        z = d_col + smax
        u = jnp.exp(s_row - smax).astype(jnp.bfloat16)
        u2 = jnp.exp(_SLOPE * (s_row - smax)).astype(jnp.bfloat16)
        v = jnp.exp(0.8 * jnp.minimum(z, 0.0)).astype(jnp.bfloat16)
        w2 = jnp.exp(-0.8 * jnp.maximum(z, 0.0)).astype(jnp.bfloat16)
        ex = C * jnp.maximum(v * u, w2 * u2)
        xpa = jnp.concatenate([xph.astype(jnp.bfloat16), ones_col], axis=1)
        agg_aug = lax.dot_general(ex, xpa, (((1,), (0,)), ((), ())),
                                  preferred_element_type=jnp.float32)
        agg = agg_aug[:, :dout]
        denom = agg_aug[:, dout:dout + 1]
        rec = pl.reciprocal(jnp.maximum(denom, 1e-30), approx=True)
        aggs.append(agg * rec)
    h = 0.5 * (aggs[0] + aggs[1]) + b_ref[...][None, :]
    return _SELU_SCALE * jnp.where(h > 0, h, _SELU_ALPHA * (jnp.exp(h) - 1.0))


_BPB = 8


def _one_item(xb, nx_part, C, params, wo_ref, bo_ref):
    (w1_ref, w2_ref, W0a, asT0, adT0, b0_ref, asT1, adT1, b1_ref,
     asT2, adT2, b2_ref) = params
    xp0 = (nx_part
           + lax.dot_general(xb, W0a, (((1,), (1,)), ((), ())),
                             preferred_element_type=jnp.float32))
    h = _gat_layer(xp0, asT0, adT0, b0_ref, C, 128)
    xp1 = lax.dot_general(h, w1_ref[...], (((1,), (1,)), ((), ())),
                          preferred_element_type=jnp.float32)
    h = _gat_layer(xp1, asT1, adT1, b1_ref, C, 64)
    xp2 = lax.dot_general(h, w2_ref[...], (((1,), (1,)), ((), ())),
                          preferred_element_type=jnp.float32)
    h = _gat_layer(xp2, asT2, adT2, b2_ref, C, 32)
    return jnp.sum(h * wo_ref[...], axis=1, keepdims=True) + bo_ref[0]


def _tc_body(x_ref, nx_ref, c_ref,
             w0_ref, as0_ref, ad0_ref, b0_ref,
             w1_ref, as1_ref, ad1_ref, b1_ref,
             w2_ref, as2_ref, ad2_ref, b2_ref,
             wo_ref, bo_ref, out_ref):
    g = pl.program_id(0)
    W0 = w0_ref[...]
    Cb = c_ref[...].astype(jnp.bfloat16)
    nx_part = lax.dot_general(nx_ref[...], W0[:, 64:], (((1,), (1,)), ((), ())),
                              preferred_element_type=jnp.float32)
    params = (w1_ref, w2_ref, W0[:, :64],
              _blockdiag2(as0_ref, 128), _blockdiag2(ad0_ref, 128), b0_ref,
              _blockdiag2(as1_ref, 64), _blockdiag2(ad1_ref, 64), b1_ref,
              _blockdiag2(as2_ref, 32), _blockdiag2(ad2_ref, 32), b2_ref)
    for bb in range(_BPB):
        b = g * np.int32(_BPB) + np.int32(bb)
        xb = x_ref[pl.ds(b, 1), :]
        out = _one_item(xb, nx_part, Cb, params, wo_ref, bo_ref)
        out_ref[pl.ds(bb, 1), :, :] = out[None, :, :]


def _full(shape):
    return pl.BlockSpec(shape, lambda b: (np.int32(0),) * len(shape))


_tc_call = pl.pallas_call(
    _tc_body,
    grid=(_B // _BPB,),
    in_specs=[
        _full((_B, 64)), _full((_NODE, 64)), _full((_NODE, _NODE)),
        _full((256, 128)), _full((2, 128)), _full((2, 128)), _full((128,)),
        _full((128, 128)), _full((2, 64)), _full((2, 64)), _full((64,)),
        _full((64, 64)), _full((2, 32)), _full((2, 32)), _full((32,)),
        _full((1, 32)), _full((1,)),
    ],
    out_specs=pl.BlockSpec((_BPB, _NODE, 1),
                           lambda b: (b, np.int32(0), np.int32(0))),
    out_shape=jax.ShapeDtypeStruct((_B, _NODE, 1), jnp.float32),
)


def kernel(x, node_x, edge_index, W0, as0, ad0, b0, W1, as1, ad1, b1,
           W2, as2, ad2, b2, Wout, bout):
    ei = edge_index.astype(jnp.int32)
    counts = _sc_count_call()(ei[0], ei[1])
    C = counts.reshape(_NODE, _NODE)
    out = _tc_call(x.astype(jnp.float32), node_x.astype(jnp.float32), C,
                   W0, as0, ad0, b0, W1, as1, ad1, b1,
                   W2, as2, ad2, b2, Wout, bout)
    return out.reshape(_B, _NODE)

# --- scband reference (transcript-rebuilt; emitter-appended) ---
"""Pipeline reference for scband-graph-mlp-60327110640293 (READ-ONLY COPY).

The authoritative reference and input builder live on the scoring server;
editing this copy changes nothing except your own understanding.
"""

import jax, jax.numpy as jnp
import numpy as np
jax.config.update("jax_enable_x64", True)

NODE_NUM = 512
HEADS = 2
DIMS = [128, 128, 64, 32]

def _glorot(key, shape):
    fan = shape[0] + shape[1] if len(shape) == 2 else shape[-1] * 2
    s = (6.0 / fan) ** 0.5
    return jax.random.uniform(key, shape, dtype=jnp.float32, minval=-s, maxval=s)

def setup_inputs(seed: int = 0):
    key = jax.random.key(seed)
    ks = jax.random.split(key, 20)
    inp = {}
    inp["x"] = jax.random.normal(ks[0], (64, 64), dtype=jnp.float32)
    inp["node_x"] = jax.random.normal(ks[1], (NODE_NUM, 64), dtype=jnp.float32)
    inp["edge_index"] = jax.random.randint(ks[2], (2, 8192), 0, NODE_NUM, dtype=jnp.int64)
    k = 3
    for i in range(3):
        din, dout = DIMS[i], DIMS[i + 1]
        inp[f"W{i}"] = _glorot(ks[k], (HEADS * dout, din)); k += 1
        inp[f"as{i}"] = _glorot(ks[k], (HEADS, dout)); k += 1
        inp[f"ad{i}"] = _glorot(ks[k], (HEADS, dout)); k += 1
        inp[f"b{i}"] = jnp.zeros((dout,), dtype=jnp.float32)
    inp["Wout"] = _glorot(ks[k], (1, DIMS[-1])); k += 1
    inp["bout"] = jnp.zeros((1,), dtype=jnp.float32)
    return inp

def _gat(h, src, dst, N, W, a_s, a_d, b):
    H = HEADS
    dout = W.shape[0] // H
    xp = (h @ W.T).reshape(N, H, dout)
    alpha_s = (xp * a_s[None]).sum(-1)
    alpha_d = (xp * a_d[None]).sum(-1)
    e = jax.nn.leaky_relu(alpha_s[src] + alpha_d[dst], negative_slope=0.2)
    emax = jax.ops.segment_max(e, dst, num_segments=N)
    emax = jnp.where(jnp.isfinite(emax), emax, 0.0)
    ex = jnp.exp(e - emax[dst])
    denom = jax.ops.segment_sum(ex, dst, num_segments=N)
    alpha = ex / jnp.clip(denom[dst], 1e-16, None)
    msg = xp[src] * alpha[:, :, None]
    agg = jax.ops.segment_sum(msg, dst, num_segments=N)
    return agg.mean(axis=1) + b[None, :]

def reference(x, node_x, edge_index, W0, as0, ad0, b0, W1, as1, ad1, b1, W2, as2, ad2, b2, Wout, bout):
    B = x.shape[0]
    xr = jnp.broadcast_to(x[:, None, :], (B, NODE_NUM, x.shape[1]))
    nr = jnp.broadcast_to(node_x[None, :, :], (B, NODE_NUM, node_x.shape[1]))
    feat = jnp.concatenate([xr, nr], axis=-1).reshape(B * NODE_NUM, -1)
    N = B * NODE_NUM
    offsets = jnp.arange(B, dtype=edge_index.dtype) * NODE_NUM
    ei = (edge_index[:, None, :] + offsets[None, :, None]).reshape(2, -1)
    m = ei[0] != ei[1]
    src = ei[0]; dst = jnp.where(m, ei[1], jnp.asarray(N, dtype=edge_index.dtype))
    loop = jnp.arange(N, dtype=edge_index.dtype)
    src = jnp.concatenate([src, loop]); dst = jnp.concatenate([dst, loop])
    h = feat
    for (W, a_s, a_d, b) in [(W0, as0, ad0, b0), (W1, as1, ad1, b1), (W2, as2, ad2, b2)]:
        h = _gat(h, src, dst, N, W, a_s, a_d, b)
        h = jax.nn.selu(h)  # Dropout is identity in eval mode
    h = h.reshape(B, NODE_NUM, DIMS[-1])
    out = h @ Wout.T + bout[None, None, :]
    return out.squeeze(-1)

if __name__ == "__main__":
    import jax
    _d = setup_inputs()
    print(jax.jit(kernel)(*tuple(_d.values())))

</pallas_src>

<mosaic_0001>
#map = affine_map<(d0, d1) -> (0)>
module attributes {stable_mosaic.version = 14 : i64} {
  func.func @_sc_count_body(%arg0: i32, %arg1: i32, %arg2: memref<8192xi32, #tpu.memory_space<hbm>>, %arg3: memref<8192xi32, #tpu.memory_space<hbm>>, %arg4: memref<262144xf32, #tpu.memory_space<hbm>>, %arg5: memref<8192xi32, #tpu.memory_space<vmem>>, %arg6: memref<8192xi32, #tpu.memory_space<vmem>>, %arg7: memref<8192xf32, #tpu.memory_space<vmem>>) attributes {dimension_semantics = [#tpu.dimension_semantics<core_parallel>, #tpu.dimension_semantics<subcore_parallel>], iteration_bounds = array<i64: 2, 16>, scalar_prefetch = 0 : i64, scratch_operands = 3 : i64, tpu.core_type = #tpu.core_type<sc_vector_subcore>, window_params = [{transform_indices = #map}, {transform_indices = #map}, {transform_indices = #map}]} {
    %mul3A = arith.constant 2 : i32
    %mul3A_0 = arith.muli %arg1, %mul3A : i32
    %add3A = arith.addi %mul3A_0, %arg0 : i32
    %mul3A_1 = arith.constant 16 : i32
    %mul3A_2 = arith.muli %add3A, %mul3A_1 : i32
    "tpu.region"() ({
      %run_scoped3A = tpu.sem_alloc : memref<!tpu.dma_semaphore, #tpu.memory_space<semaphore_mem>>
      tpu.enqueue_dma source(%arg2 : memref<8192xi32, #tpu.memory_space<hbm>>) target(%arg5 : memref<8192xi32, #tpu.memory_space<vmem>>) target_semaphore(%run_scoped3A : memref<!tpu.dma_semaphore, #tpu.memory_space<semaphore_mem>>)
      tpu.wait_dma2 semaphore(%run_scoped3A : memref<!tpu.dma_semaphore, #tpu.memory_space<semaphore_mem>>) src(%arg2 : memref<8192xi32, #tpu.memory_space<hbm>>) dst(%arg5 : memref<8192xi32, #tpu.memory_space<vmem>>)
      tpu.yield
    }) : () -> ()
    "tpu.region"() ({
      %run_scoped3A = tpu.sem_alloc : memref<!tpu.dma_semaphore, #tpu.memory_space<semaphore_mem>>
      tpu.enqueue_dma source(%arg3 : memref<8192xi32, #tpu.memory_space<hbm>>) target(%arg6 : memref<8192xi32, #tpu.memory_space<vmem>>) target_semaphore(%run_scoped3A : memref<!tpu.dma_semaphore, #tpu.memory_space<semaphore_mem>>)
      tpu.wait_dma2 semaphore(%run_scoped3A : memref<!tpu.dma_semaphore, #tpu.memory_space<semaphore_mem>>) src(%arg3 : memref<8192xi32, #tpu.memory_space<hbm>>) dst(%arg6 : memref<8192xi32, #tpu.memory_space<vmem>>)
      tpu.yield
    }) : () -> ()
    %broadcast_in_dim3A = arith.constant 0.000000e+00 : f32
    %broadcast_in_dim3A_3 = vector.broadcast %broadcast_in_dim3A : f32 to vector<16xf32>
    %broadcast_in_dim3A_4 = arith.constant 1.000000e+00 : f32
    %broadcast_in_dim3A_5 = vector.broadcast %broadcast_in_dim3A_4 : f32 to vector<16xf32>
    %iota3A = tpu.iota {dimensions = array<i32: 0>} : vector<16xi32>
    %while3A = arith.constant 0 : i32
    %while3A_6 = scf.while (%while3A_17 = %while3A) : (i32) -> i32 {
      %lt3A = arith.constant 512 : i32
      %lt3A_18 = arith.cmpi slt, %while3A_17, %lt3A : i32
      scf.condition(%lt3A_18) %while3A_17 : i32
    } do {
    ^bb0(%while3A_17: i32):
      %mul3A_18 = arith.constant 16 : i32
      %mul3A_19 = arith.muli %while3A_17, %mul3A_18 : i32
      %swap3A = arith.index_cast %mul3A_19 : i32 to index
      %swap3A_20 = tpu.vector_load %arg7[%swap3A] {strides = array<i32>} : memref<8192xf32, #tpu.memory_space<vmem>>, vector<16xf32>,
      tpu.vector_store %arg7[%swap3A], %broadcast_in_dim3A_3 {strides = array<i32>} : memref<8192xf32, #tpu.memory_space<vmem>>, vector<16xf32>,
      %add3A_21 = arith.constant 1 : i32
      %add3A_22 = arith.addi %while3A_17, %add3A_21 : i32
      scf.yield %add3A_22 : i32
    }
    %while3A_7 = arith.constant 0 : i32
    %while3A_8 = scf.while (%while3A_17 = %while3A_7) : (i32) -> i32 {
      %lt3A = arith.constant 512 : i32
      %lt3A_18 = arith.cmpi slt, %while3A_17, %lt3A : i32
      scf.condition(%lt3A_18) %while3A_17 : i32
    } do {
    ^bb0(%while3A_17: i32):
      %mul3A_18 = arith.constant 16 : i32
      %mul3A_19 = arith.muli %while3A_17, %mul3A_18 : i32
      %get3A = arith.index_cast %mul3A_19 : i32 to index
      %get3A_20 = tpu.vector_load %arg5[%get3A] {strides = array<i32>} : memref<8192xi32, #tpu.memory_space<vmem>>, vector<16xi32>,
      %mul3A_21 = arith.constant 16 : i32
      %mul3A_22 = arith.muli %while3A_17, %mul3A_21 : i32
      %get3A_23 = arith.index_cast %mul3A_22 : i32 to index
      %get3A_24 = tpu.vector_load %arg6[%get3A_23] {strides = array<i32>} : memref<8192xi32, #tpu.memory_space<vmem>>, vector<16xi32>,
      %sub3A = vector.broadcast %mul3A_2 : i32 to vector<16xi32>
      %sub3A_25 = arith.subi %get3A_24, %sub3A : vector<16xi32>
      %ge3A = arith.constant 0 : i32
      %ge3A_26 = vector.broadcast %ge3A : i32 to vector<16xi32>
      %ge3A_27 = arith.cmpi sge, %sub3A_25, %ge3A_26 : vector<16xi32>
      %lt3A = arith.constant 16 : i32
      %lt3A_28 = vector.broadcast %lt3A : i32 to vector<16xi32>
      %lt3A_29 = arith.cmpi slt, %sub3A_25, %lt3A_28 : vector<16xi32>
      %and3A = arith.andi %ge3A_27, %lt3A_29 : vector<16xi1>
      %jit3A = arith.constant 0 : i32
      %jit3A_30 = arith.constant 15 : i32
      %max3A = vector.broadcast %jit3A : i32 to vector<16xi32>
      %max3A_31 = arith.maxsi %max3A, %sub3A_25 : vector<16xi32>
      %min3A = vector.broadcast %jit3A_30 : i32 to vector<16xi32>
      %min3A_32 = arith.minsi %min3A, %max3A_31 : vector<16xi32>
      %mul3A_33 = arith.constant 512 : i32
      %mul3A_34 = vector.broadcast %mul3A_33 : i32 to vector<16xi32>
      %mul3A_35 = arith.muli %min3A_32, %mul3A_34 : vector<16xi32>
      %add3A_36 = arith.addi %mul3A_35, %get3A_20 : vector<16xi32>
      %eq3A = arith.constant 0 : i32
      %eq3A_37 = vector.broadcast %eq3A : i32 to vector<16xi32>
      %eq3A_38 = arith.cmpi eq, %iota3A, %eq3A_37 : vector<16xi32>
      %and3A_39 = arith.andi %and3A, %eq3A_38 : vector<16xi1>
      tpu.vector_store_idx %arg7[%add3A_36], %broadcast_in_dim3A_5 masked %and3A_39 {add = true} : memref<8192xf32, #tpu.memory_space<vmem>>[vector<16xi32>], vector<16xf32>, vector<16xi1>
      %eq3A_40 = arith.constant 1 : i32
      %eq3A_41 = vector.broadcast %eq3A_40 : i32 to vector<16xi32>
      %eq3A_42 = arith.cmpi eq, %iota3A, %eq3A_41 : vector<16xi32>
      %and3A_43 = arith.andi %and3A, %eq3A_42 : vector<16xi1>
      tpu.vector_store_idx %arg7[%add3A_36], %broadcast_in_dim3A_5 masked %and3A_43 {add = true} : memref<8192xf32, #tpu.memory_space<vmem>>[vector<16xi32>], vector<16xf32>, vector<16xi1>
      %eq3A_44 = arith.constant 2 : i32
      %eq3A_45 = vector.broadcast %eq3A_44 : i32 to vector<16xi32>
      %eq3A_46 = arith.cmpi eq, %iota3A, %eq3A_45 : vector<16xi32>
      %and3A_47 = arith.andi %and3A, %eq3A_46 : vector<16xi1>
      tpu.vector_store_idx %arg7[%add3A_36], %broadcast_in_dim3A_5 masked %and3A_47 {add = true} : memref<8192xf32, #tpu.memory_space<vmem>>[vector<16xi32>], vector<16xf32>, vector<16xi1>
      %eq3A_48 = arith.constant 3 : i32
      %eq3A_49 = vector.broadcast %eq3A_48 : i32 to vector<16xi32>
      %eq3A_50 = arith.cmpi eq, %iota3A, %eq3A_49 : vector<16xi32>
      %and3A_51 = arith.andi %and3A, %eq3A_50 : vector<16xi1>
      tpu.vector_store_idx %arg7[%add3A_36], %broadcast_in_dim3A_5 masked %and3A_51 {add = true} : memref<8192xf32, #tpu.memory_space<vmem>>[vector<16xi32>], vector<16xf32>, vector<16xi1>
      %eq3A_52 = arith.constant 4 : i32
      %eq3A_53 = vector.broadcast %eq3A_52 : i32 to vector<16xi32>
      %eq3A_54 = arith.cmpi eq, %iota3A, %eq3A_53 : vector<16xi32>
      %and3A_55 = arith.andi %and3A, %eq3A_54 : vector<16xi1>
      tpu.vector_store_idx %arg7[%add3A_36], %broadcast_in_dim3A_5 masked %and3A_55 {add = true} : memref<8192xf32, #tpu.memory_space<vmem>>[vector<16xi32>], vector<16xf32>, vector<16xi1>
      %eq3A_56 = arith.constant 5 : i32
      %eq3A_57 = vector.broadcast %eq3A_56 : i32 to vector<16xi32>
      %eq3A_58 = arith.cmpi eq, %iota3A, %eq3A_57 : vector<16xi32>
      %and3A_59 = arith.andi %and3A, %eq3A_58 : vector<16xi1>
      tpu.vector_store_idx %arg7[%add3A_36], %broadcast_in_dim3A_5 masked %and3A_59 {add = true} : memref<8192xf32, #tpu.memory_space<vmem>>[vector<16xi32>], vector<16xf32>, vector<16xi1>
      %eq3A_60 = arith.constant 6 : i32
      %eq3A_61 = vector.broadcast %eq3A_60 : i32 to vector<16xi32>
      %eq3A_62 = arith.cmpi eq, %iota3A, %eq3A_61 : vector<16xi32>
      %and3A_63 = arith.andi %and3A, %eq3A_62 : vector<16xi1>
      tpu.vector_store_idx %arg7[%add3A_36], %broadcast_in_dim3A_5 masked %and3A_63 {add = true} : memref<8192xf32, #tpu.memory_space<vmem>>[vector<16xi32>], vector<16xf32>, vector<16xi1>
      %eq3A_64 = arith.constant 7 : i32
      %eq3A_65 = vector.broadcast %eq3A_64 : i32 to vector<16xi32>
      %eq3A_66 = arith.cmpi eq, %iota3A, %eq3A_65 : vector<16xi32>
      %and3A_67 = arith.andi %and3A, %eq3A_66 : vector<16xi1>
      tpu.vector_store_idx %arg7[%add3A_36], %broadcast_in_dim3A_5 masked %and3A_67 {add = true} : memref<8192xf32, #tpu.memory_space<vmem>>[vector<16xi32>], vector<16xf32>, vector<16xi1>
      %eq3A_68 = arith.constant 8 : i32
      %eq3A_69 = vector.broadcast %eq3A_68 : i32 to vector<16xi32>
      %eq3A_70 = arith.cmpi eq, %iota3A, %eq3A_69 : vector<16xi32>
      %and3A_71 = arith.andi %and3A, %eq3A_70 : vector<16xi1>
      tpu.vector_store_idx %arg7[%add3A_36], %broadcast_in_dim3A_5 masked %and3A_71 {add = true} : memref<8192xf32, #tpu.memory_space<vmem>>[vector<16xi32>], vector<16xf32>, vector<16xi1>
      %eq3A_72 = arith.constant 9 : i32
      %eq3A_73 = vector.broadcast %eq3A_72 : i32 to vector<16xi32>
      %eq3A_74 = arith.cmpi eq, %iota3A, %eq3A_73 : vector<16xi32>
      %and3A_75 = arith.andi %and3A, %eq3A_74 : vector<16xi1>
      tpu.vector_store_idx %arg7[%add3A_36], %broadcast_in_dim3A_5 masked %and3A_75 {add = true} : memref<8192xf32, #tpu.memory_space<vmem>>[vector<16xi32>], vector<16xf32>, vector<16xi1>
      %eq3A_76 = arith.constant 10 : i32
      %eq3A_77 = vector.broadcast %eq3A_76 : i32 to vector<16xi32>
      %eq3A_78 = arith.cmpi eq, %iota3A, %eq3A_77 : vector<16xi32>
      %and3A_79 = arith.andi %and3A, %eq3A_78 : vector<16xi1>
      tpu.vector_store_idx %arg7[%add3A_36], %broadcast_in_dim3A_5 masked %and3A_79 {add = true} : memref<8192xf32, #tpu.memory_space<vmem>>[vector<16xi32>], vector<16xf32>, vector<16xi1>
      %eq3A_80 = arith.constant 11 : i32
      %eq3A_81 = vector.broadcast %eq3A_80 : i32 to vector<16xi32>
      %eq3A_82 = arith.cmpi eq, %iota3A, %eq3A_81 : vector<16xi32>
      %and3A_83 = arith.andi %and3A, %eq3A_82 : vector<16xi1>
      tpu.vector_store_idx %arg7[%add3A_36], %broadcast_in_dim3A_5 masked %and3A_83 {add = true} : memref<8192xf32, #tpu.memory_space<vmem>>[vector<16xi32>], vector<16xf32>, vector<16xi1>
      %eq3A_84 = arith.constant 12 : i32
      %eq3A_85 = vector.broadcast %eq3A_84 : i32 to vector<16xi32>
      %eq3A_86 = arith.cmpi eq, %iota3A, %eq3A_85 : vector<16xi32>
      %and3A_87 = arith.andi %and3A, %eq3A_86 : vector<16xi1>
      tpu.vector_store_idx %arg7[%add3A_36], %broadcast_in_dim3A_5 masked %and3A_87 {add = true} : memref<8192xf32, #tpu.memory_space<vmem>>[vector<16xi32>], vector<16xf32>, vector<16xi1>
      %eq3A_88 = arith.constant 13 : i32
      %eq3A_89 = vector.broadcast %eq3A_88 : i32 to vector<16xi32>
      %eq3A_90 = arith.cmpi eq, %iota3A, %eq3A_89 : vector<16xi32>
      %and3A_91 = arith.andi %and3A, %eq3A_90 : vector<16xi1>
      tpu.vector_store_idx %arg7[%add3A_36], %broadcast_in_dim3A_5 masked %and3A_91 {add = true} : memref<8192xf32, #tpu.memory_space<vmem>>[vector<16xi32>], vector<16xf32>, vector<16xi1>
      %eq3A_92 = arith.constant 14 : i32
      %eq3A_93 = vector.broadcast %eq3A_92 : i32 to vector<16xi32>
      %eq3A_94 = arith.cmpi eq, %iota3A, %eq3A_93 : vector<16xi32>
      %and3A_95 = arith.andi %and3A, %eq3A_94 : vector<16xi1>
      tpu.vector_store_idx %arg7[%add3A_36], %broadcast_in_dim3A_5 masked %and3A_95 {add = true} : memref<8192xf32, #tpu.memory_space<vmem>>[vector<16xi32>], vector<16xf32>, vector<16xi1>
      %eq3A_96 = arith.constant 15 : i32
      %eq3A_97 = vector.broadcast %eq3A_96 : i32 to vector<16xi32>
      %eq3A_98 = arith.cmpi eq, %iota3A, %eq3A_97 : vector<16xi32>
      %and3A_99 = arith.andi %and3A, %eq3A_98 : vector<16xi1>
      tpu.vector_store_idx %arg7[%add3A_36], %broadcast_in_dim3A_5 masked %and3A_99 {add = true} : memref<8192xf32, #tpu.memory_space<vmem>>[vector<16xi32>], vector<16xf32>, vector<16xi1>
      %add3A_100 = arith.constant 1 : i32
      %add3A_101 = arith.addi %while3A_17, %add3A_100 : i32
      scf.yield %add3A_101 : i32
    }
    %mul3A_9 = arith.constant 512 : i32
    %mul3A_10 = vector.broadcast %mul3A_9 : i32 to vector<16xi32>
    %mul3A_11 = arith.muli %iota3A, %mul3A_10 : vector<16xi32>
    %add3A_12 = vector.broadcast %mul3A_2 : i32 to vector<16xi32>
    %add3A_13 = arith.addi %add3A_12, %iota3A : vector<16xi32>
    %add3A_14 = arith.addi %mul3A_11, %add3A_13 : vector<16xi32>
    tpu.vector_store_idx %arg7[%add3A_14], %broadcast_in_dim3A_5 : memref<8192xf32, #tpu.memory_space<vmem>>[vector<16xi32>], vector<16xf32>,
    %mul3A_15 = arith.constant 8192 : i32
    %mul3A_16 = arith.muli %add3A, %mul3A_15 : i32
    "tpu.region"() ({
      %run_scoped3A = tpu.sem_alloc : memref<!tpu.dma_semaphore, #tpu.memory_space<semaphore_mem>>
      %dma_start3A = tpu.memref_slice %arg4[%mul3A_16] : memref<262144xf32, #tpu.memory_space<hbm>> -> memref<8192xf32, #tpu.memory_space<hbm>>
      %dma_start3A_17 = tpu.memref_slice %arg4[%mul3A_16] : memref<262144xf32, #tpu.memory_space<hbm>> -> memref<8192xf32, #tpu.memory_space<hbm>>
      tpu.enqueue_dma source(%arg7 : memref<8192xf32, #tpu.memory_space<vmem>>) target(%dma_start3A_17 : memref<8192xf32, #tpu.memory_space<hbm>>) target_semaphore(%run_scoped3A : memref<!tpu.dma_semaphore, #tpu.memory_space<semaphore_mem>>)
      %dma_wait3A = tpu.memref_slice %arg4[%mul3A_16] : memref<262144xf32, #tpu.memory_space<hbm>> -> memref<8192xf32, #tpu.memory_space<hbm>>
      %dma_wait3A_18 = tpu.memref_slice %arg4[%mul3A_16] : memref<262144xf32, #tpu.memory_space<hbm>> -> memref<8192xf32, #tpu.memory_space<hbm>>
      tpu.wait_dma2 semaphore(%run_scoped3A : memref<!tpu.dma_semaphore, #tpu.memory_space<semaphore_mem>>) src(%arg7 : memref<8192xf32, #tpu.memory_space<vmem>>) dst(%dma_wait3A_18 : memref<8192xf32, #tpu.memory_space<hbm>>)
      tpu.yield
    }) : () -> ()
    return
  }
}

module attributes {stable_mosaic.version = 14 : i64} {
  func.func @_tc_body(%arg0: i32, %arg1: memref<64x64xf32, #tpu.memory_space<vmem>>, %arg2: memref<512x64xf32, #tpu.memory_space<vmem>>, %arg3: memref<512x512xf32, #tpu.memory_space<vmem>>, %arg4: memref<256x128xf32, #tpu.memory_space<vmem>>, %arg5: memref<2x128xf32, #tpu.memory_space<vmem>>, %arg6: memref<2x128xf32, #tpu.memory_space<vmem>>, %arg7: memref<128xf32, #tpu.memory_space<vmem>>, %arg8: memref<128x128xf32, #tpu.memory_space<vmem>>, %arg9: memref<2x64xf32, #tpu.memory_space<vmem>>, %arg10: memref<2x64xf32, #tpu.memory_space<vmem>>, %arg11: memref<64xf32, #tpu.memory_space<vmem>>, %arg12: memref<64x64xf32, #tpu.memory_space<vmem>>, %arg13: memref<2x32xf32, #tpu.memory_space<vmem>>, %arg14: memref<2x32xf32, #tpu.memory_space<vmem>>, %arg15: memref<32xf32, #tpu.memory_space<vmem>>, %arg16: memref<1x32xf32, #tpu.memory_space<vmem>>, %arg17: memref<1xf32, #tpu.memory_space<vmem>>, %arg18: memref<8x512x1xf32, #tpu.memory_space<vmem>>) attributes {dimension_semantics = [#tpu.dimension_semantics<arbitrary>], iteration_bounds = array<i64: 8>, scalar_prefetch = 0 : i64, scratch_operands = 0 : i64, tpu.core_type = #tpu.core_type<tc>, window_params = [{pipeline_mode = #tpu.pipeline_mode<synchronous>, transform_indices = @transform_0, window_bounds = array<i64: 64, 64>}, {pipeline_mode = #tpu.pipeline_mode<synchronous>, transform_indices = @transform_1, window_bounds = array<i64: 512, 64>}, {pipeline_mode = #tpu.pipeline_mode<synchronous>, transform_indices = @transform_2, window_bounds = array<i64: 512, 512>}, {pipeline_mode = #tpu.pipeline_mode<synchronous>, transform_indices = @transform_3, window_bounds = array<i64: 256, 128>}, {pipeline_mode = #tpu.pipeline_mode<synchronous>, transform_indices = @transform_4, window_bounds = array<i64: 2, 128>}, {pipeline_mode = #tpu.pipeline_mode<synchronous>, transform_indices = @transform_5, window_bounds = array<i64: 2, 128>}, {pipeline_mode = #tpu.pipeline_mode<synchronous>, transform_indices = @transform_6, window_bounds = array<i64: 128>}, {pipeline_mode = #tpu.pipeline_mode<synchronous>, transform_indices = @transform_7, window_bounds = array<i64: 128, 128>}, {pipeline_mode = #tpu.pipeline_mode<synchronous>, transform_indices = @transform_8, window_bounds = array<i64: 2, 64>}, {pipeline_mode = #tpu.pipeline_mode<synchronous>, transform_indices = @transform_9, window_bounds = array<i64: 2, 64>}, {pipeline_mode = #tpu.pipeline_mode<synchronous>, transform_indices = @transform_10, window_bounds = array<i64: 64>}, {pipeline_mode = #tpu.pipeline_mode<synchronous>, transform_indices = @transform_11, window_bounds = array<i64: 64, 64>}, {pipeline_mode = #tpu.pipeline_mode<synchronous>, transform_indices = @transform_12, window_bounds = array<i64: 2, 32>}, {pipeline_mode = #tpu.pipeline_mode<synchronous>, transform_indices = @transform_13, window_bounds = array<i64: 2, 32>}, {pipeline_mode = #tpu.pipeline_mode<synchronous>, transform_indices = @transform_14, window_bounds = array<i64: 32>}, {pipeline_mode = #tpu.pipeline_mode<synchronous>, transform_indices = @transform_15, window_bounds = array<i64: 1, 32>}, {pipeline_mode = #tpu.pipeline_mode<synchronous>, transform_indices = @transform_16, window_bounds = array<i64: 1>}, {transform_indices = @transform_17, window_bounds = array<i64: 8, 512, 1>}]} {
    %get3A = arith.constant 0 : index
    %get3A_0 = arith.constant 0 : index
    %get3A_1 = vector.load %arg4[%get3A, %get3A_0] : memref<256x128xf32, #tpu.memory_space<vmem>>, vector<256x128xf32>
    %get3A_2 = arith.constant 0 : index
    %get3A_3 = arith.constant 0 : index
    %get3A_4 = vector.load %arg3[%get3A_2, %get3A_3] : memref<512x512xf32, #tpu.memory_space<vmem>>, vector<512x512xf32>
    %convert_element_type3A = arith.truncf %get3A_4 : vector<512x512xf32> to vector<512x512xbf16>
    %get3A_5 = arith.constant 0 : index
    %get3A_6 = arith.constant 0 : index
    %get3A_7 = vector.load %arg2[%get3A_5, %get3A_6] : memref<512x64xf32, #tpu.memory_space<vmem>>, vector<512x64xf32>
    %slice3A = vector.extract_strided_slice %get3A_1 {offsets = [0, 64], sizes = [256, 64], strides = [1, 1]} : vector<256x128xf32> to vector<256x64xf32>
    %dot_general3A = arith.constant dense<0.000000e+00> : vector<512x256xf32>
    %dot_general3A_8 = tpu.matmul %get3A_7, %slice3A, %dot_general3A {dimension_numbers = #tpu.dot_dimension_numbers<[1], [1], [0], [0], [0, 0, 1, 0], [], []>, transpose_lhs_hint = false} : vector<512x64xf32>, vector<256x64xf32>, vector<512x256xf32> -> vector<512x256xf32>
    %slice3A_9 = vector.extract_strided_slice %get3A_1 {offsets = [0, 0], sizes = [256, 64], strides = [1, 1]} : vector<256x128xf32> to vector<256x64xf32>
    %broadcast_in_dim3A = arith.constant 0.000000e+00 : f32
    %broadcast_in_dim3A_10 = vector.broadcast %broadcast_in_dim3A : f32 to vector<1x128xf32>
    %get3A_11 = arith.constant 0 : index
    %get3A_12 = arith.constant 0 : index
    %get3A_13 = vector.load %arg5[%get3A_11, %get3A_12] : memref<2x128xf32, #tpu.memory_space<vmem>>, vector<1x128xf32>
    %concatenate3A = tpu.concatenate %get3A_13, %broadcast_in_dim3A_10 in 1 : vector<1x128xf32>, vector<1x128xf32> -> vector<1x256xf32>
    %get3A_14 = arith.constant 1 : index
    %get3A_15 = arith.constant 0 : index
    %get3A_16 = vector.load %arg5[%get3A_14, %get3A_15] : memref<2x128xf32, #tpu.memory_space<vmem>>, vector<1x128xf32>
    %concatenate3A_17 = tpu.concatenate %broadcast_in_dim3A_10, %get3A_16 in 1 : vector<1x128xf32>, vector<1x128xf32> -> vector<1x256xf32>
    %concatenate3A_18 = tpu.concatenate %concatenate3A, %concatenate3A_17 in 0 : vector<1x256xf32>, vector<1x256xf32> -> vector<2x256xf32>
    %broadcast_in_dim3A_19 = arith.constant 0.000000e+00 : f32
    %broadcast_in_dim3A_20 = vector.broadcast %broadcast_in_dim3A_19 : f32 to vector<1x128xf32>
    %get3A_21 = arith.constant 0 : index
    %get3A_22 = arith.constant 0 : index
    %get3A_23 = vector.load %arg6[%get3A_21, %get3A_22] : memref<2x128xf32, #tpu.memory_space<vmem>>, vector<1x128xf32>
    %concatenate3A_24 = tpu.concatenate %get3A_23, %broadcast_in_dim3A_20 in 1 : vector<1x128xf32>, vector<1x128xf32> -> vector<1x256xf32>
    %get3A_25 = arith.constant 1 : index
    %get3A_26 = arith.constant 0 : index
    %get3A_27 = vector.load %arg6[%get3A_25, %get3A_26] : memref<2x128xf32, #tpu.memory_space<vmem>>, vector<1x128xf32>
    %concatenate3A_28 = tpu.concatenate %broadcast_in_dim3A_20, %get3A_27 in 1 : vector<1x128xf32>, vector<1x128xf32> -> vector<1x256xf32>
    %concatenate3A_29 = tpu.concatenate %concatenate3A_24, %concatenate3A_28 in 0 : vector<1x256xf32>, vector<1x256xf32> -> vector<2x256xf32>
    %broadcast_in_dim3A_30 = arith.constant 0.000000e+00 : f32
    %broadcast_in_dim3A_31 = vector.broadcast %broadcast_in_dim3A_30 : f32 to vector<1x64xf32>
    %get3A_32 = arith.constant 0 : index
    %get3A_33 = arith.constant 0 : index
    %get3A_34 = vector.load %arg9[%get3A_32, %get3A_33] : memref<2x64xf32, #tpu.memory_space<vmem>>, vector<1x64xf32>
    %concatenate3A_35 = tpu.concatenate %get3A_34, %broadcast_in_dim3A_31 in 1 : vector<1x64xf32>, vector<1x64xf32> -> vector<1x128xf32>
    %get3A_36 = arith.constant 1 : index
    %get3A_37 = arith.constant 0 : index
    %get3A_38 = vector.load %arg9[%get3A_36, %get3A_37] : memref<2x64xf32, #tpu.memory_space<vmem>>, vector<1x64xf32>
    %concatenate3A_39 = tpu.concatenate %broadcast_in_dim3A_31, %get3A_38 in 1 : vector<1x64xf32>, vector<1x64xf32> -> vector<1x128xf32>
    %concatenate3A_40 = tpu.concatenate %concatenate3A_35, %concatenate3A_39 in 0 : vector<1x128xf32>, vector<1x128xf32> -> vector<2x128xf32>
    %broadcast_in_dim3A_41 = arith.constant 0.000000e+00 : f32
    %broadcast_in_dim3A_42 = vector.broadcast %broadcast_in_dim3A_41 : f32 to vector<1x64xf32>
    %get3A_43 = arith.constant 0 : index
    %get3A_44 = arith.constant 0 : index
    %get3A_45 = vector.load %arg10[%get3A_43, %get3A_44] : memref<2x64xf32, #tpu.memory_space<vmem>>, vector<1x64xf32>
    %concatenate3A_46 = tpu.concatenate %get3A_45, %broadcast_in_dim3A_42 in 1 : vector<1x64xf32>, vector<1x64xf32> -> vector<1x128xf32>
    %get3A_47 = arith.constant 1 : index
    %get3A_48 = arith.constant 0 : index
    %get3A_49 = vector.load %arg10[%get3A_47, %get3A_48] : memref<2x64xf32, #tpu.memory_space<vmem>>, vector<1x64xf32>
    %concatenate3A_50 = tpu.concatenate %broadcast_in_dim3A_42, %get3A_49 in 1 : vector<1x64xf32>, vector<1x64xf32> -> vector<1x128xf32>
    %concatenate3A_51 = tpu.concatenate %concatenate3A_46, %concatenate3A_50 in 0 : vector<1x128xf32>, vector<1x128xf32> -> vector<2x128xf32>
    %broadcast_in_dim3A_52 = arith.constant 0.000000e+00 : f32
    %broadcast_in_dim3A_53 = vector.broadcast %broadcast_in_dim3A_52 : f32 to vector<1x32xf32>
    %get3A_54 = arith.constant 0 : index
    %get3A_55 = arith.constant 0 : index
    %get3A_56 = vector.load %arg13[%get3A_54, %get3A_55] : memref<2x32xf32, #tpu.memory_space<vmem>>, vector<1x32xf32>
    %concatenate3A_57 = tpu.concatenate %get3A_56, %broadcast_in_dim3A_53 in 1 : vector<1x32xf32>, vector<1x32xf32> -> vector<1x64xf32>
    %get3A_58 = arith.constant 1 : index
    %get3A_59 = arith.constant 0 : index
    %get3A_60 = vector.load %arg13[%get3A_58, %get3A_59] : memref<2x32xf32, #tpu.memory_space<vmem>>, vector<1x32xf32>
    %concatenate3A_61 = tpu.concatenate %broadcast_in_dim3A_53, %get3A_60 in 1 : vector<1x32xf32>, vector<1x32xf32> -> vector<1x64xf32>
    %concatenate3A_62 = tpu.concatenate %concatenate3A_57, %concatenate3A_61 in 0 : vector<1x64xf32>, vector<1x64xf32> -> vector<2x64xf32>
    %broadcast_in_dim3A_63 = arith.constant 0.000000e+00 : f32
    %broadcast_in_dim3A_64 = vector.broadcast %broadcast_in_dim3A_63 : f32 to vector<1x32xf32>
    %get3A_65 = arith.constant 0 : index
    %get3A_66 = arith.constant 0 : index
    %get3A_67 = vector.load %arg14[%get3A_65, %get3A_66] : memref<2x32xf32, #tpu.memory_space<vmem>>, vector<1x32xf32>
    %concatenate3A_68 = tpu.concatenate %get3A_67, %broadcast_in_dim3A_64 in 1 : vector<1x32xf32>, vector<1x32xf32> -> vector<1x64xf32>
    %get3A_69 = arith.constant 1 : index
    %get3A_70 = arith.constant 0 : index
    %get3A_71 = vector.load %arg14[%get3A_69, %get3A_70] : memref<2x32xf32, #tpu.memory_space<vmem>>, vector<1x32xf32>
    %concatenate3A_72 = tpu.concatenate %broadcast_in_dim3A_64, %get3A_71 in 1 : vector<1x32xf32>, vector<1x32xf32> -> vector<1x64xf32>
    %concatenate3A_73 = tpu.concatenate %concatenate3A_68, %concatenate3A_72 in 0 : vector<1x64xf32>, vector<1x64xf32> -> vector<2x64xf32>
    %mul3A = arith.constant 8 : i32
    %mul3A_74 = arith.muli %arg0, %mul3A : i32
    %add3A = arith.constant 0 : i32
    %add3A_75 = arith.addi %mul3A_74, %add3A : i32
    %get3A_76 = arith.index_cast %add3A_75 : i32 to index
    %get3A_77 = arith.constant 0 : index
    %get3A_78 = vector.load %arg1[%get3A_76, %get3A_77] : memref<64x64xf32, #tpu.memory_space<vmem>>, vector<1x64xf32>
    %dot_general3A_79 = arith.constant dense<0.000000e+00> : vector<1x256xf32>
    %dot_general3A_80 = tpu.matmul %get3A_78, %slice3A_9, %dot_general3A_79 {dimension_numbers = #tpu.dot_dimension_numbers<[1], [1], [0], [0], [0, 0, 1, 0], [], []>, transpose_lhs_hint = false} : vector<1x64xf32>, vector<256x64xf32>, vector<1x256xf32> -> vector<1x256xf32>
    %add3A_81 = vector.broadcast %dot_general3A_80 : vector<1x256xf32> to vector<512x256xf32>
    %add3A_82 = arith.addf %dot_general3A_8, %add3A_81 : vector<512x256xf32>
    %dot_general3A_83 = arith.constant dense<0.000000e+00> : vector<512x2xf32>
    %dot_general3A_84 = tpu.matmul %add3A_82, %concatenate3A_29, %dot_general3A_83 {dimension_numbers = #tpu.dot_dimension_numbers<[1], [1], [0], [0], [0, 0, 1, 0], [], []>, transpose_lhs_hint = false} : vector<512x256xf32>, vector<2x256xf32>, vector<512x2xf32> -> vector<512x2xf32>
    %dot_general3A_85 = arith.constant dense<0.000000e+00> : vector<2x512xf32>
    %dot_general3A_86 = tpu.matmul %concatenate3A_18, %add3A_82, %dot_general3A_85 {dimension_numbers = #tpu.dot_dimension_numbers<[1], [1], [0], [0], [0, 0, 1, 0], [], []>, transpose_lhs_hint = false} : vector<2x256xf32>, vector<512x256xf32>, vector<2x512xf32> -> vector<2x512xf32>
    %broadcast_in_dim3A_87 = arith.constant 1.000000e+00 : bf16
    %broadcast_in_dim3A_88 = vector.broadcast %broadcast_in_dim3A_87 : bf16 to vector<512x1xbf16>
    %slice3A_89 = vector.extract_strided_slice %add3A_82 {offsets = [0, 0], sizes = [512, 128], strides = [1, 1]} : vector<512x256xf32> to vector<512x128xf32>
    %slice3A_90 = vector.extract_strided_slice %dot_general3A_86 {offsets = [0, 0], sizes = [1, 512], strides = [1, 1]} : vector<2x512xf32> to vector<1x512xf32>
    %slice3A_91 = vector.extract_strided_slice %dot_general3A_84 {offsets = [0, 0], sizes = [512, 1], strides = [1, 1]} : vector<512x2xf32> to vector<512x1xf32>
    %reduce_max3A = vector.shape_cast %slice3A_90 : vector<1x512xf32> to vector<1x1x512xf32>
    %reduce_max3A_92 = arith.constant dense<0xFF800000> : vector<1xf32>
    %reduce_max3A_93 = vector.multi_reduction <maximumf>, %reduce_max3A, %reduce_max3A_92 [1, 2] : vector<1x1x512xf32> to vector<1xf32>
    %reduce_max3A_94 = vector.shape_cast %reduce_max3A_93 : vector<1xf32> to vector<1x1x1xf32>
    %reduce_max3A_95 = vector.extract %reduce_max3A_94[0, 0, 0] : f32 from vector<1x1x1xf32>
    %add3A_96 = vector.broadcast %reduce_max3A_95 : f32 to vector<512x1xf32>
    %add3A_97 = arith.addf %slice3A_91, %add3A_96 : vector<512x1xf32>
    %sub3A = vector.broadcast %reduce_max3A_95 : f32 to vector<1x512xf32>
    %sub3A_98 = arith.subf %slice3A_90, %sub3A : vector<1x512xf32>
    %exp3A = math.exp %sub3A_98 : vector<1x512xf32>
    %convert_element_type3A_99 = arith.truncf %exp3A : vector<1x512xf32> to vector<1x512xbf16>
    %sub3A_100 = vector.broadcast %reduce_max3A_95 : f32 to vector<1x512xf32>
    %sub3A_101 = arith.subf %slice3A_90, %sub3A_100 : vector<1x512xf32>
    %mul3A_102 = arith.constant 2.000000e-01 : f32
    %mul3A_103 = vector.broadcast %mul3A_102 : f32 to vector<1x512xf32>
    %mul3A_104 = arith.mulf %mul3A_103, %sub3A_101 : vector<1x512xf32>
    %exp3A_105 = math.exp %mul3A_104 : vector<1x512xf32>
    %convert_element_type3A_106 = arith.truncf %exp3A_105 : vector<1x512xf32> to vector<1x512xbf16>
    %min3A = arith.constant 0.000000e+00 : f32
    %min3A_107 = vector.broadcast %min3A : f32 to vector<512x1xf32>
    %min3A_108 = arith.minimumf %add3A_97, %min3A_107 : vector<512x1xf32>
    %mul3A_109 = arith.constant 8.000000e-01 : f32
    %mul3A_110 = vector.broadcast %mul3A_109 : f32 to vector<512x1xf32>
    %mul3A_111 = arith.mulf %mul3A_110, %min3A_108 : vector<512x1xf32>
    %exp3A_112 = math.exp %mul3A_111 : vector<512x1xf32>
    %convert_element_type3A_113 = arith.truncf %exp3A_112 : vector<512x1xf32> to vector<512x1xbf16>
    %max3A = arith.constant 0.000000e+00 : f32
    %max3A_114 = vector.broadcast %max3A : f32 to vector<512x1xf32>
    %max3A_115 = arith.maximumf %add3A_97, %max3A_114 : vector<512x1xf32>
    %mul3A_116 = arith.constant -8.000000e-01 : f32
    %mul3A_117 = vector.broadcast %mul3A_116 : f32 to vector<512x1xf32>
    %mul3A_118 = arith.mulf %mul3A_117, %max3A_115 : vector<512x1xf32>
    %exp3A_119 = math.exp %mul3A_118 : vector<512x1xf32>
    %convert_element_type3A_120 = arith.truncf %exp3A_119 : vector<512x1xf32> to vector<512x1xbf16>
    %mul3A_121 = vector.broadcast %convert_element_type3A_113 : vector<512x1xbf16> to vector<512x512xbf16>
    %mul3A_122 = vector.broadcast %convert_element_type3A_99 : vector<1x512xbf16> to vector<512x512xbf16>
    %mul3A_123 = arith.mulf %mul3A_121, %mul3A_122 : vector<512x512xbf16>
    %mul3A_124 = vector.broadcast %convert_element_type3A_120 : vector<512x1xbf16> to vector<512x512xbf16>
    %mul3A_125 = vector.broadcast %convert_element_type3A_106 : vector<1x512xbf16> to vector<512x512xbf16>
    %mul3A_126 = arith.mulf %mul3A_124, %mul3A_125 : vector<512x512xbf16>
    %max3A_127 = arith.maximumf %mul3A_123, %mul3A_126 : vector<512x512xbf16>
    %mul3A_128 = arith.mulf %convert_element_type3A, %max3A_127 : vector<512x512xbf16>
    %convert_element_type3A_129 = arith.truncf %slice3A_89 : vector<512x128xf32> to vector<512x128xbf16>
    %concatenate3A_130 = tpu.concatenate %convert_element_type3A_129, %broadcast_in_dim3A_88 in 1 : vector<512x128xbf16>, vector<512x1xbf16> -> vector<512x129xbf16>
    %dot_general3A_131 = arith.constant dense<0.000000e+00> : vector<512x129xf32>
    %dot_general3A_132 = tpu.matmul %mul3A_128, %concatenate3A_130, %dot_general3A_131 {dimension_numbers = #tpu.dot_dimension_numbers<[1], [0], [0], [1], [0, 0, 1, 1], [], []>, transpose_lhs_hint = false} : vector<512x512xbf16>, vector<512x129xbf16>, vector<512x129xf32> -> vector<512x129xf32>
    %slice3A_133 = vector.extract_strided_slice %dot_general3A_132 {offsets = [0, 0], sizes = [512, 128], strides = [1, 1]} : vector<512x129xf32> to vector<512x128xf32>
    %slice3A_134 = vector.extract_strided_slice %dot_general3A_132 {offsets = [0, 128], sizes = [512, 1], strides = [1, 1]} : vector<512x129xf32> to vector<512x1xf32>
    %max3A_135 = arith.constant 1.000000e-30 : f32
    %max3A_136 = vector.broadcast %max3A_135 : f32 to vector<512x1xf32>
    %max3A_137 = arith.maximumf %slice3A_134, %max3A_136 : vector<512x1xf32>
    %reciprocal3A = tpu.reciprocal %max3A_137 {approx = true} : vector<512x1xf32> -> vector<512x1xf32>
    %mul3A_138 = vector.broadcast %reciprocal3A : vector<512x1xf32> to vector<512x128xf32>
    %mul3A_139 = arith.mulf %slice3A_133, %mul3A_138 : vector<512x128xf32>
    %slice3A_140 = vector.extract_strided_slice %add3A_82 {offsets = [0, 128], sizes = [512, 128], strides = [1, 1]} : vector<512x256xf32> to vector<512x128xf32>
    %slice3A_141 = vector.extract_strided_slice %dot_general3A_86 {offsets = [1, 0], sizes = [1, 512], strides = [1, 1]} : vector<2x512xf32> to vector<1x512xf32>
    %slice3A_142 = vector.extract_strided_slice %dot_general3A_84 {offsets = [0, 1], sizes = [512, 1], strides = [1, 1]} : vector<512x2xf32> to vector<512x1xf32>
    %reduce_max3A_143 = vector.shape_cast %slice3A_141 : vector<1x512xf32> to vector<1x1x512xf32>
    %reduce_max3A_144 = arith.constant dense<0xFF800000> : vector<1xf32>
    %reduce_max3A_145 = vector.multi_reduction <maximumf>, %reduce_max3A_143, %reduce_max3A_144 [1, 2] : vector<1x1x512xf32> to vector<1xf32>
    %reduce_max3A_146 = vector.shape_cast %reduce_max3A_145 : vector<1xf32> to vector<1x1x1xf32>
    %reduce_max3A_147 = vector.extract %reduce_max3A_146[0, 0, 0] : f32 from vector<1x1x1xf32>
    %add3A_148 = vector.broadcast %reduce_max3A_147 : f32 to vector<512x1xf32>
    %add3A_149 = arith.addf %slice3A_142, %add3A_148 : vector<512x1xf32>
    %sub3A_150 = vector.broadcast %reduce_max3A_147 : f32 to vector<1x512xf32>
    %sub3A_151 = arith.subf %slice3A_141, %sub3A_150 : vector<1x512xf32>
    %exp3A_152 = math.exp %sub3A_151 : vector<1x512xf32>
    %convert_element_type3A_153 = arith.truncf %exp3A_152 : vector<1x512xf32> to vector<1x512xbf16>
    %sub3A_154 = vector.broadcast %reduce_max3A_147 : f32 to vector<1x512xf32>
    %sub3A_155 = arith.subf %slice3A_141, %sub3A_154 : vector<1x512xf32>
    %mul3A_156 = arith.constant 2.000000e-01 : f32
    %mul3A_157 = vector.broadcast %mul3A_156 : f32 to vector<1x512xf32>
    %mul3A_158 = arith.mulf %mul3A_157, %sub3A_155 : vector<1x512xf32>
    %exp3A_159 = math.exp %mul3A_158 : vector<1x512xf32>
    %convert_element_type3A_160 = arith.truncf %exp3A_159 : vector<1x512xf32> to vector<1x512xbf16>
    %min3A_161 = arith.constant 0.000000e+00 : f32
    %min3A_162 = vector.broadcast %min3A_161 : f32 to vector<512x1xf32>
    %min3A_163 = arith.minimumf %add3A_149, %min3A_162 : vector<512x1xf32>
    %mul3A_164 = arith.constant 8.000000e-01 : f32
    %mul3A_165 = vector.broadcast %mul3A_164 : f32 to vector<512x1xf32>
    %mul3A_166 = arith.mulf %mul3A_165, %min3A_163 : vector<512x1xf32>
    %exp3A_167 = math.exp %mul3A_166 : vector<512x1xf32>
    %convert_element_type3A_168 = arith.truncf %exp3A_167 : vector<512x1xf32> to vector<512x1xbf16>
    %max3A_169 = arith.constant 0.000000e+00 : f32
    %max3A_170 = vector.broadcast %max3A_169 : f32 to vector<512x1xf32>
    %max3A_171 = arith.maximumf %add3A_149, %max3A_170 : vector<512x1xf32>
    %mul3A_172 = arith.constant -8.000000e-01 : f32
    %mul3A_173 = vector.broadcast %mul3A_172 : f32 to vector<512x1xf32>
    %mul3A_174 = arith.mulf %mul3A_173, %max3A_171 : vector<512x1xf32>
    %exp3A_175 = math.exp %mul3A_174 : vector<512x1xf32>
    %convert_element_type3A_176 = arith.truncf %exp3A_175 : vector<512x1xf32> to vector<512x1xbf16>
    %mul3A_177 = vector.broadcast %convert_element_type3A_168 : vector<512x1xbf16> to vector<512x512xbf16>
    %mul3A_178 = vector.broadcast %convert_element_type3A_153 : vector<1x512xbf16> to vector<512x512xbf16>
    %mul3A_179 = arith.mulf %mul3A_177, %mul3A_178 : vector<512x512xbf16>
    %mul3A_180 = vector.broadcast %convert_element_type3A_176 : vector<512x1xbf16> to vector<512x512xbf16>
    %mul3A_181 = vector.broadcast %convert_element_type3A_160 : vector<1x512xbf16> to vector<512x512xbf16>
    %mul3A_182 = arith.mulf %mul3A_180, %mul3A_181 : vector<512x512xbf16>
    %max3A_183 = arith.maximumf %mul3A_179, %mul3A_182 : vector<512x512xbf16>
    %mul3A_184 = arith.mulf %convert_element_type3A, %max3A_183 : vector<512x512xbf16>
    %convert_element_type3A_185 = arith.truncf %slice3A_140 : vector<512x128xf32> to vector<512x128xbf16>
    %concatenate3A_186 = tpu.concatenate %convert_element_type3A_185, %broadcast_in_dim3A_88 in 1 : vector<512x128xbf16>, vector<512x1xbf16> -> vector<512x129xbf16>
    %dot_general3A_187 = arith.constant dense<0.000000e+00> : vector<512x129xf32>
    %dot_general3A_188 = tpu.matmul %mul3A_184, %concatenate3A_186, %dot_general3A_187 {dimension_numbers = #tpu.dot_dimension_numbers<[1], [0], [0], [1], [0, 0, 1, 1], [], []>, transpose_lhs_hint = false} : vector<512x512xbf16>, vector<512x129xbf16>, vector<512x129xf32> -> vector<512x129xf32>
    %slice3A_189 = vector.extract_strided_slice %dot_general3A_188 {offsets = [0, 0], sizes = [512, 128], strides = [1, 1]} : vector<512x129xf32> to vector<512x128xf32>
    %slice3A_190 = vector.extract_strided_slice %dot_general3A_188 {offsets = [0, 128], sizes = [512, 1], strides = [1, 1]} : vector<512x129xf32> to vector<512x1xf32>
    %max3A_191 = arith.constant 1.000000e-30 : f32
    %max3A_192 = vector.broadcast %max3A_191 : f32 to vector<512x1xf32>
    %max3A_193 = arith.maximumf %slice3A_190, %max3A_192 : vector<512x1xf32>
    %reciprocal3A_194 = tpu.reciprocal %max3A_193 {approx = true} : vector<512x1xf32> -> vector<512x1xf32>
    %mul3A_195 = vector.broadcast %reciprocal3A_194 : vector<512x1xf32> to vector<512x128xf32>
    %mul3A_196 = arith.mulf %slice3A_189, %mul3A_195 : vector<512x128xf32>
    %add3A_197 = arith.addf %mul3A_139, %mul3A_196 : vector<512x128xf32>
    %mul3A_198 = arith.constant 5.000000e-01 : f32
    %mul3A_199 = vector.broadcast %mul3A_198 : f32 to vector<512x128xf32>
    %mul3A_200 = arith.mulf %mul3A_199, %add3A_197 : vector<512x128xf32>
    %get3A_201 = arith.constant 0 : index
    %get3A_202 = vector.load %arg7[%get3A_201] : memref<128xf32, #tpu.memory_space<vmem>>, vector<128xf32>
    %broadcast_in_dim3A_203 = vector.shape_cast %get3A_202 : vector<128xf32> to vector<1x128xf32>
    %add3A_204 = vector.broadcast %broadcast_in_dim3A_203 : vector<1x128xf32> to vector<512x128xf32>
    %add3A_205 = arith.addf %mul3A_200, %add3A_204 : vector<512x128xf32>
    %gt3A = arith.constant 0.000000e+00 : f32
    %gt3A_206 = vector.broadcast %gt3A : f32 to vector<512x128xf32>
    %gt3A_207 = arith.cmpf ogt, %add3A_205, %gt3A_206 : vector<512x128xf32>
    %exp3A_208 = math.exp %add3A_205 : vector<512x128xf32>
    %sub3A_209 = arith.constant 1.000000e+00 : f32
    %sub3A_210 = vector.broadcast %sub3A_209 : f32 to vector<512x128xf32>
    %sub3A_211 = arith.subf %exp3A_208, %sub3A_210 : vector<512x128xf32>
    %mul3A_212 = arith.constant 1.67326319 : f32
    %mul3A_213 = vector.broadcast %mul3A_212 : f32 to vector<512x128xf32>
    %mul3A_214 = arith.mulf %mul3A_213, %sub3A_211 : vector<512x128xf32>
    %select_n3A = arith.select %gt3A_207, %add3A_205, %mul3A_214 : vector<512x128xi1>, vector<512x128xf32>
    %mul3A_215 = arith.constant 1.05070102 : f32
    %mul3A_216 = vector.broadcast %mul3A_215 : f32 to vector<512x128xf32>
    %mul3A_217 = arith.mulf %mul3A_216, %select_n3A : vector<512x128xf32>
    %get3A_218 = arith.constant 0 : index
    %get3A_219 = arith.constant 0 : index
    %get3A_220 = vector.load %arg8[%get3A_218, %get3A_219] : memref<128x128xf32, #tpu.memory_space<vmem>>, vector<128x128xf32>
    %dot_general3A_221 = arith.constant dense<0.000000e+00> : vector<512x128xf32>
    %dot_general3A_222 = tpu.matmul %mul3A_217, %get3A_220, %dot_general3A_221 {dimension_numbers = #tpu.dot_dimension_numbers<[1], [1], [0], [0], [0, 0, 1, 0], [], []>, transpose_lhs_hint = false} : vector<512x128xf32>, vector<128x128xf32>, vector<512x128xf32> -> vector<512x128xf32>
    %dot_general3A_223 = arith.constant dense<0.000000e+00> : vector<512x2xf32>
    %dot_general3A_224 = tpu.matmul %dot_general3A_222, %concatenate3A_51, %dot_general3A_223 {dimension_numbers = #tpu.dot_dimension_numbers<[1], [1], [0], [0], [0, 0, 1, 0], [], []>, transpose_lhs_hint = false} : vector<512x128xf32>, vector<2x128xf32>, vector<512x2xf32> -> vector<512x2xf32>
    %dot_general3A_225 = arith.constant dense<0.000000e+00> : vector<2x512xf32>
    %dot_general3A_226 = tpu.matmul %concatenate3A_40, %dot_general3A_222, %dot_general3A_225 {dimension_numbers = #tpu.dot_dimension_numbers<[1], [1], [0], [0], [0, 0, 1, 0], [], []>, transpose_lhs_hint = false} : vector<2x128xf32>, vector<512x128xf32>, vector<2x512xf32> -> vector<2x512xf32>
    %broadcast_in_dim3A_227 = arith.constant 1.000000e+00 : bf16
    %broadcast_in_dim3A_228 = vector.broadcast %broadcast_in_dim3A_227 : bf16 to vector<512x1xbf16>
    %slice3A_229 = vector.extract_strided_slice %dot_general3A_222 {offsets = [0, 0], sizes = [512, 64], strides = [1, 1]} : vector<512x128xf32> to vector<512x64xf32>
    %slice3A_230 = vector.extract_strided_slice %dot_general3A_226 {offsets = [0, 0], sizes = [1, 512], strides = [1, 1]} : vector<2x512xf32> to vector<1x512xf32>
    %slice3A_231 = vector.extract_strided_slice %dot_general3A_224 {offsets = [0, 0], sizes = [512, 1], strides = [1, 1]} : vector<512x2xf32> to vector<512x1xf32>
    %reduce_max3A_232 = vector.shape_cast %slice3A_230 : vector<1x512xf32> to vector<1x1x512xf32>
    %reduce_max3A_233 = arith.constant dense<0xFF800000> : vector<1xf32>
    %reduce_max3A_234 = vector.multi_reduction <maximumf>, %reduce_max3A_232, %reduce_max3A_233 [1, 2] : vector<1x1x512xf32> to vector<1xf32>
    %reduce_max3A_235 = vector.shape_cast %reduce_max3A_234 : vector<1xf32> to vector<1x1x1xf32>
    %reduce_max3A_236 = vector.extract %reduce_max3A_235[0, 0, 0] : f32 from vector<1x1x1xf32>
    %add3A_237 = vector.broadcast %reduce_max3A_236 : f32 to vector<512x1xf32>
    %add3A_238 = arith.addf %slice3A_231, %add3A_237 : vector<512x1xf32>
    %sub3A_239 = vector.broadcast %reduce_max3A_236 : f32 to vector<1x512xf32>
    %sub3A_240 = arith.subf %slice3A_230, %sub3A_239 : vector<1x512xf32>
    %exp3A_241 = math.exp %sub3A_240 : vector<1x512xf32>
    %convert_element_type3A_242 = arith.truncf %exp3A_241 : vector<1x512xf32> to vector<1x512xbf16>
    %sub3A_243 = vector.broadcast %reduce_max3A_236 : f32 to vector<1x512xf32>
    %sub3A_244 = arith.subf %slice3A_230, %sub3A_243 : vector<1x512xf32>
    %mul3A_245 = arith.constant 2.000000e-01 : f32
    %mul3A_246 = vector.broadcast %mul3A_245 : f32 to vector<1x512xf32>
    %mul3A_247 = arith.mulf %mul3A_246, %sub3A_244 : vector<1x512xf32>
    %exp3A_248 = math.exp %mul3A_247 : vector<1x512xf32>
    %convert_element_type3A_249 = arith.truncf %exp3A_248 : vector<1x512xf32> to vector<1x512xbf16>
    %min3A_250 = arith.constant 0.000000e+00 : f32
    %min3A_251 = vector.broadcast %min3A_250 : f32 to vector<512x1xf32>
    %min3A_252 = arith.minimumf %add3A_238, %min3A_251 : vector<512x1xf32>
    %mul3A_253 = arith.constant 8.000000e-01 : f32
    %mul3A_254 = vector.broadcast %mul3A_253 : f32 to vector<512x1xf32>
    %mul3A_255 = arith.mulf %mul3A_254, %min3A_252 : vector<512x1xf32>
    %exp3A_256 = math.exp %mul3A_255 : vector<512x1xf32>
    %convert_element_type3A_257 = arith.truncf %exp3A_256 : vector<512x1xf32> to vector<512x1xbf16>
    %max3A_258 = arith.constant 0.000000e+00 : f32
    %max3A_259 = vector.broadcast %max3A_258 : f32 to vector<512x1xf32>
    %max3A_260 = arith.maximumf %add3A_238, %max3A_259 : vector<512x1xf32>
    %mul3A_261 = arith.constant -8.000000e-01 : f32
    %mul3A_262 = vector.broadcast %mul3A_261 : f32 to vector<512x1xf32>
    %mul3A_263 = arith.mulf %mul3A_262, %max3A_260 : vector<512x1xf32>
    %exp3A_264 = math.exp %mul3A_263 : vector<512x1xf32>
    %convert_element_type3A_265 = arith.truncf %exp3A_264 : vector<512x1xf32> to vector<512x1xbf16>
    %mul3A_266 = vector.broadcast %convert_element_type3A_257 : vector<512x1xbf16> to vector<512x512xbf16>
    %mul3A_267 = vector.broadcast %convert_element_type3A_242 : vector<1x512xbf16> to vector<512x512xbf16>
    %mul3A_268 = arith.mulf %mul3A_266, %mul3A_267 : vector<512x512xbf16>
    %mul3A_269 = vector.broadcast %convert_element_type3A_265 : vector<512x1xbf16> to vector<512x512xbf16>
    %mul3A_270 = vector.broadcast %convert_element_type3A_249 : vector<1x512xbf16> to vector<512x512xbf16>
    %mul3A_271 = arith.mulf %mul3A_269, %mul3A_270 : vector<512x512xbf16>
    %max3A_272 = arith.maximumf %mul3A_268, %mul3A_271 : vector<512x512xbf16>
    %mul3A_273 = arith.mulf %convert_element_type3A, %max3A_272 : vector<512x512xbf16>
    %convert_element_type3A_274 = arith.truncf %slice3A_229 : vector<512x64xf32> to vector<512x64xbf16>
    %concatenate3A_275 = tpu.concatenate %convert_element_type3A_274, %broadcast_in_dim3A_228 in 1 : vector<512x64xbf16>, vector<512x1xbf16> -> vector<512x65xbf16>
    %dot_general3A_276 = arith.constant dense<0.000000e+00> : vector<512x65xf32>
    %dot_general3A_277 = tpu.matmul %mul3A_273, %concatenate3A_275, %dot_general3A_276 {dimension_numbers = #tpu.dot_dimension_numbers<[1], [0], [0], [1], [0, 0, 1, 1], [], []>, transpose_lhs_hint = false} : vector<512x512xbf16>, vector<512x65xbf16>, vector<512x65xf32> -> vector<512x65xf32>
    %slice3A_278 = vector.extract_strided_slice %dot_general3A_277 {offsets = [0, 0], sizes = [512, 64], strides = [1, 1]} : vector<512x65xf32> to vector<512x64xf32>
    %slice3A_279 = vector.extract_strided_slice %dot_general3A_277 {offsets = [0, 64], sizes = [512, 1], strides = [1, 1]} : vector<512x65xf32> to vector<512x1xf32>
    %max3A_280 = arith.constant 1.000000e-30 : f32
    %max3A_281 = vector.broadcast %max3A_280 : f32 to vector<512x1xf32>
    %max3A_282 = arith.maximumf %slice3A_279, %max3A_281 : vector<512x1xf32>
    %reciprocal3A_283 = tpu.reciprocal %max3A_282 {approx = true} : vector<512x1xf32> -> vector<512x1xf32>
    %mul3A_284 = vector.broadcast %reciprocal3A_283 : vector<512x1xf32> to vector<512x64xf32>
    %mul3A_285 = arith.mulf %slice3A_278, %mul3A_284 : vector<512x64xf32>
    %slice3A_286 = vector.extract_strided_slice %dot_general3A_222 {offsets = [0, 64], sizes = [512, 64], strides = [1, 1]} : vector<512x128xf32> to vector<512x64xf32>
    %slice3A_287 = vector.extract_strided_slice %dot_general3A_226 {offsets = [1, 0], sizes = [1, 512], strides = [1, 1]} : vector<2x512xf32> to vector<1x512xf32>
    %slice3A_288 = vector.extract_strided_slice %dot_general3A_224 {offsets = [0, 1], sizes = [512, 1], strides = [1, 1]} : vector<512x2xf32> to vector<512x1xf32>
    %reduce_max3A_289 = vector.shape_cast %slice3A_287 : vector<1x512xf32> to vector<1x1x512xf32>
    %reduce_max3A_290 = arith.constant dense<0xFF800000> : vector<1xf32>
    %reduce_max3A_291 = vector.multi_reduction <maximumf>, %reduce_max3A_289, %reduce_max3A_290 [1, 2] : vector<1x1x512xf32> to vector<1xf32>
    %reduce_max3A_292 = vector.shape_cast %reduce_max3A_291 : vector<1xf32> to vector<1x1x1xf32>
    %reduce_max3A_293 = vector.extract %reduce_max3A_292[0, 0, 0] : f32 from vector<1x1x1xf32>
    %add3A_294 = vector.broadcast %reduce_max3A_293 : f32 to vector<512x1xf32>
    %add3A_295 = arith.addf %slice3A_288, %add3A_294 : vector<512x1xf32>
    %sub3A_296 = vector.broadcast %reduce_max3A_293 : f32 to vector<1x512xf32>
    %sub3A_297 = arith.subf %slice3A_287, %sub3A_296 : vector<1x512xf32>
    %exp3A_298 = math.exp %sub3A_297 : vector<1x512xf32>
    %convert_element_type3A_299 = arith.truncf %exp3A_298 : vector<1x512xf32> to vector<1x512xbf16>
    %sub3A_300 = vector.broadcast %reduce_max3A_293 : f32 to vector<1x512xf32>
    %sub3A_301 = arith.subf %slice3A_287, %sub3A_300 : vector<1x512xf32>
    %mul3A_302 = arith.constant 2.000000e-01 : f32
    %mul3A_303 = vector.broadcast %mul3A_302 : f32 to vector<1x512xf32>
    %mul3A_304 = arith.mulf %mul3A_303, %sub3A_301 : vector<1x512xf32>
    %exp3A_305 = math.exp %mul3A_304 : vector<1x512xf32>
    %convert_element_type3A_306 = arith.truncf %exp3A_305 : vector<1x512xf32> to vector<1x512xbf16>
    %min3A_307 = arith.constant 0.000000e+00 : f32
    %min3A_308 = vector.broadcast %min3A_307 : f32 to vector<512x1xf32>
    %min3A_309 = arith.minimumf %add3A_295, %min3A_308 : vector<512x1xf32>
    %mul3A_310 = arith.constant 8.000000e-01 : f32
    %mul3A_311 = vector.broadcast %mul3A_310 : f32 to vector<512x1xf32>
    %mul3A_312 = arith.mulf %mul3A_311, %min3A_309 : vector<512x1xf32>
    %exp3A_313 = math.exp %mul3A_312 : vector<512x1xf32>
    %convert_element_type3A_314 = arith.truncf %exp3A_313 : vector<512x1xf32> to vector<512x1xbf16>
    %max3A_315 = arith.constant 0.000000e+00 : f32
    %max3A_316 = vector.broadcast %max3A_315 : f32 to vector<512x1xf32>
    %max3A_317 = arith.maximumf %add3A_295, %max3A_316 : vector<512x1xf32>
    %mul3A_318 = arith.constant -8.000000e-01 : f32
    %mul3A_319 = vector.broadcast %mul3A_318 : f32 to vector<512x1xf32>
    %mul3A_320 = arith.mulf %mul3A_319, %max3A_317 : vector<512x1xf32>
    %exp3A_321 = math.exp %mul3A_320 : vector<512x1xf32>
    %convert_element_type3A_322 = arith.truncf %exp3A_321 : vector<512x1xf32> to vector<512x1xbf16>
    %mul3A_323 = vector.broadcast %convert_element_type3A_314 : vector<512x1xbf16> to vector<512x512xbf16>
    %mul3A_324 = vector.broadcast %convert_element_type3A_299 : vector<1x512xbf16> to vector<512x512xbf16>
    %mul3A_325 = arith.mulf %mul3A_323, %mul3A_324 : vector<512x512xbf16>
    %mul3A_326 = vector.broadcast %convert_element_type3A_322 : vector<512x1xbf16> to vector<512x512xbf16>
    %mul3A_327 = vector.broadcast %convert_element_type3A_306 : vector<1x512xbf16> to vector<512x512xbf16>
    %mul3A_328 = arith.mulf %mul3A_326, %mul3A_327 : vector<512x512xbf16>
    %max3A_329 = arith.maximumf %mul3A_325, %mul3A_328 : vector<512x512xbf16>
    %mul3A_330 = arith.mulf %convert_element_type3A, %max3A_329 : vector<512x512xbf16>
    %convert_element_type3A_331 = arith.truncf %slice3A_286 : vector<512x64xf32> to vector<512x64xbf16>
    %concatenate3A_332 = tpu.concatenate %convert_element_type3A_331, %broadcast_in_dim3A_228 in 1 : vector<512x64xbf16>, vector<512x1xbf16> -> vector<512x65xbf16>
    %dot_general3A_333 = arith.constant dense<0.000000e+00> : vector<512x65xf32>
    %dot_general3A_334 = tpu.matmul %mul3A_330, %concatenate3A_332, %dot_general3A_333 {dimension_numbers = #tpu.dot_dimension_numbers<[1], [0], [0], [1], [0, 0, 1, 1], [], []>, transpose_lhs_hint = false} : vector<512x512xbf16>, vector<512x65xbf16>, vector<512x65xf32> -> vector<512x65xf32>
    %slice3A_335 = vector.extract_strided_slice %dot_general3A_334 {offsets = [0, 0], sizes = [512, 64], strides = [1, 1]} : vector<512x65xf32> to vector<512x64xf32>
    %slice3A_336 = vector.extract_strided_slice %dot_general3A_334 {offsets = [0, 64], sizes = [512, 1], strides = [1, 1]} : vector<512x65xf32> to vector<512x1xf32>
    %max3A_337 = arith.constant 1.000000e-30 : f32
    %max3A_338 = vector.broadcast %max3A_337 : f32 to vector<512x1xf32>
    %max3A_339 = arith.maximumf %slice3A_336, %max3A_338 : vector<512x1xf32>
    %reciprocal3A_340 = tpu.reciprocal %max3A_339 {approx = true} : vector<512x1xf32> -> vector<512x1xf32>
    %mul3A_341 = vector.broadcast %reciprocal3A_340 : vector<512x1xf32> to vector<512x64xf32>
    %mul3A_342 = arith.mulf %slice3A_335, %mul3A_341 : vector<512x64xf32>
    %add3A_343 = arith.addf %mul3A_285, %mul3A_342 : vector<512x64xf32>
    %mul3A_344 = arith.constant 5.000000e-01 : f32
    %mul3A_345 = vector.broadcast %mul3A_344 : f32 to vector<512x64xf32>
    %mul3A_346 = arith.mulf %mul3A_345, %add3A_343 : vector<512x64xf32>
    %get3A_347 = arith.constant 0 : index
    %get3A_348 = vector.load %arg11[%get3A_347] : memref<64xf32, #tpu.memory_space<vmem>>, vector<64xf32>
    %broadcast_in_dim3A_349 = vector.shape_cast %get3A_348 : vector<64xf32> to vector<1x64xf32>
    %add3A_350 = vector.broadcast %broadcast_in_dim3A_349 : vector<1x64xf32> to vector<512x64xf32>
    %add3A_351 = arith.addf %mul3A_346, %add3A_350 : vector<512x64xf32>
    %gt3A_352 = arith.constant 0.000000e+00 : f32
    %gt3A_353 = vector.broadcast %gt3A_352 : f32 to vector<512x64xf32>
    %gt3A_354 = arith.cmpf ogt, %add3A_351, %gt3A_353 : vector<512x64xf32>
    %exp3A_355 = math.exp %add3A_351 : vector<512x64xf32>
    %sub3A_356 = arith.constant 1.000000e+00 : f32
    %sub3A_357 = vector.broadcast %sub3A_356 : f32 to vector<512x64xf32>
    %sub3A_358 = arith.subf %exp3A_355, %sub3A_357 : vector<512x64xf32>
    %mul3A_359 = arith.constant 1.67326319 : f32
    %mul3A_360 = vector.broadcast %mul3A_359 : f32 to vector<512x64xf32>
    %mul3A_361 = arith.mulf %mul3A_360, %sub3A_358 : vector<512x64xf32>
    %select_n3A_362 = arith.select %gt3A_354, %add3A_351, %mul3A_361 : vector<512x64xi1>, vector<512x64xf32>
    %mul3A_363 = arith.constant 1.05070102 : f32
    %mul3A_364 = vector.broadcast %mul3A_363 : f32 to vector<512x64xf32>
    %mul3A_365 = arith.mulf %mul3A_364, %select_n3A_362 : vector<512x64xf32>
    %get3A_366 = arith.constant 0 : index
    %get3A_367 = arith.constant 0 : index
    %get3A_368 = vector.load %arg12[%get3A_366, %get3A_367] : memref<64x64xf32, #tpu.memory_space<vmem>>, vector<64x64xf32>
    %dot_general3A_369 = arith.constant dense<0.000000e+00> : vector<512x64xf32>
    %dot_general3A_370 = tpu.matmul %mul3A_365, %get3A_368, %dot_general3A_369 {dimension_numbers = #tpu.dot_dimension_numbers<[1], [1], [0], [0], [0, 0, 1, 0], [], []>, transpose_lhs_hint = false} : vector<512x64xf32>, vector<64x64xf32>, vector<512x64xf32> -> vector<512x64xf32>
    %dot_general3A_371 = arith.constant dense<0.000000e+00> : vector<512x2xf32>
    %dot_general3A_372 = tpu.matmul %dot_general3A_370, %concatenate3A_73, %dot_general3A_371 {dimension_numbers = #tpu.dot_dimension_numbers<[1], [1], [0], [0], [0, 0, 1, 0], [], []>, transpose_lhs_hint = false} : vector<512x64xf32>, vector<2x64xf32>, vector<512x2xf32> -> vector<512x2xf32>
    %dot_general3A_373 = arith.constant dense<0.000000e+00> : vector<2x512xf32>
    %dot_general3A_374 = tpu.matmul %concatenate3A_62, %dot_general3A_370, %dot_general3A_373 {dimension_numbers = #tpu.dot_dimension_numbers<[1], [1], [0], [0], [0, 0, 1, 0], [], []>, transpose_lhs_hint = false} : vector<2x64xf32>, vector<512x64xf32>, vector<2x512xf32> -> vector<2x512xf32>
    %broadcast_in_dim3A_375 = arith.constant 1.000000e+00 : bf16
    %broadcast_in_dim3A_376 = vector.broadcast %broadcast_in_dim3A_375 : bf16 to vector<512x1xbf16>
    %slice3A_377 = vector.extract_strided_slice %dot_general3A_370 {offsets = [0, 0], sizes = [512, 32], strides = [1, 1]} : vector<512x64xf32> to vector<512x32xf32>
    %slice3A_378 = vector.extract_strided_slice %dot_general3A_374 {offsets = [0, 0], sizes = [1, 512], strides = [1, 1]} : vector<2x512xf32> to vector<1x512xf32>
    %slice3A_379 = vector.extract_strided_slice %dot_general3A_372 {offsets = [0, 0], sizes = [512, 1], strides = [1, 1]} : vector<512x2xf32> to vector<512x1xf32>
    %reduce_max3A_380 = vector.shape_cast %slice3A_378 : vector<1x512xf32> to vector<1x1x512xf32>
    %reduce_max3A_381 = arith.constant dense<0xFF800000> : vector<1xf32>
    %reduce_max3A_382 = vector.multi_reduction <maximumf>, %reduce_max3A_380, %reduce_max3A_381 [1, 2] : vector<1x1x512xf32> to vector<1xf32>
    %reduce_max3A_383 = vector.shape_cast %reduce_max3A_382 : vector<1xf32> to vector<1x1x1xf32>
    %reduce_max3A_384 = vector.extract %reduce_max3A_383[0, 0, 0] : f32 from vector<1x1x1xf32>
    %add3A_385 = vector.broadcast %reduce_max3A_384 : f32 to vector<512x1xf32>
    %add3A_386 = arith.addf %slice3A_379, %add3A_385 : vector<512x1xf32>
    %sub3A_387 = vector.broadcast %reduce_max3A_384 : f32 to vector<1x512xf32>
    %sub3A_388 = arith.subf %slice3A_378, %sub3A_387 : vector<1x512xf32>
    %exp3A_389 = math.exp %sub3A_388 : vector<1x512xf32>
    %convert_element_type3A_390 = arith.truncf %exp3A_389 : vector<1x512xf32> to vector<1x512xbf16>
    %sub3A_391 = vector.broadcast %reduce_max3A_384 : f32 to vector<1x512xf32>
    %sub3A_392 = arith.subf %slice3A_378, %sub3A_391 : vector<1x512xf32>
    %mul3A_393 = arith.constant 2.000000e-01 : f32
    %mul3A_394 = vector.broadcast %mul3A_393 : f32 to vector<1x512xf32>
    %mul3A_395 = arith.mulf %mul3A_394, %sub3A_392 : vector<1x512xf32>
    %exp3A_396 = math.exp %mul3A_395 : vector<1x512xf32>
    %convert_element_type3A_397 = arith.truncf %exp3A_396 : vector<1x512xf32> to vector<1x512xbf16>
    %min3A_398 = arith.constant 0.000000e+00 : f32
    %min3A_399 = vector.broadcast %min3A_398 : f32 to vector<512x1xf32>
    %min3A_400 = arith.minimumf %add3A_386, %min3A_399 : vector<512x1xf32>
    %mul3A_401 = arith.constant 8.000000e-01 : f32
    %mul3A_402 = vector.broadcast %mul3A_401 : f32 to vector<512x1xf32>
    %mul3A_403 = arith.mulf %mul3A_402, %min3A_400 : vector<512x1xf32>
    %exp3A_404 = math.exp %mul3A_403 : vector<512x1xf32>
    %convert_element_type3A_405 = arith.truncf %exp3A_404 : vector<512x1xf32> to vector<512x1xbf16>
    %max3A_406 = arith.constant 0.000000e+00 : f32
    %max3A_407 = vector.broadcast %max3A_406 : f32 to vector<512x1xf32>
    %max3A_408 = arith.maximumf %add3A_386, %max3A_407 : vector<512x1xf32>
    %mul3A_409 = arith.constant -8.000000e-01 : f32
    %mul3A_410 = vector.broadcast %mul3A_409 : f32 to vector<512x1xf32>
    %mul3A_411 = arith.mulf %mul3A_410, %max3A_408 : vector<512x1xf32>
    %exp3A_412 = math.exp %mul3A_411 : vector<512x1xf32>
    %convert_element_type3A_413 = arith.truncf %exp3A_412 : vector<512x1xf32> to vector<512x1xbf16>
    %mul3A_414 = vector.broadcast %convert_element_type3A_405 : vector<512x1xbf16> to vector<512x512xbf16>
    %mul3A_415 = vector.broadcast %convert_element_type3A_390 : vector<1x512xbf16> to vector<512x512xbf16>
    %mul3A_416 = arith.mulf %mul3A_414, %mul3A_415 : vector<512x512xbf16>
    %mul3A_417 = vector.broadcast %convert_element_type3A_413 : vector<512x1xbf16> to vector<512x512xbf16>
    %mul3A_418 = vector.broadcast %convert_element_type3A_397 : vector<1x512xbf16> to vector<512x512xbf16>
    %mul3A_419 = arith.mulf %mul3A_417, %mul3A_418 : vector<512x512xbf16>
    %max3A_420 = arith.maximumf %mul3A_416, %mul3A_419 : vector<512x512xbf16>
    %mul3A_421 = arith.mulf %convert_element_type3A, %max3A_420 : vector<512x512xbf16>
    %convert_element_type3A_422 = arith.truncf %slice3A_377 : vector<512x32xf32> to vector<512x32xbf16>
    %concatenate3A_423 = tpu.concatenate %convert_element_type3A_422, %broadcast_in_dim3A_376 in 1 : vector<512x32xbf16>, vector<512x1xbf16> -> vector<512x33xbf16>
    %dot_general3A_424 = arith.constant dense<0.000000e+00> : vector<512x33xf32>
    %dot_general3A_425 = tpu.matmul %mul3A_421, %concatenate3A_423, %dot_general3A_424 {dimension_numbers = #tpu.dot_dimension_numbers<[1], [0], [0], [1], [0, 0, 1, 1], [], []>, transpose_lhs_hint = false} : vector<512x512xbf16>, vector<512x33xbf16>, vector<512x33xf32> -> vector<512x33xf32>
    %slice3A_426 = vector.extract_strided_slice %dot_general3A_425 {offsets = [0, 0], sizes = [512, 32], strides = [1, 1]} : vector<512x33xf32> to vector<512x32xf32>
    %slice3A_427 = vector.extract_strided_slice %dot_general3A_425 {offsets = [0, 32], sizes = [512, 1], strides = [1, 1]} : vector<512x33xf32> to vector<512x1xf32>
    %max3A_428 = arith.constant 1.000000e-30 : f32
    %max3A_429 = vector.broadcast %max3A_428 : f32 to vector<512x1xf32>
    %max3A_430 = arith.maximumf %slice3A_427, %max3A_429 : vector<512x1xf32>
    %reciprocal3A_431 = tpu.reciprocal %max3A_430 {approx = true} : vector<512x1xf32> -> vector<512x1xf32>
    %mul3A_432 = vector.broadcast %reciprocal3A_431 : vector<512x1xf32> to vector<512x32xf32>
    %mul3A_433 = arith.mulf %slice3A_426, %mul3A_432 : vector<512x32xf32>
    %slice3A_434 = vector.extract_strided_slice %dot_general3A_370 {offsets = [0, 32], sizes = [512, 32], strides = [1, 1]} : vector<512x64xf32> to vector<512x32xf32>
    %slice3A_435 = vector.extract_strided_slice %dot_general3A_374 {offsets = [1, 0], sizes = [1, 512], strides = [1, 1]} : vector<2x512xf32> to vector<1x512xf32>
    %slice3A_436 = vector.extract_strided_slice %dot_general3A_372 {offsets = [0, 1], sizes = [512, 1], strides = [1, 1]} : vector<512x2xf32> to vector<512x1xf32>
    %reduce_max3A_437 = vector.shape_cast %slice3A_435 : vector<1x512xf32> to vector<1x1x512xf32>
    %reduce_max3A_438 = arith.constant dense<0xFF800000> : vector<1xf32>
    %reduce_max3A_439 = vector.multi_reduction <maximumf>, %reduce_max3A_437, %reduce_max3A_438 [1, 2] : vector<1x1x512xf32> to vector<1xf32>
    %reduce_max3A_440 = vector.shape_cast %reduce_max3A_439 : vector<1xf32> to vector<1x1x1xf32>
    %reduce_max3A_441 = vector.extract %reduce_max3A_440[0, 0, 0] : f32 from vector<1x1x1xf32>
    %add3A_442 = vector.broadcast %reduce_max3A_441 : f32 to vector<512x1xf32>
    %add3A_443 = arith.addf %slice3A_436, %add3A_442 : vector<512x1xf32>
    %sub3A_444 = vector.broadcast %reduce_max3A_441 : f32 to vector<1x512xf32>
    %sub3A_445 = arith.subf %slice3A_435, %sub3A_444 : vector<1x512xf32>
    %exp3A_446 = math.exp %sub3A_445 : vector<1x512xf32>
    %convert_element_type3A_447 = arith.truncf %exp3A_446 : vector<1x512xf32> to vector<1x512xbf16>
    %sub3A_448 = vector.broadcast %reduce_max3A_441 : f32 to vector<1x512xf32>
    %sub3A_449 = arith.subf %slice3A_435, %sub3A_448 : vector<1x512xf32>
    %mul3A_450 = arith.constant 2.000000e-01 : f32
    %mul3A_451 = vector.broadcast %mul3A_450 : f32 to vector<1x512xf32>
    %mul3A_452 = arith.mulf %mul3A_451, %sub3A_449 : vector<1x512xf32>
    %exp3A_453 = math.exp %mul3A_452 : vector<1x512xf32>
    %convert_element_type3A_454 = arith.truncf %exp3A_453 : vector<1x512xf32> to vector<1x512xbf16>
    %min3A_455 = arith.constant 0.000000e+00 : f32
    %min3A_456 = vector.broadcast %min3A_455 : f32 to vector<512x1xf32>
    %min3A_457 = arith.minimumf %add3A_443, %min3A_456 : vector<512x1xf32>
    %mul3A_458 = arith.constant 8.000000e-01 : f32
    %mul3A_459 = vector.broadcast %mul3A_458 : f32 to vector<512x1xf32>
    %mul3A_460 = arith.mulf %mul3A_459, %min3A_457 : vector<512x1xf32>
    %exp3A_461 = math.exp %mul3A_460 : vector<512x1xf32>
    %convert_element_type3A_462 = arith.truncf %exp3A_461 : vector<512x1xf32> to vector<512x1xbf16>
    %max3A_463 = arith.constant 0.000000e+00 : f32
    %max3A_464 = vector.broadcast %max3A_463 : f32 to vector<512x1xf32>
    %max3A_465 = arith.maximumf %add3A_443, %max3A_464 : vector<512x1xf32>
    %mul3A_466 = arith.constant -8.000000e-01 : f32
    %mul3A_467 = vector.broadcast %mul3A_466 : f32 to vector<512x1xf32>
    %mul3A_468 = arith.mulf %mul3A_467, %max3A_465 : vector<512x1xf32>
    %exp3A_469 = math.exp %mul3A_468 : vector<512x1xf32>
    %convert_element_type3A_470 = arith.truncf %exp3A_469 : vector<512x1xf32> to vector<512x1xbf16>
    %mul3A_471 = vector.broadcast %convert_element_type3A_462 : vector<512x1xbf16> to vector<512x512xbf16>
    %mul3A_472 = vector.broadcast %convert_element_type3A_447 : vector<1x512xbf16> to vector<512x512xbf16>
    %mul3A_473 = arith.mulf %mul3A_471, %mul3A_472 : vector<512x512xbf16>
    %mul3A_474 = vector.broadcast %convert_element_type3A_470 : vector<512x1xbf16> to vector<512x512xbf16>
    %mul3A_475 = vector.broadcast %convert_element_type3A_454 : vector<1x512xbf16> to vector<512x512xbf16>
    %mul3A_476 = arith.mulf %mul3A_474, %mul3A_475 : vector<512x512xbf16>
    %max3A_477 = arith.maximumf %mul3A_473, %mul3A_476 : vector<512x512xbf16>
    %mul3A_478 = arith.mulf %convert_element_type3A, %max3A_477 : vector<512x512xbf16>
    %convert_element_type3A_479 = arith.truncf %slice3A_434 : vector<512x32xf32> to vector<512x32xbf16>
    %concatenate3A_480 = tpu.concatenate %convert_element_type3A_479, %broadcast_in_dim3A_376 in 1 : vector<512x32xbf16>, vector<512x1xbf16> -> vector<512x33xbf16>
    %dot_general3A_481 = arith.constant dense<0.000000e+00> : vector<512x33xf32>
    %dot_general3A_482 = tpu.matmul %mul3A_478, %concatenate3A_480, %dot_general3A_481 {dimension_numbers = #tpu.dot_dimension_numbers<[1], [0], [0], [1], [0, 0, 1, 1], [], []>, transpose_lhs_hint = false} : vector<512x512xbf16>, vector<512x33xbf16>, vector<512x33xf32> -> vector<512x33xf32>
    %slice3A_483 = vector.extract_strided_slice %dot_general3A_482 {offsets = [0, 0], sizes = [512, 32], strides = [1, 1]} : vector<512x33xf32> to vector<512x32xf32>
    %slice3A_484 = vector.extract_strided_slice %dot_general3A_482 {offsets = [0, 32], sizes = [512, 1], strides = [1, 1]} : vector<512x33xf32> to vector<512x1xf32>
    %max3A_485 = arith.constant 1.000000e-30 : f32
    %max3A_486 = vector.broadcast %max3A_485 : f32 to vector<512x1xf32>
    %max3A_487 = arith.maximumf %slice3A_484, %max3A_486 : vector<512x1xf32>
    %reciprocal3A_488 = tpu.reciprocal %max3A_487 {approx = true} : vector<512x1xf32> -> vector<512x1xf32>
    %mul3A_489 = vector.broadcast %reciprocal3A_488 : vector<512x1xf32> to vector<512x32xf32>
    %mul3A_490 = arith.mulf %slice3A_483, %mul3A_489 : vector<512x32xf32>
    %add3A_491 = arith.addf %mul3A_433, %mul3A_490 : vector<512x32xf32>
    %mul3A_492 = arith.constant 5.000000e-01 : f32
    %mul3A_493 = vector.broadcast %mul3A_492 : f32 to vector<512x32xf32>
    %mul3A_494 = arith.mulf %mul3A_493, %add3A_491 : vector<512x32xf32>
    %get3A_495 = arith.constant 0 : index
    %get3A_496 = vector.load %arg15[%get3A_495] : memref<32xf32, #tpu.memory_space<vmem>>, vector<32xf32>
    %broadcast_in_dim3A_497 = vector.shape_cast %get3A_496 : vector<32xf32> to vector<1x32xf32>
    %add3A_498 = vector.broadcast %broadcast_in_dim3A_497 : vector<1x32xf32> to vector<512x32xf32>
    %add3A_499 = arith.addf %mul3A_494, %add3A_498 : vector<512x32xf32>
    %gt3A_500 = arith.constant 0.000000e+00 : f32
    %gt3A_501 = vector.broadcast %gt3A_500 : f32 to vector<512x32xf32>
    %gt3A_502 = arith.cmpf ogt, %add3A_499, %gt3A_501 : vector<512x32xf32>
    %exp3A_503 = math.exp %add3A_499 : vector<512x32xf32>
    %sub3A_504 = arith.constant 1.000000e+00 : f32
    %sub3A_505 = vector.broadcast %sub3A_504 : f32 to vector<512x32xf32>
    %sub3A_506 = arith.subf %exp3A_503, %sub3A_505 : vector<512x32xf32>
    %mul3A_507 = arith.constant 1.67326319 : f32
    %mul3A_508 = vector.broadcast %mul3A_507 : f32 to vector<512x32xf32>
    %mul3A_509 = arith.mulf %mul3A_508, %sub3A_506 : vector<512x32xf32>
    %select_n3A_510 = arith.select %gt3A_502, %add3A_499, %mul3A_509 : vector<512x32xi1>, vector<512x32xf32>
    %mul3A_511 = arith.constant 1.05070102 : f32
    %mul3A_512 = vector.broadcast %mul3A_511 : f32 to vector<512x32xf32>
    %mul3A_513 = arith.mulf %mul3A_512, %select_n3A_510 : vector<512x32xf32>
    %get3A_514 = arith.constant 0 : index
    %get3A_515 = arith.constant 0 : index
    %get3A_516 = vector.load %arg16[%get3A_514, %get3A_515] : memref<1x32xf32, #tpu.memory_space<vmem>>, vector<1x32xf32>
    %mul3A_517 = vector.broadcast %get3A_516 : vector<1x32xf32> to vector<512x32xf32>
    %mul3A_518 = arith.mulf %mul3A_513, %mul3A_517 : vector<512x32xf32>
    %reduce_sum3A = arith.constant dense<0.000000e+00> : vector<512xf32>
    %reduce_sum3A_519 = vector.multi_reduction <add>, %mul3A_518, %reduce_sum3A [1] : vector<512x32xf32> to vector<512xf32>
    %broadcast_in_dim3A_520 = vector.shape_cast %reduce_sum3A_519 : vector<512xf32> to vector<512x1xf32>
    %get3A_521 = arith.constant 0 : index
    %get3A_522 = vector.load %arg17[%get3A_521] : memref<1xf32, #tpu.memory_space<vmem>>, vector<1xf32>
    %get3A_523 = vector.extract %get3A_522[0] : f32 from vector<1xf32>
    %add3A_524 = vector.broadcast %get3A_523 : f32 to vector<512x1xf32>
    %add3A_525 = arith.addf %broadcast_in_dim3A_520, %add3A_524 : vector<512x1xf32>
    %broadcast_in_dim3A_526 = vector.shape_cast %add3A_525 : vector<512x1xf32> to vector<1x512x1xf32>
    %swap3A = arith.constant 0 : index
    %swap3A_527 = arith.constant 0 : index
    %swap3A_528 = arith.constant 0 : index
    %swap3A_529 = vector.load %arg18[%swap3A, %swap3A_527, %swap3A_528] : memref<8x512x1xf32, #tpu.memory_space<vmem>>, vector<1x512x1xf32>
    tpu.vector_store %arg18[%swap3A, %swap3A_527, %swap3A_528], %broadcast_in_dim3A_526 {strides = array<i32>} : memref<8x512x1xf32, #tpu.memory_space<vmem>>, vector<1x512x1xf32>,
    %mul3A_530 = arith.constant 8 : i32
    %mul3A_531 = arith.muli %arg0, %mul3A_530 : i32
    %add3A_532 = arith.constant 1 : i32
    %add3A_533 = arith.addi %mul3A_531, %add3A_532 : i32
    %get3A_534 = arith.index_cast %add3A_533 : i32 to index
    %get3A_535 = arith.constant 0 : index
    %get3A_536 = vector.load %arg1[%get3A_534, %get3A_535] : memref<64x64xf32, #tpu.memory_space<vmem>>, vector<1x64xf32>
    %dot_general3A_537 = arith.constant dense<0.000000e+00> : vector<1x256xf32>
    %dot_general3A_538 = tpu.matmul %get3A_536, %slice3A_9, %dot_general3A_537 {dimension_numbers = #tpu.dot_dimension_numbers<[1], [1], [0], [0], [0, 0, 1, 0], [], []>, transpose_lhs_hint = false} : vector<1x64xf32>, vector<256x64xf32>, vector<1x256xf32> -> vector<1x256xf32>
    %add3A_539 = vector.broadcast %dot_general3A_538 : vector<1x256xf32> to vector<512x256xf32>
    %add3A_540 = arith.addf %dot_general3A_8, %add3A_539 : vector<512x256xf32>
    %dot_general3A_541 = arith.constant dense<0.000000e+00> : vector<512x2xf32>
    %dot_general3A_542 = tpu.matmul %add3A_540, %concatenate3A_29, %dot_general3A_541 {dimension_numbers = #tpu.dot_dimension_numbers<[1], [1], [0], [0], [0, 0, 1, 0], [], []>, transpose_lhs_hint = false} : vector<512x256xf32>, vector<2x256xf32>, vector<512x2xf32> -> vector<512x2xf32>
    %dot_general3A_543 = arith.constant dense<0.000000e+00> : vector<2x512xf32>
    %dot_general3A_544 = tpu.matmul %concatenate3A_18, %add3A_540, %dot_general3A_543 {dimension_numbers = #tpu.dot_dimension_numbers<[1], [1], [0], [0], [0, 0, 1, 0], [], []>, transpose_lhs_hint = false} : vector<2x256xf32>, vector<512x256xf32>, vector<2x512xf32> -> vector<2x512xf32>
    %broadcast_in_dim3A_545 = arith.constant 1.000000e+00 : bf16
    %broadcast_in_dim3A_546 = vector.broadcast %broadcast_in_dim3A_545 : bf16 to vector<512x1xbf16>
    %slice3A_547 = vector.extract_strided_slice %add3A_540 {offsets = [0, 0], sizes = [512, 128], strides = [1, 1]} : vector<512x256xf32> to vector<512x128xf32>
    %slice3A_548 = vector.extract_strided_slice %dot_general3A_544 {offsets = [0, 0], sizes = [1, 512], strides = [1, 1]} : vector<2x512xf32> to vector<1x512xf32>
    %slice3A_549 = vector.extract_strided_slice %dot_general3A_542 {offsets = [0, 0], sizes = [512, 1], strides = [1, 1]} : vector<512x2xf32> to vector<512x1xf32>
    %reduce_max3A_550 = vector.shape_cast %slice3A_548 : vector<1x512xf32> to vector<1x1x512xf32>
    %reduce_max3A_551 = arith.constant dense<0xFF800000> : vector<1xf32>
    %reduce_max3A_552 = vector.multi_reduction <maximumf>, %reduce_max3A_550, %reduce_max3A_551 [1, 2] : vector<1x1x512xf32> to vector<1xf32>
    %reduce_max3A_553 = vector.shape_cast %reduce_max3A_552 : vector<1xf32> to vector<1x1x1xf32>
    %reduce_max3A_554 = vector.extract %reduce_max3A_553[0, 0, 0] : f32 from vector<1x1x1xf32>
    %add3A_555 = vector.broadcast %reduce_max3A_554 : f32 to vector<512x1xf32>
    %add3A_556 = arith.addf %slice3A_549, %add3A_555 : vector<512x1xf32>
    %sub3A_557 = vector.broadcast %reduce_max3A_554 : f32 to vector<1x512xf32>
    %sub3A_558 = arith.subf %slice3A_548, %sub3A_557 : vector<1x512xf32>
    %exp3A_559 = math.exp %sub3A_558 : vector<1x512xf32>
    %convert_element_type3A_560 = arith.truncf %exp3A_559 : vector<1x512xf32> to vector<1x512xbf16>
    %sub3A_561 = vector.broadcast %reduce_max3A_554 : f32 to vector<1x512xf32>
    %sub3A_562 = arith.subf %slice3A_548, %sub3A_561 : vector<1x512xf32>
    %mul3A_563 = arith.constant 2.000000e-01 : f32
    %mul3A_564 = vector.broadcast %mul3A_563 : f32 to vector<1x512xf32>
    %mul3A_565 = arith.mulf %mul3A_564, %sub3A_562 : vector<1x512xf32>
    %exp3A_566 = math.exp %mul3A_565 : vector<1x512xf32>
    %convert_element_type3A_567 = arith.truncf %exp3A_566 : vector<1x512xf32> to vector<1x512xbf16>
    %min3A_568 = arith.constant 0.000000e+00 : f32
    %min3A_569 = vector.broadcast %min3A_568 : f32 to vector<512x1xf32>
    %min3A_570 = arith.minimumf %add3A_556, %min3A_569 : vector<512x1xf32>
    %mul3A_571 = arith.constant 8.000000e-01 : f32
    %mul3A_572 = vector.broadcast %mul3A_571 : f32 to vector<512x1xf32>
    %mul3A_573 = arith.mulf %mul3A_572, %min3A_570 : vector<512x1xf32>
    %exp3A_574 = math.exp %mul3A_573 : vector<512x1xf32>
    %convert_element_type3A_575 = arith.truncf %exp3A_574 : vector<512x1xf32> to vector<512x1xbf16>
    %max3A_576 = arith.constant 0.000000e+00 : f32
    %max3A_577 = vector.broadcast %max3A_576 : f32 to vector<512x1xf32>
    %max3A_578 = arith.maximumf %add3A_556, %max3A_577 : vector<512x1xf32>
    %mul3A_579 = arith.constant -8.000000e-01 : f32
    %mul3A_580 = vector.broadcast %mul3A_579 : f32 to vector<512x1xf32>
    %mul3A_581 = arith.mulf %mul3A_580, %max3A_578 : vector<512x1xf32>
    %exp3A_582 = math.exp %mul3A_581 : vector<512x1xf32>
    %convert_element_type3A_583 = arith.truncf %exp3A_582 : vector<512x1xf32> to vector<512x1xbf16>
    %mul3A_584 = vector.broadcast %convert_element_type3A_575 : vector<512x1xbf16> to vector<512x512xbf16>
    %mul3A_585 = vector.broadcast %convert_element_type3A_560 : vector<1x512xbf16> to vector<512x512xbf16>
    %mul3A_586 = arith.mulf %mul3A_584, %mul3A_585 : vector<512x512xbf16>
    %mul3A_587 = vector.broadcast %convert_element_type3A_583 : vector<512x1xbf16> to vector<512x512xbf16>
    %mul3A_588 = vector.broadcast %convert_element_type3A_567 : vector<1x512xbf16> to vector<512x512xbf16>
    %mul3A_589 = arith.mulf %mul3A_587, %mul3A_588 : vector<512x512xbf16>
    %max3A_590 = arith.maximumf %mul3A_586, %mul3A_589 : vector<512x512xbf16>
    %mul3A_591 = arith.mulf %convert_element_type3A, %max3A_590 : vector<512x512xbf16>
    %convert_element_type3A_592 = arith.truncf %slice3A_547 : vector<512x128xf32> to vector<512x128xbf16>
    %concatenate3A_593 = tpu.concatenate %convert_element_type3A_592, %broadcast_in_dim3A_546 in 1 : vector<512x128xbf16>, vector<512x1xbf16> -> vector<512x129xbf16>
    %dot_general3A_594 = arith.constant dense<0.000000e+00> : vector<512x129xf32>
    %dot_general3A_595 = tpu.matmul %mul3A_591, %concatenate3A_593, %dot_general3A_594 {dimension_numbers = #tpu.dot_dimension_numbers<[1], [0], [0], [1], [0, 0, 1, 1], [], []>, transpose_lhs_hint = false} : vector<512x512xbf16>, vector<512x129xbf16>, vector<512x129xf32> -> vector<512x129xf32>
    %slice3A_596 = vector.extract_strided_slice %dot_general3A_595 {offsets = [0, 0], sizes = [512, 128], strides = [1, 1]} : vector<512x129xf32> to vector<512x128xf32>
    %slice3A_597 = vector.extract_strided_slice %dot_general3A_595 {offsets = [0, 128], sizes = [512, 1], strides = [1, 1]} : vector<512x129xf32> to vector<512x1xf32>
    %max3A_598 = arith.constant 1.000000e-30 : f32
    %max3A_599 = vector.broadcast %max3A_598 : f32 to vector<512x1xf32>
    %max3A_600 = arith.maximumf %slice3A_597, %max3A_599 : vector<512x1xf32>
    %reciprocal3A_601 = tpu.reciprocal %max3A_600 {approx = true} : vector<512x1xf32> -> vector<512x1xf32>
    %mul3A_602 = vector.broadcast %reciprocal3A_601 : vector<512x1xf32> to vector<512x128xf32>
    %mul3A_603 = arith.mulf %slice3A_596, %mul3A_602 : vector<512x128xf32>
    %slice3A_604 = vector.extract_strided_slice %add3A_540 {offsets = [0, 128], sizes = [512, 128], strides = [1, 1]} : vector<512x256xf32> to vector<512x128xf32>
    %slice3A_605 = vector.extract_strided_slice %dot_general3A_544 {offsets = [1, 0], sizes = [1, 512], strides = [1, 1]} : vector<2x512xf32> to vector<1x512xf32>
    %slice3A_606 = vector.extract_strided_slice %dot_general3A_542 {offsets = [0, 1], sizes = [512, 1], strides = [1, 1]} : vector<512x2xf32> to vector<512x1xf32>
    %reduce_max3A_607 = vector.shape_cast %slice3A_605 : vector<1x512xf32> to vector<1x1x512xf32>
    %reduce_max3A_608 = arith.constant dense<0xFF800000> : vector<1xf32>
    %reduce_max3A_609 = vector.multi_reduction <maximumf>, %reduce_max3A_607, %reduce_max3A_608 [1, 2] : vector<1x1x512xf32> to vector<1xf32>
    %reduce_max3A_610 = vector.shape_cast %reduce_max3A_609 : vector<1xf32> to vector<1x1x1xf32>
    %reduce_max3A_611 = vector.extract %reduce_max3A_610[0, 0, 0] : f32 from vector<1x1x1xf32>
    %add3A_612 = vector.broadcast %reduce_max3A_611 : f32 to vector<512x1xf32>
    %add3A_613 = arith.addf %slice3A_606, %add3A_612 : vector<512x1xf32>
    %sub3A_614 = vector.broadcast %reduce_max3A_611 : f32 to vector<1x512xf32>
    %sub3A_615 = arith.subf %slice3A_605, %sub3A_614 : vector<1x512xf32>
    %exp3A_616 = math.exp %sub3A_615 : vector<1x512xf32>
    %convert_element_type3A_617 = arith.truncf %exp3A_616 : vector<1x512xf32> to vector<1x512xbf16>
    %sub3A_618 = vector.broadcast %reduce_max3A_611 : f32 to vector<1x512xf32>
    %sub3A_619 = arith.subf %slice3A_605, %sub3A_618 : vector<1x512xf32>
    %mul3A_620 = arith.constant 2.000000e-01 : f32
    %mul3A_621 = vector.broadcast %mul3A_620 : f32 to vector<1x512xf32>
    %mul3A_622 = arith.mulf %mul3A_621, %sub3A_619 : vector<1x512xf32>
    %exp3A_623 = math.exp %mul3A_622 : vector<1x512xf32>
    %convert_element_type3A_624 = arith.truncf %exp3A_623 : vector<1x512xf32> to vector<1x512xbf16>
    %min3A_625 = arith.constant 0.000000e+00 : f32
    %min3A_626 = vector.broadcast %min3A_625 : f32 to vector<512x1xf32>
    %min3A_627 = arith.minimumf %add3A_613, %min3A_626 : vector<512x1xf32>
    %mul3A_628 = arith.constant 8.000000e-01 : f32
    %mul3A_629 = vector.broadcast %mul3A_628 : f32 to vector<512x1xf32>
    %mul3A_630 = arith.mulf %mul3A_629, %min3A_627 : vector<512x1xf32>
    %exp3A_631 = math.exp %mul3A_630 : vector<512x1xf32>
    %convert_element_type3A_632 = arith.truncf %exp3A_631 : vector<512x1xf32> to vector<512x1xbf16>
    %max3A_633 = arith.constant 0.000000e+00 : f32
    %max3A_634 = vector.broadcast %max3A_633 : f32 to vector<512x1xf32>
    %max3A_635 = arith.maximumf %add3A_613, %max3A_634 : vector<512x1xf32>
    %mul3A_636 = arith.constant -8.000000e-01 : f32
    %mul3A_637 = vector.broadcast %mul3A_636 : f32 to vector<512x1xf32>
    %mul3A_638 = arith.mulf %mul3A_637, %max3A_635 : vector<512x1xf32>
    %exp3A_639 = math.exp %mul3A_638 : vector<512x1xf32>
    %convert_element_type3A_640 = arith.truncf %exp3A_639 : vector<512x1xf32> to vector<512x1xbf16>
    %mul3A_641 = vector.broadcast %convert_element_type3A_632 : vector<512x1xbf16> to vector<512x512xbf16>
    %mul3A_642 = vector.broadcast %convert_element_type3A_617 : vector<1x512xbf16> to vector<512x512xbf16>
    %mul3A_643 = arith.mulf %mul3A_641, %mul3A_642 : vector<512x512xbf16>
    %mul3A_644 = vector.broadcast %convert_element_type3A_640 : vector<512x1xbf16> to vector<512x512xbf16>
    %mul3A_645 = vector.broadcast %convert_element_type3A_624 : vector<1x512xbf16> to vector<512x512xbf16>
    %mul3A_646 = arith.mulf %mul3A_644, %mul3A_645 : vector<512x512xbf16>
    %max3A_647 = arith.maximumf %mul3A_643, %mul3A_646 : vector<512x512xbf16>
    %mul3A_648 = arith.mulf %convert_element_type3A, %max3A_647 : vector<512x512xbf16>
    %convert_element_type3A_649 = arith.truncf %slice3A_604 : vector<512x128xf32> to vector<512x128xbf16>
    %concatenate3A_650 = tpu.concatenate %convert_element_type3A_649, %broadcast_in_dim3A_546 in 1 : vector<512x128xbf16>, vector<512x1xbf16> -> vector<512x129xbf16>
    %dot_general3A_651 = arith.constant dense<0.000000e+00> : vector<512x129xf32>
    %dot_general3A_652 = tpu.matmul %mul3A_648, %concatenate3A_650, %dot_general3A_651 {dimension_numbers = #tpu.dot_dimension_numbers<[1], [0], [0], [1], [0, 0, 1, 1], [], []>, transpose_lhs_hint = false} : vector<512x512xbf16>, vector<512x129xbf16>, vector<512x129xf32> -> vector<512x129xf32>
    %slice3A_653 = vector.extract_strided_slice %dot_general3A_652 {offsets = [0, 0], sizes = [512, 128], strides = [1, 1]} : vector<512x129xf32> to vector<512x128xf32>
    %slice3A_654 = vector.extract_strided_slice %dot_general3A_652 {offsets = [0, 128], sizes = [512, 1], strides = [1, 1]} : vector<512x129xf32> to vector<512x1xf32>
    %max3A_655 = arith.constant 1.000000e-30 : f32
    %max3A_656 = vector.broadcast %max3A_655 : f32 to vector<512x1xf32>
    %max3A_657 = arith.maximumf %slice3A_654, %max3A_656 : vector<512x1xf32>
    %reciprocal3A_658 = tpu.reciprocal %max3A_657 {approx = true} : vector<512x1xf32> -> vector<512x1xf32>
    %mul3A_659 = vector.broadcast %reciprocal3A_658 : vector<512x1xf32> to vector<512x128xf32>
    %mul3A_660 = arith.mulf %slice3A_653, %mul3A_659 : vector<512x128xf32>
    %add3A_661 = arith.addf %mul3A_603, %mul3A_660 : vector<512x128xf32>
    %mul3A_662 = arith.constant 5.000000e-01 : f32
    %mul3A_663 = vector.broadcast %mul3A_662 : f32 to vector<512x128xf32>
    %mul3A_664 = arith.mulf %mul3A_663, %add3A_661 : vector<512x128xf32>
    %get3A_665 = arith.constant 0 : index
    %get3A_666 = vector.load %arg7[%get3A_665] : memref<128xf32, #tpu.memory_space<vmem>>, vector<128xf32>
    %broadcast_in_dim3A_667 = vector.shape_cast %get3A_666 : vector<128xf32> to vector<1x128xf32>
    %add3A_668 = vector.broadcast %broadcast_in_dim3A_667 : vector<1x128xf32> to vector<512x128xf32>
    %add3A_669 = arith.addf %mul3A_664, %add3A_668 : vector<512x128xf32>
    %gt3A_670 = arith.constant 0.000000e+00 : f32
    %gt3A_671 = vector.broadcast %gt3A_670 : f32 to vector<512x128xf32>
    %gt3A_672 = arith.cmpf ogt, %add3A_669, %gt3A_671 : vector<512x128xf32>
    %exp3A_673 = math.exp %add3A_669 : vector<512x128xf32>
    %sub3A_674 = arith.constant 1.000000e+00 : f32
    %sub3A_675 = vector.broadcast %sub3A_674 : f32 to vector<512x128xf32>
    %sub3A_676 = arith.subf %exp3A_673, %sub3A_675 : vector<512x128xf32>
    %mul3A_677 = arith.constant 1.67326319 : f32
    %mul3A_678 = vector.broadcast %mul3A_677 : f32 to vector<512x128xf32>
    %mul3A_679 = arith.mulf %mul3A_678, %sub3A_676 : vector<512x128xf32>
    %select_n3A_680 = arith.select %gt3A_672, %add3A_669, %mul3A_679 : vector<512x128xi1>, vector<512x128xf32>
    %mul3A_681 = arith.constant 1.05070102 : f32
    %mul3A_682 = vector.broadcast %mul3A_681 : f32 to vector<512x128xf32>
    %mul3A_683 = arith.mulf %mul3A_682, %select_n3A_680 : vector<512x128xf32>
    %get3A_684 = arith.constant 0 : index
    %get3A_685 = arith.constant 0 : index
    %get3A_686 = vector.load %arg8[%get3A_684, %get3A_685] : memref<128x128xf32, #tpu.memory_space<vmem>>, vector<128x128xf32>
    %dot_general3A_687 = arith.constant dense<0.000000e+00> : vector<512x128xf32>
    %dot_general3A_688 = tpu.matmul %mul3A_683, %get3A_686, %dot_general3A_687 {dimension_numbers = #tpu.dot_dimension_numbers<[1], [1], [0], [0], [0, 0, 1, 0], [], []>, transpose_lhs_hint = false} : vector<512x128xf32>, vector<128x128xf32>, vector<512x128xf32> -> vector<512x128xf32>
    %dot_general3A_689 = arith.constant dense<0.000000e+00> : vector<512x2xf32>
    %dot_general3A_690 = tpu.matmul %dot_general3A_688, %concatenate3A_51, %dot_general3A_689 {dimension_numbers = #tpu.dot_dimension_numbers<[1], [1], [0], [0], [0, 0, 1, 0], [], []>, transpose_lhs_hint = false} : vector<512x128xf32>, vector<2x128xf32>, vector<512x2xf32> -> vector<512x2xf32>
    %dot_general3A_691 = arith.constant dense<0.000000e+00> : vector<2x512xf32>
    %dot_general3A_692 = tpu.matmul %concatenate3A_40, %dot_general3A_688, %dot_general3A_691 {dimension_numbers = #tpu.dot_dimension_numbers<[1], [1], [0], [0], [0, 0, 1, 0], [], []>, transpose_lhs_hint = false} : vector<2x128xf32>, vector<512x128xf32>, vector<2x512xf32> -> vector<2x512xf32>
    %broadcast_in_dim3A_693 = arith.constant 1.000000e+00 : bf16
    %broadcast_in_dim3A_694 = vector.broadcast %broadcast_in_dim3A_693 : bf16 to vector<512x1xbf16>
    %slice3A_695 = vector.extract_strided_slice %dot_general3A_688 {offsets = [0, 0], sizes = [512, 64], strides = [1, 1]} : vector<512x128xf32> to vector<512x64xf32>
    %slice3A_696 = vector.extract_strided_slice %dot_general3A_692 {offsets = [0, 0], sizes = [1, 512], strides = [1, 1]} : vector<2x512xf32> to vector<1x512xf32>
    %slice3A_697 = vector.extract_strided_slice %dot_general3A_690 {offsets = [0, 0], sizes = [512, 1], strides = [1, 1]} : vector<512x2xf32> to vector<512x1xf32>
    %reduce_max3A_698 = vector.shape_cast %slice3A_696 : vector<1x512xf32> to vector<1x1x512xf32>
    %reduce_max3A_699 = arith.constant dense<0xFF800000> : vector<1xf32>
    %reduce_max3A_700 = vector.multi_reduction <maximumf>, %reduce_max3A_698, %reduce_max3A_699 [1, 2] : vector<1x1x512xf32> to vector<1xf32>
    %reduce_max3A_701 = vector.shape_cast %reduce_max3A_700 : vector<1xf32> to vector<1x1x1xf32>
    %reduce_max3A_702 = vector.extract %reduce_max3A_701[0, 0, 0] : f32 from vector<1x1x1xf32>
    %add3A_703 = vector.broadcast %reduce_max3A_702 : f32 to vector<512x1xf32>
    %add3A_704 = arith.addf %slice3A_697, %add3A_703 : vector<512x1xf32>
    %sub3A_705 = vector.broadcast %reduce_max3A_702 : f32 to vector<1x512xf32>
    %sub3A_706 = arith.subf %slice3A_696, %sub3A_705 : vector<1x512xf32>
    %exp3A_707 = math.exp %sub3A_706 : vector<1x512xf32>
    %convert_element_type3A_708 = arith.truncf %exp3A_707 : vector<1x512xf32> to vector<1x512xbf16>
    %sub3A_709 = vector.broadcast %reduce_max3A_702 : f32 to vector<1x512xf32>
    %sub3A_710 = arith.subf %slice3A_696, %sub3A_709 : vector<1x512xf32>
    %mul3A_711 = arith.constant 2.000000e-01 : f32
    %mul3A_712 = vector.broadcast %mul3A_711 : f32 to vector<1x512xf32>
    %mul3A_713 = arith.mulf %mul3A_712, %sub3A_710 : vector<1x512xf32>
    %exp3A_714 = math.exp %mul3A_713 : vector<1x512xf32>
    %convert_element_type3A_715 = arith.truncf %exp3A_714 : vector<1x512xf32> to vector<1x512xbf16>
    %min3A_716 = arith.constant 0.000000e+00 : f32
    %min3A_717 = vector.broadcast %min3A_716 : f32 to vector<512x1xf32>
    %min3A_718 = arith.minimumf %add3A_704, %min3A_717 : vector<512x1xf32>
    %mul3A_719 = arith.constant 8.000000e-01 : f32
    %mul3A_720 = vector.broadcast %mul3A_719 : f32 to vector<512x1xf32>
    %mul3A_721 = arith.mulf %mul3A_720, %min3A_718 : vector<512x1xf32>
    %exp3A_722 = math.exp %mul3A_721 : vector<512x1xf32>
    %convert_element_type3A_723 = arith.truncf %exp3A_722 : vector<512x1xf32> to vector<512x1xbf16>
    %max3A_724 = arith.constant 0.000000e+00 : f32
    %max3A_725 = vector.broadcast %max3A_724 : f32 to vector<512x1xf32>
    %max3A_726 = arith.maximumf %add3A_704, %max3A_725 : vector<512x1xf32>
    %mul3A_727 = arith.constant -8.000000e-01 : f32
    %mul3A_728 = vector.broadcast %mul3A_727 : f32 to vector<512x1xf32>
    %mul3A_729 = arith.mulf %mul3A_728, %max3A_726 : vector<512x1xf32>
    %exp3A_730 = math.exp %mul3A_729 : vector<512x1xf32>
    %convert_element_type3A_731 = arith.truncf %exp3A_730 : vector<512x1xf32> to vector<512x1xbf16>
    %mul3A_732 = vector.broadcast %convert_element_type3A_723 : vector<512x1xbf16> to vector<512x512xbf16>
    %mul3A_733 = vector.broadcast %convert_element_type3A_708 : vector<1x512xbf16> to vector<512x512xbf16>
    %mul3A_734 = arith.mulf %mul3A_732, %mul3A_733 : vector<512x512xbf16>
    %mul3A_735 = vector.broadcast %convert_element_type3A_731 : vector<512x1xbf16> to vector<512x512xbf16>
    %mul3A_736 = vector.broadcast %convert_element_type3A_715 : vector<1x512xbf16> to vector<512x512xbf16>
    %mul3A_737 = arith.mulf %mul3A_735, %mul3A_736 : vector<512x512xbf16>
    %max3A_738 = arith.maximumf %mul3A_734, %mul3A_737 : vector<512x512xbf16>
    %mul3A_739 = arith.mulf %convert_element_type3A, %max3A_738 : vector<512x512xbf16>
    %convert_element_type3A_740 = arith.truncf %slice3A_695 : vector<512x64xf32> to vector<512x64xbf16>
    %concatenate3A_741 = tpu.concatenate %convert_element_type3A_740, %broadcast_in_dim3A_694 in 1 : vector<512x64xbf16>, vector<512x1xbf16> -> vector<512x65xbf16>
    %dot_general3A_742 = arith.constant dense<0.000000e+00> : vector<512x65xf32>
    %dot_general3A_743 = tpu.matmul %mul3A_739, %concatenate3A_741, %dot_general3A_742 {dimension_numbers = #tpu.dot_dimension_numbers<[1], [0], [0], [1], [0, 0, 1, 1], [], []>, transpose_lhs_hint = false} : vector<512x512xbf16>, vector<512x65xbf16>, vector<512x65xf32> -> vector<512x65xf32>
    %slice3A_744 = vector.extract_strided_slice %dot_general3A_743 {offsets = [0, 0], sizes = [512, 64], strides = [1, 1]} : vector<512x65xf32> to vector<512x64xf32>
    %slice3A_745 = vector.extract_strided_slice %dot_general3A_743 {offsets = [0, 64], sizes = [512, 1], strides = [1, 1]} : vector<512x65xf32> to vector<512x1xf32>
    %max3A_746 = arith.constant 1.000000e-30 : f32
    %max3A_747 = vector.broadcast %max3A_746 : f32 to vector<512x1xf32>
    %max3A_748 = arith.maximumf %slice3A_745, %max3A_747 : vector<512x1xf32>
    %reciprocal3A_749 = tpu.reciprocal %max3A_748 {approx = true} : vector<512x1xf32> -> vector<512x1xf32>
    %mul3A_750 = vector.broadcast %reciprocal3A_749 : vector<512x1xf32> to vector<512x64xf32>
    %mul3A_751 = arith.mulf %slice3A_744, %mul3A_750 : vector<512x64xf32>
    %slice3A_752 = vector.extract_strided_slice %dot_general3A_688 {offsets = [0, 64], sizes = [512, 64], strides = [1, 1]} : vector<512x128xf32> to vector<512x64xf32>
    %slice3A_753 = vector.extract_strided_slice %dot_general3A_692 {offsets = [1, 0], sizes = [1, 512], strides = [1, 1]} : vector<2x512xf32> to vector<1x512xf32>
    %slice3A_754 = vector.extract_strided_slice %dot_general3A_690 {offsets = [0, 1], sizes = [512, 1], strides = [1, 1]} : vector<512x2xf32> to vector<512x1xf32>
    %reduce_max3A_755 = vector.shape_cast %slice3A_753 : vector<1x512xf32> to vector<1x1x512xf32>
    %reduce_max3A_756 = arith.constant dense<0xFF800000> : vector<1xf32>
    %reduce_max3A_757 = vector.multi_reduction <maximumf>, %reduce_max3A_755, %reduce_max3A_756 [1, 2] : vector<1x1x512xf32> to vector<1xf32>
    %reduce_max3A_758 = vector.shape_cast %reduce_max3A_757 : vector<1xf32> to vector<1x1x1xf32>
    %reduce_max3A_759 = vector.extract %reduce_max3A_758[0, 0, 0] : f32 from vector<1x1x1xf32>
    %add3A_760 = vector.broadcast %reduce_max3A_759 : f32 to vector<512x1xf32>
    %add3A_761 = arith.addf %slice3A_754, %add3A_760 : vector<512x1xf32>
    %sub3A_762 = vector.broadcast %reduce_max3A_759 : f32 to vector<1x512xf32>
    %sub3A_763 = arith.subf %slice3A_753, %sub3A_762 : vector<1x512xf32>
    %exp3A_764 = math.exp %sub3A_763 : vector<1x512xf32>
    %convert_element_type3A_765 = arith.truncf %exp3A_764 : vector<1x512xf32> to vector<1x512xbf16>
    %sub3A_766 = vector.broadcast %reduce_max3A_759 : f32 to vector<1x512xf32>
    %sub3A_767 = arith.subf %slice3A_753, %sub3A_766 : vector<1x512xf32>
    %mul3A_768 = arith.constant 2.000000e-01 : f32
    %mul3A_769 = vector.broadcast %mul3A_768 : f32 to vector<1x512xf32>
    %mul3A_770 = arith.mulf %mul3A_769, %sub3A_767 : vector<1x512xf32>
    %exp3A_771 = math.exp %mul3A_770 : vector<1x512xf32>
    %convert_element_type3A_772 = arith.truncf %exp3A_771 : vector<1x512xf32> to vector<1x512xbf16>
    %min3A_773 = arith.constant 0.000000e+00 : f32
    %min3A_774 = vector.broadcast %min3A_773 : f32 to vector<512x1xf32>
    %min3A_775 = arith.minimumf %add3A_761, %min3A_774 : vector<512x1xf32>
    %mul3A_776 = arith.constant 8.000000e-01 : f32
    %mul3A_777 = vector.broadcast %mul3A_776 : f32 to vector<512x1xf32>
    %mul3A_778 = arith.mulf %mul3A_777, %min3A_775 : vector<512x1xf32>
    %exp3A_779 = math.exp %mul3A_778 : vector<512x1xf32>
    %convert_element_type3A_780 = arith.truncf %exp3A_779 : vector<512x1xf32> to vector<512x1xbf16>
    %max3A_781 = arith.constant 0.000000e+00 : f32
    %max3A_782 = vector.broadcast %max3A_781 : f32 to vector<512x1xf32>
    %max3A_783 = arith.maximumf %add3A_761, %max3A_782 : vector<512x1xf32>
    %mul3A_784 = arith.constant -8.000000e-01 : f32
    %mul3A_785 = vector.broadcast %mul3A_784 : f32 to vector<512x1xf32>
    %mul3A_786 = arith.mulf %mul3A_785, %max3A_783 : vector<512x1xf32>
    %exp3A_787 = math.exp %mul3A_786 : vector<512x1xf32>
    %convert_element_type3A_788 = arith.truncf %exp3A_787 : vector<512x1xf32> to vector<512x1xbf16>
    %mul3A_789 = vector.broadcast %convert_element_type3A_780 : vector<512x1xbf16> to vector<512x512xbf16>
    %mul3A_790 = vector.broadcast %convert_element_type3A_765 : vector<1x512xbf16> to vector<512x512xbf16>
    %mul3A_791 = arith.mulf %mul3A_789, %mul3A_790 : vector<512x512xbf16>
    %mul3A_792 = vector.broadcast %convert_element_type3A_788 : vector<512x1xbf16> to vector<512x512xbf16>
    %mul3A_793 = vector.broadcast %convert_element_type3A_772 : vector<1x512xbf16> to vector<512x512xbf16>
    %mul3A_794 = arith.mulf %mul3A_792, %mul3A_793 : vector<512x512xbf16>
    %max3A_795 = arith.maximumf %mul3A_791, %mul3A_794 : vector<512x512xbf16>
    %mul3A_796 = arith.mulf %convert_element_type3A, %max3A_795 : vector<512x512xbf16>
    %convert_element_type3A_797 = arith.truncf %slice3A_752 : vector<512x64xf32> to vector<512x64xbf16>
    %concatenate3A_798 = tpu.concatenate %convert_element_type3A_797, %broadcast_in_dim3A_694 in 1 : vector<512x64xbf16>, vector<512x1xbf16> -> vector<512x65xbf16>
    %dot_general3A_799 = arith.constant dense<0.000000e+00> : vector<512x65xf32>
    %dot_general3A_800 = tpu.matmul %mul3A_796, %concatenate3A_798, %dot_general3A_799 {dimension_numbers = #tpu.dot_dimension_numbers<[1], [0], [0], [1], [0, 0, 1, 1], [], []>, transpose_lhs_hint = false} : vector<512x512xbf16>, vector<512x65xbf16>, vector<512x65xf32> -> vector<512x65xf32>
    %slice3A_801 = vector.extract_strided_slice %dot_general3A_800 {offsets = [0, 0], sizes = [512, 64], strides = [1, 1]} : vector<512x65xf32> to vector<512x64xf32>
    %slice3A_802 = vector.extract_strided_slice %dot_general3A_800 {offsets = [0, 64], sizes = [512, 1], strides = [1, 1]} : vector<512x65xf32> to vector<512x1xf32>
    %max3A_803 = arith.constant 1.000000e-30 : f32
    %max3A_804 = vector.broadcast %max3A_803 : f32 to vector<512x1xf32>
    %max3A_805 = arith.maximumf %slice3A_802, %max3A_804 : vector<512x1xf32>
    %reciprocal3A_806 = tpu.reciprocal %max3A_805 {approx = true} : vector<512x1xf32> -> vector<512x1xf32>
    %mul3A_807 = vector.broadcast %reciprocal3A_806 : vector<512x1xf32> to vector<512x64xf32>
    %mul3A_808 = arith.mulf %slice3A_801, %mul3A_807 : vector<512x64xf32>
    %add3A_809 = arith.addf %mul3A_751, %mul3A_808 : vector<512x64xf32>
    %mul3A_810 = arith.constant 5.000000e-01 : f32
    %mul3A_811 = vector.broadcast %mul3A_810 : f32 to vector<512x64xf32>
    %mul3A_812 = arith.mulf %mul3A_811, %add3A_809 : vector<512x64xf32>
    %get3A_813 = arith.constant 0 : index
    %get3A_814 = vector.load %arg11[%get3A_813] : memref<64xf32, #tpu.memory_space<vmem>>, vector<64xf32>
    %broadcast_in_dim3A_815 = vector.shape_cast %get3A_814 : vector<64xf32> to vector<1x64xf32>
    %add3A_816 = vector.broadcast %broadcast_in_dim3A_815 : vector<1x64xf32> to vector<512x64xf32>
    %add3A_817 = arith.addf %mul3A_812, %add3A_816 : vector<512x64xf32>
    %gt3A_818 = arith.constant 0.000000e+00 : f32
    %gt3A_819 = vector.broadcast %gt3A_818 : f32 to vector<512x64xf32>
    %gt3A_820 = arith.cmpf ogt, %add3A_817, %gt3A_819 : vector<512x64xf32>
    %exp3A_821 = math.exp %add3A_817 : vector<512x64xf32>
    %sub3A_822 = arith.constant 1.000000e+00 : f32
    %sub3A_823 = vector.broadcast %sub3A_822 : f32 to vector<512x64xf32>
    %sub3A_824 = arith.subf %exp3A_821, %sub3A_823 : vector<512x64xf32>
    %mul3A_825 = arith.constant 1.67326319 : f32
    %mul3A_826 = vector.broadcast %mul3A_825 : f32 to vector<512x64xf32>
    %mul3A_827 = arith.mulf %mul3A_826, %sub3A_824 : vector<512x64xf32>
    %select_n3A_828 = arith.select %gt3A_820, %add3A_817, %mul3A_827 : vector<512x64xi1>, vector<512x64xf32>
    %mul3A_829 = arith.constant 1.05070102 : f32
    %mul3A_830 = vector.broadcast %mul3A_829 : f32 to vector<512x64xf32>
    %mul3A_831 = arith.mulf %mul3A_830, %select_n3A_828 : vector<512x64xf32>
    %get3A_832 = arith.constant 0 : index
    %get3A_833 = arith.constant 0 : index
    %get3A_834 = vector.load %arg12[%get3A_832, %get3A_833] : memref<64x64xf32, #tpu.memory_space<vmem>>, vector<64x64xf32>
    %dot_general3A_835 = arith.constant dense<0.000000e+00> : vector<512x64xf32>
    %dot_general3A_836 = tpu.matmul %mul3A_831, %get3A_834, %dot_general3A_835 {dimension_numbers = #tpu.dot_dimension_numbers<[1], [1], [0], [0], [0, 0, 1, 0], [], []>, transpose_lhs_hint = false} : vector<512x64xf32>, vector<64x64xf32>, vector<512x64xf32> -> vector<512x64xf32>
    %dot_general3A_837 = arith.constant dense<0.000000e+00> : vector<512x2xf32>
    %dot_general3A_838 = tpu.matmul %dot_general3A_836, %concatenate3A_73, %dot_general3A_837 {dimension_numbers = #tpu.dot_dimension_numbers<[1], [1], [0], [0], [0, 0, 1, 0], [], []>, transpose_lhs_hint = false} : vector<512x64xf32>, vector<2x64xf32>, vector<512x2xf32> -> vector<512x2xf32>
    %dot_general3A_839 = arith.constant dense<0.000000e+00> : vector<2x512xf32>
    %dot_general3A_840 = tpu.matmul %concatenate3A_62, %dot_general3A_836, %dot_general3A_839 {dimension_numbers = #tpu.dot_dimension_numbers<[1], [1], [0], [0], [0, 0, 1, 0], [], []>, transpose_lhs_hint = false} : vector<2x64xf32>, vector<512x64xf32>, vector<2x512xf32> -> vector<2x512xf32>
    %broadcast_in_dim3A_841 = arith.constant 1.000000e+00 : bf16
    %broadcast_in_dim3A_842 = vector.broadcast %broadcast_in_dim3A_841 : bf16 to vector<512x1xbf16>
    %slice3A_843 = vector.extract_strided_slice %dot_general3A_836 {offsets = [0, 0], sizes = [512, 32], strides = [1, 1]} : vector<512x64xf32> to vector<512x32xf32>
    %slice3A_844 = vector.extract_strided_slice %dot_general3A_840 {offsets = [0, 0], sizes = [1, 512], strides = [1, 1]} : vector<2x512xf32> to vector<1x512xf32>
    %slice3A_845 = vector.extract_strided_slice %dot_general3A_838 {offsets = [0, 0], sizes = [512, 1], strides = [1, 1]} : vector<512x2xf32> to vector<512x1xf32>
    %reduce_max3A_846 = vector.shape_cast %slice3A_844 : vector<1x512xf32> to vector<1x1x512xf32>
    %reduce_max3A_847 = arith.constant dense<0xFF800000> : vector<1xf32>
    %reduce_max3A_848 = vector.multi_reduction <maximumf>, %reduce_max3A_846, %reduce_max3A_847 [1, 2] : vector<1x1x512xf32> to vector<1xf32>
    %reduce_max3A_849 = vector.shape_cast %reduce_max3A_848 : vector<1xf32> to vector<1x1x1xf32>
    %reduce_max3A_850 = vector.extract %reduce_max3A_849[0, 0, 0] : f32 from vector<1x1x1xf32>
    %add3A_851 = vector.broadcast %reduce_max3A_850 : f32 to vector<512x1xf32>
    %add3A_852 = arith.addf %slice3A_845, %add3A_851 : vector<512x1xf32>
    %sub3A_853 = vector.broadcast %reduce_max3A_850 : f32 to vector<1x512xf32>
    %sub3A_854 = arith.subf %slice3A_844, %sub3A_853 : vector<1x512xf32>
    %exp3A_855 = math.exp %sub3A_854 : vector<1x512xf32>
    %convert_element_type3A_856 = arith.truncf %exp3A_855 : vector<1x512xf32> to vector<1x512xbf16>
    %sub3A_857 = vector.broadcast %reduce_max3A_850 : f32 to vector<1x512xf32>
    %sub3A_858 = arith.subf %slice3A_844, %sub3A_857 : vector<1x512xf32>
    %mul3A_859 = arith.constant 2.000000e-01 : f32
    %mul3A_860 = vector.broadcast %mul3A_859 : f32 to vector<1x512xf32>
    %mul3A_861 = arith.mulf %mul3A_860, %sub3A_858 : vector<1x512xf32>
    %exp3A_862 = math.exp %mul3A_861 : vector<1x512xf32>
    %convert_element_type3A_863 = arith.truncf %exp3A_862 : vector<1x512xf32> to vector<1x512xbf16>
    %min3A_864 = arith.constant 0.000000e+00 : f32
    %min3A_865 = vector.broadcast %min3A_864 : f32 to vector<512x1xf32>
    %min3A_866 = arith.minimumf %add3A_852, %min3A_865 : vector<512x1xf32>
    %mul3A_867 = arith.constant 8.000000e-01 : f32
    %mul3A_868 = vector.broadcast %mul3A_867 : f32 to vector<512x1xf32>
    %mul3A_869 = arith.mulf %mul3A_868, %min3A_866 : vector<512x1xf32>
    %exp3A_870 = math.exp %mul3A_869 : vector<512x1xf32>
    %convert_element_type3A_871 = arith.truncf %exp3A_870 : vector<512x1xf32> to vector<512x1xbf16>
    %max3A_872 = arith.constant 0.000000e+00 : f32
    %max3A_873 = vector.broadcast %max3A_872 : f32 to vector<512x1xf32>
    %max3A_874 = arith.maximumf %add3A_852, %max3A_873 : vector<512x1xf32>
    %mul3A_875 = arith.constant -8.000000e-01 : f32
    %mul3A_876 = vector.broadcast %mul3A_875 : f32 to vector<512x1xf32>
    %mul3A_877 = arith.mulf %mul3A_876, %max3A_874 : vector<512x1xf32>
    %exp3A_878 = math.exp %mul3A_877 : vector<512x1xf32>
    %convert_element_type3A_879 = arith.truncf %exp3A_878 : vector<512x1xf32> to vector<512x1xbf16>
    %mul3A_880 = vector.broadcast %convert_element_type3A_871 : vector<512x1xbf16> to vector<512x512xbf16>
    %mul3A_881 = vector.broadcast %convert_element_type3A_856 : vector<1x512xbf16> to vector<512x512xbf16>
    %mul3A_882 = arith.mulf %mul3A_880, %mul3A_881 : vector<512x512xbf16>
    %mul3A_883 = vector.broadcast %convert_element_type3A_879 : vector<512x1xbf16> to vector<512x512xbf16>
    %mul3A_884 = vector.broadcast %convert_element_type3A_863 : vector<1x512xbf16> to vector<512x512xbf16>
    %mul3A_885 = arith.mulf %mul3A_883, %mul3A_884 : vector<512x512xbf16>
    %max3A_886 = arith.maximumf %mul3A_882, %mul3A_885 : vector<512x512xbf16>
    %mul3A_887 = arith.mulf %convert_element_type3A, %max3A_886 : vector<512x512xbf16>
    %convert_element_type3A_888 = arith.truncf %slice3A_843 : vector<512x32xf32> to vector<512x32xbf16>
    %concatenate3A_889 = tpu.concatenate %convert_element_type3A_888, %broadcast_in_dim3A_842 in 1 : vector<512x32xbf16>, vector<512x1xbf16> -> vector<512x33xbf16>
    %dot_general3A_890 = arith.constant dense<0.000000e+00> : vector<512x33xf32>
    %dot_general3A_891 = tpu.matmul %mul3A_887, %concatenate3A_889, %dot_general3A_890 {dimension_numbers = #tpu.dot_dimension_numbers<[1], [0], [0], [1], [0, 0, 1, 1], [], []>, transpose_lhs_hint = false} : vector<512x512xbf16>, vector<512x33xbf16>, vector<512x33xf32> -> vector<512x33xf32>
    %slice3A_892 = vector.extract_strided_slice %dot_general3A_891 {offsets = [0, 0], sizes = [512, 32], strides = [1, 1]} : vector<512x33xf32> to vector<512x32xf32>
    %slice3A_893 = vector.extract_strided_slice %dot_general3A_891 {offsets = [0, 32], sizes = [512, 1], strides = [1, 1]} : vector<512x33xf32> to vector<512x1xf32>
    %max3A_894 = arith.constant 1.000000e-30 : f32
    %max3A_895 = vector.broadcast %max3A_894 : f32 to vector<512x1xf32>
    %max3A_896 = arith.maximumf %slice3A_893, %max3A_895 : vector<512x1xf32>
    %reciprocal3A_897 = tpu.reciprocal %max3A_896 {approx = true} : vector<512x1xf32> -> vector<512x1xf32>
    %mul3A_898 = vector.broadcast %reciprocal3A_897 : vector<512x1xf32> to vector<512x32xf32>
    %mul3A_899 = arith.mulf %slice3A_892, %mul3A_898 : vector<512x32xf32>
    %slice3A_900 = vector.extract_strided_slice %dot_general3A_836 {offsets = [0, 32], sizes = [512, 32], strides = [1, 1]} : vector<512x64xf32> to vector<512x32xf32>
    %slice3A_901 = vector.extract_strided_slice %dot_general3A_840 {offsets = [1, 0], sizes = [1, 512], strides = [1, 1]} : vector<2x512xf32> to vector<1x512xf32>
    %slice3A_902 = vector.extract_strided_slice %dot_general3A_838 {offsets = [0, 1], sizes = [512, 1], strides = [1, 1]} : vector<512x2xf32> to vector<512x1xf32>
    %reduce_max3A_903 = vector.shape_cast %slice3A_901 : vector<1x512xf32> to vector<1x1x512xf32>
    %reduce_max3A_904 = arith.constant dense<0xFF800000> : vector<1xf32>
    %reduce_max3A_905 = vector.multi_reduction <maximumf>, %reduce_max3A_903, %reduce_max3A_904 [1, 2] : vector<1x1x512xf32> to vector<1xf32>
    %reduce_max3A_906 = vector.shape_cast %reduce_max3A_905 : vector<1xf32> to vector<1x1x1xf32>
    %reduce_max3A_907 = vector.extract %reduce_max3A_906[0, 0, 0] : f32 from vector<1x1x1xf32>
    %add3A_908 = vector.broadcast %reduce_max3A_907 : f32 to vector<512x1xf32>
    %add3A_909 = arith.addf %slice3A_902, %add3A_908 : vector<512x1xf32>
    %sub3A_910 = vector.broadcast %reduce_max3A_907 : f32 to vector<1x512xf32>
    %sub3A_911 = arith.subf %slice3A_901, %sub3A_910 : vector<1x512xf32>
    %exp3A_912 = math.exp %sub3A_911 : vector<1x512xf32>
    %convert_element_type3A_913 = arith.truncf %exp3A_912 : vector<1x512xf32> to vector<1x512xbf16>
    %sub3A_914 = vector.broadcast %reduce_max3A_907 : f32 to vector<1x512xf32>
    %sub3A_915 = arith.subf %slice3A_901, %sub3A_914 : vector<1x512xf32>
    %mul3A_916 = arith.constant 2.000000e-01 : f32
    %mul3A_917 = vector.broadcast %mul3A_916 : f32 to vector<1x512xf32>
    %mul3A_918 = arith.mulf %mul3A_917, %sub3A_915 : vector<1x512xf32>
    %exp3A_919 = math.exp %mul3A_918 : vector<1x512xf32>
    %convert_element_type3A_920 = arith.truncf %exp3A_919 : vector<1x512xf32> to vector<1x512xbf16>
    %min3A_921 = arith.constant 0.000000e+00 : f32
    %min3A_922 = vector.broadcast %min3A_921 : f32 to vector<512x1xf32>
    %min3A_923 = arith.minimumf %add3A_909, %min3A_922 : vector<512x1xf32>
    %mul3A_924 = arith.constant 8.000000e-01 : f32
    %mul3A_925 = vector.broadcast %mul3A_924 : f32 to vector<512x1xf32>
    %mul3A_926 = arith.mulf %mul3A_925, %min3A_923 : vector<512x1xf32>
    %exp3A_927 = math.exp %mul3A_926 : vector<512x1xf32>
    %convert_element_type3A_928 = arith.truncf %exp3A_927 : vector<512x1xf32> to vector<512x1xbf16>
    %max3A_929 = arith.constant 0.000000e+00 : f32
    %max3A_930 = vector.broadcast %max3A_929 : f32 to vector<512x1xf32>
    %max3A_931 = arith.maximumf %add3A_909, %max3A_930 : vector<512x1xf32>
    %mul3A_932 = arith.constant -8.000000e-01 : f32
    %mul3A_933 = vector.broadcast %mul3A_932 : f32 to vector<512x1xf32>
    %mul3A_934 = arith.mulf %mul3A_933, %max3A_931 : vector<512x1xf32>
    %exp3A_935 = math.exp %mul3A_934 : vector<512x1xf32>
    %convert_element_type3A_936 = arith.truncf %exp3A_935 : vector<512x1xf32> to vector<512x1xbf16>
    %mul3A_937 = vector.broadcast %convert_element_type3A_928 : vector<512x1xbf16> to vector<512x512xbf16>
    %mul3A_938 = vector.broadcast %convert_element_type3A_913 : vector<1x512xbf16> to vector<512x512xbf16>
    %mul3A_939 = arith.mulf %mul3A_937, %mul3A_938 : vector<512x512xbf16>
    %mul3A_940 = vector.broadcast %convert_element_type3A_936 : vector<512x1xbf16> to vector<512x512xbf16>
    %mul3A_941 = vector.broadcast %convert_element_type3A_920 : vector<1x512xbf16> to vector<512x512xbf16>
    %mul3A_942 = arith.mulf %mul3A_940, %mul3A_941 : vector<512x512xbf16>
    %max3A_943 = arith.maximumf %mul3A_939, %mul3A_942 : vector<512x512xbf16>
    %mul3A_944 = arith.mulf %convert_element_type3A, %max3A_943 : vector<512x512xbf16>
    %convert_element_type3A_945 = arith.truncf %slice3A_900 : vector<512x32xf32> to vector<512x32xbf16>
    %concatenate3A_946 = tpu.concatenate %convert_element_type3A_945, %broadcast_in_dim3A_842 in 1 : vector<512x32xbf16>, vector<512x1xbf16> -> vector<512x33xbf16>
    %dot_general3A_947 = arith.constant dense<0.000000e+00> : vector<512x33xf32>
    %dot_general3A_948 = tpu.matmul %mul3A_944, %concatenate3A_946, %dot_general3A_947 {dimension_numbers = #tpu.dot_dimension_numbers<[1], [0], [0], [1], [0, 0, 1, 1], [], []>, transpose_lhs_hint = false} : vector<512x512xbf16>, vector<512x33xbf16>, vector<512x33xf32> -> vector<512x33xf32>
    %slice3A_949 = vector.extract_strided_slice %dot_general3A_948 {offsets = [0, 0], sizes = [512, 32], strides = [1, 1]} : vector<512x33xf32> to vector<512x32xf32>
    %slice3A_950 = vector.extract_strided_slice %dot_general3A_948 {offsets = [0, 32], sizes = [512, 1], strides = [1, 1]} : vector<512x33xf32> to vector<512x1xf32>
    %max3A_951 = arith.constant 1.000000e-30 : f32
    %max3A_952 = vector.broadcast %max3A_951 : f32 to vector<512x1xf32>
    %max3A_953 = arith.maximumf %slice3A_950, %max3A_952 : vector<512x1xf32>
    %reciprocal3A_954 = tpu.reciprocal %max3A_953 {approx = true} : vector<512x1xf32> -> vector<512x1xf32>
    %mul3A_955 = vector.broadcast %reciprocal3A_954 : vector<512x1xf32> to vector<512x32xf32>
    %mul3A_956 = arith.mulf %slice3A_949, %mul3A_955 : vector<512x32xf32>
    %add3A_957 = arith.addf %mul3A_899, %mul3A_956 : vector<512x32xf32>
    %mul3A_958 = arith.constant 5.000000e-01 : f32
    %mul3A_959 = vector.broadcast %mul3A_958 : f32 to vector<512x32xf32>
    %mul3A_960 = arith.mulf %mul3A_959, %add3A_957 : vector<512x32xf32>
    %get3A_961 = arith.constant 0 : index
    %get3A_962 = vector.load %arg15[%get3A_961] : memref<32xf32, #tpu.memory_space<vmem>>, vector<32xf32>
    %broadcast_in_dim3A_963 = vector.shape_cast %get3A_962 : vector<32xf32> to vector<1x32xf32>
    %add3A_964 = vector.broadcast %broadcast_in_dim3A_963 : vector<1x32xf32> to vector<512x32xf32>
    %add3A_965 = arith.addf %mul3A_960, %add3A_964 : vector<512x32xf32>
    %gt3A_966 = arith.constant 0.000000e+00 : f32
    %gt3A_967 = vector.broadcast %gt3A_966 : f32 to vector<512x32xf32>
    %gt3A_968 = arith.cmpf ogt, %add3A_965, %gt3A_967 : vector<512x32xf32>
    %exp3A_969 = math.exp %add3A_965 : vector<512x32xf32>
    %sub3A_970 = arith.constant 1.000000e+00 : f32
    %sub3A_971 = vector.broadcast %sub3A_970 : f32 to vector<512x32xf32>
    %sub3A_972 = arith.subf %exp3A_969, %sub3A_971 : vector<512x32xf32>
    %mul3A_973 = arith.constant 1.67326319 : f32
    %mul3A_974 = vector.broadcast %mul3A_973 : f32 to vector<512x32xf32>
    %mul3A_975 = arith.mulf %mul3A_974, %sub3A_972 : vector<512x32xf32>
    %select_n3A_976 = arith.select %gt3A_968, %add3A_965, %mul3A_975 : vector<512x32xi1>, vector<512x32xf32>
    %mul3A_977 = arith.constant 1.05070102 : f32
    %mul3A_978 = vector.broadcast %mul3A_977 : f32 to vector<512x32xf32>
    %mul3A_979 = arith.mulf %mul3A_978, %select_n3A_976 : vector<512x32xf32>
    %get3A_980 = arith.constant 0 : index
    %get3A_981 = arith.constant 0 : index
    %get3A_982 = vector.load %arg16[%get3A_980, %get3A_981] : memref<1x32xf32, #tpu.memory_space<vmem>>, vector<1x32xf32>
    %mul3A_983 = vector.broadcast %get3A_982 : vector<1x32xf32> to vector<512x32xf32>
    %mul3A_984 = arith.mulf %mul3A_979, %mul3A_983 : vector<512x32xf32>
    %reduce_sum3A_985 = arith.constant dense<0.000000e+00> : vector<512xf32>
    %reduce_sum3A_986 = vector.multi_reduction <add>, %mul3A_984, %reduce_sum3A_985 [1] : vector<512x32xf32> to vector<512xf32>
    %broadcast_in_dim3A_987 = vector.shape_cast %reduce_sum3A_986 : vector<512xf32> to vector<512x1xf32>
    %get3A_988 = arith.constant 0 : index
    %get3A_989 = vector.load %arg17[%get3A_988] : memref<1xf32, #tpu.memory_space<vmem>>, vector<1xf32>
    %get3A_990 = vector.extract %get3A_989[0] : f32 from vector<1xf32>
    %add3A_991 = vector.broadcast %get3A_990 : f32 to vector<512x1xf32>
    %add3A_992 = arith.addf %broadcast_in_dim3A_987, %add3A_991 : vector<512x1xf32>
    %broadcast_in_dim3A_993 = vector.shape_cast %add3A_992 : vector<512x1xf32> to vector<1x512x1xf32>
    %swap3A_994 = arith.constant 1 : index
    %swap3A_995 = arith.constant 0 : index
    %swap3A_996 = arith.constant 0 : index
    %swap3A_997 = vector.load %arg18[%swap3A_994, %swap3A_995, %swap3A_996] : memref<8x512x1xf32, #tpu.memory_space<vmem>>, vector<1x512x1xf32>
    tpu.vector_store %arg18[%swap3A_994, %swap3A_995, %swap3A_996], %broadcast_in_dim3A_993 {strides = array<i32>} : memref<8x512x1xf32, #tpu.memory_space<vmem>>, vector<1x512x1xf32>,
    %mul3A_998 = arith.constant 8 : i32
    %mul3A_999 = arith.muli %arg0, %mul3A_998 : i32
    %add3A_1000 = arith.constant 2 : i32
    %add3A_1001 = arith.addi %mul3A_999, %add3A_1000 : i32
    %get3A_1002 = arith.index_cast %add3A_1001 : i32 to index
    %get3A_1003 = arith.constant 0 : index
    %get3A_1004 = vector.load %arg1[%get3A_1002, %get3A_1003] : memref<64x64xf32, #tpu.memory_space<vmem>>, vector<1x64xf32>
    %dot_general3A_1005 = arith.constant dense<0.000000e+00> : vector<1x256xf32>
    %dot_general3A_1006 = tpu.matmul %get3A_1004, %slice3A_9, %dot_general3A_1005 {dimension_numbers = #tpu.dot_dimension_numbers<[1], [1], [0], [0], [0, 0, 1, 0], [], []>, transpose_lhs_hint = false} : vector<1x64xf32>, vector<256x64xf32>, vector<1x256xf32> -> vector<1x256xf32>
    %add3A_1007 = vector.broadcast %dot_general3A_1006 : vector<1x256xf32> to vector<512x256xf32>
    %add3A_1008 = arith.addf %dot_general3A_8, %add3A_1007 : vector<512x256xf32>
    %dot_general3A_1009 = arith.constant dense<0.000000e+00> : vector<512x2xf32>
    %dot_general3A_1010 = tpu.matmul %add3A_1008, %concatenate3A_29, %dot_general3A_1009 {dimension_numbers = #tpu.dot_dimension_numbers<[1], [1], [0], [0], [0, 0, 1, 0], [], []>, transpose_lhs_hint = false} : vector<512x256xf32>, vector<2x256xf32>, vector<512x2xf32> -> vector<512x2xf32>
    %dot_general3A_1011 = arith.constant dense<0.000000e+00> : vector<2x512xf32>
    %dot_general3A_1012 = tpu.matmul %concatenate3A_18, %add3A_1008, %dot_general3A_1011 {dimension_numbers = #tpu.dot_dimension_numbers<[1], [1], [0], [0], [0, 0, 1, 0], [], []>, transpose_lhs_hint = false} : vector<2x256xf32>, vector<512x256xf32>, vector<2x512xf32> -> vector<2x512xf32>
    %broadcast_in_dim3A_1013 = arith.constant 1.000000e+00 : bf16
    %broadcast_in_dim3A_1014 = vector.broadcast %broadcast_in_dim3A_1013 : bf16 to vector<512x1xbf16>
    %slice3A_1015 = vector.extract_strided_slice %add3A_1008 {offsets = [0, 0], sizes = [512, 128], strides = [1, 1]} : vector<512x256xf32> to vector<512x128xf32>
    %slice3A_1016 = vector.extract_strided_slice %dot_general3A_1012 {offsets = [0, 0], sizes = [1, 512], strides = [1, 1]} : vector<2x512xf32> to vector<1x512xf32>
    %slice3A_1017 = vector.extract_strided_slice %dot_general3A_1010 {offsets = [0, 0], sizes = [512, 1], strides = [1, 1]} : vector<512x2xf32> to vector<512x1xf32>
    %reduce_max3A_1018 = vector.shape_cast %slice3A_1016 : vector<1x512xf32> to vector<1x1x512xf32>
    %reduce_max3A_1019 = arith.constant dense<0xFF800000> : vector<1xf32>
    %reduce_max3A_1020 = vector.multi_reduction <maximumf>, %reduce_max3A_1018, %reduce_max3A_1019 [1, 2] : vector<1x1x512xf32> to vector<1xf32>
    %reduce_max3A_1021 = vector.shape_cast %reduce_max3A_1020 : vector<1xf32> to vector<1x1x1xf32>
    %reduce_max3A_1022 = vector.extract %reduce_max3A_1021[0, 0, 0] : f32 from vector<1x1x1xf32>
    %add3A_1023 = vector.broadcast %reduce_max3A_1022 : f32 to vector<512x1xf32>
    %add3A_1024 = arith.addf %slice3A_1017, %add3A_1023 : vector<512x1xf32>
    %sub3A_1025 = vector.broadcast %reduce_max3A_1022 : f32 to vector<1x512xf32>
    %sub3A_1026 = arith.subf %slice3A_1016, %sub3A_1025 : vector<1x512xf32>
    %exp3A_1027 = math.exp %sub3A_1026 : vector<1x512xf32>
    %convert_element_type3A_1028 = arith.truncf %exp3A_1027 : vector<1x512xf32> to vector<1x512xbf16>
    %sub3A_1029 = vector.broadcast %reduce_max3A_1022 : f32 to vector<1x512xf32>
    %sub3A_1030 = arith.subf %slice3A_1016, %sub3A_1029 : vector<1x512xf32>
    %mul3A_1031 = arith.constant 2.000000e-01 : f32
    %mul3A_1032 = vector.broadcast %mul3A_1031 : f32 to vector<1x512xf32>
    %mul3A_1033 = arith.mulf %mul3A_1032, %sub3A_1030 : vector<1x512xf32>
    %exp3A_1034 = math.exp %mul3A_1033 : vector<1x512xf32>
    %convert_element_type3A_1035 = arith.truncf %exp3A_1034 : vector<1x512xf32> to vector<1x512xbf16>
    %min3A_1036 = arith.constant 0.000000e+00 : f32
    %min3A_1037 = vector.broadcast %min3A_1036 : f32 to vector<512x1xf32>
    %min3A_1038 = arith.minimumf %add3A_1024, %min3A_1037 : vector<512x1xf32>
    %mul3A_1039 = arith.constant 8.000000e-01 : f32
    %mul3A_1040 = vector.broadcast %mul3A_1039 : f32 to vector<512x1xf32>
    %mul3A_1041 = arith.mulf %mul3A_1040, %min3A_1038 : vector<512x1xf32>
    %exp3A_1042 = math.exp %mul3A_1041 : vector<512x1xf32>
    %convert_element_type3A_1043 = arith.truncf %exp3A_1042 : vector<512x1xf32> to vector<512x1xbf16>
    %max3A_1044 = arith.constant 0.000000e+00 : f32
    %max3A_1045 = vector.broadcast %max3A_1044 : f32 to vector<512x1xf32>
    %max3A_1046 = arith.maximumf %add3A_1024, %max3A_1045 : vector<512x1xf32>
    %mul3A_1047 = arith.constant -8.000000e-01 : f32
    %mul3A_1048 = vector.broadcast %mul3A_1047 : f32 to vector<512x1xf32>
    %mul3A_1049 = arith.mulf %mul3A_1048, %max3A_1046 : vector<512x1xf32>
    %exp3A_1050 = math.exp %mul3A_1049 : vector<512x1xf32>
    %convert_element_type3A_1051 = arith.truncf %exp3A_1050 : vector<512x1xf32> to vector<512x1xbf16>
    %mul3A_1052 = vector.broadcast %convert_element_type3A_1043 : vector<512x1xbf16> to vector<512x512xbf16>
    %mul3A_1053 = vector.broadcast %convert_element_type3A_1028 : vector<1x512xbf16> to vector<512x512xbf16>
    %mul3A_1054 = arith.mulf %mul3A_1052, %mul3A_1053 : vector<512x512xbf16>
    %mul3A_1055 = vector.broadcast %convert_element_type3A_1051 : vector<512x1xbf16> to vector<512x512xbf16>
    %mul3A_1056 = vector.broadcast %convert_element_type3A_1035 : vector<1x512xbf16> to vector<512x512xbf16>
    %mul3A_1057 = arith.mulf %mul3A_1055, %mul3A_1056 : vector<512x512xbf16>
    %max3A_1058 = arith.maximumf %mul3A_1054, %mul3A_1057 : vector<512x512xbf16>
    %mul3A_1059 = arith.mulf %convert_element_type3A, %max3A_1058 : vector<512x512xbf16>
    %convert_element_type3A_1060 = arith.truncf %slice3A_1015 : vector<512x128xf32> to vector<512x128xbf16>
    %concatenate3A_1061 = tpu.concatenate %convert_element_type3A_1060, %broadcast_in_dim3A_1014 in 1 : vector<512x128xbf16>, vector<512x1xbf16> -> vector<512x129xbf16>
    %dot_general3A_1062 = arith.constant dense<0.000000e+00> : vector<512x129xf32>
    %dot_general3A_1063 = tpu.matmul %mul3A_1059, %concatenate3A_1061, %dot_general3A_1062 {dimension_numbers = #tpu.dot_dimension_numbers<[1], [0], [0], [1], [0, 0, 1, 1], [], []>, transpose_lhs_hint = false} : vector<512x512xbf16>, vector<512x129xbf16>, vector<512x129xf32> -> vector<512x129xf32>
    %slice3A_1064 = vector.extract_strided_slice %dot_general3A_1063 {offsets = [0, 0], sizes = [512, 128], strides = [1, 1]} : vector<512x129xf32> to vector<512x128xf32>
    %slice3A_1065 = vector.extract_strided_slice %dot_general3A_1063 {offsets = [0, 128], sizes = [512, 1], strides = [1, 1]} : vector<512x129xf32> to vector<512x1xf32>
    %max3A_1066 = arith.constant 1.000000e-30 : f32
    %max3A_1067 = vector.broadcast %max3A_1066 : f32 to vector<512x1xf32>
    %max3A_1068 = arith.maximumf %slice3A_1065, %max3A_1067 : vector<512x1xf32>
    %reciprocal3A_1069 = tpu.reciprocal %max3A_1068 {approx = true} : vector<512x1xf32> -> vector<512x1xf32>
    %mul3A_1070 = vector.broadcast %reciprocal3A_1069 : vector<512x1xf32> to vector<512x128xf32>
    %mul3A_1071 = arith.mulf %slice3A_1064, %mul3A_1070 : vector<512x128xf32>
    %slice3A_1072 = vector.extract_strided_slice %add3A_1008 {offsets = [0, 128], sizes = [512, 128], strides = [1, 1]} : vector<512x256xf32> to vector<512x128xf32>
    %slice3A_1073 = vector.extract_strided_slice %dot_general3A_1012 {offsets = [1, 0], sizes = [1, 512], strides = [1, 1]} : vector<2x512xf32> to vector<1x512xf32>
    %slice3A_1074 = vector.extract_strided_slice %dot_general3A_1010 {offsets = [0, 1], sizes = [512, 1], strides = [1, 1]} : vector<512x2xf32> to vector<512x1xf32>
    %reduce_max3A_1075 = vector.shape_cast %slice3A_1073 : vector<1x512xf32> to vector<1x1x512xf32>
    %reduce_max3A_1076 = arith.constant dense<0xFF800000> : vector<1xf32>
    %reduce_max3A_1077 = vector.multi_reduction <maximumf>, %reduce_max3A_1075, %reduce_max3A_1076 [1, 2] : vector<1x1x512xf32> to vector<1xf32>
    %reduce_max3A_1078 = vector.shape_cast %reduce_max3A_1077 : vector<1xf32> to vector<1x1x1xf32>
    %reduce_max3A_1079 = vector.extract %reduce_max3A_1078[0, 0, 0] : f32 from vector<1x1x1xf32>
    %add3A_1080 = vector.broadcast %reduce_max3A_1079 : f32 to vector<512x1xf32>
    %add3A_1081 = arith.addf %slice3A_1074, %add3A_1080 : vector<512x1xf32>
    %sub3A_1082 = vector.broadcast %reduce_max3A_1079 : f32 to vector<1x512xf32>
    %sub3A_1083 = arith.subf %slice3A_1073, %sub3A_1082 : vector<1x512xf32>
    %exp3A_1084 = math.exp %sub3A_1083 : vector<1x512xf32>
    %convert_element_type3A_1085 = arith.truncf %exp3A_1084 : vector<1x512xf32> to vector<1x512xbf16>
    %sub3A_1086 = vector.broadcast %reduce_max3A_1079 : f32 to vector<1x512xf32>
    %sub3A_1087 = arith.subf %slice3A_1073, %sub3A_1086 : vector<1x512xf32>
    %mul3A_1088 = arith.constant 2.000000e-01 : f32
    %mul3A_1089 = vector.broadcast %mul3A_1088 : f32 to vector<1x512xf32>
    %mul3A_1090 = arith.mulf %mul3A_1089, %sub3A_1087 : vector<1x512xf32>
    %exp3A_1091 = math.exp %mul3A_1090 : vector<1x512xf32>
    %convert_element_type3A_1092 = arith.truncf %exp3A_1091 : vector<1x512xf32> to vector<1x512xbf16>
    %min3A_1093 = arith.constant 0.000000e+00 : f32
    %min3A_1094 = vector.broadcast %min3A_1093 : f32 to vector<512x1xf32>
    %min3A_1095 = arith.minimumf %add3A_1081, %min3A_1094 : vector<512x1xf32>
    %mul3A_1096 = arith.constant 8.000000e-01 : f32
    %mul3A_1097 = vector.broadcast %mul3A_1096 : f32 to vector<512x1xf32>
    %mul3A_1098 = arith.mulf %mul3A_1097, %min3A_1095 : vector<512x1xf32>
    %exp3A_1099 = math.exp %mul3A_1098 : vector<512x1xf32>
    %convert_element_type3A_1100 = arith.truncf %exp3A_1099 : vector<512x1xf32> to vector<512x1xbf16>
    %max3A_1101 = arith.constant 0.000000e+00 : f32
    %max3A_1102 = vector.broadcast %max3A_1101 : f32 to vector<512x1xf32>
    %max3A_1103 = arith.maximumf %add3A_1081, %max3A_1102 : vector<512x1xf32>
    %mul3A_1104 = arith.constant -8.000000e-01 : f32
    %mul3A_1105 = vector.broadcast %mul3A_1104 : f32 to vector<512x1xf32>
    %mul3A_1106 = arith.mulf %mul3A_1105, %max3A_1103 : vector<512x1xf32>
    %exp3A_1107 = math.exp %mul3A_1106 : vector<512x1xf32>
    %convert_element_type3A_1108 = arith.truncf %exp3A_1107 : vector<512x1xf32> to vector<512x1xbf16>
    %mul3A_1109 = vector.broadcast %convert_element_type3A_1100 : vector<512x1xbf16> to vector<512x512xbf16>
    %mul3A_1110 = vector.broadcast %convert_element_type3A_1085 : vector<1x512xbf16> to vector<512x512xbf16>
    %mul3A_1111 = arith.mulf %mul3A_1109, %mul3A_1110 : vector<512x512xbf16>
    %mul3A_1112 = vector.broadcast %convert_element_type3A_1108 : vector<512x1xbf16> to vector<512x512xbf16>
    %mul3A_1113 = vector.broadcast %convert_element_type3A_1092 : vector<1x512xbf16> to vector<512x512xbf16>
    %mul3A_1114 = arith.mulf %mul3A_1112, %mul3A_1113 : vector<512x512xbf16>
    %max3A_1115 = arith.maximumf %mul3A_1111, %mul3A_1114 : vector<512x512xbf16>
    %mul3A_1116 = arith.mulf %convert_element_type3A, %max3A_1115 : vector<512x512xbf16>
    %convert_element_type3A_1117 = arith.truncf %slice3A_1072 : vector<512x128xf32> to vector<512x128xbf16>
    %concatenate3A_1118 = tpu.concatenate %convert_element_type3A_1117, %broadcast_in_dim3A_1014 in 1 : vector<512x128xbf16>, vector<512x1xbf16> -> vector<512x129xbf16>
    %dot_general3A_1119 = arith.constant dense<0.000000e+00> : vector<512x129xf32>
    %dot_general3A_1120 = tpu.matmul %mul3A_1116, %concatenate3A_1118, %dot_general3A_1119 {dimension_numbers = #tpu.dot_dimension_numbers<[1], [0], [0], [1], [0, 0, 1, 1], [], []>, transpose_lhs_hint = false} : vector<512x512xbf16>, vector<512x129xbf16>, vector<512x129xf32> -> vector<512x129xf32>
    %slice3A_1121 = vector.extract_strided_slice %dot_general3A_1120 {offsets = [0, 0], sizes = [512, 128], strides = [1, 1]} : vector<512x129xf32> to vector<512x128xf32>
    %slice3A_1122 = vector.extract_strided_slice %dot_general3A_1120 {offsets = [0, 128], sizes = [512, 1], strides = [1, 1]} : vector<512x129xf32> to vector<512x1xf32>
    %max3A_1123 = arith.constant 1.000000e-30 : f32
    %max3A_1124 = vector.broadcast %max3A_1123 : f32 to vector<512x1xf32>
    %max3A_1125 = arith.maximumf %slice3A_1122, %max3A_1124 : vector<512x1xf32>
    %reciprocal3A_1126 = tpu.reciprocal %max3A_1125 {approx = true} : vector<512x1xf32> -> vector<512x1xf32>
    %mul3A_1127 = vector.broadcast %reciprocal3A_1126 : vector<512x1xf32> to vector<512x128xf32>
    %mul3A_1128 = arith.mulf %slice3A_1121, %mul3A_1127 : vector<512x128xf32>
    %add3A_1129 = arith.addf %mul3A_1071, %mul3A_1128 : vector<512x128xf32>
    %mul3A_1130 = arith.constant 5.000000e-01 : f32
    %mul3A_1131 = vector.broadcast %mul3A_1130 : f32 to vector<512x128xf32>
    %mul3A_1132 = arith.mulf %mul3A_1131, %add3A_1129 : vector<512x128xf32>
    %get3A_1133 = arith.constant 0 : index
    %get3A_1134 = vector.load %arg7[%get3A_1133] : memref<128xf32, #tpu.memory_space<vmem>>, vector<128xf32>
    %broadcast_in_dim3A_1135 = vector.shape_cast %get3A_1134 : vector<128xf32> to vector<1x128xf32>
    %add3A_1136 = vector.broadcast %broadcast_in_dim3A_1135 : vector<1x128xf32> to vector<512x128xf32>
    %add3A_1137 = arith.addf %mul3A_1132, %add3A_1136 : vector<512x128xf32>
    %gt3A_1138 = arith.constant 0.000000e+00 : f32
    %gt3A_1139 = vector.broadcast %gt3A_1138 : f32 to vector<512x128xf32>
    %gt3A_1140 = arith.cmpf ogt, %add3A_1137, %gt3A_1139 : vector<512x128xf32>
    %exp3A_1141 = math.exp %add3A_1137 : vector<512x128xf32>
    %sub3A_1142 = arith.constant 1.000000e+00 : f32
    %sub3A_1143 = vector.broadcast %sub3A_1142 : f32 to vector<512x128xf32>
    %sub3A_1144 = arith.subf %exp3A_1141, %sub3A_1143 : vector<512x128xf32>
    %mul3A_1145 = arith.constant 1.67326319 : f32
    %mul3A_1146 = vector.broadcast %mul3A_1145 : f32 to vector<512x128xf32>
    %mul3A_1147 = arith.mulf %mul3A_1146, %sub3A_1144 : vector<512x128xf32>
    %select_n3A_1148 = arith.select %gt3A_1140, %add3A_1137, %mul3A_1147 : vector<512x128xi1>, vector<512x128xf32>
    %mul3A_1149 = arith.constant 1.05070102 : f32
    %mul3A_1150 = vector.broadcast %mul3A_1149 : f32 to vector<512x128xf32>
    %mul3A_1151 = arith.mulf %mul3A_1150, %select_n3A_1148 : vector<512x128xf32>
    %get3A_1152 = arith.constant 0 : index
    %get3A_1153 = arith.constant 0 : index
    %get3A_1154 = vector.load %arg8[%get3A_1152, %get3A_1153] : memref<128x128xf32, #tpu.memory_space<vmem>>, vector<128x128xf32>
    %dot_general3A_1155 = arith.constant dense<0.000000e+00> : vector<512x128xf32>
    %dot_general3A_1156 = tpu.matmul %mul3A_1151, %get3A_1154, %dot_general3A_1155 {dimension_numbers = #tpu.dot_dimension_numbers<[1], [1], [0], [0], [0, 0, 1, 0], [], []>, transpose_lhs_hint = false} : vector<512x128xf32>, vector<128x128xf32>, vector<512x128xf32> -> vector<512x128xf32>
    %dot_general3A_1157 = arith.constant dense<0.000000e+00> : vector<512x2xf32>
    %dot_general3A_1158 = tpu.matmul %dot_general3A_1156, %concatenate3A_51, %dot_general3A_1157 {dimension_numbers = #tpu.dot_dimension_numbers<[1], [1], [0], [0], [0, 0, 1, 0], [], []>, transpose_lhs_hint = false} : vector<512x128xf32>, vector<2x128xf32>, vector<512x2xf32> -> vector<512x2xf32>
    %dot_general3A_1159 = arith.constant dense<0.000000e+00> : vector<2x512xf32>
    %dot_general3A_1160 = tpu.matmul %concatenate3A_40, %dot_general3A_1156, %dot_general3A_1159 {dimension_numbers = #tpu.dot_dimension_numbers<[1], [1], [0], [0], [0, 0, 1, 0], [], []>, transpose_lhs_hint = false} : vector<2x128xf32>, vector<512x128xf32>, vector<2x512xf32> -> vector<2x512xf32>
    %broadcast_in_dim3A_1161 = arith.constant 1.000000e+00 : bf16
    %broadcast_in_dim3A_1162 = vector.broadcast %broadcast_in_dim3A_1161 : bf16 to vector<512x1xbf16>
    %slice3A_1163 = vector.extract_strided_slice %dot_general3A_1156 {offsets = [0, 0], sizes = [512, 64], strides = [1, 1]} : vector<512x128xf32> to vector<512x64xf32>
    %slice3A_1164 = vector.extract_strided_slice %dot_general3A_1160 {offsets = [0, 0], sizes = [1, 512], strides = [1, 1]} : vector<2x512xf32> to vector<1x512xf32>
    %slice3A_1165 = vector.extract_strided_slice %dot_general3A_1158 {offsets = [0, 0], sizes = [512, 1], strides = [1, 1]} : vector<512x2xf32> to vector<512x1xf32>
    %reduce_max3A_1166 = vector.shape_cast %slice3A_1164 : vector<1x512xf32> to vector<1x1x512xf32>
    %reduce_max3A_1167 = arith.constant dense<0xFF800000> : vector<1xf32>
    %reduce_max3A_1168 = vector.multi_reduction <maximumf>, %reduce_max3A_1166, %reduce_max3A_1167 [1, 2] : vector<1x1x512xf32> to vector<1xf32>
    %reduce_max3A_1169 = vector.shape_cast %reduce_max3A_1168 : vector<1xf32> to vector<1x1x1xf32>
    %reduce_max3A_1170 = vector.extract %reduce_max3A_1169[0, 0, 0] : f32 from vector<1x1x1xf32>
    %add3A_1171 = vector.broadcast %reduce_max3A_1170 : f32 to vector<512x1xf32>
    %add3A_1172 = arith.addf %slice3A_1165, %add3A_1171 : vector<512x1xf32>
    %sub3A_1173 = vector.broadcast %reduce_max3A_1170 : f32 to vector<1x512xf32>
    %sub3A_1174 = arith.subf %slice3A_1164, %sub3A_1173 : vector<1x512xf32>
    %exp3A_1175 = math.exp %sub3A_1174 : vector<1x512xf32>
    %convert_element_type3A_1176 = arith.truncf %exp3A_1175 : vector<1x512xf32> to vector<1x512xbf16>
    %sub3A_1177 = vector.broadcast %reduce_max3A_1170 : f32 to vector<1x512xf32>
    %sub3A_1178 = arith.subf %slice3A_1164, %sub3A_1177 : vector<1x512xf32>
    %mul3A_1179 = arith.constant 2.000000e-01 : f32
    %mul3A_1180 = vector.broadcast %mul3A_1179 : f32 to vector<1x512xf32>
    %mul3A_1181 = arith.mulf %mul3A_1180, %sub3A_1178 : vector<1x512xf32>
    %exp3A_1182 = math.exp %mul3A_1181 : vector<1x512xf32>
    %convert_element_type3A_1183 = arith.truncf %exp3A_1182 : vector<1x512xf32> to vector<1x512xbf16>
    %min3A_1184 = arith.constant 0.000000e+00 : f32
    %min3A_1185 = vector.broadcast %min3A_1184 : f32 to vector<512x1xf32>
    %min3A_1186 = arith.minimumf %add3A_1172, %min3A_1185 : vector<512x1xf32>
    %mul3A_1187 = arith.constant 8.000000e-01 : f32
    %mul3A_1188 = vector.broadcast %mul3A_1187 : f32 to vector<512x1xf32>
    %mul3A_1189 = arith.mulf %mul3A_1188, %min3A_1186 : vector<512x1xf32>
    %exp3A_1190 = math.exp %mul3A_1189 : vector<512x1xf32>
    %convert_element_type3A_1191 = arith.truncf %exp3A_1190 : vector<512x1xf32> to vector<512x1xbf16>
    %max3A_1192 = arith.constant 0.000000e+00 : f32
    %max3A_1193 = vector.broadcast %max3A_1192 : f32 to vector<512x1xf32>
    %max3A_1194 = arith.maximumf %add3A_1172, %max3A_1193 : vector<512x1xf32>
    %mul3A_1195 = arith.constant -8.000000e-01 : f32
    %mul3A_1196 = vector.broadcast %mul3A_1195 : f32 to vector<512x1xf32>
    %mul3A_1197 = arith.mulf %mul3A_1196, %max3A_1194 : vector<512x1xf32>
    %exp3A_1198 = math.exp %mul3A_1197 : vector<512x1xf32>
    %convert_element_type3A_1199 = arith.truncf %exp3A_1198 : vector<512x1xf32> to vector<512x1xbf16>
    %mul3A_1200 = vector.broadcast %convert_element_type3A_1191 : vector<512x1xbf16> to vector<512x512xbf16>
    %mul3A_1201 = vector.broadcast %convert_element_type3A_1176 : vector<1x512xbf16> to vector<512x512xbf16>
    %mul3A_1202 = arith.mulf %mul3A_1200, %mul3A_1201 : vector<512x512xbf16>
    %mul3A_1203 = vector.broadcast %convert_element_type3A_1199 : vector<512x1xbf16> to vector<512x512xbf16>
    %mul3A_1204 = vector.broadcast %convert_element_type3A_1183 : vector<1x512xbf16> to vector<512x512xbf16>
    %mul3A_1205 = arith.mulf %mul3A_1203, %mul3A_1204 : vector<512x512xbf16>
    %max3A_1206 = arith.maximumf %mul3A_1202, %mul3A_1205 : vector<512x512xbf16>
    %mul3A_1207 = arith.mulf %convert_element_type3A, %max3A_1206 : vector<512x512xbf16>
    %convert_element_type3A_1208 = arith.truncf %slice3A_1163 : vector<512x64xf32> to vector<512x64xbf16>
    %concatenate3A_1209 = tpu.concatenate %convert_element_type3A_1208, %broadcast_in_dim3A_1162 in 1 : vector<512x64xbf16>, vector<512x1xbf16> -> vector<512x65xbf16>
    %dot_general3A_1210 = arith.constant dense<0.000000e+00> : vector<512x65xf32>
    %dot_general3A_1211 = tpu.matmul %mul3A_1207, %concatenate3A_1209, %dot_general3A_1210 {dimension_numbers = #tpu.dot_dimension_numbers<[1], [0], [0], [1], [0, 0, 1, 1], [], []>, transpose_lhs_hint = false} : vector<512x512xbf16>, vector<512x65xbf16>, vector<512x65xf32> -> vector<512x65xf32>
    %slice3A_1212 = vector.extract_strided_slice %dot_general3A_1211 {offsets = [0, 0], sizes = [512, 64], strides = [1, 1]} : vector<512x65xf32> to vector<512x64xf32>
    %slice3A_1213 = vector.extract_strided_slice %dot_general3A_1211 {offsets = [0, 64], sizes = [512, 1], strides = [1, 1]} : vector<512x65xf32> to vector<512x1xf32>
    %max3A_1214 = arith.constant 1.000000e-30 : f32
    %max3A_1215 = vector.broadcast %max3A_1214 : f32 to vector<512x1xf32>
    %max3A_1216 = arith.maximumf %slice3A_1213, %max3A_1215 : vector<512x1xf32>
    %reciprocal3A_1217 = tpu.reciprocal %max3A_1216 {approx = true} : vector<512x1xf32> -> vector<512x1xf32>
    %mul3A_1218 = vector.broadcast %reciprocal3A_1217 : vector<512x1xf32> to vector<512x64xf32>
    %mul3A_1219 = arith.mulf %slice3A_1212, %mul3A_1218 : vector<512x64xf32>
    %slice3A_1220 = vector.extract_strided_slice %dot_general3A_1156 {offsets = [0, 64], sizes = [512, 64], strides = [1, 1]} : vector<512x128xf32> to vector<512x64xf32>
    %slice3A_1221 = vector.extract_strided_slice %dot_general3A_1160 {offsets = [1, 0], sizes = [1, 512], strides = [1, 1]} : vector<2x512xf32> to vector<1x512xf32>
    %slice3A_1222 = vector.extract_strided_slice %dot_general3A_1158 {offsets = [0, 1], sizes = [512, 1], strides = [1, 1]} : vector<512x2xf32> to vector<512x1xf32>
    %reduce_max3A_1223 = vector.shape_cast %slice3A_1221 : vector<1x512xf32> to vector<1x1x512xf32>
    %reduce_max3A_1224 = arith.constant dense<0xFF800000> : vector<1xf32>
    %reduce_max3A_1225 = vector.multi_reduction <maximumf>, %reduce_max3A_1223, %reduce_max3A_1224 [1, 2] : vector<1x1x512xf32> to vector<1xf32>
    %reduce_max3A_1226 = vector.shape_cast %reduce_max3A_1225 : vector<1xf32> to vector<1x1x1xf32>
    %reduce_max3A_1227 = vector.extract %reduce_max3A_1226[0, 0, 0] : f32 from vector<1x1x1xf32>
    %add3A_1228 = vector.broadcast %reduce_max3A_1227 : f32 to vector<512x1xf32>
    %add3A_1229 = arith.addf %slice3A_1222, %add3A_1228 : vector<512x1xf32>
    %sub3A_1230 = vector.broadcast %reduce_max3A_1227 : f32 to vector<1x512xf32>
    %sub3A_1231 = arith.subf %slice3A_1221, %sub3A_1230 : vector<1x512xf32>
    %exp3A_1232 = math.exp %sub3A_1231 : vector<1x512xf32>
    %convert_element_type3A_1233 = arith.truncf %exp3A_1232 : vector<1x512xf32> to vector<1x512xbf16>
    %sub3A_1234 = vector.broadcast %reduce_max3A_1227 : f32 to vector<1x512xf32>
    %sub3A_1235 = arith.subf %slice3A_1221, %sub3A_1234 : vector<1x512xf32>
    %mul3A_1236 = arith.constant 2.000000e-01 : f32
    %mul3A_1237 = vector.broadcast %mul3A_1236 : f32 to vector<1x512xf32>
    %mul3A_1238 = arith.mulf %mul3A_1237, %sub3A_1235 : vector<1x512xf32>
    %exp3A_1239 = math.exp %mul3A_1238 : vector<1x512xf32>
    %convert_element_type3A_1240 = arith.truncf %exp3A_1239 : vector<1x512xf32> to vector<1x512xbf16>
    %min3A_1241 = arith.constant 0.000000e+00 : f32
    %min3A_1242 = vector.broadcast %min3A_1241 : f32 to vector<512x1xf32>
    %min3A_1243 = arith.minimumf %add3A_1229, %min3A_1242 : vector<512x1xf32>
    %mul3A_1244 = arith.constant 8.000000e-01 : f32
    %mul3A_1245 = vector.broadcast %mul3A_1244 : f32 to vector<512x1xf32>
    %mul3A_1246 = arith.mulf %mul3A_1245, %min3A_1243 : vector<512x1xf32>
    %exp3A_1247 = math.exp %mul3A_1246 : vector<512x1xf32>
    %convert_element_type3A_1248 = arith.truncf %exp3A_1247 : vector<512x1xf32> to vector<512x1xbf16>
    %max3A_1249 = arith.constant 0.000000e+00 : f32
    %max3A_1250 = vector.broadcast %max3A_1249 : f32 to vector<512x1xf32>
    %max3A_1251 = arith.maximumf %add3A_1229, %max3A_1250 : vector<512x1xf32>
    %mul3A_1252 = arith.constant -8.000000e-01 : f32
    %mul3A_1253 = vector.broadcast %mul3A_1252 : f32 to vector<512x1xf32>
    %mul3A_1254 = arith.mulf %mul3A_1253, %max3A_1251 : vector<512x1xf32>
    %exp3A_1255 = math.exp %mul3A_1254 : vector<512x1xf32>
    %convert_element_type3A_1256 = arith.truncf %exp3A_1255 : vector<512x1xf32> to vector<512x1xbf16>
    %mul3A_1257 = vector.broadcast %convert_element_type3A_1248 : vector<512x1xbf16> to vector<512x512xbf16>
    %mul3A_1258 = vector.broadcast %convert_element_type3A_1233 : vector<1x512xbf16> to vector<512x512xbf16>
    %mul3A_1259 = arith.mulf %mul3A_1257, %mul3A_1258 : vector<512x512xbf16>
    %mul3A_1260 = vector.broadcast %convert_element_type3A_1256 : vector<512x1xbf16> to vector<512x512xbf16>
    %mul3A_1261 = vector.broadcast %convert_element_type3A_1240 : vector<1x512xbf16> to vector<512x512xbf16>
    %mul3A_1262 = arith.mulf %mul3A_1260, %mul3A_1261 : vector<512x512xbf16>
    %max3A_1263 = arith.maximumf %mul3A_1259, %mul3A_1262 : vector<512x512xbf16>
    %mul3A_1264 = arith.mulf %convert_element_type3A, %max3A_1263 : vector<512x512xbf16>
    %convert_element_type3A_1265 = arith.truncf %slice3A_1220 : vector<512x64xf32> to vector<512x64xbf16>
    %concatenate3A_1266 = tpu.concatenate %convert_element_type3A_1265, %broadcast_in_dim3A_1162 in 1 : vector<512x64xbf16>, vector<512x1xbf16> -> vector<512x65xbf16>
    %dot_general3A_1267 = arith.constant dense<0.000000e+00> : vector<512x65xf32>
    %dot_general3A_1268 = tpu.matmul %mul3A_1264, %concatenate3A_1266, %dot_general3A_1267 {dimension_numbers = #tpu.dot_dimension_numbers<[1], [0], [0], [1], [0, 0, 1, 1], [], []>, transpose_lhs_hint = false} : vector<512x512xbf16>, vector<512x65xbf16>, vector<512x65xf32> -> vector<512x65xf32>
    %slice3A_1269 = vector.extract_strided_slice %dot_general3A_1268 {offsets = [0, 0], sizes = [512, 64], strides = [1, 1]} : vector<512x65xf32> to vector<512x64xf32>
    %slice3A_1270 = vector.extract_strided_slice %dot_general3A_1268 {offsets = [0, 64], sizes = [512, 1], strides = [1, 1]} : vector<512x65xf32> to vector<512x1xf32>
    %max3A_1271 = arith.constant 1.000000e-30 : f32
    %max3A_1272 = vector.broadcast %max3A_1271 : f32 to vector<512x1xf32>
    %max3A_1273 = arith.maximumf %slice3A_1270, %max3A_1272 : vector<512x1xf32>
    %reciprocal3A_1274 = tpu.reciprocal %max3A_1273 {approx = true} : vector<512x1xf32> -> vector<512x1xf32>
    %mul3A_1275 = vector.broadcast %reciprocal3A_1274 : vector<512x1xf32> to vector<512x64xf32>
    %mul3A_1276 = arith.mulf %slice3A_1269, %mul3A_1275 : vector<512x64xf32>
    %add3A_1277 = arith.addf %mul3A_1219, %mul3A_1276 : vector<512x64xf32>
    %mul3A_1278 = arith.constant 5.000000e-01 : f32
    %mul3A_1279 = vector.broadcast %mul3A_1278 : f32 to vector<512x64xf32>
    %mul3A_1280 = arith.mulf %mul3A_1279, %add3A_1277 : vector<512x64xf32>
    %get3A_1281 = arith.constant 0 : index
    %get3A_1282 = vector.load %arg11[%get3A_1281] : memref<64xf32, #tpu.memory_space<vmem>>, vector<64xf32>
    %broadcast_in_dim3A_1283 = vector.shape_cast %get3A_1282 : vector<64xf32> to vector<1x64xf32>
    %add3A_1284 = vector.broadcast %broadcast_in_dim3A_1283 : vector<1x64xf32> to vector<512x64xf32>
    %add3A_1285 = arith.addf %mul3A_1280, %add3A_1284 : vector<512x64xf32>
    %gt3A_1286 = arith.constant 0.000000e+00 : f32
    %gt3A_1287 = vector.broadcast %gt3A_1286 : f32 to vector<512x64xf32>
    %gt3A_1288 = arith.cmpf ogt, %add3A_1285, %gt3A_1287 : vector<512x64xf32>
    %exp3A_1289 = math.exp %add3A_1285 : vector<512x64xf32>
    %sub3A_1290 = arith.constant 1.000000e+00 : f32
    %sub3A_1291 = vector.broadcast %sub3A_1290 : f32 to vector<512x64xf32>
    %sub3A_1292 = arith.subf %exp3A_1289, %sub3A_1291 : vector<512x64xf32>
    %mul3A_1293 = arith.constant 1.67326319 : f32
    %mul3A_1294 = vector.broadcast %mul3A_1293 : f32 to vector<512x64xf32>
    %mul3A_1295 = arith.mulf %mul3A_1294, %sub3A_1292 : vector<512x64xf32>
    %select_n3A_1296 = arith.select %gt3A_1288, %add3A_1285, %mul3A_1295 : vector<512x64xi1>, vector<512x64xf32>
    %mul3A_1297 = arith.constant 1.05070102 : f32
    %mul3A_1298 = vector.broadcast %mul3A_1297 : f32 to vector<512x64xf32>
    %mul3A_1299 = arith.mulf %mul3A_1298, %select_n3A_1296 : vector<512x64xf32>
    %get3A_1300 = arith.constant 0 : index
    %get3A_1301 = arith.constant 0 : index
    %get3A_1302 = vector.load %arg12[%get3A_1300, %get3A_1301] : memref<64x64xf32, #tpu.memory_space<vmem>>, vector<64x64xf32>
    %dot_general3A_1303 = arith.constant dense<0.000000e+00> : vector<512x64xf32>
    %dot_general3A_1304 = tpu.matmul %mul3A_1299, %get3A_1302, %dot_general3A_1303 {dimension_numbers = #tpu.dot_dimension_numbers<[1], [1], [0], [0], [0, 0, 1, 0], [], []>, transpose_lhs_hint = false} : vector<512x64xf32>, vector<64x64xf32>, vector<512x64xf32> -> vector<512x64xf32>
    %dot_general3A_1305 = arith.constant dense<0.000000e+00> : vector<512x2xf32>
    %dot_general3A_1306 = tpu.matmul %dot_general3A_1304, %concatenate3A_73, %dot_general3A_1305 {dimension_numbers = #tpu.dot_dimension_numbers<[1], [1], [0], [0], [0, 0, 1, 0], [], []>, transpose_lhs_hint = false} : vector<512x64xf32>, vector<2x64xf32>, vector<512x2xf32> -> vector<512x2xf32>
    %dot_general3A_1307 = arith.constant dense<0.000000e+00> : vector<2x512xf32>
    %dot_general3A_1308 = tpu.matmul %concatenate3A_62, %dot_general3A_1304, %dot_general3A_1307 {dimension_numbers = #tpu.dot_dimension_numbers<[1], [1], [0], [0], [0, 0, 1, 0], [], []>, transpose_lhs_hint = false} : vector<2x64xf32>, vector<512x64xf32>, vector<2x512xf32> -> vector<2x512xf32>
    %broadcast_in_dim3A_1309 = arith.constant 1.000000e+00 : bf16
    %broadcast_in_dim3A_1310 = vector.broadcast %broadcast_in_dim3A_1309 : bf16 to vector<512x1xbf16>
    %slice3A_1311 = vector.extract_strided_slice %dot_general3A_1304 {offsets = [0, 0], sizes = [512, 32], strides = [1, 1]} : vector<512x64xf32> to vector<512x32xf32>
    %slice3A_1312 = vector.extract_strided_slice %dot_general3A_1308 {offsets = [0, 0], sizes = [1, 512], strides = [1, 1]} : vector<2x512xf32> to vector<1x512xf32>
    %slice3A_1313 = vector.extract_strided_slice %dot_general3A_1306 {offsets = [0, 0], sizes = [512, 1], strides = [1, 1]} : vector<512x2xf32> to vector<512x1xf32>
    %reduce_max3A_1314 = vector.shape_cast %slice3A_1312 : vector<1x512xf32> to vector<1x1x512xf32>
    %reduce_max3A_1315 = arith.constant dense<0xFF800000> : vector<1xf32>
    %reduce_max3A_1316 = vector.multi_reduction <maximumf>, %reduce_max3A_1314, %reduce_max3A_1315 [1, 2] : vector<1x1x512xf32> to vector<1xf32>
    %reduce_max3A_1317 = vector.shape_cast %reduce_max3A_1316 : vector<1xf32> to vector<1x1x1xf32>
    %reduce_max3A_1318 = vector.extract %reduce_max3A_1317[0, 0, 0] : f32 from vector<1x1x1xf32>
    %add3A_1319 = vector.broadcast %reduce_max3A_1318 : f32 to vector<512x1xf32>
    %add3A_1320 = arith.addf %slice3A_1313, %add3A_1319 : vector<512x1xf32>
    %sub3A_1321 = vector.broadcast %reduce_max3A_1318 : f32 to vector<1x512xf32>
    %sub3A_1322 = arith.subf %slice3A_1312, %sub3A_1321 : vector<1x512xf32>
    %exp3A_1323 = math.exp %sub3A_1322 : vector<1x512xf32>
    %convert_element_type3A_1324 = arith.truncf %exp3A_1323 : vector<1x512xf32> to vector<1x512xbf16>
    %sub3A_1325 = vector.broadcast %reduce_max3A_1318 : f32 to vector<1x512xf32>
    %sub3A_1326 = arith.subf %slice3A_1312, %sub3A_1325 : vector<1x512xf32>
    %mul3A_1327 = arith.constant 2.000000e-01 : f32
    %mul3A_1328 = vector.broadcast %mul3A_1327 : f32 to vector<1x512xf32>
    %mul3A_1329 = arith.mulf %mul3A_1328, %sub3A_1326 : vector<1x512xf32>
    %exp3A_1330 = math.exp %mul3A_1329 : vector<1x512xf32>
    %convert_element_type3A_1331 = arith.truncf %exp3A_1330 : vector<1x512xf32> to vector<1x512xbf16>
    %min3A_1332 = arith.constant 0.000000e+00 : f32
    %min3A_1333 = vector.broadcast %min3A_1332 : f32 to vector<512x1xf32>
    %min3A_1334 = arith.minimumf %add3A_1320, %min3A_1333 : vector<512x1xf32>
    %mul3A_1335 = arith.constant 8.000000e-01 : f32
    %mul3A_1336 = vector.broadcast %mul3A_1335 : f32 to vector<512x1xf32>
    %mul3A_1337 = arith.mulf %mul3A_1336, %min3A_1334 : vector<512x1xf32>
    %exp3A_1338 = math.exp %mul3A_1337 : vector<512x1xf32>
    %convert_element_type3A_1339 = arith.truncf %exp3A_1338 : vector<512x1xf32> to vector<512x1xbf16>
    %max3A_1340 = arith.constant 0.000000e+00 : f32
    %max3A_1341 = vector.broadcast %max3A_1340 : f32 to vector<512x1xf32>
    %max3A_1342 = arith.maximumf %add3A_1320, %max3A_1341 : vector<512x1xf32>
    %mul3A_1343 = arith.constant -8.000000e-01 : f32
    %mul3A_1344 = vector.broadcast %mul3A_1343 : f32 to vector<512x1xf32>
    %mul3A_1345 = arith.mulf %mul3A_1344, %max3A_1342 : vector<512x1xf32>
    %exp3A_1346 = math.exp %mul3A_1345 : vector<512x1xf32>
    %convert_element_type3A_1347 = arith.truncf %exp3A_1346 : vector<512x1xf32> to vector<512x1xbf16>
    %mul3A_1348 = vector.broadcast %convert_element_type3A_1339 : vector<512x1xbf16> to vector<512x512xbf16>
    %mul3A_1349 = vector.broadcast %convert_element_type3A_1324 : vector<1x512xbf16> to vector<512x512xbf16>
    %mul3A_1350 = arith.mulf %mul3A_1348, %mul3A_1349 : vector<512x512xbf16>
    %mul3A_1351 = vector.broadcast %convert_element_type3A_1347 : vector<512x1xbf16> to vector<512x512xbf16>
    %mul3A_1352 = vector.broadcast %convert_element_type3A_1331 : vector<1x512xbf16> to vector<512x512xbf16>
    %mul3A_1353 = arith.mulf %mul3A_1351, %mul3A_1352 : vector<512x512xbf16>
    %max3A_1354 = arith.maximumf %mul3A_1350, %mul3A_1353 : vector<512x512xbf16>
    %mul3A_1355 = arith.mulf %convert_element_type3A, %max3A_1354 : vector<512x512xbf16>
    %convert_element_type3A_1356 = arith.truncf %slice3A_1311 : vector<512x32xf32> to vector<512x32xbf16>
    %concatenate3A_1357 = tpu.concatenate %convert_element_type3A_1356, %broadcast_in_dim3A_1310 in 1 : vector<512x32xbf16>, vector<512x1xbf16> -> vector<512x33xbf16>
    %dot_general3A_1358 = arith.constant dense<0.000000e+00> : vector<512x33xf32>
    %dot_general3A_1359 = tpu.matmul %mul3A_1355, %concatenate3A_1357, %dot_general3A_1358 {dimension_numbers = #tpu.dot_dimension_numbers<[1], [0], [0], [1], [0, 0, 1, 1], [], []>, transpose_lhs_hint = false} : vector<512x512xbf16>, vector<512x33xbf16>, vector<512x33xf32> -> vector<512x33xf32>
    %slice3A_1360 = vector.extract_strided_slice %dot_general3A_1359 {offsets = [0, 0], sizes = [512, 32], strides = [1, 1]} : vector<512x33xf32> to vector<512x32xf32>
    %slice3A_1361 = vector.extract_strided_slice %dot_general3A_1359 {offsets = [0, 32], sizes = [512, 1], strides = [1, 1]} : vector<512x33xf32> to vector<512x1xf32>
    %max3A_1362 = arith.constant 1.000000e-30 : f32
    %max3A_1363 = vector.broadcast %max3A_1362 : f32 to vector<512x1xf32>
    %max3A_1364 = arith.maximumf %slice3A_1361, %max3A_1363 : vector<512x1xf32>
    %reciprocal3A_1365 = tpu.reciprocal %max3A_1364 {approx = true} : vector<512x1xf32> -> vector<512x1xf32>
    %mul3A_1366 = vector.broadcast %reciprocal3A_1365 : vector<512x1xf32> to vector<512x32xf32>
    %mul3A_1367 = arith.mulf %slice3A_1360, %mul3A_1366 : vector<512x32xf32>
    %slice3A_1368 = vector.extract_strided_slice %dot_general3A_1304 {offsets = [0, 32], sizes = [512, 32], strides = [1, 1]} : vector<512x64xf32> to vector<512x32xf32>
    %slice3A_1369 = vector.extract_strided_slice %dot_general3A_1308 {offsets = [1, 0], sizes = [1, 512], strides = [1, 1]} : vector<2x512xf32> to vector<1x512xf32>
    %slice3A_1370 = vector.extract_strided_slice %dot_general3A_1306 {offsets = [0, 1], sizes = [512, 1], strides = [1, 1]} : vector<512x2xf32> to vector<512x1xf32>
    %reduce_max3A_1371 = vector.shape_cast %slice3A_1369 : vector<1x512xf32> to vector<1x1x512xf32>
    %reduce_max3A_1372 = arith.constant dense<0xFF800000> : vector<1xf32>
    %reduce_max3A_1373 = vector.multi_reduction <maximumf>, %reduce_max3A_1371, %reduce_max3A_1372 [1, 2] : vector<1x1x512xf32> to vector<1xf32>
    %reduce_max3A_1374 = vector.shape_cast %reduce_max3A_1373 : vector<1xf32> to vector<1x1x1xf32>
    %reduce_max3A_1375 = vector.extract %reduce_max3A_1374[0, 0, 0] : f32 from vector<1x1x1xf32>
    %add3A_1376 = vector.broadcast %reduce_max3A_1375 : f32 to vector<512x1xf32>
    %add3A_1377 = arith.addf %slice3A_1370, %add3A_1376 : vector<512x1xf32>
    %sub3A_1378 = vector.broadcast %reduce_max3A_1375 : f32 to vector<1x512xf32>
    %sub3A_1379 = arith.subf %slice3A_1369, %sub3A_1378 : vector<1x512xf32>
    %exp3A_1380 = math.exp %sub3A_1379 : vector<1x512xf32>
    %convert_element_type3A_1381 = arith.truncf %exp3A_1380 : vector<1x512xf32> to vector<1x512xbf16>
    %sub3A_1382 = vector.broadcast %reduce_max3A_1375 : f32 to vector<1x512xf32>
    %sub3A_1383 = arith.subf %slice3A_1369, %sub3A_1382 : vector<1x512xf32>
    %mul3A_1384 = arith.constant 2.000000e-01 : f32
    %mul3A_1385 = vector.broadcast %mul3A_1384 : f32 to vector<1x512xf32>
    %mul3A_1386 = arith.mulf %mul3A_1385, %sub3A_1383 : vector<1x512xf32>
    %exp3A_1387 = math.exp %mul3A_1386 : vector<1x512xf32>
    %convert_element_type3A_1388 = arith.truncf %exp3A_1387 : vector<1x512xf32> to vector<1x512xbf16>
    %min3A_1389 = arith.constant 0.000000e+00 : f32
    %min3A_1390 = vector.broadcast %min3A_1389 : f32 to vector<512x1xf32>
    %min3A_1391 = arith.minimumf %add3A_1377, %min3A_1390 : vector<512x1xf32>
    %mul3A_1392 = arith.constant 8.000000e-01 : f32
    %mul3A_1393 = vector.broadcast %mul3A_1392 : f32 to vector<512x1xf32>
    %mul3A_1394 = arith.mulf %mul3A_1393, %min3A_1391 : vector<512x1xf32>
    %exp3A_1395 = math.exp %mul3A_1394 : vector<512x1xf32>
    %convert_element_type3A_1396 = arith.truncf %exp3A_1395 : vector<512x1xf32> to vector<512x1xbf16>
    %max3A_1397 = arith.constant 0.000000e+00 : f32
    %max3A_1398 = vector.broadcast %max3A_1397 : f32 to vector<512x1xf32>
    %max3A_1399 = arith.maximumf %add3A_1377, %max3A_1398 : vector<512x1xf32>
    %mul3A_1400 = arith.constant -8.000000e-01 : f32
    %mul3A_1401 = vector.broadcast %mul3A_1400 : f32 to vector<512x1xf32>
    %mul3A_1402 = arith.mulf %mul3A_1401, %max3A_1399 : vector<512x1xf32>
    %exp3A_1403 = math.exp %mul3A_1402 : vector<512x1xf32>
    %convert_element_type3A_1404 = arith.truncf %exp3A_1403 : vector<512x1xf32> to vector<512x1xbf16>
    %mul3A_1405 = vector.broadcast %convert_element_type3A_1396 : vector<512x1xbf16> to vector<512x512xbf16>
    %mul3A_1406 = vector.broadcast %convert_element_type3A_1381 : vector<1x512xbf16> to vector<512x512xbf16>
    %mul3A_1407 = arith.mulf %mul3A_1405, %mul3A_1406 : vector<512x512xbf16>
    %mul3A_1408 = vector.broadcast %convert_element_type3A_1404 : vector<512x1xbf16> to vector<512x512xbf16>
    %mul3A_1409 = vector.broadcast %convert_element_type3A_1388 : vector<1x512xbf16> to vector<512x512xbf16>
    %mul3A_1410 = arith.mulf %mul3A_1408, %mul3A_1409 : vector<512x512xbf16>
    %max3A_1411 = arith.maximumf %mul3A_1407, %mul3A_1410 : vector<512x512xbf16>
    %mul3A_1412 = arith.mulf %convert_element_type3A, %max3A_1411 : vector<512x512xbf16>
    %convert_element_type3A_1413 = arith.truncf %slice3A_1368 : vector<512x32xf32> to vector<512x32xbf16>
    %concatenate3A_1414 = tpu.concatenate %convert_element_type3A_1413, %broadcast_in_dim3A_1310 in 1 : vector<512x32xbf16>, vector<512x1xbf16> -> vector<512x33xbf16>
    %dot_general3A_1415 = arith.constant dense<0.000000e+00> : vector<512x33xf32>
    %dot_general3A_1416 = tpu.matmul %mul3A_1412, %concatenate3A_1414, %dot_general3A_1415 {dimension_numbers = #tpu.dot_dimension_numbers<[1], [0], [0], [1], [0, 0, 1, 1], [], []>, transpose_lhs_hint = false} : vector<512x512xbf16>, vector<512x33xbf16>, vector<512x33xf32> -> vector<512x33xf32>
    %slice3A_1417 = vector.extract_strided_slice %dot_general3A_1416 {offsets = [0, 0], sizes = [512, 32], strides = [1, 1]} : vector<512x33xf32> to vector<512x32xf32>
    %slice3A_1418 = vector.extract_strided_slice %dot_general3A_1416 {offsets = [0, 32], sizes = [512, 1], strides = [1, 1]} : vector<512x33xf32> to vector<512x1xf32>
    %max3A_1419 = arith.constant 1.000000e-30 : f32
    %max3A_1420 = vector.broadcast %max3A_1419 : f32 to vector<512x1xf32>
    %max3A_1421 = arith.maximumf %slice3A_1418, %max3A_1420 : vector<512x1xf32>
    %reciprocal3A_1422 = tpu.reciprocal %max3A_1421 {approx = true} : vector<512x1xf32> -> vector<512x1xf32>
    %mul3A_1423 = vector.broadcast %reciprocal3A_1422 : vector<512x1xf32> to vector<512x32xf32>
    %mul3A_1424 = arith.mulf %slice3A_1417, %mul3A_1423 : vector<512x32xf32>
    %add3A_1425 = arith.addf %mul3A_1367, %mul3A_1424 : vector<512x32xf32>
    %mul3A_1426 = arith.constant 5.000000e-01 : f32
    %mul3A_1427 = vector.broadcast %mul3A_1426 : f32 to vector<512x32xf32>
    %mul3A_1428 = arith.mulf %mul3A_1427, %add3A_1425 : vector<512x32xf32>
    %get3A_1429 = arith.constant 0 : index
    %get3A_1430 = vector.load %arg15[%get3A_1429] : memref<32xf32, #tpu.memory_space<vmem>>, vector<32xf32>
    %broadcast_in_dim3A_1431 = vector.shape_cast %get3A_1430 : vector<32xf32> to vector<1x32xf32>
    %add3A_1432 = vector.broadcast %broadcast_in_dim3A_1431 : vector<1x32xf32> to vector<512x32xf32>
    %add3A_1433 = arith.addf %mul3A_1428, %add3A_1432 : vector<512x32xf32>
    %gt3A_1434 = arith.constant 0.000000e+00 : f32
    %gt3A_1435 = vector.broadcast %gt3A_1434 : f32 to vector<512x32xf32>
    %gt3A_1436 = arith.cmpf ogt, %add3A_1433, %gt3A_1435 : vector<512x32xf32>
    %exp3A_1437 = math.exp %add3A_1433 : vector<512x32xf32>
    %sub3A_1438 = arith.constant 1.000000e+00 : f32
    %sub3A_1439 = vector.broadcast %sub3A_1438 : f32 to vector<512x32xf32>
    %sub3A_1440 = arith.subf %exp3A_1437, %sub3A_1439 : vector<512x32xf32>
    %mul3A_1441 = arith.constant 1.67326319 : f32
    %mul3A_1442 = vector.broadcast %mul3A_1441 : f32 to vector<512x32xf32>
    %mul3A_1443 = arith.mulf %mul3A_1442, %sub3A_1440 : vector<512x32xf32>
    %select_n3A_1444 = arith.select %gt3A_1436, %add3A_1433, %mul3A_1443 : vector<512x32xi1>, vector<512x32xf32>
    %mul3A_1445 = arith.constant 1.05070102 : f32
    %mul3A_1446 = vector.broadcast %mul3A_1445 : f32 to vector<512x32xf32>
    %mul3A_1447 = arith.mulf %mul3A_1446, %select_n3A_1444 : vector<512x32xf32>
    %get3A_1448 = arith.constant 0 : index
    %get3A_1449 = arith.constant 0 : index
    %get3A_1450 = vector.load %arg16[%get3A_1448, %get3A_1449] : memref<1x32xf32, #tpu.memory_space<vmem>>, vector<1x32xf32>
    %mul3A_1451 = vector.broadcast %get3A_1450 : vector<1x32xf32> to vector<512x32xf32>
    %mul3A_1452 = arith.mulf %mul3A_1447, %mul3A_1451 : vector<512x32xf32>
    %reduce_sum3A_1453 = arith.constant dense<0.000000e+00> : vector<512xf32>
    %reduce_sum3A_1454 = vector.multi_reduction <add>, %mul3A_1452, %reduce_sum3A_1453 [1] : vector<512x32xf32> to vector<512xf32>
    %broadcast_in_dim3A_1455 = vector.shape_cast %reduce_sum3A_1454 : vector<512xf32> to vector<512x1xf32>
    %get3A_1456 = arith.constant 0 : index
    %get3A_1457 = vector.load %arg17[%get3A_1456] : memref<1xf32, #tpu.memory_space<vmem>>, vector<1xf32>
    %get3A_1458 = vector.extract %get3A_1457[0] : f32 from vector<1xf32>
    %add3A_1459 = vector.broadcast %get3A_1458 : f32 to vector<512x1xf32>
    %add3A_1460 = arith.addf %broadcast_in_dim3A_1455, %add3A_1459 : vector<512x1xf32>
    %broadcast_in_dim3A_1461 = vector.shape_cast %add3A_1460 : vector<512x1xf32> to vector<1x512x1xf32>
    %swap3A_1462 = arith.constant 2 : index
    %swap3A_1463 = arith.constant 0 : index
    %swap3A_1464 = arith.constant 0 : index
    %swap3A_1465 = vector.load %arg18[%swap3A_1462, %swap3A_1463, %swap3A_1464] : memref<8x512x1xf32, #tpu.memory_space<vmem>>, vector<1x512x1xf32>
    tpu.vector_store %arg18[%swap3A_1462, %swap3A_1463, %swap3A_1464], %broadcast_in_dim3A_1461 {strides = array<i32>} : memref<8x512x1xf32, #tpu.memory_space<vmem>>, vector<1x512x1xf32>,
    %mul3A_1466 = arith.constant 8 : i32
    %mul3A_1467 = arith.muli %arg0, %mul3A_1466 : i32
    %add3A_1468 = arith.constant 3 : i32
    %add3A_1469 = arith.addi %mul3A_1467, %add3A_1468 : i32
    %get3A_1470 = arith.index_cast %add3A_1469 : i32 to index
    %get3A_1471 = arith.constant 0 : index
    %get3A_1472 = vector.load %arg1[%get3A_1470, %get3A_1471] : memref<64x64xf32, #tpu.memory_space<vmem>>, vector<1x64xf32>
    %dot_general3A_1473 = arith.constant dense<0.000000e+00> : vector<1x256xf32>
    %dot_general3A_1474 = tpu.matmul %get3A_1472, %slice3A_9, %dot_general3A_1473 {dimension_numbers = #tpu.dot_dimension_numbers<[1], [1], [0], [0], [0, 0, 1, 0], [], []>, transpose_lhs_hint = false} : vector<1x64xf32>, vector<256x64xf32>, vector<1x256xf32> -> vector<1x256xf32>
    %add3A_1475 = vector.broadcast %dot_general3A_1474 : vector<1x256xf32> to vector<512x256xf32>
    %add3A_1476 = arith.addf %dot_general3A_8, %add3A_1475 : vector<512x256xf32>
    %dot_general3A_1477 = arith.constant dense<0.000000e+00> : vector<512x2xf32>
    %dot_general3A_1478 = tpu.matmul %add3A_1476, %concatenate3A_29, %dot_general3A_1477 {dimension_numbers = #tpu.dot_dimension_numbers<[1], [1], [0], [0], [0, 0, 1, 0], [], []>, transpose_lhs_hint = false} : vector<512x256xf32>, vector<2x256xf32>, vector<512x2xf32> -> vector<512x2xf32>
    %dot_general3A_1479 = arith.constant dense<0.000000e+00> : vector<2x512xf32>
    %dot_general3A_1480 = tpu.matmul %concatenate3A_18, %add3A_1476, %dot_general3A_1479 {dimension_numbers = #tpu.dot_dimension_numbers<[1], [1], [0], [0], [0, 0, 1, 0], [], []>, transpose_lhs_hint = false} : vector<2x256xf32>, vector<512x256xf32>, vector<2x512xf32> -> vector<2x512xf32>
    %broadcast_in_dim3A_1481 = arith.constant 1.000000e+00 : bf16
    %broadcast_in_dim3A_1482 = vector.broadcast %broadcast_in_dim3A_1481 : bf16 to vector<512x1xbf16>
    %slice3A_1483 = vector.extract_strided_slice %add3A_1476 {offsets = [0, 0], sizes = [512, 128], strides = [1, 1]} : vector<512x256xf32> to vector<512x128xf32>
    %slice3A_1484 = vector.extract_strided_slice %dot_general3A_1480 {offsets = [0, 0], sizes = [1, 512], strides = [1, 1]} : vector<2x512xf32> to vector<1x512xf32>
    %slice3A_1485 = vector.extract_strided_slice %dot_general3A_1478 {offsets = [0, 0], sizes = [512, 1], strides = [1, 1]} : vector<512x2xf32> to vector<512x1xf32>
    %reduce_max3A_1486 = vector.shape_cast %slice3A_1484 : vector<1x512xf32> to vector<1x1x512xf32>
    %reduce_max3A_1487 = arith.constant dense<0xFF800000> : vector<1xf32>
    %reduce_max3A_1488 = vector.multi_reduction <maximumf>, %reduce_max3A_1486, %reduce_max3A_1487 [1, 2] : vector<1x1x512xf32> to vector<1xf32>
    %reduce_max3A_1489 = vector.shape_cast %reduce_max3A_1488 : vector<1xf32> to vector<1x1x1xf32>
    %reduce_max3A_1490 = vector.extract %reduce_max3A_1489[0, 0, 0] : f32 from vector<1x1x1xf32>
    %add3A_1491 = vector.broadcast %reduce_max3A_1490 : f32 to vector<512x1xf32>
    %add3A_1492 = arith.addf %slice3A_1485, %add3A_1491 : vector<512x1xf32>
    %sub3A_1493 = vector.broadcast %reduce_max3A_1490 : f32 to vector<1x512xf32>
    %sub3A_1494 = arith.subf %slice3A_1484, %sub3A_1493 : vector<1x512xf32>
    %exp3A_1495 = math.exp %sub3A_1494 : vector<1x512xf32>
    %convert_element_type3A_1496 = arith.truncf %exp3A_1495 : vector<1x512xf32> to vector<1x512xbf16>
    %sub3A_1497 = vector.broadcast %reduce_max3A_1490 : f32 to vector<1x512xf32>
    %sub3A_1498 = arith.subf %slice3A_1484, %sub3A_1497 : vector<1x512xf32>
    %mul3A_1499 = arith.constant 2.000000e-01 : f32
    %mul3A_1500 = vector.broadcast %mul3A_1499 : f32 to vector<1x512xf32>
    %mul3A_1501 = arith.mulf %mul3A_1500, %sub3A_1498 : vector<1x512xf32>
    %exp3A_1502 = math.exp %mul3A_1501 : vector<1x512xf32>
    %convert_element_type3A_1503 = arith.truncf %exp3A_1502 : vector<1x512xf32> to vector<1x512xbf16>
    %min3A_1504 = arith.constant 0.000000e+00 : f32
    %min3A_1505 = vector.broadcast %min3A_1504 : f32 to vector<512x1xf32>
    %min3A_1506 = arith.minimumf %add3A_1492, %min3A_1505 : vector<512x1xf32>
    %mul3A_1507 = arith.constant 8.000000e-01 : f32
    %mul3A_1508 = vector.broadcast %mul3A_1507 : f32 to vector<512x1xf32>
    %mul3A_1509 = arith.mulf %mul3A_1508, %min3A_1506 : vector<512x1xf32>
    %exp3A_1510 = math.exp %mul3A_1509 : vector<512x1xf32>
    %convert_element_type3A_1511 = arith.truncf %exp3A_1510 : vector<512x1xf32> to vector<512x1xbf16>
    %max3A_1512 = arith.constant 0.000000e+00 : f32
    %max3A_1513 = vector.broadcast %max3A_1512 : f32 to vector<512x1xf32>
    %max3A_1514 = arith.maximumf %add3A_1492, %max3A_1513 : vector<512x1xf32>
    %mul3A_1515 = arith.constant -8.000000e-01 : f32
    %mul3A_1516 = vector.broadcast %mul3A_1515 : f32 to vector<512x1xf32>
    %mul3A_1517 = arith.mulf %mul3A_1516, %max3A_1514 : vector<512x1xf32>
    %exp3A_1518 = math.exp %mul3A_1517 : vector<512x1xf32>
    %convert_element_type3A_1519 = arith.truncf %exp3A_1518 : vector<512x1xf32> to vector<512x1xbf16>
    %mul3A_1520 = vector.broadcast %convert_element_type3A_1511 : vector<512x1xbf16> to vector<512x512xbf16>
    %mul3A_1521 = vector.broadcast %convert_element_type3A_1496 : vector<1x512xbf16> to vector<512x512xbf16>
    %mul3A_1522 = arith.mulf %mul3A_1520, %mul3A_1521 : vector<512x512xbf16>
    %mul3A_1523 = vector.broadcast %convert_element_type3A_1519 : vector<512x1xbf16> to vector<512x512xbf16>
    %mul3A_1524 = vector.broadcast %convert_element_type3A_1503 : vector<1x512xbf16> to vector<512x512xbf16>
    %mul3A_1525 = arith.mulf %mul3A_1523, %mul3A_1524 : vector<512x512xbf16>
    %max3A_1526 = arith.maximumf %mul3A_1522, %mul3A_1525 : vector<512x512xbf16>
    %mul3A_1527 = arith.mulf %convert_element_type3A, %max3A_1526 : vector<512x512xbf16>
    %convert_element_type3A_1528 = arith.truncf %slice3A_1483 : vector<512x128xf32> to vector<512x128xbf16>
    %concatenate3A_1529 = tpu.concatenate %convert_element_type3A_1528, %broadcast_in_dim3A_1482 in 1 : vector<512x128xbf16>, vector<512x1xbf16> -> vector<512x129xbf16>
    %dot_general3A_1530 = arith.constant dense<0.000000e+00> : vector<512x129xf32>
    %dot_general3A_1531 = tpu.matmul %mul3A_1527, %concatenate3A_1529, %dot_general3A_1530 {dimension_numbers = #tpu.dot_dimension_numbers<[1], [0], [0], [1], [0, 0, 1, 1], [], []>, transpose_lhs_hint = false} : vector<512x512xbf16>, vector<512x129xbf16>, vector<512x129xf32> -> vector<512x129xf32>
    %slice3A_1532 = vector.extract_strided_slice %dot_general3A_1531 {offsets = [0, 0], sizes = [512, 128], strides = [1, 1]} : vector<512x129xf32> to vector<512x128xf32>
    %slice3A_1533 = vector.extract_strided_slice %dot_general3A_1531 {offsets = [0, 128], sizes = [512, 1], strides = [1, 1]} : vector<512x129xf32> to vector<512x1xf32>
    %max3A_1534 = arith.constant 1.000000e-30 : f32
    %max3A_1535 = vector.broadcast %max3A_1534 : f32 to vector<512x1xf32>
    %max3A_1536 = arith.maximumf %slice3A_1533, %max3A_1535 : vector<512x1xf32>
    %reciprocal3A_1537 = tpu.reciprocal %max3A_1536 {approx = true} : vector<512x1xf32> -> vector<512x1xf32>
    %mul3A_1538 = vector.broadcast %reciprocal3A_1537 : vector<512x1xf32> to vector<512x128xf32>
    %mul3A_1539 = arith.mulf %slice3A_1532, %mul3A_1538 : vector<512x128xf32>
    %slice3A_1540 = vector.extract_strided_slice %add3A_1476 {offsets = [0, 128], sizes = [512, 128], strides = [1, 1]} : vector<512x256xf32> to vector<512x128xf32>
    %slice3A_1541 = vector.extract_strided_slice %dot_general3A_1480 {offsets = [1, 0], sizes = [1, 512], strides = [1, 1]} : vector<2x512xf32> to vector<1x512xf32>
    %slice3A_1542 = vector.extract_strided_slice %dot_general3A_1478 {offsets = [0, 1], sizes = [512, 1], strides = [1, 1]} : vector<512x2xf32> to vector<512x1xf32>
    %reduce_max3A_1543 = vector.shape_cast %slice3A_1541 : vector<1x512xf32> to vector<1x1x512xf32>
    %reduce_max3A_1544 = arith.constant dense<0xFF800000> : vector<1xf32>
    %reduce_max3A_1545 = vector.multi_reduction <maximumf>, %reduce_max3A_1543, %reduce_max3A_1544 [1, 2] : vector<1x1x512xf32> to vector<1xf32>
    %reduce_max3A_1546 = vector.shape_cast %reduce_max3A_1545 : vector<1xf32> to vector<1x1x1xf32>
    %reduce_max3A_1547 = vector.extract %reduce_max3A_1546[0, 0, 0] : f32 from vector<1x1x1xf32>
    %add3A_1548 = vector.broadcast %reduce_max3A_1547 : f32 to vector<512x1xf32>
    %add3A_1549 = arith.addf %slice3A_1542, %add3A_1548 : vector<512x1xf32>
    %sub3A_1550 = vector.broadcast %reduce_max3A_1547 : f32 to vector<1x512xf32>
    %sub3A_1551 = arith.subf %slice3A_1541, %sub3A_1550 : vector<1x512xf32>
    %exp3A_1552 = math.exp %sub3A_1551 : vector<1x512xf32>
    %convert_element_type3A_1553 = arith.truncf %exp3A_1552 : vector<1x512xf32> to vector<1x512xbf16>
    %sub3A_1554 = vector.broadcast %reduce_max3A_1547 : f32 to vector<1x512xf32>
    %sub3A_1555 = arith.subf %slice3A_1541, %sub3A_1554 : vector<1x512xf32>
    %mul3A_1556 = arith.constant 2.000000e-01 : f32
    %mul3A_1557 = vector.broadcast %mul3A_1556 : f32 to vector<1x512xf32>
    %mul3A_1558 = arith.mulf %mul3A_1557, %sub3A_1555 : vector<1x512xf32>
    %exp3A_1559 = math.exp %mul3A_1558 : vector<1x512xf32>
    %convert_element_type3A_1560 = arith.truncf %exp3A_1559 : vector<1x512xf32> to vector<1x512xbf16>
    %min3A_1561 = arith.constant 0.000000e+00 : f32
    %min3A_1562 = vector.broadcast %min3A_1561 : f32 to vector<512x1xf32>
    %min3A_1563 = arith.minimumf %add3A_1549, %min3A_1562 : vector<512x1xf32>
    %mul3A_1564 = arith.constant 8.000000e-01 : f32
    %mul3A_1565 = vector.broadcast %mul3A_1564 : f32 to vector<512x1xf32>
    %mul3A_1566 = arith.mulf %mul3A_1565, %min3A_1563 : vector<512x1xf32>
    %exp3A_1567 = math.exp %mul3A_1566 : vector<512x1xf32>
    %convert_element_type3A_1568 = arith.truncf %exp3A_1567 : vector<512x1xf32> to vector<512x1xbf16>
    %max3A_1569 = arith.constant 0.000000e+00 : f32
    %max3A_1570 = vector.broadcast %max3A_1569 : f32 to vector<512x1xf32>
    %max3A_1571 = arith.maximumf %add3A_1549, %max3A_1570 : vector<512x1xf32>
    %mul3A_1572 = arith.constant -8.000000e-01 : f32
    %mul3A_1573 = vector.broadcast %mul3A_1572 : f32 to vector<512x1xf32>
    %mul3A_1574 = arith.mulf %mul3A_1573, %max3A_1571 : vector<512x1xf32>
    %exp3A_1575 = math.exp %mul3A_1574 : vector<512x1xf32>
    %convert_element_type3A_1576 = arith.truncf %exp3A_1575 : vector<512x1xf32> to vector<512x1xbf16>
    %mul3A_1577 = vector.broadcast %convert_element_type3A_1568 : vector<512x1xbf16> to vector<512x512xbf16>
    %mul3A_1578 = vector.broadcast %convert_element_type3A_1553 : vector<1x512xbf16> to vector<512x512xbf16>
    %mul3A_1579 = arith.mulf %mul3A_1577, %mul3A_1578 : vector<512x512xbf16>
    %mul3A_1580 = vector.broadcast %convert_element_type3A_1576 : vector<512x1xbf16> to vector<512x512xbf16>
    %mul3A_1581 = vector.broadcast %convert_element_type3A_1560 : vector<1x512xbf16> to vector<512x512xbf16>
    %mul3A_1582 = arith.mulf %mul3A_1580, %mul3A_1581 : vector<512x512xbf16>
    %max3A_1583 = arith.maximumf %mul3A_1579, %mul3A_1582 : vector<512x512xbf16>
    %mul3A_1584 = arith.mulf %convert_element_type3A, %max3A_1583 : vector<512x512xbf16>
    %convert_element_type3A_1585 = arith.truncf %slice3A_1540 : vector<512x128xf32> to vector<512x128xbf16>
    %concatenate3A_1586 = tpu.concatenate %convert_element_type3A_1585, %broadcast_in_dim3A_1482 in 1 : vector<512x128xbf16>, vector<512x1xbf16> -> vector<512x129xbf16>
    %dot_general3A_1587 = arith.constant dense<0.000000e+00> : vector<512x129xf32>
    %dot_general3A_1588 = tpu.matmul %mul3A_1584, %concatenate3A_1586, %dot_general3A_1587 {dimension_numbers = #tpu.dot_dimension_numbers<[1], [0], [0], [1], [0, 0, 1, 1], [], []>, transpose_lhs_hint = false} : vector<512x512xbf16>, vector<512x129xbf16>, vector<512x129xf32> -> vector<512x129xf32>
    %slice3A_1589 = vector.extract_strided_slice %dot_general3A_1588 {offsets = [0, 0], sizes = [512, 128], strides = [1, 1]} : vector<512x129xf32> to vector<512x128xf32>
    %slice3A_1590 = vector.extract_strided_slice %dot_general3A_1588 {offsets = [0, 128], sizes = [512, 1], strides = [1, 1]} : vector<512x129xf32> to vector<512x1xf32>
    %max3A_1591 = arith.constant 1.000000e-30 : f32
    %max3A_1592 = vector.broadcast %max3A_1591 : f32 to vector<512x1xf32>
    %max3A_1593 = arith.maximumf %slice3A_1590, %max3A_1592 : vector<512x1xf32>
    %reciprocal3A_1594 = tpu.reciprocal %max3A_1593 {approx = true} : vector<512x1xf32> -> vector<512x1xf32>
    %mul3A_1595 = vector.broadcast %reciprocal3A_1594 : vector<512x1xf32> to vector<512x128xf32>
    %mul3A_1596 = arith.mulf %slice3A_1589, %mul3A_1595 : vector<512x128xf32>
    %add3A_1597 = arith.addf %mul3A_1539, %mul3A_1596 : vector<512x128xf32>
    %mul3A_1598 = arith.constant 5.000000e-01 : f32
    %mul3A_1599 = vector.broadcast %mul3A_1598 : f32 to vector<512x128xf32>
    %mul3A_1600 = arith.mulf %mul3A_1599, %add3A_1597 : vector<512x128xf32>
    %get3A_1601 = arith.constant 0 : index
    %get3A_1602 = vector.load %arg7[%get3A_1601] : memref<128xf32, #tpu.memory_space<vmem>>, vector<128xf32>
    %broadcast_in_dim3A_1603 = vector.shape_cast %get3A_1602 : vector<128xf32> to vector<1x128xf32>
    %add3A_1604 = vector.broadcast %broadcast_in_dim3A_1603 : vector<1x128xf32> to vector<512x128xf32>
    %add3A_1605 = arith.addf %mul3A_1600, %add3A_1604 : vector<512x128xf32>
    %gt3A_1606 = arith.constant 0.000000e+00 : f32
    %gt3A_1607 = vector.broadcast %gt3A_1606 : f32 to vector<512x128xf32>
    %gt3A_1608 = arith.cmpf ogt, %add3A_1605, %gt3A_1607 : vector<512x128xf32>
    %exp3A_1609 = math.exp %add3A_1605 : vector<512x128xf32>
    %sub3A_1610 = arith.constant 1.000000e+00 : f32
    %sub3A_1611 = vector.broadcast %sub3A_1610 : f32 to vector<512x128xf32>
    %sub3A_1612 = arith.subf %exp3A_1609, %sub3A_1611 : vector<512x128xf32>
    %mul3A_1613 = arith.constant 1.67326319 : f32
    %mul3A_1614 = vector.broadcast %mul3A_1613 : f32 to vector<512x128xf32>
    %mul3A_1615 = arith.mulf %mul3A_1614, %sub3A_1612 : vector<512x128xf32>
    %select_n3A_1616 = arith.select %gt3A_1608, %add3A_1605, %mul3A_1615 : vector<512x128xi1>, vector<512x128xf32>
    %mul3A_1617 = arith.constant 1.05070102 : f32
    %mul3A_1618 = vector.broadcast %mul3A_1617 : f32 to vector<512x128xf32>
    %mul3A_1619 = arith.mulf %mul3A_1618, %select_n3A_1616 : vector<512x128xf32>
    %get3A_1620 = arith.constant 0 : index
    %get3A_1621 = arith.constant 0 : index
    %get3A_1622 = vector.load %arg8[%get3A_1620, %get3A_1621] : memref<128x128xf32, #tpu.memory_space<vmem>>, vector<128x128xf32>
    %dot_general3A_1623 = arith.constant dense<0.000000e+00> : vector<512x128xf32>
    %dot_general3A_1624 = tpu.matmul %mul3A_1619, %get3A_1622, %dot_general3A_1623 {dimension_numbers = #tpu.dot_dimension_numbers<[1], [1], [0], [0], [0, 0, 1, 0], [], []>, transpose_lhs_hint = false} : vector<512x128xf32>, vector<128x128xf32>, vector<512x128xf32> -> vector<512x128xf32>
    %dot_general3A_1625 = arith.constant dense<0.000000e+00> : vector<512x2xf32>
    %dot_general3A_1626 = tpu.matmul %dot_general3A_1624, %concatenate3A_51, %dot_general3A_1625 {dimension_numbers = #tpu.dot_dimension_numbers<[1], [1], [0], [0], [0, 0, 1, 0], [], []>, transpose_lhs_hint = false} : vector<512x128xf32>, vector<2x128xf32>, vector<512x2xf32> -> vector<512x2xf32>
    %dot_general3A_1627 = arith.constant dense<0.000000e+00> : vector<2x512xf32>
    %dot_general3A_1628 = tpu.matmul %concatenate3A_40, %dot_general3A_1624, %dot_general3A_1627 {dimension_numbers = #tpu.dot_dimension_numbers<[1], [1], [0], [0], [0, 0, 1, 0], [], []>, transpose_lhs_hint = false} : vector<2x128xf32>, vector<512x128xf32>, vector<2x512xf32> -> vector<2x512xf32>
    %broadcast_in_dim3A_1629 = arith.constant 1.000000e+00 : bf16
    %broadcast_in_dim3A_1630 = vector.broadcast %broadcast_in_dim3A_1629 : bf16 to vector<512x1xbf16>
    %slice3A_1631 = vector.extract_strided_slice %dot_general3A_1624 {offsets = [0, 0], sizes = [512, 64], strides = [1, 1]} : vector<512x128xf32> to vector<512x64xf32>
    %slice3A_1632 = vector.extract_strided_slice %dot_general3A_1628 {offsets = [0, 0], sizes = [1, 512], strides = [1, 1]} : vector<2x512xf32> to vector<1x512xf32>
    %slice3A_1633 = vector.extract_strided_slice %dot_general3A_1626 {offsets = [0, 0], sizes = [512, 1], strides = [1, 1]} : vector<512x2xf32> to vector<512x1xf32>
    %reduce_max3A_1634 = vector.shape_cast %slice3A_1632 : vector<1x512xf32> to vector<1x1x512xf32>
    %reduce_max3A_1635 = arith.constant dense<0xFF800000> : vector<1xf32>
    %reduce_max3A_1636 = vector.multi_reduction <maximumf>, %reduce_max3A_1634, %reduce_max3A_1635 [1, 2] : vector<1x1x512xf32> to vector<1xf32>
    %reduce_max3A_1637 = vector.shape_cast %reduce_max3A_1636 : vector<1xf32> to vector<1x1x1xf32>
    %reduce_max3A_1638 = vector.extract %reduce_max3A_1637[0, 0, 0] : f32 from vector<1x1x1xf32>
    %add3A_1639 = vector.broadcast %reduce_max3A_1638 : f32 to vector<512x1xf32>
    %add3A_1640 = arith.addf %slice3A_1633, %add3A_1639 : vector<512x1xf32>
    %sub3A_1641 = vector.broadcast %reduce_max3A_1638 : f32 to vector<1x512xf32>
    %sub3A_1642 = arith.subf %slice3A_1632, %sub3A_1641 : vector<1x512xf32>
    %exp3A_1643 = math.exp %sub3A_1642 : vector<1x512xf32>
    %convert_element_type3A_1644 = arith.truncf %exp3A_1643 : vector<1x512xf32> to vector<1x512xbf16>
    %sub3A_1645 = vector.broadcast %reduce_max3A_1638 : f32 to vector<1x512xf32>
    %sub3A_1646 = arith.subf %slice3A_1632, %sub3A_1645 : vector<1x512xf32>
    %mul3A_1647 = arith.constant 2.000000e-01 : f32
    %mul3A_1648 = vector.broadcast %mul3A_1647 : f32 to vector<1x512xf32>
    %mul3A_1649 = arith.mulf %mul3A_1648, %sub3A_1646 : vector<1x512xf32>
    %exp3A_1650 = math.exp %mul3A_1649 : vector<1x512xf32>
    %convert_element_type3A_1651 = arith.truncf %exp3A_1650 : vector<1x512xf32> to vector<1x512xbf16>
    %min3A_1652 = arith.constant 0.000000e+00 : f32
    %min3A_1653 = vector.broadcast %min3A_1652 : f32 to vector<512x1xf32>
    %min3A_1654 = arith.minimumf %add3A_1640, %min3A_1653 : vector<512x1xf32>
    %mul3A_1655 = arith.constant 8.000000e-01 : f32
    %mul3A_1656 = vector.broadcast %mul3A_1655 : f32 to vector<512x1xf32>
    %mul3A_1657 = arith.mulf %mul3A_1656, %min3A_1654 : vector<512x1xf32>
    %exp3A_1658 = math.exp %mul3A_1657 : vector<512x1xf32>
    %convert_element_type3A_1659 = arith.truncf %exp3A_1658 : vector<512x1xf32> to vector<512x1xbf16>
    %max3A_1660 = arith.constant 0.000000e+00 : f32
    %max3A_1661 = vector.broadcast %max3A_1660 : f32 to vector<512x1xf32>
    %max3A_1662 = arith.maximumf %add3A_1640, %max3A_1661 : vector<512x1xf32>
    %mul3A_1663 = arith.constant -8.000000e-01 : f32
    %mul3A_1664 = vector.broadcast %mul3A_1663 : f32 to vector<512x1xf32>
    %mul3A_1665 = arith.mulf %mul3A_1664, %max3A_1662 : vector<512x1xf32>
    %exp3A_1666 = math.exp %mul3A_1665 : vector<512x1xf32>
    %convert_element_type3A_1667 = arith.truncf %exp3A_1666 : vector<512x1xf32> to vector<512x1xbf16>
    %mul3A_1668 = vector.broadcast %convert_element_type3A_1659 : vector<512x1xbf16> to vector<512x512xbf16>
    %mul3A_1669 = vector.broadcast %convert_element_type3A_1644 : vector<1x512xbf16> to vector<512x512xbf16>
    %mul3A_1670 = arith.mulf %mul3A_1668, %mul3A_1669 : vector<512x512xbf16>
    %mul3A_1671 = vector.broadcast %convert_element_type3A_1667 : vector<512x1xbf16> to vector<512x512xbf16>
    %mul3A_1672 = vector.broadcast %convert_element_type3A_1651 : vector<1x512xbf16> to vector<512x512xbf16>
    %mul3A_1673 = arith.mulf %mul3A_1671, %mul3A_1672 : vector<512x512xbf16>
    %max3A_1674 = arith.maximumf %mul3A_1670, %mul3A_1673 : vector<512x512xbf16>
    %mul3A_1675 = arith.mulf %convert_element_type3A, %max3A_1674 : vector<512x512xbf16>
    %convert_element_type3A_1676 = arith.truncf %slice3A_1631 : vector<512x64xf32> to vector<512x64xbf16>
    %concatenate3A_1677 = tpu.concatenate %convert_element_type3A_1676, %broadcast_in_dim3A_1630 in 1 : vector<512x64xbf16>, vector<512x1xbf16> -> vector<512x65xbf16>
    %dot_general3A_1678 = arith.constant dense<0.000000e+00> : vector<512x65xf32>
    %dot_general3A_1679 = tpu.matmul %mul3A_1675, %concatenate3A_1677, %dot_general3A_1678 {dimension_numbers = #tpu.dot_dimension_numbers<[1], [0], [0], [1], [0, 0, 1, 1], [], []>, transpose_lhs_hint = false} : vector<512x512xbf16>, vector<512x65xbf16>, vector<512x65xf32> -> vector<512x65xf32>
    %slice3A_1680 = vector.extract_strided_slice %dot_general3A_1679 {offsets = [0, 0], sizes = [512, 64], strides = [1, 1]} : vector<512x65xf32> to vector<512x64xf32>
    %slice3A_1681 = vector.extract_strided_slice %dot_general3A_1679 {offsets = [0, 64], sizes = [512, 1], strides = [1, 1]} : vector<512x65xf32> to vector<512x1xf32>
    %max3A_1682 = arith.constant 1.000000e-30 : f32
    %max3A_1683 = vector.broadcast %max3A_1682 : f32 to vector<512x1xf32>
    %max3A_1684 = arith.maximumf %slice3A_1681, %max3A_1683 : vector<512x1xf32>
    %reciprocal3A_1685 = tpu.reciprocal %max3A_1684 {approx = true} : vector<512x1xf32> -> vector<512x1xf32>
    %mul3A_1686 = vector.broadcast %reciprocal3A_1685 : vector<512x1xf32> to vector<512x64xf32>
    %mul3A_1687 = arith.mulf %slice3A_1680, %mul3A_1686 : vector<512x64xf32>
    %slice3A_1688 = vector.extract_strided_slice %dot_general3A_1624 {offsets = [0, 64], sizes = [512, 64], strides = [1, 1]} : vector<512x128xf32> to vector<512x64xf32>
    %slice3A_1689 = vector.extract_strided_slice %dot_general3A_1628 {offsets = [1, 0], sizes = [1, 512], strides = [1, 1]} : vector<2x512xf32> to vector<1x512xf32>
    %slice3A_1690 = vector.extract_strided_slice %dot_general3A_1626 {offsets = [0, 1], sizes = [512, 1], strides = [1, 1]} : vector<512x2xf32> to vector<512x1xf32>
    %reduce_max3A_1691 = vector.shape_cast %slice3A_1689 : vector<1x512xf32> to vector<1x1x512xf32>
    %reduce_max3A_1692 = arith.constant dense<0xFF800000> : vector<1xf32>
    %reduce_max3A_1693 = vector.multi_reduction <maximumf>, %reduce_max3A_1691, %reduce_max3A_1692 [1, 2] : vector<1x1x512xf32> to vector<1xf32>
    %reduce_max3A_1694 = vector.shape_cast %reduce_max3A_1693 : vector<1xf32> to vector<1x1x1xf32>
    %reduce_max3A_1695 = vector.extract %reduce_max3A_1694[0, 0, 0] : f32 from vector<1x1x1xf32>
    %add3A_1696 = vector.broadcast %reduce_max3A_1695 : f32 to vector<512x1xf32>
    %add3A_1697 = arith.addf %slice3A_1690, %add3A_1696 : vector<512x1xf32>
    %sub3A_1698 = vector.broadcast %reduce_max3A_1695 : f32 to vector<1x512xf32>
    %sub3A_1699 = arith.subf %slice3A_1689, %sub3A_1698 : vector<1x512xf32>
    %exp3A_1700 = math.exp %sub3A_1699 : vector<1x512xf32>
    %convert_element_type3A_1701 = arith.truncf %exp3A_1700 : vector<1x512xf32> to vector<1x512xbf16>
    %sub3A_1702 = vector.broadcast %reduce_max3A_1695 : f32 to vector<1x512xf32>
    %sub3A_1703 = arith.subf %slice3A_1689, %sub3A_1702 : vector<1x512xf32>
    %mul3A_1704 = arith.constant 2.000000e-01 : f32
    %mul3A_1705 = vector.broadcast %mul3A_1704 : f32 to vector<1x512xf32>
    %mul3A_1706 = arith.mulf %mul3A_1705, %sub3A_1703 : vector<1x512xf32>
    %exp3A_1707 = math.exp %mul3A_1706 : vector<1x512xf32>
    %convert_element_type3A_1708 = arith.truncf %exp3A_1707 : vector<1x512xf32> to vector<1x512xbf16>
    %min3A_1709 = arith.constant 0.000000e+00 : f32
    %min3A_1710 = vector.broadcast %min3A_1709 : f32 to vector<512x1xf32>
    %min3A_1711 = arith.minimumf %add3A_1697, %min3A_1710 : vector<512x1xf32>
    %mul3A_1712 = arith.constant 8.000000e-01 : f32
    %mul3A_1713 = vector.broadcast %mul3A_1712 : f32 to vector<512x1xf32>
    %mul3A_1714 = arith.mulf %mul3A_1713, %min3A_1711 : vector<512x1xf32>
    %exp3A_1715 = math.exp %mul3A_1714 : vector<512x1xf32>
    %convert_element_type3A_1716 = arith.truncf %exp3A_1715 : vector<512x1xf32> to vector<512x1xbf16>
    %max3A_1717 = arith.constant 0.000000e+00 : f32
    %max3A_1718 = vector.broadcast %max3A_1717 : f32 to vector<512x1xf32>
    %max3A_1719 = arith.maximumf %add3A_1697, %max3A_1718 : vector<512x1xf32>
    %mul3A_1720 = arith.constant -8.000000e-01 : f32
    %mul3A_1721 = vector.broadcast %mul3A_1720 : f32 to vector<512x1xf32>
    %mul3A_1722 = arith.mulf %mul3A_1721, %max3A_1719 : vector<512x1xf32>
    %exp3A_1723 = math.exp %mul3A_1722 : vector<512x1xf32>
    %convert_element_type3A_1724 = arith.truncf %exp3A_1723 : vector<512x1xf32> to vector<512x1xbf16>
    %mul3A_1725 = vector.broadcast %convert_element_type3A_1716 : vector<512x1xbf16> to vector<512x512xbf16>
    %mul3A_1726 = vector.broadcast %convert_element_type3A_1701 : vector<1x512xbf16> to vector<512x512xbf16>
    %mul3A_1727 = arith.mulf %mul3A_1725, %mul3A_1726 : vector<512x512xbf16>
    %mul3A_1728 = vector.broadcast %convert_element_type3A_1724 : vector<512x1xbf16> to vector<512x512xbf16>
    %mul3A_1729 = vector.broadcast %convert_element_type3A_1708 : vector<1x512xbf16> to vector<512x512xbf16>
    %mul3A_1730 = arith.mulf %mul3A_1728, %mul3A_1729 : vector<512x512xbf16>
    %max3A_1731 = arith.maximumf %mul3A_1727, %mul3A_1730 : vector<512x512xbf16>
    %mul3A_1732 = arith.mulf %convert_element_type3A, %max3A_1731 : vector<512x512xbf16>
    %convert_element_type3A_1733 = arith.truncf %slice3A_1688 : vector<512x64xf32> to vector<512x64xbf16>
    %concatenate3A_1734 = tpu.concatenate %convert_element_type3A_1733, %broadcast_in_dim3A_1630 in 1 : vector<512x64xbf16>, vector<512x1xbf16> -> vector<512x65xbf16>
    %dot_general3A_1735 = arith.constant dense<0.000000e+00> : vector<512x65xf32>
    %dot_general3A_1736 = tpu.matmul %mul3A_1732, %concatenate3A_1734, %dot_general3A_1735 {dimension_numbers = #tpu.dot_dimension_numbers<[1], [0], [0], [1], [0, 0, 1, 1], [], []>, transpose_lhs_hint = false} : vector<512x512xbf16>, vector<512x65xbf16>, vector<512x65xf32> -> vector<512x65xf32>
    %slice3A_1737 = vector.extract_strided_slice %dot_general3A_1736 {offsets = [0, 0], sizes = [512, 64], strides = [1, 1]} : vector<512x65xf32> to vector<512x64xf32>
    %slice3A_1738 = vector.extract_strided_slice %dot_general3A_1736 {offsets = [0, 64], sizes = [512, 1], strides = [1, 1]} : vector<512x65xf32> to vector<512x1xf32>
    %max3A_1739 = arith.constant 1.000000e-30 : f32
    %max3A_1740 = vector.broadcast %max3A_1739 : f32 to vector<512x1xf32>
    %max3A_1741 = arith.maximumf %slice3A_1738, %max3A_1740 : vector<512x1xf32>
    %reciprocal3A_1742 = tpu.reciprocal %max3A_1741 {approx = true} : vector<512x1xf32> -> vector<512x1xf32>
    %mul3A_1743 = vector.broadcast %reciprocal3A_1742 : vector<512x1xf32> to vector<512x64xf32>
    %mul3A_1744 = arith.mulf %slice3A_1737, %mul3A_1743 : vector<512x64xf32>
    %add3A_1745 = arith.addf %mul3A_1687, %mul3A_1744 : vector<512x64xf32>
    %mul3A_1746 = arith.constant 5.000000e-01 : f32
    %mul3A_1747 = vector.broadcast %mul3A_1746 : f32 to vector<512x64xf32>
    %mul3A_1748 = arith.mulf %mul3A_1747, %add3A_1745 : vector<512x64xf32>
    %get3A_1749 = arith.constant 0 : index
    %get3A_1750 = vector.load %arg11[%get3A_1749] : memref<64xf32, #tpu.memory_space<vmem>>, vector<64xf32>
    %broadcast_in_dim3A_1751 = vector.shape_cast %get3A_1750 : vector<64xf32> to vector<1x64xf32>
    %add3A_1752 = vector.broadcast %broadcast_in_dim3A_1751 : vector<1x64xf32> to vector<512x64xf32>
    %add3A_1753 = arith.addf %mul3A_1748, %add3A_1752 : vector<512x64xf32>
    %gt3A_1754 = arith.constant 0.000000e+00 : f32
    %gt3A_1755 = vector.broadcast %gt3A_1754 : f32 to vector<512x64xf32>
    %gt3A_1756 = arith.cmpf ogt, %add3A_1753, %gt3A_1755 : vector<512x64xf32>
    %exp3A_1757 = math.exp %add3A_1753 : vector<512x64xf32>
    %sub3A_1758 = arith.constant 1.000000e+00 : f32
    %sub3A_1759 = vector.broadcast %sub3A_1758 : f32 to vector<512x64xf32>
    %sub3A_1760 = arith.subf %exp3A_1757, %sub3A_1759 : vector<512x64xf32>
    %mul3A_1761 = arith.constant 1.67326319 : f32
    %mul3A_1762 = vector.broadcast %mul3A_1761 : f32 to vector<512x64xf32>
    %mul3A_1763 = arith.mulf %mul3A_1762, %sub3A_1760 : vector<512x64xf32>
    %select_n3A_1764 = arith.select %gt3A_1756, %add3A_1753, %mul3A_1763 : vector<512x64xi1>, vector<512x64xf32>
    %mul3A_1765 = arith.constant 1.05070102 : f32
    %mul3A_1766 = vector.broadcast %mul3A_1765 : f32 to vector<512x64xf32>
    %mul3A_1767 = arith.mulf %mul3A_1766, %select_n3A_1764 : vector<512x64xf32>
    %get3A_1768 = arith.constant 0 : index
    %get3A_1769 = arith.constant 0 : index
    %get3A_1770 = vector.load %arg12[%get3A_1768, %get3A_1769] : memref<64x64xf32, #tpu.memory_space<vmem>>, vector<64x64xf32>
    %dot_general3A_1771 = arith.constant dense<0.000000e+00> : vector<512x64xf32>
    %dot_general3A_1772 = tpu.matmul %mul3A_1767, %get3A_1770, %dot_general3A_1771 {dimension_numbers = #tpu.dot_dimension_numbers<[1], [1], [0], [0], [0, 0, 1, 0], [], []>, transpose_lhs_hint = false} : vector<512x64xf32>, vector<64x64xf32>, vector<512x64xf32> -> vector<512x64xf32>
    %dot_general3A_1773 = arith.constant dense<0.000000e+00> : vector<512x2xf32>
    %dot_general3A_1774 = tpu.matmul %dot_general3A_1772, %concatenate3A_73, %dot_general3A_1773 {dimension_numbers = #tpu.dot_dimension_numbers<[1], [1], [0], [0], [0, 0, 1, 0], [], []>, transpose_lhs_hint = false} : vector<512x64xf32>, vector<2x64xf32>, vector<512x2xf32> -> vector<512x2xf32>
    %dot_general3A_1775 = arith.constant dense<0.000000e+00> : vector<2x512xf32>
    %dot_general3A_1776 = tpu.matmul %concatenate3A_62, %dot_general3A_1772, %dot_general3A_1775 {dimension_numbers = #tpu.dot_dimension_numbers<[1], [1], [0], [0], [0, 0, 1, 0], [], []>, transpose_lhs_hint = false} : vector<2x64xf32>, vector<512x64xf32>, vector<2x512xf32> -> vector<2x512xf32>
    %broadcast_in_dim3A_1777 = arith.constant 1.000000e+00 : bf16
    %broadcast_in_dim3A_1778 = vector.broadcast %broadcast_in_dim3A_1777 : bf16 to vector<512x1xbf16>
    %slice3A_1779 = vector.extract_strided_slice %dot_general3A_1772 {offsets = [0, 0], sizes = [512, 32], strides = [1, 1]} : vector<512x64xf32> to vector<512x32xf32>
    %slice3A_1780 = vector.extract_strided_slice %dot_general3A_1776 {offsets = [0, 0], sizes = [1, 512], strides = [1, 1]} : vector<2x512xf32> to vector<1x512xf32>
    %slice3A_1781 = vector.extract_strided_slice %dot_general3A_1774 {offsets = [0, 0], sizes = [512, 1], strides = [1, 1]} : vector<512x2xf32> to vector<512x1xf32>
    %reduce_max3A_1782 = vector.shape_cast %slice3A_1780 : vector<1x512xf32> to vector<1x1x512xf32>
    %reduce_max3A_1783 = arith.constant dense<0xFF800000> : vector<1xf32>
    %reduce_max3A_1784 = vector.multi_reduction <maximumf>, %reduce_max3A_1782, %reduce_max3A_1783 [1, 2] : vector<1x1x512xf32> to vector<1xf32>
    %reduce_max3A_1785 = vector.shape_cast %reduce_max3A_1784 : vector<1xf32> to vector<1x1x1xf32>
    %reduce_max3A_1786 = vector.extract %reduce_max3A_1785[0, 0, 0] : f32 from vector<1x1x1xf32>
    %add3A_1787 = vector.broadcast %reduce_max3A_1786 : f32 to vector<512x1xf32>
    %add3A_1788 = arith.addf %slice3A_1781, %add3A_1787 : vector<512x1xf32>
    %sub3A_1789 = vector.broadcast %reduce_max3A_1786 : f32 to vector<1x512xf32>
    %sub3A_1790 = arith.subf %slice3A_1780, %sub3A_1789 : vector<1x512xf32>
    %exp3A_1791 = math.exp %sub3A_1790 : vector<1x512xf32>
    %convert_element_type3A_1792 = arith.truncf %exp3A_1791 : vector<1x512xf32> to vector<1x512xbf16>
    %sub3A_1793 = vector.broadcast %reduce_max3A_1786 : f32 to vector<1x512xf32>
    %sub3A_1794 = arith.subf %slice3A_1780, %sub3A_1793 : vector<1x512xf32>
    %mul3A_1795 = arith.constant 2.000000e-01 : f32
    %mul3A_1796 = vector.broadcast %mul3A_1795 : f32 to vector<1x512xf32>
    %mul3A_1797 = arith.mulf %mul3A_1796, %sub3A_1794 : vector<1x512xf32>
    %exp3A_1798 = math.exp %mul3A_1797 : vector<1x512xf32>
    %convert_element_type3A_1799 = arith.truncf %exp3A_1798 : vector<1x512xf32> to vector<1x512xbf16>
    %min3A_1800 = arith.constant 0.000000e+00 : f32
    %min3A_1801 = vector.broadcast %min3A_1800 : f32 to vector<512x1xf32>
    %min3A_1802 = arith.minimumf %add3A_1788, %min3A_1801 : vector<512x1xf32>
    %mul3A_1803 = arith.constant 8.000000e-01 : f32
    %mul3A_1804 = vector.broadcast %mul3A_1803 : f32 to vector<512x1xf32>
    %mul3A_1805 = arith.mulf %mul3A_1804, %min3A_1802 : vector<512x1xf32>
    %exp3A_1806 = math.exp %mul3A_1805 : vector<512x1xf32>
    %convert_element_type3A_1807 = arith.truncf %exp3A_1806 : vector<512x1xf32> to vector<512x1xbf16>
    %max3A_1808 = arith.constant 0.000000e+00 : f32
    %max3A_1809 = vector.broadcast %max3A_1808 : f32 to vector<512x1xf32>
    %max3A_1810 = arith.maximumf %add3A_1788, %max3A_1809 : vector<512x1xf32>
    %mul3A_1811 = arith.constant -8.000000e-01 : f32
    %mul3A_1812 = vector.broadcast %mul3A_1811 : f32 to vector<512x1xf32>
    %mul3A_1813 = arith.mulf %mul3A_1812, %max3A_1810 : vector<512x1xf32>
    %exp3A_1814 = math.exp %mul3A_1813 : vector<512x1xf32>
    %convert_element_type3A_1815 = arith.truncf %exp3A_1814 : vector<512x1xf32> to vector<512x1xbf16>
    %mul3A_1816 = vector.broadcast %convert_element_type3A_1807 : vector<512x1xbf16> to vector<512x512xbf16>
    %mul3A_1817 = vector.broadcast %convert_element_type3A_1792 : vector<1x512xbf16> to vector<512x512xbf16>
    %mul3A_1818 = arith.mulf %mul3A_1816, %mul3A_1817 : vector<512x512xbf16>
    %mul3A_1819 = vector.broadcast %convert_element_type3A_1815 : vector<512x1xbf16> to vector<512x512xbf16>
    %mul3A_1820 = vector.broadcast %convert_element_type3A_1799 : vector<1x512xbf16> to vector<512x512xbf16>
    %mul3A_1821 = arith.mulf %mul3A_1819, %mul3A_1820 : vector<512x512xbf16>
    %max3A_1822 = arith.maximumf %mul3A_1818, %mul3A_1821 : vector<512x512xbf16>
    %mul3A_1823 = arith.mulf %convert_element_type3A, %max3A_1822 : vector<512x512xbf16>
    %convert_element_type3A_1824 = arith.truncf %slice3A_1779 : vector<512x32xf32> to vector<512x32xbf16>
    %concatenate3A_1825 = tpu.concatenate %convert_element_type3A_1824, %broadcast_in_dim3A_1778 in 1 : vector<512x32xbf16>, vector<512x1xbf16> -> vector<512x33xbf16>
    %dot_general3A_1826 = arith.constant dense<0.000000e+00> : vector<512x33xf32>
    %dot_general3A_1827 = tpu.matmul %mul3A_1823, %concatenate3A_1825, %dot_general3A_1826 {dimension_numbers = #tpu.dot_dimension_numbers<[1], [0], [0], [1], [0, 0, 1, 1], [], []>, transpose_lhs_hint = false} : vector<512x512xbf16>, vector<512x33xbf16>, vector<512x33xf32> -> vector<512x33xf32>
    %slice3A_1828 = vector.extract_strided_slice %dot_general3A_1827 {offsets = [0, 0], sizes = [512, 32], strides = [1, 1]} : vector<512x33xf32> to vector<512x32xf32>
    %slice3A_1829 = vector.extract_strided_slice %dot_general3A_1827 {offsets = [0, 32], sizes = [512, 1], strides = [1, 1]} : vector<512x33xf32> to vector<512x1xf32>
    %max3A_1830 = arith.constant 1.000000e-30 : f32
    %max3A_1831 = vector.broadcast %max3A_1830 : f32 to vector<512x1xf32>
    %max3A_1832 = arith.maximumf %slice3A_1829, %max3A_1831 : vector<512x1xf32>
    %reciprocal3A_1833 = tpu.reciprocal %max3A_1832 {approx = true} : vector<512x1xf32> -> vector<512x1xf32>
    %mul3A_1834 = vector.broadcast %reciprocal3A_1833 : vector<512x1xf32> to vector<512x32xf32>
    %mul3A_1835 = arith.mulf %slice3A_1828, %mul3A_1834 : vector<512x32xf32>
    %slice3A_1836 = vector.extract_strided_slice %dot_general3A_1772 {offsets = [0, 32], sizes = [512, 32], strides = [1, 1]} : vector<512x64xf32> to vector<512x32xf32>
    %slice3A_1837 = vector.extract_strided_slice %dot_general3A_1776 {offsets = [1, 0], sizes = [1, 512], strides = [1, 1]} : vector<2x512xf32> to vector<1x512xf32>
    %slice3A_1838 = vector.extract_strided_slice %dot_general3A_1774 {offsets = [0, 1], sizes = [512, 1], strides = [1, 1]} : vector<512x2xf32> to vector<512x1xf32>
    %reduce_max3A_1839 = vector.shape_cast %slice3A_1837 : vector<1x512xf32> to vector<1x1x512xf32>
    %reduce_max3A_1840 = arith.constant dense<0xFF800000> : vector<1xf32>
    %reduce_max3A_1841 = vector.multi_reduction <maximumf>, %reduce_max3A_1839, %reduce_max3A_1840 [1, 2] : vector<1x1x512xf32> to vector<1xf32>
    %reduce_max3A_1842 = vector.shape_cast %reduce_max3A_1841 : vector<1xf32> to vector<1x1x1xf32>
    %reduce_max3A_1843 = vector.extract %reduce_max3A_1842[0, 0, 0] : f32 from vector<1x1x1xf32>
    %add3A_1844 = vector.broadcast %reduce_max3A_1843 : f32 to vector<512x1xf32>
    %add3A_1845 = arith.addf %slice3A_1838, %add3A_1844 : vector<512x1xf32>
    %sub3A_1846 = vector.broadcast %reduce_max3A_1843 : f32 to vector<1x512xf32>
    %sub3A_1847 = arith.subf %slice3A_1837, %sub3A_1846 : vector<1x512xf32>
    %exp3A_1848 = math.exp %sub3A_1847 : vector<1x512xf32>
    %convert_element_type3A_1849 = arith.truncf %exp3A_1848 : vector<1x512xf32> to vector<1x512xbf16>
    %sub3A_1850 = vector.broadcast %reduce_max3A_1843 : f32 to vector<1x512xf32>
    %sub3A_1851 = arith.subf %slice3A_1837, %sub3A_1850 : vector<1x512xf32>
    %mul3A_1852 = arith.constant 2.000000e-01 : f32
    %mul3A_1853 = vector.broadcast %mul3A_1852 : f32 to vector<1x512xf32>
    %mul3A_1854 = arith.mulf %mul3A_1853, %sub3A_1851 : vector<1x512xf32>
    %exp3A_1855 = math.exp %mul3A_1854 : vector<1x512xf32>
    %convert_element_type3A_1856 = arith.truncf %exp3A_1855 : vector<1x512xf32> to vector<1x512xbf16>
    %min3A_1857 = arith.constant 0.000000e+00 : f32
    %min3A_1858 = vector.broadcast %min3A_1857 : f32 to vector<512x1xf32>
    %min3A_1859 = arith.minimumf %add3A_1845, %min3A_1858 : vector<512x1xf32>
    %mul3A_1860 = arith.constant 8.000000e-01 : f32
    %mul3A_1861 = vector.broadcast %mul3A_1860 : f32 to vector<512x1xf32>
    %mul3A_1862 = arith.mulf %mul3A_1861, %min3A_1859 : vector<512x1xf32>
    %exp3A_1863 = math.exp %mul3A_1862 : vector<512x1xf32>
    %convert_element_type3A_1864 = arith.truncf %exp3A_1863 : vector<512x1xf32> to vector<512x1xbf16>
    %max3A_1865 = arith.constant 0.000000e+00 : f32
    %max3A_1866 = vector.broadcast %max3A_1865 : f32 to vector<512x1xf32>
    %max3A_1867 = arith.maximumf %add3A_1845, %max3A_1866 : vector<512x1xf32>
    %mul3A_1868 = arith.constant -8.000000e-01 : f32
    %mul3A_1869 = vector.broadcast %mul3A_1868 : f32 to vector<512x1xf32>
    %mul3A_1870 = arith.mulf %mul3A_1869, %max3A_1867 : vector<512x1xf32>
    %exp3A_1871 = math.exp %mul3A_1870 : vector<512x1xf32>
    %convert_element_type3A_1872 = arith.truncf %exp3A_1871 : vector<512x1xf32> to vector<512x1xbf16>
    %mul3A_1873 = vector.broadcast %convert_element_type3A_1864 : vector<512x1xbf16> to vector<512x512xbf16>
    %mul3A_1874 = vector.broadcast %convert_element_type3A_1849 : vector<1x512xbf16> to vector<512x512xbf16>
    %mul3A_1875 = arith.mulf %mul3A_1873, %mul3A_1874 : vector<512x512xbf16>
    %mul3A_1876 = vector.broadcast %convert_element_type3A_1872 : vector<512x1xbf16> to vector<512x512xbf16>
    %mul3A_1877 = vector.broadcast %convert_element_type3A_1856 : vector<1x512xbf16> to vector<512x512xbf16>
    %mul3A_1878 = arith.mulf %mul3A_1876, %mul3A_1877 : vector<512x512xbf16>
    %max3A_1879 = arith.maximumf %mul3A_1875, %mul3A_1878 : vector<512x512xbf16>
    %mul3A_1880 = arith.mulf %convert_element_type3A, %max3A_1879 : vector<512x512xbf16>
    %convert_element_type3A_1881 = arith.truncf %slice3A_1836 : vector<512x32xf32> to vector<512x32xbf16>
    %concatenate3A_1882 = tpu.concatenate %convert_element_type3A_1881, %broadcast_in_dim3A_1778 in 1 : vector<512x32xbf16>, vector<512x1xbf16> -> vector<512x33xbf16>
    %dot_general3A_1883 = arith.constant dense<0.000000e+00> : vector<512x33xf32>
    %dot_general3A_1884 = tpu.matmul %mul3A_1880, %concatenate3A_1882, %dot_general3A_1883 {dimension_numbers = #tpu.dot_dimension_numbers<[1], [0], [0], [1], [0, 0, 1, 1], [], []>, transpose_lhs_hint = false} : vector<512x512xbf16>, vector<512x33xbf16>, vector<512x33xf32> -> vector<512x33xf32>
    %slice3A_1885 = vector.extract_strided_slice %dot_general3A_1884 {offsets = [0, 0], sizes = [512, 32], strides = [1, 1]} : vector<512x33xf32> to vector<512x32xf32>
    %slice3A_1886 = vector.extract_strided_slice %dot_general3A_1884 {offsets = [0, 32], sizes = [512, 1], strides = [1, 1]} : vector<512x33xf32> to vector<512x1xf32>
    %max3A_1887 = arith.constant 1.000000e-30 : f32
    %max3A_1888 = vector.broadcast %max3A_1887 : f32 to vector<512x1xf32>
    %max3A_1889 = arith.maximumf %slice3A_1886, %max3A_1888 : vector<512x1xf32>
    %reciprocal3A_1890 = tpu.reciprocal %max3A_1889 {approx = true} : vector<512x1xf32> -> vector<512x1xf32>
    %mul3A_1891 = vector.broadcast %reciprocal3A_1890 : vector<512x1xf32> to vector<512x32xf32>
    %mul3A_1892 = arith.mulf %slice3A_1885, %mul3A_1891 : vector<512x32xf32>
    %add3A_1893 = arith.addf %mul3A_1835, %mul3A_1892 : vector<512x32xf32>
    %mul3A_1894 = arith.constant 5.000000e-01 : f32
    %mul3A_1895 = vector.broadcast %mul3A_1894 : f32 to vector<512x32xf32>
    %mul3A_1896 = arith.mulf %mul3A_1895, %add3A_1893 : vector<512x32xf32>
    %get3A_1897 = arith.constant 0 : index
    %get3A_1898 = vector.load %arg15[%get3A_1897] : memref<32xf32, #tpu.memory_space<vmem>>, vector<32xf32>
    %broadcast_in_dim3A_1899 = vector.shape_cast %get3A_1898 : vector<32xf32> to vector<1x32xf32>
    %add3A_1900 = vector.broadcast %broadcast_in_dim3A_1899 : vector<1x32xf32> to vector<512x32xf32>
    %add3A_1901 = arith.addf %mul3A_1896, %add3A_1900 : vector<512x32xf32>
    %gt3A_1902 = arith.constant 0.000000e+00 : f32
    %gt3A_1903 = vector.broadcast %gt3A_1902 : f32 to vector<512x32xf32>
    %gt3A_1904 = arith.cmpf ogt, %add3A_1901, %gt3A_1903 : vector<512x32xf32>
    %exp3A_1905 = math.exp %add3A_1901 : vector<512x32xf32>
    %sub3A_1906 = arith.constant 1.000000e+00 : f32
    %sub3A_1907 = vector.broadcast %sub3A_1906 : f32 to vector<512x32xf32>
    %sub3A_1908 = arith.subf %exp3A_1905, %sub3A_1907 : vector<512x32xf32>
    %mul3A_1909 = arith.constant 1.67326319 : f32
    %mul3A_1910 = vector.broadcast %mul3A_1909 : f32 to vector<512x32xf32>
    %mul3A_1911 = arith.mulf %mul3A_1910, %sub3A_1908 : vector<512x32xf32>
    %select_n3A_1912 = arith.select %gt3A_1904, %add3A_1901, %mul3A_1911 : vector<512x32xi1>, vector<512x32xf32>
    %mul3A_1913 = arith.constant 1.05070102 : f32
    %mul3A_1914 = vector.broadcast %mul3A_1913 : f32 to vector<512x32xf32>
    %mul3A_1915 = arith.mulf %mul3A_1914, %select_n3A_1912 : vector<512x32xf32>
    %get3A_1916 = arith.constant 0 : index
    %get3A_1917 = arith.constant 0 : index
    %get3A_1918 = vector.load %arg16[%get3A_1916, %get3A_1917] : memref<1x32xf32, #tpu.memory_space<vmem>>, vector<1x32xf32>
    %mul3A_1919 = vector.broadcast %get3A_1918 : vector<1x32xf32> to vector<512x32xf32>
    %mul3A_1920 = arith.mulf %mul3A_1915, %mul3A_1919 : vector<512x32xf32>
    %reduce_sum3A_1921 = arith.constant dense<0.000000e+00> : vector<512xf32>
    %reduce_sum3A_1922 = vector.multi_reduction <add>, %mul3A_1920, %reduce_sum3A_1921 [1] : vector<512x32xf32> to vector<512xf32>
    %broadcast_in_dim3A_1923 = vector.shape_cast %reduce_sum3A_1922 : vector<512xf32> to vector<512x1xf32>
    %get3A_1924 = arith.constant 0 : index
    %get3A_1925 = vector.load %arg17[%get3A_1924] : memref<1xf32, #tpu.memory_space<vmem>>, vector<1xf32>
    %get3A_1926 = vector.extract %get3A_1925[0] : f32 from vector<1xf32>
    %add3A_1927 = vector.broadcast %get3A_1926 : f32 to vector<512x1xf32>
    %add3A_1928 = arith.addf %broadcast_in_dim3A_1923, %add3A_1927 : vector<512x1xf32>
    %broadcast_in_dim3A_1929 = vector.shape_cast %add3A_1928 : vector<512x1xf32> to vector<1x512x1xf32>
    %swap3A_1930 = arith.constant 3 : index
    %swap3A_1931 = arith.constant 0 : index
    %swap3A_1932 = arith.constant 0 : index
    %swap3A_1933 = vector.load %arg18[%swap3A_1930, %swap3A_1931, %swap3A_1932] : memref<8x512x1xf32, #tpu.memory_space<vmem>>, vector<1x512x1xf32>
    tpu.vector_store %arg18[%swap3A_1930, %swap3A_1931, %swap3A_1932], %broadcast_in_dim3A_1929 {strides = array<i32>} : memref<8x512x1xf32, #tpu.memory_space<vmem>>, vector<1x512x1xf32>,
    %mul3A_1934 = arith.constant 8 : i32
    %mul3A_1935 = arith.muli %arg0, %mul3A_1934 : i32
    %add3A_1936 = arith.constant 4 : i32
    %add3A_1937 = arith.addi %mul3A_1935, %add3A_1936 : i32
    %get3A_1938 = arith.index_cast %add3A_1937 : i32 to index
    %get3A_1939 = arith.constant 0 : index
    %get3A_1940 = vector.load %arg1[%get3A_1938, %get3A_1939] : memref<64x64xf32, #tpu.memory_space<vmem>>, vector<1x64xf32>
    %dot_general3A_1941 = arith.constant dense<0.000000e+00> : vector<1x256xf32>
    %dot_general3A_1942 = tpu.matmul %get3A_1940, %slice3A_9, %dot_general3A_1941 {dimension_numbers = #tpu.dot_dimension_numbers<[1], [1], [0], [0], [0, 0, 1, 0], [], []>, transpose_lhs_hint = false} : vector<1x64xf32>, vector<256x64xf32>, vector<1x256xf32> -> vector<1x256xf32>
    %add3A_1943 = vector.broadcast %dot_general3A_1942 : vector<1x256xf32> to vector<512x256xf32>
    %add3A_1944 = arith.addf %dot_general3A_8, %add3A_1943 : vector<512x256xf32>
    %dot_general3A_1945 = arith.constant dense<0.000000e+00> : vector<512x2xf32>
    %dot_general3A_1946 = tpu.matmul %add3A_1944, %concatenate3A_29, %dot_general3A_1945 {dimension_numbers = #tpu.dot_dimension_numbers<[1], [1], [0], [0], [0, 0, 1, 0], [], []>, transpose_lhs_hint = false} : vector<512x256xf32>, vector<2x256xf32>, vector<512x2xf32> -> vector<512x2xf32>
    %dot_general3A_1947 = arith.constant dense<0.000000e+00> : vector<2x512xf32>
    %dot_general3A_1948 = tpu.matmul %concatenate3A_18, %add3A_1944, %dot_general3A_1947 {dimension_numbers = #tpu.dot_dimension_numbers<[1], [1], [0], [0], [0, 0, 1, 0], [], []>, transpose_lhs_hint = false} : vector<2x256xf32>, vector<512x256xf32>, vector<2x512xf32> -> vector<2x512xf32>
    %broadcast_in_dim3A_1949 = arith.constant 1.000000e+00 : bf16
    %broadcast_in_dim3A_1950 = vector.broadcast %broadcast_in_dim3A_1949 : bf16 to vector<512x1xbf16>
    %slice3A_1951 = vector.extract_strided_slice %add3A_1944 {offsets = [0, 0], sizes = [512, 128], strides = [1, 1]} : vector<512x256xf32> to vector<512x128xf32>
    %slice3A_1952 = vector.extract_strided_slice %dot_general3A_1948 {offsets = [0, 0], sizes = [1, 512], strides = [1, 1]} : vector<2x512xf32> to vector<1x512xf32>
    %slice3A_1953 = vector.extract_strided_slice %dot_general3A_1946 {offsets = [0, 0], sizes = [512, 1], strides = [1, 1]} : vector<512x2xf32> to vector<512x1xf32>
    %reduce_max3A_1954 = vector.shape_cast %slice3A_1952 : vector<1x512xf32> to vector<1x1x512xf32>
    %reduce_max3A_1955 = arith.constant dense<0xFF800000> : vector<1xf32>
    %reduce_max3A_1956 = vector.multi_reduction <maximumf>, %reduce_max3A_1954, %reduce_max3A_1955 [1, 2] : vector<1x1x512xf32> to vector<1xf32>
    %reduce_max3A_1957 = vector.shape_cast %reduce_max3A_1956 : vector<1xf32> to vector<1x1x1xf32>
    %reduce_max3A_1958 = vector.extract %reduce_max3A_1957[0, 0, 0] : f32 from vector<1x1x1xf32>
    %add3A_1959 = vector.broadcast %reduce_max3A_1958 : f32 to vector<512x1xf32>
    %add3A_1960 = arith.addf %slice3A_1953, %add3A_1959 : vector<512x1xf32>
    %sub3A_1961 = vector.broadcast %reduce_max3A_1958 : f32 to vector<1x512xf32>
    %sub3A_1962 = arith.subf %slice3A_1952, %sub3A_1961 : vector<1x512xf32>
    %exp3A_1963 = math.exp %sub3A_1962 : vector<1x512xf32>
    %convert_element_type3A_1964 = arith.truncf %exp3A_1963 : vector<1x512xf32> to vector<1x512xbf16>
    %sub3A_1965 = vector.broadcast %reduce_max3A_1958 : f32 to vector<1x512xf32>
    %sub3A_1966 = arith.subf %slice3A_1952, %sub3A_1965 : vector<1x512xf32>
    %mul3A_1967 = arith.constant 2.000000e-01 : f32
    %mul3A_1968 = vector.broadcast %mul3A_1967 : f32 to vector<1x512xf32>
    %mul3A_1969 = arith.mulf %mul3A_1968, %sub3A_1966 : vector<1x512xf32>
    %exp3A_1970 = math.exp %mul3A_1969 : vector<1x512xf32>
    %convert_element_type3A_1971 = arith.truncf %exp3A_1970 : vector<1x512xf32> to vector<1x512xbf16>
    %min3A_1972 = arith.constant 0.000000e+00 : f32
    %min3A_1973 = vector.broadcast %min3A_1972 : f32 to vector<512x1xf32>
    %min3A_1974 = arith.minimumf %add3A_1960, %min3A_1973 : vector<512x1xf32>
    %mul3A_1975 = arith.constant 8.000000e-01 : f32
    %mul3A_1976 = vector.broadcast %mul3A_1975 : f32 to vector<512x1xf32>
    %mul3A_1977 = arith.mulf %mul3A_1976, %min3A_1974 : vector<512x1xf32>
    %exp3A_1978 = math.exp %mul3A_1977 : vector<512x1xf32>
    %convert_element_type3A_1979 = arith.truncf %exp3A_1978 : vector<512x1xf32> to vector<512x1xbf16>
    %max3A_1980 = arith.constant 0.000000e+00 : f32
    %max3A_1981 = vector.broadcast %max3A_1980 : f32 to vector<512x1xf32>
    %max3A_1982 = arith.maximumf %add3A_1960, %max3A_1981 : vector<512x1xf32>
    %mul3A_1983 = arith.constant -8.000000e-01 : f32
    %mul3A_1984 = vector.broadcast %mul3A_1983 : f32 to vector<512x1xf32>
    %mul3A_1985 = arith.mulf %mul3A_1984, %max3A_1982 : vector<512x1xf32>
    %exp3A_1986 = math.exp %mul3A_1985 : vector<512x1xf32>
    %convert_element_type3A_1987 = arith.truncf %exp3A_1986 : vector<512x1xf32> to vector<512x1xbf16>
    %mul3A_1988 = vector.broadcast %convert_element_type3A_1979 : vector<512x1xbf16> to vector<512x512xbf16>
    %mul3A_1989 = vector.broadcast %convert_element_type3A_1964 : vector<1x512xbf16> to vector<512x512xbf16>
    %mul3A_1990 = arith.mulf %mul3A_1988, %mul3A_1989 : vector<512x512xbf16>
    %mul3A_1991 = vector.broadcast %convert_element_type3A_1987 : vector<512x1xbf16> to vector<512x512xbf16>
    %mul3A_1992 = vector.broadcast %convert_element_type3A_1971 : vector<1x512xbf16> to vector<512x512xbf16>
    %mul3A_1993 = arith.mulf %mul3A_1991, %mul3A_1992 : vector<512x512xbf16>
    %max3A_1994 = arith.maximumf %mul3A_1990, %mul3A_1993 : vector<512x512xbf16>
    %mul3A_1995 = arith.mulf %convert_element_type3A, %max3A_1994 : vector<512x512xbf16>
    %convert_element_type3A_1996 = arith.truncf %slice3A_1951 : vector<512x128xf32> to vector<512x128xbf16>
    %concatenate3A_1997 = tpu.concatenate %convert_element_type3A_1996, %broadcast_in_dim3A_1950 in 1 : vector<512x128xbf16>, vector<512x1xbf16> -> vector<512x129xbf16>
    %dot_general3A_1998 = arith.constant dense<0.000000e+00> : vector<512x129xf32>
    %dot_general3A_1999 = tpu.matmul %mul3A_1995, %concatenate3A_1997, %dot_general3A_1998 {dimension_numbers = #tpu.dot_dimension_numbers<[1], [0], [0], [1], [0, 0, 1, 1], [], []>, transpose_lhs_hint = false} : vector<512x512xbf16>, vector<512x129xbf16>, vector<512x129xf32> -> vector<512x129xf32>
    %slice3A_2000 = vector.extract_strided_slice %dot_general3A_1999 {offsets = [0, 0], sizes = [512, 128], strides = [1, 1]} : vector<512x129xf32> to vector<512x128xf32>
    %slice3A_2001 = vector.extract_strided_slice %dot_general3A_1999 {offsets = [0, 128], sizes = [512, 1], strides = [1, 1]} : vector<512x129xf32> to vector<512x1xf32>
    %max3A_2002 = arith.constant 1.000000e-30 : f32
    %max3A_2003 = vector.broadcast %max3A_2002 : f32 to vector<512x1xf32>
    %max3A_2004 = arith.maximumf %slice3A_2001, %max3A_2003 : vector<512x1xf32>
    %reciprocal3A_2005 = tpu.reciprocal %max3A_2004 {approx = true} : vector<512x1xf32> -> vector<512x1xf32>
    %mul3A_2006 = vector.broadcast %reciprocal3A_2005 : vector<512x1xf32> to vector<512x128xf32>
    %mul3A_2007 = arith.mulf %slice3A_2000, %mul3A_2006 : vector<512x128xf32>
    %slice3A_2008 = vector.extract_strided_slice %add3A_1944 {offsets = [0, 128], sizes = [512, 128], strides = [1, 1]} : vector<512x256xf32> to vector<512x128xf32>
    %slice3A_2009 = vector.extract_strided_slice %dot_general3A_1948 {offsets = [1, 0], sizes = [1, 512], strides = [1, 1]} : vector<2x512xf32> to vector<1x512xf32>
    %slice3A_2010 = vector.extract_strided_slice %dot_general3A_1946 {offsets = [0, 1], sizes = [512, 1], strides = [1, 1]} : vector<512x2xf32> to vector<512x1xf32>
    %reduce_max3A_2011 = vector.shape_cast %slice3A_2009 : vector<1x512xf32> to vector<1x1x512xf32>
    %reduce_max3A_2012 = arith.constant dense<0xFF800000> : vector<1xf32>
    %reduce_max3A_2013 = vector.multi_reduction <maximumf>, %reduce_max3A_2011, %reduce_max3A_2012 [1, 2] : vector<1x1x512xf32> to vector<1xf32>
    %reduce_max3A_2014 = vector.shape_cast %reduce_max3A_2013 : vector<1xf32> to vector<1x1x1xf32>
    %reduce_max3A_2015 = vector.extract %reduce_max3A_2014[0, 0, 0] : f32 from vector<1x1x1xf32>
    %add3A_2016 = vector.broadcast %reduce_max3A_2015 : f32 to vector<512x1xf32>
    %add3A_2017 = arith.addf %slice3A_2010, %add3A_2016 : vector<512x1xf32>
    %sub3A_2018 = vector.broadcast %reduce_max3A_2015 : f32 to vector<1x512xf32>
    %sub3A_2019 = arith.subf %slice3A_2009, %sub3A_2018 : vector<1x512xf32>
    %exp3A_2020 = math.exp %sub3A_2019 : vector<1x512xf32>
    %convert_element_type3A_2021 = arith.truncf %exp3A_2020 : vector<1x512xf32> to vector<1x512xbf16>
    %sub3A_2022 = vector.broadcast %reduce_max3A_2015 : f32 to vector<1x512xf32>
    %sub3A_2023 = arith.subf %slice3A_2009, %sub3A_2022 : vector<1x512xf32>
    %mul3A_2024 = arith.constant 2.000000e-01 : f32
    %mul3A_2025 = vector.broadcast %mul3A_2024 : f32 to vector<1x512xf32>
    %mul3A_2026 = arith.mulf %mul3A_2025, %sub3A_2023 : vector<1x512xf32>
    %exp3A_2027 = math.exp %mul3A_2026 : vector<1x512xf32>
    %convert_element_type3A_2028 = arith.truncf %exp3A_2027 : vector<1x512xf32> to vector<1x512xbf16>
    %min3A_2029 = arith.constant 0.000000e+00 : f32
    %min3A_2030 = vector.broadcast %min3A_2029 : f32 to vector<512x1xf32>
    %min3A_2031 = arith.minimumf %add3A_2017, %min3A_2030 : vector<512x1xf32>
    %mul3A_2032 = arith.constant 8.000000e-01 : f32
    %mul3A_2033 = vector.broadcast %mul3A_2032 : f32 to vector<512x1xf32>
    %mul3A_2034 = arith.mulf %mul3A_2033, %min3A_2031 : vector<512x1xf32>
    %exp3A_2035 = math.exp %mul3A_2034 : vector<512x1xf32>
    %convert_element_type3A_2036 = arith.truncf %exp3A_2035 : vector<512x1xf32> to vector<512x1xbf16>
    %max3A_2037 = arith.constant 0.000000e+00 : f32
    %max3A_2038 = vector.broadcast %max3A_2037 : f32 to vector<512x1xf32>
    %max3A_2039 = arith.maximumf %add3A_2017, %max3A_2038 : vector<512x1xf32>
    %mul3A_2040 = arith.constant -8.000000e-01 : f32
    %mul3A_2041 = vector.broadcast %mul3A_2040 : f32 to vector<512x1xf32>
    %mul3A_2042 = arith.mulf %mul3A_2041, %max3A_2039 : vector<512x1xf32>
    %exp3A_2043 = math.exp %mul3A_2042 : vector<512x1xf32>
    %convert_element_type3A_2044 = arith.truncf %exp3A_2043 : vector<512x1xf32> to vector<512x1xbf16>
    %mul3A_2045 = vector.broadcast %convert_element_type3A_2036 : vector<512x1xbf16> to vector<512x512xbf16>
    %mul3A_2046 = vector.broadcast %convert_element_type3A_2021 : vector<1x512xbf16> to vector<512x512xbf16>
    %mul3A_2047 = arith.mulf %mul3A_2045, %mul3A_2046 : vector<512x512xbf16>
    %mul3A_2048 = vector.broadcast %convert_element_type3A_2044 : vector<512x1xbf16> to vector<512x512xbf16>
    %mul3A_2049 = vector.broadcast %convert_element_type3A_2028 : vector<1x512xbf16> to vector<512x512xbf16>
    %mul3A_2050 = arith.mulf %mul3A_2048, %mul3A_2049 : vector<512x512xbf16>
    %max3A_2051 = arith.maximumf %mul3A_2047, %mul3A_2050 : vector<512x512xbf16>
    %mul3A_2052 = arith.mulf %convert_element_type3A, %max3A_2051 : vector<512x512xbf16>
    %convert_element_type3A_2053 = arith.truncf %slice3A_2008 : vector<512x128xf32> to vector<512x128xbf16>
    %concatenate3A_2054 = tpu.concatenate %convert_element_type3A_2053, %broadcast_in_dim3A_1950 in 1 : vector<512x128xbf16>, vector<512x1xbf16> -> vector<512x129xbf16>
    %dot_general3A_2055 = arith.constant dense<0.000000e+00> : vector<512x129xf32>
    %dot_general3A_2056 = tpu.matmul %mul3A_2052, %concatenate3A_2054, %dot_general3A_2055 {dimension_numbers = #tpu.dot_dimension_numbers<[1], [0], [0], [1], [0, 0, 1, 1], [], []>, transpose_lhs_hint = false} : vector<512x512xbf16>, vector<512x129xbf16>, vector<512x129xf32> -> vector<512x129xf32>
    %slice3A_2057 = vector.extract_strided_slice %dot_general3A_2056 {offsets = [0, 0], sizes = [512, 128], strides = [1, 1]} : vector<512x129xf32> to vector<512x128xf32>
    %slice3A_2058 = vector.extract_strided_slice %dot_general3A_2056 {offsets = [0, 128], sizes = [512, 1], strides = [1, 1]} : vector<512x129xf32> to vector<512x1xf32>
    %max3A_2059 = arith.constant 1.000000e-30 : f32
    %max3A_2060 = vector.broadcast %max3A_2059 : f32 to vector<512x1xf32>
    %max3A_2061 = arith.maximumf %slice3A_2058, %max3A_2060 : vector<512x1xf32>
    %reciprocal3A_2062 = tpu.reciprocal %max3A_2061 {approx = true} : vector<512x1xf32> -> vector<512x1xf32>
    %mul3A_2063 = vector.broadcast %reciprocal3A_2062 : vector<512x1xf32> to vector<512x128xf32>
    %mul3A_2064 = arith.mulf %slice3A_2057, %mul3A_2063 : vector<512x128xf32>
    %add3A_2065 = arith.addf %mul3A_2007, %mul3A_2064 : vector<512x128xf32>
    %mul3A_2066 = arith.constant 5.000000e-01 : f32
    %mul3A_2067 = vector.broadcast %mul3A_2066 : f32 to vector<512x128xf32>
    %mul3A_2068 = arith.mulf %mul3A_2067, %add3A_2065 : vector<512x128xf32>
    %get3A_2069 = arith.constant 0 : index
    %get3A_2070 = vector.load %arg7[%get3A_2069] : memref<128xf32, #tpu.memory_space<vmem>>, vector<128xf32>
    %broadcast_in_dim3A_2071 = vector.shape_cast %get3A_2070 : vector<128xf32> to vector<1x128xf32>
    %add3A_2072 = vector.broadcast %broadcast_in_dim3A_2071 : vector<1x128xf32> to vector<512x128xf32>
    %add3A_2073 = arith.addf %mul3A_2068, %add3A_2072 : vector<512x128xf32>
    %gt3A_2074 = arith.constant 0.000000e+00 : f32
    %gt3A_2075 = vector.broadcast %gt3A_2074 : f32 to vector<512x128xf32>
    %gt3A_2076 = arith.cmpf ogt, %add3A_2073, %gt3A_2075 : vector<512x128xf32>
    %exp3A_2077 = math.exp %add3A_2073 : vector<512x128xf32>
    %sub3A_2078 = arith.constant 1.000000e+00 : f32
    %sub3A_2079 = vector.broadcast %sub3A_2078 : f32 to vector<512x128xf32>
    %sub3A_2080 = arith.subf %exp3A_2077, %sub3A_2079 : vector<512x128xf32>
    %mul3A_2081 = arith.constant 1.67326319 : f32
    %mul3A_2082 = vector.broadcast %mul3A_2081 : f32 to vector<512x128xf32>
    %mul3A_2083 = arith.mulf %mul3A_2082, %sub3A_2080 : vector<512x128xf32>
    %select_n3A_2084 = arith.select %gt3A_2076, %add3A_2073, %mul3A_2083 : vector<512x128xi1>, vector<512x128xf32>
    %mul3A_2085 = arith.constant 1.05070102 : f32
    %mul3A_2086 = vector.broadcast %mul3A_2085 : f32 to vector<512x128xf32>
    %mul3A_2087 = arith.mulf %mul3A_2086, %select_n3A_2084 : vector<512x128xf32>
    %get3A_2088 = arith.constant 0 : index
    %get3A_2089 = arith.constant 0 : index
    %get3A_2090 = vector.load %arg8[%get3A_2088, %get3A_2089] : memref<128x128xf32, #tpu.memory_space<vmem>>, vector<128x128xf32>
    %dot_general3A_2091 = arith.constant dense<0.000000e+00> : vector<512x128xf32>
    %dot_general3A_2092 = tpu.matmul %mul3A_2087, %get3A_2090, %dot_general3A_2091 {dimension_numbers = #tpu.dot_dimension_numbers<[1], [1], [0], [0], [0, 0, 1, 0], [], []>, transpose_lhs_hint = false} : vector<512x128xf32>, vector<128x128xf32>, vector<512x128xf32> -> vector<512x128xf32>
    %dot_general3A_2093 = arith.constant dense<0.000000e+00> : vector<512x2xf32>
    %dot_general3A_2094 = tpu.matmul %dot_general3A_2092, %concatenate3A_51, %dot_general3A_2093 {dimension_numbers = #tpu.dot_dimension_numbers<[1], [1], [0], [0], [0, 0, 1, 0], [], []>, transpose_lhs_hint = false} : vector<512x128xf32>, vector<2x128xf32>, vector<512x2xf32> -> vector<512x2xf32>
    %dot_general3A_2095 = arith.constant dense<0.000000e+00> : vector<2x512xf32>
    %dot_general3A_2096 = tpu.matmul %concatenate3A_40, %dot_general3A_2092, %dot_general3A_2095 {dimension_numbers = #tpu.dot_dimension_numbers<[1], [1], [0], [0], [0, 0, 1, 0], [], []>, transpose_lhs_hint = false} : vector<2x128xf32>, vector<512x128xf32>, vector<2x512xf32> -> vector<2x512xf32>
    %broadcast_in_dim3A_2097 = arith.constant 1.000000e+00 : bf16
    %broadcast_in_dim3A_2098 = vector.broadcast %broadcast_in_dim3A_2097 : bf16 to vector<512x1xbf16>
    %slice3A_2099 = vector.extract_strided_slice %dot_general3A_2092 {offsets = [0, 0], sizes = [512, 64], strides = [1, 1]} : vector<512x128xf32> to vector<512x64xf32>
    %slice3A_2100 = vector.extract_strided_slice %dot_general3A_2096 {offsets = [0, 0], sizes = [1, 512], strides = [1, 1]} : vector<2x512xf32> to vector<1x512xf32>
    %slice3A_2101 = vector.extract_strided_slice %dot_general3A_2094 {offsets = [0, 0], sizes = [512, 1], strides = [1, 1]} : vector<512x2xf32> to vector<512x1xf32>
    %reduce_max3A_2102 = vector.shape_cast %slice3A_2100 : vector<1x512xf32> to vector<1x1x512xf32>
    %reduce_max3A_2103 = arith.constant dense<0xFF800000> : vector<1xf32>
    %reduce_max3A_2104 = vector.multi_reduction <maximumf>, %reduce_max3A_2102, %reduce_max3A_2103 [1, 2] : vector<1x1x512xf32> to vector<1xf32>
    %reduce_max3A_2105 = vector.shape_cast %reduce_max3A_2104 : vector<1xf32> to vector<1x1x1xf32>
    %reduce_max3A_2106 = vector.extract %reduce_max3A_2105[0, 0, 0] : f32 from vector<1x1x1xf32>
    %add3A_2107 = vector.broadcast %reduce_max3A_2106 : f32 to vector<512x1xf32>
    %add3A_2108 = arith.addf %slice3A_2101, %add3A_2107 : vector<512x1xf32>
    %sub3A_2109 = vector.broadcast %reduce_max3A_2106 : f32 to vector<1x512xf32>
    %sub3A_2110 = arith.subf %slice3A_2100, %sub3A_2109 : vector<1x512xf32>
    %exp3A_2111 = math.exp %sub3A_2110 : vector<1x512xf32>
    %convert_element_type3A_2112 = arith.truncf %exp3A_2111 : vector<1x512xf32> to vector<1x512xbf16>
    %sub3A_2113 = vector.broadcast %reduce_max3A_2106 : f32 to vector<1x512xf32>
    %sub3A_2114 = arith.subf %slice3A_2100, %sub3A_2113 : vector<1x512xf32>
    %mul3A_2115 = arith.constant 2.000000e-01 : f32
    %mul3A_2116 = vector.broadcast %mul3A_2115 : f32 to vector<1x512xf32>
    %mul3A_2117 = arith.mulf %mul3A_2116, %sub3A_2114 : vector<1x512xf32>
    %exp3A_2118 = math.exp %mul3A_2117 : vector<1x512xf32>
    %convert_element_type3A_2119 = arith.truncf %exp3A_2118 : vector<1x512xf32> to vector<1x512xbf16>
    %min3A_2120 = arith.constant 0.000000e+00 : f32
    %min3A_2121 = vector.broadcast %min3A_2120 : f32 to vector<512x1xf32>
    %min3A_2122 = arith.minimumf %add3A_2108, %min3A_2121 : vector<512x1xf32>
    %mul3A_2123 = arith.constant 8.000000e-01 : f32
    %mul3A_2124 = vector.broadcast %mul3A_2123 : f32 to vector<512x1xf32>
    %mul3A_2125 = arith.mulf %mul3A_2124, %min3A_2122 : vector<512x1xf32>
    %exp3A_2126 = math.exp %mul3A_2125 : vector<512x1xf32>
    %convert_element_type3A_2127 = arith.truncf %exp3A_2126 : vector<512x1xf32> to vector<512x1xbf16>
    %max3A_2128 = arith.constant 0.000000e+00 : f32
    %max3A_2129 = vector.broadcast %max3A_2128 : f32 to vector<512x1xf32>
    %max3A_2130 = arith.maximumf %add3A_2108, %max3A_2129 : vector<512x1xf32>
    %mul3A_2131 = arith.constant -8.000000e-01 : f32
    %mul3A_2132 = vector.broadcast %mul3A_2131 : f32 to vector<512x1xf32>
    %mul3A_2133 = arith.mulf %mul3A_2132, %max3A_2130 : vector<512x1xf32>
    %exp3A_2134 = math.exp %mul3A_2133 : vector<512x1xf32>
    %convert_element_type3A_2135 = arith.truncf %exp3A_2134 : vector<512x1xf32> to vector<512x1xbf16>
    %mul3A_2136 = vector.broadcast %convert_element_type3A_2127 : vector<512x1xbf16> to vector<512x512xbf16>
    %mul3A_2137 = vector.broadcast %convert_element_type3A_2112 : vector<1x512xbf16> to vector<512x512xbf16>
    %mul3A_2138 = arith.mulf %mul3A_2136, %mul3A_2137 : vector<512x512xbf16>
    %mul3A_2139 = vector.broadcast %convert_element_type3A_2135 : vector<512x1xbf16> to vector<512x512xbf16>
    %mul3A_2140 = vector.broadcast %convert_element_type3A_2119 : vector<1x512xbf16> to vector<512x512xbf16>
    %mul3A_2141 = arith.mulf %mul3A_2139, %mul3A_2140 : vector<512x512xbf16>
    %max3A_2142 = arith.maximumf %mul3A_2138, %mul3A_2141 : vector<512x512xbf16>
    %mul3A_2143 = arith.mulf %convert_element_type3A, %max3A_2142 : vector<512x512xbf16>
    %convert_element_type3A_2144 = arith.truncf %slice3A_2099 : vector<512x64xf32> to vector<512x64xbf16>
    %concatenate3A_2145 = tpu.concatenate %convert_element_type3A_2144, %broadcast_in_dim3A_2098 in 1 : vector<512x64xbf16>, vector<512x1xbf16> -> vector<512x65xbf16>
    %dot_general3A_2146 = arith.constant dense<0.000000e+00> : vector<512x65xf32>
    %dot_general3A_2147 = tpu.matmul %mul3A_2143, %concatenate3A_2145, %dot_general3A_2146 {dimension_numbers = #tpu.dot_dimension_numbers<[1], [0], [0], [1], [0, 0, 1, 1], [], []>, transpose_lhs_hint = false} : vector<512x512xbf16>, vector<512x65xbf16>, vector<512x65xf32> -> vector<512x65xf32>
    %slice3A_2148 = vector.extract_strided_slice %dot_general3A_2147 {offsets = [0, 0], sizes = [512, 64], strides = [1, 1]} : vector<512x65xf32> to vector<512x64xf32>
    %slice3A_2149 = vector.extract_strided_slice %dot_general3A_2147 {offsets = [0, 64], sizes = [512, 1], strides = [1, 1]} : vector<512x65xf32> to vector<512x1xf32>
    %max3A_2150 = arith.constant 1.000000e-30 : f32
    %max3A_2151 = vector.broadcast %max3A_2150 : f32 to vector<512x1xf32>
    %max3A_2152 = arith.maximumf %slice3A_2149, %max3A_2151 : vector<512x1xf32>
    %reciprocal3A_2153 = tpu.reciprocal %max3A_2152 {approx = true} : vector<512x1xf32> -> vector<512x1xf32>
    %mul3A_2154 = vector.broadcast %reciprocal3A_2153 : vector<512x1xf32> to vector<512x64xf32>
    %mul3A_2155 = arith.mulf %slice3A_2148, %mul3A_2154 : vector<512x64xf32>
    %slice3A_2156 = vector.extract_strided_slice %dot_general3A_2092 {offsets = [0, 64], sizes = [512, 64], strides = [1, 1]} : vector<512x128xf32> to vector<512x64xf32>
    %slice3A_2157 = vector.extract_strided_slice %dot_general3A_2096 {offsets = [1, 0], sizes = [1, 512], strides = [1, 1]} : vector<2x512xf32> to vector<1x512xf32>
    %slice3A_2158 = vector.extract_strided_slice %dot_general3A_2094 {offsets = [0, 1], sizes = [512, 1], strides = [1, 1]} : vector<512x2xf32> to vector<512x1xf32>
    %reduce_max3A_2159 = vector.shape_cast %slice3A_2157 : vector<1x512xf32> to vector<1x1x512xf32>
    %reduce_max3A_2160 = arith.constant dense<0xFF800000> : vector<1xf32>
    %reduce_max3A_2161 = vector.multi_reduction <maximumf>, %reduce_max3A_2159, %reduce_max3A_2160 [1, 2] : vector<1x1x512xf32> to vector<1xf32>
    %reduce_max3A_2162 = vector.shape_cast %reduce_max3A_2161 : vector<1xf32> to vector<1x1x1xf32>
    %reduce_max3A_2163 = vector.extract %reduce_max3A_2162[0, 0, 0] : f32 from vector<1x1x1xf32>
    %add3A_2164 = vector.broadcast %reduce_max3A_2163 : f32 to vector<512x1xf32>
    %add3A_2165 = arith.addf %slice3A_2158, %add3A_2164 : vector<512x1xf32>
    %sub3A_2166 = vector.broadcast %reduce_max3A_2163 : f32 to vector<1x512xf32>
    %sub3A_2167 = arith.subf %slice3A_2157, %sub3A_2166 : vector<1x512xf32>
    %exp3A_2168 = math.exp %sub3A_2167 : vector<1x512xf32>
    %convert_element_type3A_2169 = arith.truncf %exp3A_2168 : vector<1x512xf32> to vector<1x512xbf16>
    %sub3A_2170 = vector.broadcast %reduce_max3A_2163 : f32 to vector<1x512xf32>
    %sub3A_2171 = arith.subf %slice3A_2157, %sub3A_2170 : vector<1x512xf32>
    %mul3A_2172 = arith.constant 2.000000e-01 : f32
    %mul3A_2173 = vector.broadcast %mul3A_2172 : f32 to vector<1x512xf32>
    %mul3A_2174 = arith.mulf %mul3A_2173, %sub3A_2171 : vector<1x512xf32>
    %exp3A_2175 = math.exp %mul3A_2174 : vector<1x512xf32>
    %convert_element_type3A_2176 = arith.truncf %exp3A_2175 : vector<1x512xf32> to vector<1x512xbf16>
    %min3A_2177 = arith.constant 0.000000e+00 : f32
    %min3A_2178 = vector.broadcast %min3A_2177 : f32 to vector<512x1xf32>
    %min3A_2179 = arith.minimumf %add3A_2165, %min3A_2178 : vector<512x1xf32>
    %mul3A_2180 = arith.constant 8.000000e-01 : f32
    %mul3A_2181 = vector.broadcast %mul3A_2180 : f32 to vector<512x1xf32>
    %mul3A_2182 = arith.mulf %mul3A_2181, %min3A_2179 : vector<512x1xf32>
    %exp3A_2183 = math.exp %mul3A_2182 : vector<512x1xf32>
    %convert_element_type3A_2184 = arith.truncf %exp3A_2183 : vector<512x1xf32> to vector<512x1xbf16>
    %max3A_2185 = arith.constant 0.000000e+00 : f32
    %max3A_2186 = vector.broadcast %max3A_2185 : f32 to vector<512x1xf32>
    %max3A_2187 = arith.maximumf %add3A_2165, %max3A_2186 : vector<512x1xf32>
    %mul3A_2188 = arith.constant -8.000000e-01 : f32
    %mul3A_2189 = vector.broadcast %mul3A_2188 : f32 to vector<512x1xf32>
    %mul3A_2190 = arith.mulf %mul3A_2189, %max3A_2187 : vector<512x1xf32>
    %exp3A_2191 = math.exp %mul3A_2190 : vector<512x1xf32>
    %convert_element_type3A_2192 = arith.truncf %exp3A_2191 : vector<512x1xf32> to vector<512x1xbf16>
    %mul3A_2193 = vector.broadcast %convert_element_type3A_2184 : vector<512x1xbf16> to vector<512x512xbf16>
    %mul3A_2194 = vector.broadcast %convert_element_type3A_2169 : vector<1x512xbf16> to vector<512x512xbf16>
    %mul3A_2195 = arith.mulf %mul3A_2193, %mul3A_2194 : vector<512x512xbf16>
    %mul3A_2196 = vector.broadcast %convert_element_type3A_2192 : vector<512x1xbf16> to vector<512x512xbf16>
    %mul3A_2197 = vector.broadcast %convert_element_type3A_2176 : vector<1x512xbf16> to vector<512x512xbf16>
    %mul3A_2198 = arith.mulf %mul3A_2196, %mul3A_2197 : vector<512x512xbf16>
    %max3A_2199 = arith.maximumf %mul3A_2195, %mul3A_2198 : vector<512x512xbf16>
    %mul3A_2200 = arith.mulf %convert_element_type3A, %max3A_2199 : vector<512x512xbf16>
    %convert_element_type3A_2201 = arith.truncf %slice3A_2156 : vector<512x64xf32> to vector<512x64xbf16>
    %concatenate3A_2202 = tpu.concatenate %convert_element_type3A_2201, %broadcast_in_dim3A_2098 in 1 : vector<512x64xbf16>, vector<512x1xbf16> -> vector<512x65xbf16>
    %dot_general3A_2203 = arith.constant dense<0.000000e+00> : vector<512x65xf32>
    %dot_general3A_2204 = tpu.matmul %mul3A_2200, %concatenate3A_2202, %dot_general3A_2203 {dimension_numbers = #tpu.dot_dimension_numbers<[1], [0], [0], [1], [0, 0, 1, 1], [], []>, transpose_lhs_hint = false} : vector<512x512xbf16>, vector<512x65xbf16>, vector<512x65xf32> -> vector<512x65xf32>
    %slice3A_2205 = vector.extract_strided_slice %dot_general3A_2204 {offsets = [0, 0], sizes = [512, 64], strides = [1, 1]} : vector<512x65xf32> to vector<512x64xf32>
    %slice3A_2206 = vector.extract_strided_slice %dot_general3A_2204 {offsets = [0, 64], sizes = [512, 1], strides = [1, 1]} : vector<512x65xf32> to vector<512x1xf32>
    %max3A_2207 = arith.constant 1.000000e-30 : f32
    %max3A_2208 = vector.broadcast %max3A_2207 : f32 to vector<512x1xf32>
    %max3A_2209 = arith.maximumf %slice3A_2206, %max3A_2208 : vector<512x1xf32>
    %reciprocal3A_2210 = tpu.reciprocal %max3A_2209 {approx = true} : vector<512x1xf32> -> vector<512x1xf32>
    %mul3A_2211 = vector.broadcast %reciprocal3A_2210 : vector<512x1xf32> to vector<512x64xf32>
    %mul3A_2212 = arith.mulf %slice3A_2205, %mul3A_2211 : vector<512x64xf32>
    %add3A_2213 = arith.addf %mul3A_2155, %mul3A_2212 : vector<512x64xf32>
    %mul3A_2214 = arith.constant 5.000000e-01 : f32
    %mul3A_2215 = vector.broadcast %mul3A_2214 : f32 to vector<512x64xf32>
    %mul3A_2216 = arith.mulf %mul3A_2215, %add3A_2213 : vector<512x64xf32>
    %get3A_2217 = arith.constant 0 : index
    %get3A_2218 = vector.load %arg11[%get3A_2217] : memref<64xf32, #tpu.memory_space<vmem>>, vector<64xf32>
    %broadcast_in_dim3A_2219 = vector.shape_cast %get3A_2218 : vector<64xf32> to vector<1x64xf32>
    %add3A_2220 = vector.broadcast %broadcast_in_dim3A_2219 : vector<1x64xf32> to vector<512x64xf32>
    %add3A_2221 = arith.addf %mul3A_2216, %add3A_2220 : vector<512x64xf32>
    %gt3A_2222 = arith.constant 0.000000e+00 : f32
    %gt3A_2223 = vector.broadcast %gt3A_2222 : f32 to vector<512x64xf32>
    %gt3A_2224 = arith.cmpf ogt, %add3A_2221, %gt3A_2223 : vector<512x64xf32>
    %exp3A_2225 = math.exp %add3A_2221 : vector<512x64xf32>
    %sub3A_2226 = arith.constant 1.000000e+00 : f32
    %sub3A_2227 = vector.broadcast %sub3A_2226 : f32 to vector<512x64xf32>
    %sub3A_2228 = arith.subf %exp3A_2225, %sub3A_2227 : vector<512x64xf32>
    %mul3A_2229 = arith.constant 1.67326319 : f32
    %mul3A_2230 = vector.broadcast %mul3A_2229 : f32 to vector<512x64xf32>
    %mul3A_2231 = arith.mulf %mul3A_2230, %sub3A_2228 : vector<512x64xf32>
    %select_n3A_2232 = arith.select %gt3A_2224, %add3A_2221, %mul3A_2231 : vector<512x64xi1>, vector<512x64xf32>
    %mul3A_2233 = arith.constant 1.05070102 : f32
    %mul3A_2234 = vector.broadcast %mul3A_2233 : f32 to vector<512x64xf32>
    %mul3A_2235 = arith.mulf %mul3A_2234, %select_n3A_2232 : vector<512x64xf32>
    %get3A_2236 = arith.constant 0 : index
    %get3A_2237 = arith.constant 0 : index
    %get3A_2238 = vector.load %arg12[%get3A_2236, %get3A_2237] : memref<64x64xf32, #tpu.memory_space<vmem>>, vector<64x64xf32>
    %dot_general3A_2239 = arith.constant dense<0.000000e+00> : vector<512x64xf32>
    %dot_general3A_2240 = tpu.matmul %mul3A_2235, %get3A_2238, %dot_general3A_2239 {dimension_numbers = #tpu.dot_dimension_numbers<[1], [1], [0], [0], [0, 0, 1, 0], [], []>, transpose_lhs_hint = false} : vector<512x64xf32>, vector<64x64xf32>, vector<512x64xf32> -> vector<512x64xf32>
    %dot_general3A_2241 = arith.constant dense<0.000000e+00> : vector<512x2xf32>
    %dot_general3A_2242 = tpu.matmul %dot_general3A_2240, %concatenate3A_73, %dot_general3A_2241 {dimension_numbers = #tpu.dot_dimension_numbers<[1], [1], [0], [0], [0, 0, 1, 0], [], []>, transpose_lhs_hint = false} : vector<512x64xf32>, vector<2x64xf32>, vector<512x2xf32> -> vector<512x2xf32>
    %dot_general3A_2243 = arith.constant dense<0.000000e+00> : vector<2x512xf32>
    %dot_general3A_2244 = tpu.matmul %concatenate3A_62, %dot_general3A_2240, %dot_general3A_2243 {dimension_numbers = #tpu.dot_dimension_numbers<[1], [1], [0], [0], [0, 0, 1, 0], [], []>, transpose_lhs_hint = false} : vector<2x64xf32>, vector<512x64xf32>, vector<2x512xf32> -> vector<2x512xf32>
    %broadcast_in_dim3A_2245 = arith.constant 1.000000e+00 : bf16
    %broadcast_in_dim3A_2246 = vector.broadcast %broadcast_in_dim3A_2245 : bf16 to vector<512x1xbf16>
    %slice3A_2247 = vector.extract_strided_slice %dot_general3A_2240 {offsets = [0, 0], sizes = [512, 32], strides = [1, 1]} : vector<512x64xf32> to vector<512x32xf32>
    %slice3A_2248 = vector.extract_strided_slice %dot_general3A_2244 {offsets = [0, 0], sizes = [1, 512], strides = [1, 1]} : vector<2x512xf32> to vector<1x512xf32>
    %slice3A_2249 = vector.extract_strided_slice %dot_general3A_2242 {offsets = [0, 0], sizes = [512, 1], strides = [1, 1]} : vector<512x2xf32> to vector<512x1xf32>
    %reduce_max3A_2250 = vector.shape_cast %slice3A_2248 : vector<1x512xf32> to vector<1x1x512xf32>
    %reduce_max3A_2251 = arith.constant dense<0xFF800000> : vector<1xf32>
    %reduce_max3A_2252 = vector.multi_reduction <maximumf>, %reduce_max3A_2250, %reduce_max3A_2251 [1, 2] : vector<1x1x512xf32> to vector<1xf32>
    %reduce_max3A_2253 = vector.shape_cast %reduce_max3A_2252 : vector<1xf32> to vector<1x1x1xf32>
    %reduce_max3A_2254 = vector.extract %reduce_max3A_2253[0, 0, 0] : f32 from vector<1x1x1xf32>
    %add3A_2255 = vector.broadcast %reduce_max3A_2254 : f32 to vector<512x1xf32>
    %add3A_2256 = arith.addf %slice3A_2249, %add3A_2255 : vector<512x1xf32>
    %sub3A_2257 = vector.broadcast %reduce_max3A_2254 : f32 to vector<1x512xf32>
    %sub3A_2258 = arith.subf %slice3A_2248, %sub3A_2257 : vector<1x512xf32>
    %exp3A_2259 = math.exp %sub3A_2258 : vector<1x512xf32>
    %convert_element_type3A_2260 = arith.truncf %exp3A_2259 : vector<1x512xf32> to vector<1x512xbf16>
    %sub3A_2261 = vector.broadcast %reduce_max3A_2254 : f32 to vector<1x512xf32>
    %sub3A_2262 = arith.subf %slice3A_2248, %sub3A_2261 : vector<1x512xf32>
    %mul3A_2263 = arith.constant 2.000000e-01 : f32
    %mul3A_2264 = vector.broadcast %mul3A_2263 : f32 to vector<1x512xf32>
    %mul3A_2265 = arith.mulf %mul3A_2264, %sub3A_2262 : vector<1x512xf32>
    %exp3A_2266 = math.exp %mul3A_2265 : vector<1x512xf32>
    %convert_element_type3A_2267 = arith.truncf %exp3A_2266 : vector<1x512xf32> to vector<1x512xbf16>
    %min3A_2268 = arith.constant 0.000000e+00 : f32
    %min3A_2269 = vector.broadcast %min3A_2268 : f32 to vector<512x1xf32>
    %min3A_2270 = arith.minimumf %add3A_2256, %min3A_2269 : vector<512x1xf32>
    %mul3A_2271 = arith.constant 8.000000e-01 : f32
    %mul3A_2272 = vector.broadcast %mul3A_2271 : f32 to vector<512x1xf32>
    %mul3A_2273 = arith.mulf %mul3A_2272, %min3A_2270 : vector<512x1xf32>
    %exp3A_2274 = math.exp %mul3A_2273 : vector<512x1xf32>
    %convert_element_type3A_2275 = arith.truncf %exp3A_2274 : vector<512x1xf32> to vector<512x1xbf16>
    %max3A_2276 = arith.constant 0.000000e+00 : f32
    %max3A_2277 = vector.broadcast %max3A_2276 : f32 to vector<512x1xf32>
    %max3A_2278 = arith.maximumf %add3A_2256, %max3A_2277 : vector<512x1xf32>
    %mul3A_2279 = arith.constant -8.000000e-01 : f32
    %mul3A_2280 = vector.broadcast %mul3A_2279 : f32 to vector<512x1xf32>
    %mul3A_2281 = arith.mulf %mul3A_2280, %max3A_2278 : vector<512x1xf32>
    %exp3A_2282 = math.exp %mul3A_2281 : vector<512x1xf32>
    %convert_element_type3A_2283 = arith.truncf %exp3A_2282 : vector<512x1xf32> to vector<512x1xbf16>
    %mul3A_2284 = vector.broadcast %convert_element_type3A_2275 : vector<512x1xbf16> to vector<512x512xbf16>
    %mul3A_2285 = vector.broadcast %convert_element_type3A_2260 : vector<1x512xbf16> to vector<512x512xbf16>
    %mul3A_2286 = arith.mulf %mul3A_2284, %mul3A_2285 : vector<512x512xbf16>
    %mul3A_2287 = vector.broadcast %convert_element_type3A_2283 : vector<512x1xbf16> to vector<512x512xbf16>
    %mul3A_2288 = vector.broadcast %convert_element_type3A_2267 : vector<1x512xbf16> to vector<512x512xbf16>
    %mul3A_2289 = arith.mulf %mul3A_2287, %mul3A_2288 : vector<512x512xbf16>
    %max3A_2290 = arith.maximumf %mul3A_2286, %mul3A_2289 : vector<512x512xbf16>
    %mul3A_2291 = arith.mulf %convert_element_type3A, %max3A_2290 : vector<512x512xbf16>
    %convert_element_type3A_2292 = arith.truncf %slice3A_2247 : vector<512x32xf32> to vector<512x32xbf16>
    %concatenate3A_2293 = tpu.concatenate %convert_element_type3A_2292, %broadcast_in_dim3A_2246 in 1 : vector<512x32xbf16>, vector<512x1xbf16> -> vector<512x33xbf16>
    %dot_general3A_2294 = arith.constant dense<0.000000e+00> : vector<512x33xf32>
    %dot_general3A_2295 = tpu.matmul %mul3A_2291, %concatenate3A_2293, %dot_general3A_2294 {dimension_numbers = #tpu.dot_dimension_numbers<[1], [0], [0], [1], [0, 0, 1, 1], [], []>, transpose_lhs_hint = false} : vector<512x512xbf16>, vector<512x33xbf16>, vector<512x33xf32> -> vector<512x33xf32>
    %slice3A_2296 = vector.extract_strided_slice %dot_general3A_2295 {offsets = [0, 0], sizes = [512, 32], strides = [1, 1]} : vector<512x33xf32> to vector<512x32xf32>
    %slice3A_2297 = vector.extract_strided_slice %dot_general3A_2295 {offsets = [0, 32], sizes = [512, 1], strides = [1, 1]} : vector<512x33xf32> to vector<512x1xf32>
    %max3A_2298 = arith.constant 1.000000e-30 : f32
    %max3A_2299 = vector.broadcast %max3A_2298 : f32 to vector<512x1xf32>
    %max3A_2300 = arith.maximumf %slice3A_2297, %max3A_2299 : vector<512x1xf32>
    %reciprocal3A_2301 = tpu.reciprocal %max3A_2300 {approx = true} : vector<512x1xf32> -> vector<512x1xf32>
    %mul3A_2302 = vector.broadcast %reciprocal3A_2301 : vector<512x1xf32> to vector<512x32xf32>
    %mul3A_2303 = arith.mulf %slice3A_2296, %mul3A_2302 : vector<512x32xf32>
    %slice3A_2304 = vector.extract_strided_slice %dot_general3A_2240 {offsets = [0, 32], sizes = [512, 32], strides = [1, 1]} : vector<512x64xf32> to vector<512x32xf32>
    %slice3A_2305 = vector.extract_strided_slice %dot_general3A_2244 {offsets = [1, 0], sizes = [1, 512], strides = [1, 1]} : vector<2x512xf32> to vector<1x512xf32>
    %slice3A_2306 = vector.extract_strided_slice %dot_general3A_2242 {offsets = [0, 1], sizes = [512, 1], strides = [1, 1]} : vector<512x2xf32> to vector<512x1xf32>
    %reduce_max3A_2307 = vector.shape_cast %slice3A_2305 : vector<1x512xf32> to vector<1x1x512xf32>
    %reduce_max3A_2308 = arith.constant dense<0xFF800000> : vector<1xf32>
    %reduce_max3A_2309 = vector.multi_reduction <maximumf>, %reduce_max3A_2307, %reduce_max3A_2308 [1, 2] : vector<1x1x512xf32> to vector<1xf32>
    %reduce_max3A_2310 = vector.shape_cast %reduce_max3A_2309 : vector<1xf32> to vector<1x1x1xf32>
    %reduce_max3A_2311 = vector.extract %reduce_max3A_2310[0, 0, 0] : f32 from vector<1x1x1xf32>
    %add3A_2312 = vector.broadcast %reduce_max3A_2311 : f32 to vector<512x1xf32>
    %add3A_2313 = arith.addf %slice3A_2306, %add3A_2312 : vector<512x1xf32>
    %sub3A_2314 = vector.broadcast %reduce_max3A_2311 : f32 to vector<1x512xf32>
    %sub3A_2315 = arith.subf %slice3A_2305, %sub3A_2314 : vector<1x512xf32>
    %exp3A_2316 = math.exp %sub3A_2315 : vector<1x512xf32>
    %convert_element_type3A_2317 = arith.truncf %exp3A_2316 : vector<1x512xf32> to vector<1x512xbf16>
    %sub3A_2318 = vector.broadcast %reduce_max3A_2311 : f32 to vector<1x512xf32>
    %sub3A_2319 = arith.subf %slice3A_2305, %sub3A_2318 : vector<1x512xf32>
    %mul3A_2320 = arith.constant 2.000000e-01 : f32
    %mul3A_2321 = vector.broadcast %mul3A_2320 : f32 to vector<1x512xf32>
    %mul3A_2322 = arith.mulf %mul3A_2321, %sub3A_2319 : vector<1x512xf32>
    %exp3A_2323 = math.exp %mul3A_2322 : vector<1x512xf32>
    %convert_element_type3A_2324 = arith.truncf %exp3A_2323 : vector<1x512xf32> to vector<1x512xbf16>
    %min3A_2325 = arith.constant 0.000000e+00 : f32
    %min3A_2326 = vector.broadcast %min3A_2325 : f32 to vector<512x1xf32>
    %min3A_2327 = arith.minimumf %add3A_2313, %min3A_2326 : vector<512x1xf32>
    %mul3A_2328 = arith.constant 8.000000e-01 : f32
    %mul3A_2329 = vector.broadcast %mul3A_2328 : f32 to vector<512x1xf32>
    %mul3A_2330 = arith.mulf %mul3A_2329, %min3A_2327 : vector<512x1xf32>
    %exp3A_2331 = math.exp %mul3A_2330 : vector<512x1xf32>
    %convert_element_type3A_2332 = arith.truncf %exp3A_2331 : vector<512x1xf32> to vector<512x1xbf16>
    %max3A_2333 = arith.constant 0.000000e+00 : f32
    %max3A_2334 = vector.broadcast %max3A_2333 : f32 to vector<512x1xf32>
    %max3A_2335 = arith.maximumf %add3A_2313, %max3A_2334 : vector<512x1xf32>
    %mul3A_2336 = arith.constant -8.000000e-01 : f32
    %mul3A_2337 = vector.broadcast %mul3A_2336 : f32 to vector<512x1xf32>
    %mul3A_2338 = arith.mulf %mul3A_2337, %max3A_2335 : vector<512x1xf32>
    %exp3A_2339 = math.exp %mul3A_2338 : vector<512x1xf32>
    %convert_element_type3A_2340 = arith.truncf %exp3A_2339 : vector<512x1xf32> to vector<512x1xbf16>
    %mul3A_2341 = vector.broadcast %convert_element_type3A_2332 : vector<512x1xbf16> to vector<512x512xbf16>
    %mul3A_2342 = vector.broadcast %convert_element_type3A_2317 : vector<1x512xbf16> to vector<512x512xbf16>
    %mul3A_2343 = arith.mulf %mul3A_2341, %mul3A_2342 : vector<512x512xbf16>
    %mul3A_2344 = vector.broadcast %convert_element_type3A_2340 : vector<512x1xbf16> to vector<512x512xbf16>
    %mul3A_2345 = vector.broadcast %convert_element_type3A_2324 : vector<1x512xbf16> to vector<512x512xbf16>
    %mul3A_2346 = arith.mulf %mul3A_2344, %mul3A_2345 : vector<512x512xbf16>
    %max3A_2347 = arith.maximumf %mul3A_2343, %mul3A_2346 : vector<512x512xbf16>
    %mul3A_2348 = arith.mulf %convert_element_type3A, %max3A_2347 : vector<512x512xbf16>
    %convert_element_type3A_2349 = arith.truncf %slice3A_2304 : vector<512x32xf32> to vector<512x32xbf16>
    %concatenate3A_2350 = tpu.concatenate %convert_element_type3A_2349, %broadcast_in_dim3A_2246 in 1 : vector<512x32xbf16>, vector<512x1xbf16> -> vector<512x33xbf16>
    %dot_general3A_2351 = arith.constant dense<0.000000e+00> : vector<512x33xf32>
    %dot_general3A_2352 = tpu.matmul %mul3A_2348, %concatenate3A_2350, %dot_general3A_2351 {dimension_numbers = #tpu.dot_dimension_numbers<[1], [0], [0], [1], [0, 0, 1, 1], [], []>, transpose_lhs_hint = false} : vector<512x512xbf16>, vector<512x33xbf16>, vector<512x33xf32> -> vector<512x33xf32>
    %slice3A_2353 = vector.extract_strided_slice %dot_general3A_2352 {offsets = [0, 0], sizes = [512, 32], strides = [1, 1]} : vector<512x33xf32> to vector<512x32xf32>
    %slice3A_2354 = vector.extract_strided_slice %dot_general3A_2352 {offsets = [0, 32], sizes = [512, 1], strides = [1, 1]} : vector<512x33xf32> to vector<512x1xf32>
    %max3A_2355 = arith.constant 1.000000e-30 : f32
    %max3A_2356 = vector.broadcast %max3A_2355 : f32 to vector<512x1xf32>
    %max3A_2357 = arith.maximumf %slice3A_2354, %max3A_2356 : vector<512x1xf32>
    %reciprocal3A_2358 = tpu.reciprocal %max3A_2357 {approx = true} : vector<512x1xf32> -> vector<512x1xf32>
    %mul3A_2359 = vector.broadcast %reciprocal3A_2358 : vector<512x1xf32> to vector<512x32xf32>
    %mul3A_2360 = arith.mulf %slice3A_2353, %mul3A_2359 : vector<512x32xf32>
    %add3A_2361 = arith.addf %mul3A_2303, %mul3A_2360 : vector<512x32xf32>
    %mul3A_2362 = arith.constant 5.000000e-01 : f32
    %mul3A_2363 = vector.broadcast %mul3A_2362 : f32 to vector<512x32xf32>
    %mul3A_2364 = arith.mulf %mul3A_2363, %add3A_2361 : vector<512x32xf32>
    %get3A_2365 = arith.constant 0 : index
    %get3A_2366 = vector.load %arg15[%get3A_2365] : memref<32xf32, #tpu.memory_space<vmem>>, vector<32xf32>
    %broadcast_in_dim3A_2367 = vector.shape_cast %get3A_2366 : vector<32xf32> to vector<1x32xf32>
    %add3A_2368 = vector.broadcast %broadcast_in_dim3A_2367 : vector<1x32xf32> to vector<512x32xf32>
    %add3A_2369 = arith.addf %mul3A_2364, %add3A_2368 : vector<512x32xf32>
    %gt3A_2370 = arith.constant 0.000000e+00 : f32
    %gt3A_2371 = vector.broadcast %gt3A_2370 : f32 to vector<512x32xf32>
    %gt3A_2372 = arith.cmpf ogt, %add3A_2369, %gt3A_2371 : vector<512x32xf32>
    %exp3A_2373 = math.exp %add3A_2369 : vector<512x32xf32>
    %sub3A_2374 = arith.constant 1.000000e+00 : f32
    %sub3A_2375 = vector.broadcast %sub3A_2374 : f32 to vector<512x32xf32>
    %sub3A_2376 = arith.subf %exp3A_2373, %sub3A_2375 : vector<512x32xf32>
    %mul3A_2377 = arith.constant 1.67326319 : f32
    %mul3A_2378 = vector.broadcast %mul3A_2377 : f32 to vector<512x32xf32>
    %mul3A_2379 = arith.mulf %mul3A_2378, %sub3A_2376 : vector<512x32xf32>
    %select_n3A_2380 = arith.select %gt3A_2372, %add3A_2369, %mul3A_2379 : vector<512x32xi1>, vector<512x32xf32>
    %mul3A_2381 = arith.constant 1.05070102 : f32
    %mul3A_2382 = vector.broadcast %mul3A_2381 : f32 to vector<512x32xf32>
    %mul3A_2383 = arith.mulf %mul3A_2382, %select_n3A_2380 : vector<512x32xf32>
    %get3A_2384 = arith.constant 0 : index
    %get3A_2385 = arith.constant 0 : index
    %get3A_2386 = vector.load %arg16[%get3A_2384, %get3A_2385] : memref<1x32xf32, #tpu.memory_space<vmem>>, vector<1x32xf32>
    %mul3A_2387 = vector.broadcast %get3A_2386 : vector<1x32xf32> to vector<512x32xf32>
    %mul3A_2388 = arith.mulf %mul3A_2383, %mul3A_2387 : vector<512x32xf32>
    %reduce_sum3A_2389 = arith.constant dense<0.000000e+00> : vector<512xf32>
    %reduce_sum3A_2390 = vector.multi_reduction <add>, %mul3A_2388, %reduce_sum3A_2389 [1] : vector<512x32xf32> to vector<512xf32>
    %broadcast_in_dim3A_2391 = vector.shape_cast %reduce_sum3A_2390 : vector<512xf32> to vector<512x1xf32>
    %get3A_2392 = arith.constant 0 : index
    %get3A_2393 = vector.load %arg17[%get3A_2392] : memref<1xf32, #tpu.memory_space<vmem>>, vector<1xf32>
    %get3A_2394 = vector.extract %get3A_2393[0] : f32 from vector<1xf32>
    %add3A_2395 = vector.broadcast %get3A_2394 : f32 to vector<512x1xf32>
    %add3A_2396 = arith.addf %broadcast_in_dim3A_2391, %add3A_2395 : vector<512x1xf32>
    %broadcast_in_dim3A_2397 = vector.shape_cast %add3A_2396 : vector<512x1xf32> to vector<1x512x1xf32>
    %swap3A_2398 = arith.constant 4 : index
    %swap3A_2399 = arith.constant 0 : index
    %swap3A_2400 = arith.constant 0 : index
    %swap3A_2401 = vector.load %arg18[%swap3A_2398, %swap3A_2399, %swap3A_2400] : memref<8x512x1xf32, #tpu.memory_space<vmem>>, vector<1x512x1xf32>
    tpu.vector_store %arg18[%swap3A_2398, %swap3A_2399, %swap3A_2400], %broadcast_in_dim3A_2397 {strides = array<i32>} : memref<8x512x1xf32, #tpu.memory_space<vmem>>, vector<1x512x1xf32>,
    %mul3A_2402 = arith.constant 8 : i32
    %mul3A_2403 = arith.muli %arg0, %mul3A_2402 : i32
    %add3A_2404 = arith.constant 5 : i32
    %add3A_2405 = arith.addi %mul3A_2403, %add3A_2404 : i32
    %get3A_2406 = arith.index_cast %add3A_2405 : i32 to index
    %get3A_2407 = arith.constant 0 : index
    %get3A_2408 = vector.load %arg1[%get3A_2406, %get3A_2407] : memref<64x64xf32, #tpu.memory_space<vmem>>, vector<1x64xf32>
    %dot_general3A_2409 = arith.constant dense<0.000000e+00> : vector<1x256xf32>
    %dot_general3A_2410 = tpu.matmul %get3A_2408, %slice3A_9, %dot_general3A_2409 {dimension_numbers = #tpu.dot_dimension_numbers<[1], [1], [0], [0], [0, 0, 1, 0], [], []>, transpose_lhs_hint = false} : vector<1x64xf32>, vector<256x64xf32>, vector<1x256xf32> -> vector<1x256xf32>
    %add3A_2411 = vector.broadcast %dot_general3A_2410 : vector<1x256xf32> to vector<512x256xf32>
    %add3A_2412 = arith.addf %dot_general3A_8, %add3A_2411 : vector<512x256xf32>
    %dot_general3A_2413 = arith.constant dense<0.000000e+00> : vector<512x2xf32>
    %dot_general3A_2414 = tpu.matmul %add3A_2412, %concatenate3A_29, %dot_general3A_2413 {dimension_numbers = #tpu.dot_dimension_numbers<[1], [1], [0], [0], [0, 0, 1, 0], [], []>, transpose_lhs_hint = false} : vector<512x256xf32>, vector<2x256xf32>, vector<512x2xf32> -> vector<512x2xf32>
    %dot_general3A_2415 = arith.constant dense<0.000000e+00> : vector<2x512xf32>
    %dot_general3A_2416 = tpu.matmul %concatenate3A_18, %add3A_2412, %dot_general3A_2415 {dimension_numbers = #tpu.dot_dimension_numbers<[1], [1], [0], [0], [0, 0, 1, 0], [], []>, transpose_lhs_hint = false} : vector<2x256xf32>, vector<512x256xf32>, vector<2x512xf32> -> vector<2x512xf32>
    %broadcast_in_dim3A_2417 = arith.constant 1.000000e+00 : bf16
    %broadcast_in_dim3A_2418 = vector.broadcast %broadcast_in_dim3A_2417 : bf16 to vector<512x1xbf16>
    %slice3A_2419 = vector.extract_strided_slice %add3A_2412 {offsets = [0, 0], sizes = [512, 128], strides = [1, 1]} : vector<512x256xf32> to vector<512x128xf32>
    %slice3A_2420 = vector.extract_strided_slice %dot_general3A_2416 {offsets = [0, 0], sizes = [1, 512], strides = [1, 1]} : vector<2x512xf32> to vector<1x512xf32>
    %slice3A_2421 = vector.extract_strided_slice %dot_general3A_2414 {offsets = [0, 0], sizes = [512, 1], strides = [1, 1]} : vector<512x2xf32> to vector<512x1xf32>
    %reduce_max3A_2422 = vector.shape_cast %slice3A_2420 : vector<1x512xf32> to vector<1x1x512xf32>
    %reduce_max3A_2423 = arith.constant dense<0xFF800000> : vector<1xf32>
    %reduce_max3A_2424 = vector.multi_reduction <maximumf>, %reduce_max3A_2422, %reduce_max3A_2423 [1, 2] : vector<1x1x512xf32> to vector<1xf32>
    %reduce_max3A_2425 = vector.shape_cast %reduce_max3A_2424 : vector<1xf32> to vector<1x1x1xf32>
    %reduce_max3A_2426 = vector.extract %reduce_max3A_2425[0, 0, 0] : f32 from vector<1x1x1xf32>
    %add3A_2427 = vector.broadcast %reduce_max3A_2426 : f32 to vector<512x1xf32>
    %add3A_2428 = arith.addf %slice3A_2421, %add3A_2427 : vector<512x1xf32>
    %sub3A_2429 = vector.broadcast %reduce_max3A_2426 : f32 to vector<1x512xf32>
    %sub3A_2430 = arith.subf %slice3A_2420, %sub3A_2429 : vector<1x512xf32>
    %exp3A_2431 = math.exp %sub3A_2430 : vector<1x512xf32>
    %convert_element_type3A_2432 = arith.truncf %exp3A_2431 : vector<1x512xf32> to vector<1x512xbf16>
    %sub3A_2433 = vector.broadcast %reduce_max3A_2426 : f32 to vector<1x512xf32>
    %sub3A_2434 = arith.subf %slice3A_2420, %sub3A_2433 : vector<1x512xf32>
    %mul3A_2435 = arith.constant 2.000000e-01 : f32
    %mul3A_2436 = vector.broadcast %mul3A_2435 : f32 to vector<1x512xf32>
    %mul3A_2437 = arith.mulf %mul3A_2436, %sub3A_2434 : vector<1x512xf32>
    %exp3A_2438 = math.exp %mul3A_2437 : vector<1x512xf32>
    %convert_element_type3A_2439 = arith.truncf %exp3A_2438 : vector<1x512xf32> to vector<1x512xbf16>
    %min3A_2440 = arith.constant 0.000000e+00 : f32
    %min3A_2441 = vector.broadcast %min3A_2440 : f32 to vector<512x1xf32>
    %min3A_2442 = arith.minimumf %add3A_2428, %min3A_2441 : vector<512x1xf32>
    %mul3A_2443 = arith.constant 8.000000e-01 : f32
    %mul3A_2444 = vector.broadcast %mul3A_2443 : f32 to vector<512x1xf32>
    %mul3A_2445 = arith.mulf %mul3A_2444, %min3A_2442 : vector<512x1xf32>
    %exp3A_2446 = math.exp %mul3A_2445 : vector<512x1xf32>
    %convert_element_type3A_2447 = arith.truncf %exp3A_2446 : vector<512x1xf32> to vector<512x1xbf16>
    %max3A_2448 = arith.constant 0.000000e+00 : f32
    %max3A_2449 = vector.broadcast %max3A_2448 : f32 to vector<512x1xf32>
    %max3A_2450 = arith.maximumf %add3A_2428, %max3A_2449 : vector<512x1xf32>
    %mul3A_2451 = arith.constant -8.000000e-01 : f32
    %mul3A_2452 = vector.broadcast %mul3A_2451 : f32 to vector<512x1xf32>
    %mul3A_2453 = arith.mulf %mul3A_2452, %max3A_2450 : vector<512x1xf32>
    %exp3A_2454 = math.exp %mul3A_2453 : vector<512x1xf32>
    %convert_element_type3A_2455 = arith.truncf %exp3A_2454 : vector<512x1xf32> to vector<512x1xbf16>
    %mul3A_2456 = vector.broadcast %convert_element_type3A_2447 : vector<512x1xbf16> to vector<512x512xbf16>
    %mul3A_2457 = vector.broadcast %convert_element_type3A_2432 : vector<1x512xbf16> to vector<512x512xbf16>
    %mul3A_2458 = arith.mulf %mul3A_2456, %mul3A_2457 : vector<512x512xbf16>
    %mul3A_2459 = vector.broadcast %convert_element_type3A_2455 : vector<512x1xbf16> to vector<512x512xbf16>
    %mul3A_2460 = vector.broadcast %convert_element_type3A_2439 : vector<1x512xbf16> to vector<512x512xbf16>
    %mul3A_2461 = arith.mulf %mul3A_2459, %mul3A_2460 : vector<512x512xbf16>
    %max3A_2462 = arith.maximumf %mul3A_2458, %mul3A_2461 : vector<512x512xbf16>
    %mul3A_2463 = arith.mulf %convert_element_type3A, %max3A_2462 : vector<512x512xbf16>
    %convert_element_type3A_2464 = arith.truncf %slice3A_2419 : vector<512x128xf32> to vector<512x128xbf16>
    %concatenate3A_2465 = tpu.concatenate %convert_element_type3A_2464, %broadcast_in_dim3A_2418 in 1 : vector<512x128xbf16>, vector<512x1xbf16> -> vector<512x129xbf16>
    %dot_general3A_2466 = arith.constant dense<0.000000e+00> : vector<512x129xf32>
    %dot_general3A_2467 = tpu.matmul %mul3A_2463, %concatenate3A_2465, %dot_general3A_2466 {dimension_numbers = #tpu.dot_dimension_numbers<[1], [0], [0], [1], [0, 0, 1, 1], [], []>, transpose_lhs_hint = false} : vector<512x512xbf16>, vector<512x129xbf16>, vector<512x129xf32> -> vector<512x129xf32>
    %slice3A_2468 = vector.extract_strided_slice %dot_general3A_2467 {offsets = [0, 0], sizes = [512, 128], strides = [1, 1]} : vector<512x129xf32> to vector<512x128xf32>
    %slice3A_2469 = vector.extract_strided_slice %dot_general3A_2467 {offsets = [0, 128], sizes = [512, 1], strides = [1, 1]} : vector<512x129xf32> to vector<512x1xf32>
    %max3A_2470 = arith.constant 1.000000e-30 : f32
    %max3A_2471 = vector.broadcast %max3A_2470 : f32 to vector<512x1xf32>
    %max3A_2472 = arith.maximumf %slice3A_2469, %max3A_2471 : vector<512x1xf32>
    %reciprocal3A_2473 = tpu.reciprocal %max3A_2472 {approx = true} : vector<512x1xf32> -> vector<512x1xf32>
    %mul3A_2474 = vector.broadcast %reciprocal3A_2473 : vector<512x1xf32> to vector<512x128xf32>
    %mul3A_2475 = arith.mulf %slice3A_2468, %mul3A_2474 : vector<512x128xf32>
    %slice3A_2476 = vector.extract_strided_slice %add3A_2412 {offsets = [0, 128], sizes = [512, 128], strides = [1, 1]} : vector<512x256xf32> to vector<512x128xf32>
    %slice3A_2477 = vector.extract_strided_slice %dot_general3A_2416 {offsets = [1, 0], sizes = [1, 512], strides = [1, 1]} : vector<2x512xf32> to vector<1x512xf32>
    %slice3A_2478 = vector.extract_strided_slice %dot_general3A_2414 {offsets = [0, 1], sizes = [512, 1], strides = [1, 1]} : vector<512x2xf32> to vector<512x1xf32>
    %reduce_max3A_2479 = vector.shape_cast %slice3A_2477 : vector<1x512xf32> to vector<1x1x512xf32>
    %reduce_max3A_2480 = arith.constant dense<0xFF800000> : vector<1xf32>
    %reduce_max3A_2481 = vector.multi_reduction <maximumf>, %reduce_max3A_2479, %reduce_max3A_2480 [1, 2] : vector<1x1x512xf32> to vector<1xf32>
    %reduce_max3A_2482 = vector.shape_cast %reduce_max3A_2481 : vector<1xf32> to vector<1x1x1xf32>
    %reduce_max3A_2483 = vector.extract %reduce_max3A_2482[0, 0, 0] : f32 from vector<1x1x1xf32>
    %add3A_2484 = vector.broadcast %reduce_max3A_2483 : f32 to vector<512x1xf32>
    %add3A_2485 = arith.addf %slice3A_2478, %add3A_2484 : vector<512x1xf32>
    %sub3A_2486 = vector.broadcast %reduce_max3A_2483 : f32 to vector<1x512xf32>
    %sub3A_2487 = arith.subf %slice3A_2477, %sub3A_2486 : vector<1x512xf32>
    %exp3A_2488 = math.exp %sub3A_2487 : vector<1x512xf32>
    %convert_element_type3A_2489 = arith.truncf %exp3A_2488 : vector<1x512xf32> to vector<1x512xbf16>
    %sub3A_2490 = vector.broadcast %reduce_max3A_2483 : f32 to vector<1x512xf32>
    %sub3A_2491 = arith.subf %slice3A_2477, %sub3A_2490 : vector<1x512xf32>
    %mul3A_2492 = arith.constant 2.000000e-01 : f32
    %mul3A_2493 = vector.broadcast %mul3A_2492 : f32 to vector<1x512xf32>
    %mul3A_2494 = arith.mulf %mul3A_2493, %sub3A_2491 : vector<1x512xf32>
    %exp3A_2495 = math.exp %mul3A_2494 : vector<1x512xf32>
    %convert_element_type3A_2496 = arith.truncf %exp3A_2495 : vector<1x512xf32> to vector<1x512xbf16>
    %min3A_2497 = arith.constant 0.000000e+00 : f32
    %min3A_2498 = vector.broadcast %min3A_2497 : f32 to vector<512x1xf32>
    %min3A_2499 = arith.minimumf %add3A_2485, %min3A_2498 : vector<512x1xf32>
    %mul3A_2500 = arith.constant 8.000000e-01 : f32
    %mul3A_2501 = vector.broadcast %mul3A_2500 : f32 to vector<512x1xf32>
    %mul3A_2502 = arith.mulf %mul3A_2501, %min3A_2499 : vector<512x1xf32>
    %exp3A_2503 = math.exp %mul3A_2502 : vector<512x1xf32>
    %convert_element_type3A_2504 = arith.truncf %exp3A_2503 : vector<512x1xf32> to vector<512x1xbf16>
    %max3A_2505 = arith.constant 0.000000e+00 : f32
    %max3A_2506 = vector.broadcast %max3A_2505 : f32 to vector<512x1xf32>
    %max3A_2507 = arith.maximumf %add3A_2485, %max3A_2506 : vector<512x1xf32>
    %mul3A_2508 = arith.constant -8.000000e-01 : f32
    %mul3A_2509 = vector.broadcast %mul3A_2508 : f32 to vector<512x1xf32>
    %mul3A_2510 = arith.mulf %mul3A_2509, %max3A_2507 : vector<512x1xf32>
    %exp3A_2511 = math.exp %mul3A_2510 : vector<512x1xf32>
    %convert_element_type3A_2512 = arith.truncf %exp3A_2511 : vector<512x1xf32> to vector<512x1xbf16>
    %mul3A_2513 = vector.broadcast %convert_element_type3A_2504 : vector<512x1xbf16> to vector<512x512xbf16>
    %mul3A_2514 = vector.broadcast %convert_element_type3A_2489 : vector<1x512xbf16> to vector<512x512xbf16>
    %mul3A_2515 = arith.mulf %mul3A_2513, %mul3A_2514 : vector<512x512xbf16>
    %mul3A_2516 = vector.broadcast %convert_element_type3A_2512 : vector<512x1xbf16> to vector<512x512xbf16>
    %mul3A_2517 = vector.broadcast %convert_element_type3A_2496 : vector<1x512xbf16> to vector<512x512xbf16>
    %mul3A_2518 = arith.mulf %mul3A_2516, %mul3A_2517 : vector<512x512xbf16>
    %max3A_2519 = arith.maximumf %mul3A_2515, %mul3A_2518 : vector<512x512xbf16>
    %mul3A_2520 = arith.mulf %convert_element_type3A, %max3A_2519 : vector<512x512xbf16>
    %convert_element_type3A_2521 = arith.truncf %slice3A_2476 : vector<512x128xf32> to vector<512x128xbf16>
    %concatenate3A_2522 = tpu.concatenate %convert_element_type3A_2521, %broadcast_in_dim3A_2418 in 1 : vector<512x128xbf16>, vector<512x1xbf16> -> vector<512x129xbf16>
    %dot_general3A_2523 = arith.constant dense<0.000000e+00> : vector<512x129xf32>
    %dot_general3A_2524 = tpu.matmul %mul3A_2520, %concatenate3A_2522, %dot_general3A_2523 {dimension_numbers = #tpu.dot_dimension_numbers<[1], [0], [0], [1], [0, 0, 1, 1], [], []>, transpose_lhs_hint = false} : vector<512x512xbf16>, vector<512x129xbf16>, vector<512x129xf32> -> vector<512x129xf32>
    %slice3A_2525 = vector.extract_strided_slice %dot_general3A_2524 {offsets = [0, 0], sizes = [512, 128], strides = [1, 1]} : vector<512x129xf32> to vector<512x128xf32>
    %slice3A_2526 = vector.extract_strided_slice %dot_general3A_2524 {offsets = [0, 128], sizes = [512, 1], strides = [1, 1]} : vector<512x129xf32> to vector<512x1xf32>
    %max3A_2527 = arith.constant 1.000000e-30 : f32
    %max3A_2528 = vector.broadcast %max3A_2527 : f32 to vector<512x1xf32>
    %max3A_2529 = arith.maximumf %slice3A_2526, %max3A_2528 : vector<512x1xf32>
    %reciprocal3A_2530 = tpu.reciprocal %max3A_2529 {approx = true} : vector<512x1xf32> -> vector<512x1xf32>
    %mul3A_2531 = vector.broadcast %reciprocal3A_2530 : vector<512x1xf32> to vector<512x128xf32>
    %mul3A_2532 = arith.mulf %slice3A_2525, %mul3A_2531 : vector<512x128xf32>
    %add3A_2533 = arith.addf %mul3A_2475, %mul3A_2532 : vector<512x128xf32>
    %mul3A_2534 = arith.constant 5.000000e-01 : f32
    %mul3A_2535 = vector.broadcast %mul3A_2534 : f32 to vector<512x128xf32>
    %mul3A_2536 = arith.mulf %mul3A_2535, %add3A_2533 : vector<512x128xf32>
    %get3A_2537 = arith.constant 0 : index
    %get3A_2538 = vector.load %arg7[%get3A_2537] : memref<128xf32, #tpu.memory_space<vmem>>, vector<128xf32>
    %broadcast_in_dim3A_2539 = vector.shape_cast %get3A_2538 : vector<128xf32> to vector<1x128xf32>
    %add3A_2540 = vector.broadcast %broadcast_in_dim3A_2539 : vector<1x128xf32> to vector<512x128xf32>
    %add3A_2541 = arith.addf %mul3A_2536, %add3A_2540 : vector<512x128xf32>
    %gt3A_2542 = arith.constant 0.000000e+00 : f32
    %gt3A_2543 = vector.broadcast %gt3A_2542 : f32 to vector<512x128xf32>
    %gt3A_2544 = arith.cmpf ogt, %add3A_2541, %gt3A_2543 : vector<512x128xf32>
    %exp3A_2545 = math.exp %add3A_2541 : vector<512x128xf32>
    %sub3A_2546 = arith.constant 1.000000e+00 : f32
    %sub3A_2547 = vector.broadcast %sub3A_2546 : f32 to vector<512x128xf32>
    %sub3A_2548 = arith.subf %exp3A_2545, %sub3A_2547 : vector<512x128xf32>
    %mul3A_2549 = arith.constant 1.67326319 : f32
    %mul3A_2550 = vector.broadcast %mul3A_2549 : f32 to vector<512x128xf32>
    %mul3A_2551 = arith.mulf %mul3A_2550, %sub3A_2548 : vector<512x128xf32>
    %select_n3A_2552 = arith.select %gt3A_2544, %add3A_2541, %mul3A_2551 : vector<512x128xi1>, vector<512x128xf32>
    %mul3A_2553 = arith.constant 1.05070102 : f32
    %mul3A_2554 = vector.broadcast %mul3A_2553 : f32 to vector<512x128xf32>
    %mul3A_2555 = arith.mulf %mul3A_2554, %select_n3A_2552 : vector<512x128xf32>
    %get3A_2556 = arith.constant 0 : index
    %get3A_2557 = arith.constant 0 : index
    %get3A_2558 = vector.load %arg8[%get3A_2556, %get3A_2557] : memref<128x128xf32, #tpu.memory_space<vmem>>, vector<128x128xf32>
    %dot_general3A_2559 = arith.constant dense<0.000000e+00> : vector<512x128xf32>
    %dot_general3A_2560 = tpu.matmul %mul3A_2555, %get3A_2558, %dot_general3A_2559 {dimension_numbers = #tpu.dot_dimension_numbers<[1], [1], [0], [0], [0, 0, 1, 0], [], []>, transpose_lhs_hint = false} : vector<512x128xf32>, vector<128x128xf32>, vector<512x128xf32> -> vector<512x128xf32>
    %dot_general3A_2561 = arith.constant dense<0.000000e+00> : vector<512x2xf32>
    %dot_general3A_2562 = tpu.matmul %dot_general3A_2560, %concatenate3A_51, %dot_general3A_2561 {dimension_numbers = #tpu.dot_dimension_numbers<[1], [1], [0], [0], [0, 0, 1, 0], [], []>, transpose_lhs_hint = false} : vector<512x128xf32>, vector<2x128xf32>, vector<512x2xf32> -> vector<512x2xf32>
    %dot_general3A_2563 = arith.constant dense<0.000000e+00> : vector<2x512xf32>
    %dot_general3A_2564 = tpu.matmul %concatenate3A_40, %dot_general3A_2560, %dot_general3A_2563 {dimension_numbers = #tpu.dot_dimension_numbers<[1], [1], [0], [0], [0, 0, 1, 0], [], []>, transpose_lhs_hint = false} : vector<2x128xf32>, vector<512x128xf32>, vector<2x512xf32> -> vector<2x512xf32>
    %broadcast_in_dim3A_2565 = arith.constant 1.000000e+00 : bf16
    %broadcast_in_dim3A_2566 = vector.broadcast %broadcast_in_dim3A_2565 : bf16 to vector<512x1xbf16>
    %slice3A_2567 = vector.extract_strided_slice %dot_general3A_2560 {offsets = [0, 0], sizes = [512, 64], strides = [1, 1]} : vector<512x128xf32> to vector<512x64xf32>
    %slice3A_2568 = vector.extract_strided_slice %dot_general3A_2564 {offsets = [0, 0], sizes = [1, 512], strides = [1, 1]} : vector<2x512xf32> to vector<1x512xf32>
    %slice3A_2569 = vector.extract_strided_slice %dot_general3A_2562 {offsets = [0, 0], sizes = [512, 1], strides = [1, 1]} : vector<512x2xf32> to vector<512x1xf32>
    %reduce_max3A_2570 = vector.shape_cast %slice3A_2568 : vector<1x512xf32> to vector<1x1x512xf32>
    %reduce_max3A_2571 = arith.constant dense<0xFF800000> : vector<1xf32>
    %reduce_max3A_2572 = vector.multi_reduction <maximumf>, %reduce_max3A_2570, %reduce_max3A_2571 [1, 2] : vector<1x1x512xf32> to vector<1xf32>
    %reduce_max3A_2573 = vector.shape_cast %reduce_max3A_2572 : vector<1xf32> to vector<1x1x1xf32>
    %reduce_max3A_2574 = vector.extract %reduce_max3A_2573[0, 0, 0] : f32 from vector<1x1x1xf32>
    %add3A_2575 = vector.broadcast %reduce_max3A_2574 : f32 to vector<512x1xf32>
    %add3A_2576 = arith.addf %slice3A_2569, %add3A_2575 : vector<512x1xf32>
    %sub3A_2577 = vector.broadcast %reduce_max3A_2574 : f32 to vector<1x512xf32>
    %sub3A_2578 = arith.subf %slice3A_2568, %sub3A_2577 : vector<1x512xf32>
    %exp3A_2579 = math.exp %sub3A_2578 : vector<1x512xf32>
    %convert_element_type3A_2580 = arith.truncf %exp3A_2579 : vector<1x512xf32> to vector<1x512xbf16>
    %sub3A_2581 = vector.broadcast %reduce_max3A_2574 : f32 to vector<1x512xf32>
    %sub3A_2582 = arith.subf %slice3A_2568, %sub3A_2581 : vector<1x512xf32>
    %mul3A_2583 = arith.constant 2.000000e-01 : f32
    %mul3A_2584 = vector.broadcast %mul3A_2583 : f32 to vector<1x512xf32>
    %mul3A_2585 = arith.mulf %mul3A_2584, %sub3A_2582 : vector<1x512xf32>
    %exp3A_2586 = math.exp %mul3A_2585 : vector<1x512xf32>
    %convert_element_type3A_2587 = arith.truncf %exp3A_2586 : vector<1x512xf32> to vector<1x512xbf16>
    %min3A_2588 = arith.constant 0.000000e+00 : f32
    %min3A_2589 = vector.broadcast %min3A_2588 : f32 to vector<512x1xf32>
    %min3A_2590 = arith.minimumf %add3A_2576, %min3A_2589 : vector<512x1xf32>
    %mul3A_2591 = arith.constant 8.000000e-01 : f32
    %mul3A_2592 = vector.broadcast %mul3A_2591 : f32 to vector<512x1xf32>
    %mul3A_2593 = arith.mulf %mul3A_2592, %min3A_2590 : vector<512x1xf32>
    %exp3A_2594 = math.exp %mul3A_2593 : vector<512x1xf32>
    %convert_element_type3A_2595 = arith.truncf %exp3A_2594 : vector<512x1xf32> to vector<512x1xbf16>
    %max3A_2596 = arith.constant 0.000000e+00 : f32
    %max3A_2597 = vector.broadcast %max3A_2596 : f32 to vector<512x1xf32>
    %max3A_2598 = arith.maximumf %add3A_2576, %max3A_2597 : vector<512x1xf32>
    %mul3A_2599 = arith.constant -8.000000e-01 : f32
    %mul3A_2600 = vector.broadcast %mul3A_2599 : f32 to vector<512x1xf32>
    %mul3A_2601 = arith.mulf %mul3A_2600, %max3A_2598 : vector<512x1xf32>
    %exp3A_2602 = math.exp %mul3A_2601 : vector<512x1xf32>
    %convert_element_type3A_2603 = arith.truncf %exp3A_2602 : vector<512x1xf32> to vector<512x1xbf16>
    %mul3A_2604 = vector.broadcast %convert_element_type3A_2595 : vector<512x1xbf16> to vector<512x512xbf16>
    %mul3A_2605 = vector.broadcast %convert_element_type3A_2580 : vector<1x512xbf16> to vector<512x512xbf16>
    %mul3A_2606 = arith.mulf %mul3A_2604, %mul3A_2605 : vector<512x512xbf16>
    %mul3A_2607 = vector.broadcast %convert_element_type3A_2603 : vector<512x1xbf16> to vector<512x512xbf16>
    %mul3A_2608 = vector.broadcast %convert_element_type3A_2587 : vector<1x512xbf16> to vector<512x512xbf16>
    %mul3A_2609 = arith.mulf %mul3A_2607, %mul3A_2608 : vector<512x512xbf16>
    %max3A_2610 = arith.maximumf %mul3A_2606, %mul3A_2609 : vector<512x512xbf16>
    %mul3A_2611 = arith.mulf %convert_element_type3A, %max3A_2610 : vector<512x512xbf16>
    %convert_element_type3A_2612 = arith.truncf %slice3A_2567 : vector<512x64xf32> to vector<512x64xbf16>
    %concatenate3A_2613 = tpu.concatenate %convert_element_type3A_2612, %broadcast_in_dim3A_2566 in 1 : vector<512x64xbf16>, vector<512x1xbf16> -> vector<512x65xbf16>
    %dot_general3A_2614 = arith.constant dense<0.000000e+00> : vector<512x65xf32>
    %dot_general3A_2615 = tpu.matmul %mul3A_2611, %concatenate3A_2613, %dot_general3A_2614 {dimension_numbers = #tpu.dot_dimension_numbers<[1], [0], [0], [1], [0, 0, 1, 1], [], []>, transpose_lhs_hint = false} : vector<512x512xbf16>, vector<512x65xbf16>, vector<512x65xf32> -> vector<512x65xf32>
    %slice3A_2616 = vector.extract_strided_slice %dot_general3A_2615 {offsets = [0, 0], sizes = [512, 64], strides = [1, 1]} : vector<512x65xf32> to vector<512x64xf32>
    %slice3A_2617 = vector.extract_strided_slice %dot_general3A_2615 {offsets = [0, 64], sizes = [512, 1], strides = [1, 1]} : vector<512x65xf32> to vector<512x1xf32>
    %max3A_2618 = arith.constant 1.000000e-30 : f32
    %max3A_2619 = vector.broadcast %max3A_2618 : f32 to vector<512x1xf32>
    %max3A_2620 = arith.maximumf %slice3A_2617, %max3A_2619 : vector<512x1xf32>
    %reciprocal3A_2621 = tpu.reciprocal %max3A_2620 {approx = true} : vector<512x1xf32> -> vector<512x1xf32>
    %mul3A_2622 = vector.broadcast %reciprocal3A_2621 : vector<512x1xf32> to vector<512x64xf32>
    %mul3A_2623 = arith.mulf %slice3A_2616, %mul3A_2622 : vector<512x64xf32>
    %slice3A_2624 = vector.extract_strided_slice %dot_general3A_2560 {offsets = [0, 64], sizes = [512, 64], strides = [1, 1]} : vector<512x128xf32> to vector<512x64xf32>
    %slice3A_2625 = vector.extract_strided_slice %dot_general3A_2564 {offsets = [1, 0], sizes = [1, 512], strides = [1, 1]} : vector<2x512xf32> to vector<1x512xf32>
    %slice3A_2626 = vector.extract_strided_slice %dot_general3A_2562 {offsets = [0, 1], sizes = [512, 1], strides = [1, 1]} : vector<512x2xf32> to vector<512x1xf32>
    %reduce_max3A_2627 = vector.shape_cast %slice3A_2625 : vector<1x512xf32> to vector<1x1x512xf32>
    %reduce_max3A_2628 = arith.constant dense<0xFF800000> : vector<1xf32>
    %reduce_max3A_2629 = vector.multi_reduction <maximumf>, %reduce_max3A_2627, %reduce_max3A_2628 [1, 2] : vector<1x1x512xf32> to vector<1xf32>
    %reduce_max3A_2630 = vector.shape_cast %reduce_max3A_2629 : vector<1xf32> to vector<1x1x1xf32>
    %reduce_max3A_2631 = vector.extract %reduce_max3A_2630[0, 0, 0] : f32 from vector<1x1x1xf32>
    %add3A_2632 = vector.broadcast %reduce_max3A_2631 : f32 to vector<512x1xf32>
    %add3A_2633 = arith.addf %slice3A_2626, %add3A_2632 : vector<512x1xf32>
    %sub3A_2634 = vector.broadcast %reduce_max3A_2631 : f32 to vector<1x512xf32>
    %sub3A_2635 = arith.subf %slice3A_2625, %sub3A_2634 : vector<1x512xf32>
    %exp3A_2636 = math.exp %sub3A_2635 : vector<1x512xf32>
    %convert_element_type3A_2637 = arith.truncf %exp3A_2636 : vector<1x512xf32> to vector<1x512xbf16>
    %sub3A_2638 = vector.broadcast %reduce_max3A_2631 : f32 to vector<1x512xf32>
    %sub3A_2639 = arith.subf %slice3A_2625, %sub3A_2638 : vector<1x512xf32>
    %mul3A_2640 = arith.constant 2.000000e-01 : f32
    %mul3A_2641 = vector.broadcast %mul3A_2640 : f32 to vector<1x512xf32>
    %mul3A_2642 = arith.mulf %mul3A_2641, %sub3A_2639 : vector<1x512xf32>
    %exp3A_2643 = math.exp %mul3A_2642 : vector<1x512xf32>
    %convert_element_type3A_2644 = arith.truncf %exp3A_2643 : vector<1x512xf32> to vector<1x512xbf16>
    %min3A_2645 = arith.constant 0.000000e+00 : f32
    %min3A_2646 = vector.broadcast %min3A_2645 : f32 to vector<512x1xf32>
    %min3A_2647 = arith.minimumf %add3A_2633, %min3A_2646 : vector<512x1xf32>
    %mul3A_2648 = arith.constant 8.000000e-01 : f32
    %mul3A_2649 = vector.broadcast %mul3A_2648 : f32 to vector<512x1xf32>
    %mul3A_2650 = arith.mulf %mul3A_2649, %min3A_2647 : vector<512x1xf32>
    %exp3A_2651 = math.exp %mul3A_2650 : vector<512x1xf32>
    %convert_element_type3A_2652 = arith.truncf %exp3A_2651 : vector<512x1xf32> to vector<512x1xbf16>
    %max3A_2653 = arith.constant 0.000000e+00 : f32
    %max3A_2654 = vector.broadcast %max3A_2653 : f32 to vector<512x1xf32>
    %max3A_2655 = arith.maximumf %add3A_2633, %max3A_2654 : vector<512x1xf32>
    %mul3A_2656 = arith.constant -8.000000e-01 : f32
    %mul3A_2657 = vector.broadcast %mul3A_2656 : f32 to vector<512x1xf32>
    %mul3A_2658 = arith.mulf %mul3A_2657, %max3A_2655 : vector<512x1xf32>
    %exp3A_2659 = math.exp %mul3A_2658 : vector<512x1xf32>
    %convert_element_type3A_2660 = arith.truncf %exp3A_2659 : vector<512x1xf32> to vector<512x1xbf16>
    %mul3A_2661 = vector.broadcast %convert_element_type3A_2652 : vector<512x1xbf16> to vector<512x512xbf16>
    %mul3A_2662 = vector.broadcast %convert_element_type3A_2637 : vector<1x512xbf16> to vector<512x512xbf16>
    %mul3A_2663 = arith.mulf %mul3A_2661, %mul3A_2662 : vector<512x512xbf16>
    %mul3A_2664 = vector.broadcast %convert_element_type3A_2660 : vector<512x1xbf16> to vector<512x512xbf16>
    %mul3A_2665 = vector.broadcast %convert_element_type3A_2644 : vector<1x512xbf16> to vector<512x512xbf16>
    %mul3A_2666 = arith.mulf %mul3A_2664, %mul3A_2665 : vector<512x512xbf16>
    %max3A_2667 = arith.maximumf %mul3A_2663, %mul3A_2666 : vector<512x512xbf16>
    %mul3A_2668 = arith.mulf %convert_element_type3A, %max3A_2667 : vector<512x512xbf16>
    %convert_element_type3A_2669 = arith.truncf %slice3A_2624 : vector<512x64xf32> to vector<512x64xbf16>
    %concatenate3A_2670 = tpu.concatenate %convert_element_type3A_2669, %broadcast_in_dim3A_2566 in 1 : vector<512x64xbf16>, vector<512x1xbf16> -> vector<512x65xbf16>
    %dot_general3A_2671 = arith.constant dense<0.000000e+00> : vector<512x65xf32>
    %dot_general3A_2672 = tpu.matmul %mul3A_2668, %concatenate3A_2670, %dot_general3A_2671 {dimension_numbers = #tpu.dot_dimension_numbers<[1], [0], [0], [1], [0, 0, 1, 1], [], []>, transpose_lhs_hint = false} : vector<512x512xbf16>, vector<512x65xbf16>, vector<512x65xf32> -> vector<512x65xf32>
    %slice3A_2673 = vector.extract_strided_slice %dot_general3A_2672 {offsets = [0, 0], sizes = [512, 64], strides = [1, 1]} : vector<512x65xf32> to vector<512x64xf32>
    %slice3A_2674 = vector.extract_strided_slice %dot_general3A_2672 {offsets = [0, 64], sizes = [512, 1], strides = [1, 1]} : vector<512x65xf32> to vector<512x1xf32>
    %max3A_2675 = arith.constant 1.000000e-30 : f32
    %max3A_2676 = vector.broadcast %max3A_2675 : f32 to vector<512x1xf32>
    %max3A_2677 = arith.maximumf %slice3A_2674, %max3A_2676 : vector<512x1xf32>
    %reciprocal3A_2678 = tpu.reciprocal %max3A_2677 {approx = true} : vector<512x1xf32> -> vector<512x1xf32>
    %mul3A_2679 = vector.broadcast %reciprocal3A_2678 : vector<512x1xf32> to vector<512x64xf32>
    %mul3A_2680 = arith.mulf %slice3A_2673, %mul3A_2679 : vector<512x64xf32>
    %add3A_2681 = arith.addf %mul3A_2623, %mul3A_2680 : vector<512x64xf32>
    %mul3A_2682 = arith.constant 5.000000e-01 : f32
    %mul3A_2683 = vector.broadcast %mul3A_2682 : f32 to vector<512x64xf32>
    %mul3A_2684 = arith.mulf %mul3A_2683, %add3A_2681 : vector<512x64xf32>
    %get3A_2685 = arith.constant 0 : index
    %get3A_2686 = vector.load %arg11[%get3A_2685] : memref<64xf32, #tpu.memory_space<vmem>>, vector<64xf32>
    %broadcast_in_dim3A_2687 = vector.shape_cast %get3A_2686 : vector<64xf32> to vector<1x64xf32>
    %add3A_2688 = vector.broadcast %broadcast_in_dim3A_2687 : vector<1x64xf32> to vector<512x64xf32>
    %add3A_2689 = arith.addf %mul3A_2684, %add3A_2688 : vector<512x64xf32>
    %gt3A_2690 = arith.constant 0.000000e+00 : f32
    %gt3A_2691 = vector.broadcast %gt3A_2690 : f32 to vector<512x64xf32>
    %gt3A_2692 = arith.cmpf ogt, %add3A_2689, %gt3A_2691 : vector<512x64xf32>
    %exp3A_2693 = math.exp %add3A_2689 : vector<512x64xf32>
    %sub3A_2694 = arith.constant 1.000000e+00 : f32
    %sub3A_2695 = vector.broadcast %sub3A_2694 : f32 to vector<512x64xf32>
    %sub3A_2696 = arith.subf %exp3A_2693, %sub3A_2695 : vector<512x64xf32>
    %mul3A_2697 = arith.constant 1.67326319 : f32
    %mul3A_2698 = vector.broadcast %mul3A_2697 : f32 to vector<512x64xf32>
    %mul3A_2699 = arith.mulf %mul3A_2698, %sub3A_2696 : vector<512x64xf32>
    %select_n3A_2700 = arith.select %gt3A_2692, %add3A_2689, %mul3A_2699 : vector<512x64xi1>, vector<512x64xf32>
    %mul3A_2701 = arith.constant 1.05070102 : f32
    %mul3A_2702 = vector.broadcast %mul3A_2701 : f32 to vector<512x64xf32>
    %mul3A_2703 = arith.mulf %mul3A_2702, %select_n3A_2700 : vector<512x64xf32>
    %get3A_2704 = arith.constant 0 : index
    %get3A_2705 = arith.constant 0 : index
    %get3A_2706 = vector.load %arg12[%get3A_2704, %get3A_2705] : memref<64x64xf32, #tpu.memory_space<vmem>>, vector<64x64xf32>
    %dot_general3A_2707 = arith.constant dense<0.000000e+00> : vector<512x64xf32>
    %dot_general3A_2708 = tpu.matmul %mul3A_2703, %get3A_2706, %dot_general3A_2707 {dimension_numbers = #tpu.dot_dimension_numbers<[1], [1], [0], [0], [0, 0, 1, 0], [], []>, transpose_lhs_hint = false} : vector<512x64xf32>, vector<64x64xf32>, vector<512x64xf32> -> vector<512x64xf32>
    %dot_general3A_2709 = arith.constant dense<0.000000e+00> : vector<512x2xf32>
    %dot_general3A_2710 = tpu.matmul %dot_general3A_2708, %concatenate3A_73, %dot_general3A_2709 {dimension_numbers = #tpu.dot_dimension_numbers<[1], [1], [0], [0], [0, 0, 1, 0], [], []>, transpose_lhs_hint = false} : vector<512x64xf32>, vector<2x64xf32>, vector<512x2xf32> -> vector<512x2xf32>
    %dot_general3A_2711 = arith.constant dense<0.000000e+00> : vector<2x512xf32>
    %dot_general3A_2712 = tpu.matmul %concatenate3A_62, %dot_general3A_2708, %dot_general3A_2711 {dimension_numbers = #tpu.dot_dimension_numbers<[1], [1], [0], [0], [0, 0, 1, 0], [], []>, transpose_lhs_hint = false} : vector<2x64xf32>, vector<512x64xf32>, vector<2x512xf32> -> vector<2x512xf32>
    %broadcast_in_dim3A_2713 = arith.constant 1.000000e+00 : bf16
    %broadcast_in_dim3A_2714 = vector.broadcast %broadcast_in_dim3A_2713 : bf16 to vector<512x1xbf16>
    %slice3A_2715 = vector.extract_strided_slice %dot_general3A_2708 {offsets = [0, 0], sizes = [512, 32], strides = [1, 1]} : vector<512x64xf32> to vector<512x32xf32>
    %slice3A_2716 = vector.extract_strided_slice %dot_general3A_2712 {offsets = [0, 0], sizes = [1, 512], strides = [1, 1]} : vector<2x512xf32> to vector<1x512xf32>
    %slice3A_2717 = vector.extract_strided_slice %dot_general3A_2710 {offsets = [0, 0], sizes = [512, 1], strides = [1, 1]} : vector<512x2xf32> to vector<512x1xf32>
    %reduce_max3A_2718 = vector.shape_cast %slice3A_2716 : vector<1x512xf32> to vector<1x1x512xf32>
    %reduce_max3A_2719 = arith.constant dense<0xFF800000> : vector<1xf32>
    %reduce_max3A_2720 = vector.multi_reduction <maximumf>, %reduce_max3A_2718, %reduce_max3A_2719 [1, 2] : vector<1x1x512xf32> to vector<1xf32>
    %reduce_max3A_2721 = vector.shape_cast %reduce_max3A_2720 : vector<1xf32> to vector<1x1x1xf32>
    %reduce_max3A_2722 = vector.extract %reduce_max3A_2721[0, 0, 0] : f32 from vector<1x1x1xf32>
    %add3A_2723 = vector.broadcast %reduce_max3A_2722 : f32 to vector<512x1xf32>
    %add3A_2724 = arith.addf %slice3A_2717, %add3A_2723 : vector<512x1xf32>
    %sub3A_2725 = vector.broadcast %reduce_max3A_2722 : f32 to vector<1x512xf32>
    %sub3A_2726 = arith.subf %slice3A_2716, %sub3A_2725 : vector<1x512xf32>
    %exp3A_2727 = math.exp %sub3A_2726 : vector<1x512xf32>
    %convert_element_type3A_2728 = arith.truncf %exp3A_2727 : vector<1x512xf32> to vector<1x512xbf16>
    %sub3A_2729 = vector.broadcast %reduce_max3A_2722 : f32 to vector<1x512xf32>
    %sub3A_2730 = arith.subf %slice3A_2716, %sub3A_2729 : vector<1x512xf32>
    %mul3A_2731 = arith.constant 2.000000e-01 : f32
    %mul3A_2732 = vector.broadcast %mul3A_2731 : f32 to vector<1x512xf32>
    %mul3A_2733 = arith.mulf %mul3A_2732, %sub3A_2730 : vector<1x512xf32>
    %exp3A_2734 = math.exp %mul3A_2733 : vector<1x512xf32>
    %convert_element_type3A_2735 = arith.truncf %exp3A_2734 : vector<1x512xf32> to vector<1x512xbf16>
    %min3A_2736 = arith.constant 0.000000e+00 : f32
    %min3A_2737 = vector.broadcast %min3A_2736 : f32 to vector<512x1xf32>
    %min3A_2738 = arith.minimumf %add3A_2724, %min3A_2737 : vector<512x1xf32>
    %mul3A_2739 = arith.constant 8.000000e-01 : f32
    %mul3A_2740 = vector.broadcast %mul3A_2739 : f32 to vector<512x1xf32>
    %mul3A_2741 = arith.mulf %mul3A_2740, %min3A_2738 : vector<512x1xf32>
    %exp3A_2742 = math.exp %mul3A_2741 : vector<512x1xf32>
    %convert_element_type3A_2743 = arith.truncf %exp3A_2742 : vector<512x1xf32> to vector<512x1xbf16>
    %max3A_2744 = arith.constant 0.000000e+00 : f32
    %max3A_2745 = vector.broadcast %max3A_2744 : f32 to vector<512x1xf32>
    %max3A_2746 = arith.maximumf %add3A_2724, %max3A_2745 : vector<512x1xf32>
    %mul3A_2747 = arith.constant -8.000000e-01 : f32
    %mul3A_2748 = vector.broadcast %mul3A_2747 : f32 to vector<512x1xf32>
    %mul3A_2749 = arith.mulf %mul3A_2748, %max3A_2746 : vector<512x1xf32>
    %exp3A_2750 = math.exp %mul3A_2749 : vector<512x1xf32>
    %convert_element_type3A_2751 = arith.truncf %exp3A_2750 : vector<512x1xf32> to vector<512x1xbf16>
    %mul3A_2752 = vector.broadcast %convert_element_type3A_2743 : vector<512x1xbf16> to vector<512x512xbf16>
    %mul3A_2753 = vector.broadcast %convert_element_type3A_2728 : vector<1x512xbf16> to vector<512x512xbf16>
    %mul3A_2754 = arith.mulf %mul3A_2752, %mul3A_2753 : vector<512x512xbf16>
    %mul3A_2755 = vector.broadcast %convert_element_type3A_2751 : vector<512x1xbf16> to vector<512x512xbf16>
    %mul3A_2756 = vector.broadcast %convert_element_type3A_2735 : vector<1x512xbf16> to vector<512x512xbf16>
    %mul3A_2757 = arith.mulf %mul3A_2755, %mul3A_2756 : vector<512x512xbf16>
    %max3A_2758 = arith.maximumf %mul3A_2754, %mul3A_2757 : vector<512x512xbf16>
    %mul3A_2759 = arith.mulf %convert_element_type3A, %max3A_2758 : vector<512x512xbf16>
    %convert_element_type3A_2760 = arith.truncf %slice3A_2715 : vector<512x32xf32> to vector<512x32xbf16>
    %concatenate3A_2761 = tpu.concatenate %convert_element_type3A_2760, %broadcast_in_dim3A_2714 in 1 : vector<512x32xbf16>, vector<512x1xbf16> -> vector<512x33xbf16>
    %dot_general3A_2762 = arith.constant dense<0.000000e+00> : vector<512x33xf32>
    %dot_general3A_2763 = tpu.matmul %mul3A_2759, %concatenate3A_2761, %dot_general3A_2762 {dimension_numbers = #tpu.dot_dimension_numbers<[1], [0], [0], [1], [0, 0, 1, 1], [], []>, transpose_lhs_hint = false} : vector<512x512xbf16>, vector<512x33xbf16>, vector<512x33xf32> -> vector<512x33xf32>
    %slice3A_2764 = vector.extract_strided_slice %dot_general3A_2763 {offsets = [0, 0], sizes = [512, 32], strides = [1, 1]} : vector<512x33xf32> to vector<512x32xf32>
    %slice3A_2765 = vector.extract_strided_slice %dot_general3A_2763 {offsets = [0, 32], sizes = [512, 1], strides = [1, 1]} : vector<512x33xf32> to vector<512x1xf32>
    %max3A_2766 = arith.constant 1.000000e-30 : f32
    %max3A_2767 = vector.broadcast %max3A_2766 : f32 to vector<512x1xf32>
    %max3A_2768 = arith.maximumf %slice3A_2765, %max3A_2767 : vector<512x1xf32>
    %reciprocal3A_2769 = tpu.reciprocal %max3A_2768 {approx = true} : vector<512x1xf32> -> vector<512x1xf32>
    %mul3A_2770 = vector.broadcast %reciprocal3A_2769 : vector<512x1xf32> to vector<512x32xf32>
    %mul3A_2771 = arith.mulf %slice3A_2764, %mul3A_2770 : vector<512x32xf32>
    %slice3A_2772 = vector.extract_strided_slice %dot_general3A_2708 {offsets = [0, 32], sizes = [512, 32], strides = [1, 1]} : vector<512x64xf32> to vector<512x32xf32>
    %slice3A_2773 = vector.extract_strided_slice %dot_general3A_2712 {offsets = [1, 0], sizes = [1, 512], strides = [1, 1]} : vector<2x512xf32> to vector<1x512xf32>
    %slice3A_2774 = vector.extract_strided_slice %dot_general3A_2710 {offsets = [0, 1], sizes = [512, 1], strides = [1, 1]} : vector<512x2xf32> to vector<512x1xf32>
    %reduce_max3A_2775 = vector.shape_cast %slice3A_2773 : vector<1x512xf32> to vector<1x1x512xf32>
    %reduce_max3A_2776 = arith.constant dense<0xFF800000> : vector<1xf32>
    %reduce_max3A_2777 = vector.multi_reduction <maximumf>, %reduce_max3A_2775, %reduce_max3A_2776 [1, 2] : vector<1x1x512xf32> to vector<1xf32>
    %reduce_max3A_2778 = vector.shape_cast %reduce_max3A_2777 : vector<1xf32> to vector<1x1x1xf32>
    %reduce_max3A_2779 = vector.extract %reduce_max3A_2778[0, 0, 0] : f32 from vector<1x1x1xf32>
    %add3A_2780 = vector.broadcast %reduce_max3A_2779 : f32 to vector<512x1xf32>
    %add3A_2781 = arith.addf %slice3A_2774, %add3A_2780 : vector<512x1xf32>
    %sub3A_2782 = vector.broadcast %reduce_max3A_2779 : f32 to vector<1x512xf32>
    %sub3A_2783 = arith.subf %slice3A_2773, %sub3A_2782 : vector<1x512xf32>
    %exp3A_2784 = math.exp %sub3A_2783 : vector<1x512xf32>
    %convert_element_type3A_2785 = arith.truncf %exp3A_2784 : vector<1x512xf32> to vector<1x512xbf16>
    %sub3A_2786 = vector.broadcast %reduce_max3A_2779 : f32 to vector<1x512xf32>
    %sub3A_2787 = arith.subf %slice3A_2773, %sub3A_2786 : vector<1x512xf32>
    %mul3A_2788 = arith.constant 2.000000e-01 : f32
    %mul3A_2789 = vector.broadcast %mul3A_2788 : f32 to vector<1x512xf32>
    %mul3A_2790 = arith.mulf %mul3A_2789, %sub3A_2787 : vector<1x512xf32>
    %exp3A_2791 = math.exp %mul3A_2790 : vector<1x512xf32>
    %convert_element_type3A_2792 = arith.truncf %exp3A_2791 : vector<1x512xf32> to vector<1x512xbf16>
    %min3A_2793 = arith.constant 0.000000e+00 : f32
    %min3A_2794 = vector.broadcast %min3A_2793 : f32 to vector<512x1xf32>
    %min3A_2795 = arith.minimumf %add3A_2781, %min3A_2794 : vector<512x1xf32>
    %mul3A_2796 = arith.constant 8.000000e-01 : f32
    %mul3A_2797 = vector.broadcast %mul3A_2796 : f32 to vector<512x1xf32>
    %mul3A_2798 = arith.mulf %mul3A_2797, %min3A_2795 : vector<512x1xf32>
    %exp3A_2799 = math.exp %mul3A_2798 : vector<512x1xf32>
    %convert_element_type3A_2800 = arith.truncf %exp3A_2799 : vector<512x1xf32> to vector<512x1xbf16>
    %max3A_2801 = arith.constant 0.000000e+00 : f32
    %max3A_2802 = vector.broadcast %max3A_2801 : f32 to vector<512x1xf32>
    %max3A_2803 = arith.maximumf %add3A_2781, %max3A_2802 : vector<512x1xf32>
    %mul3A_2804 = arith.constant -8.000000e-01 : f32
    %mul3A_2805 = vector.broadcast %mul3A_2804 : f32 to vector<512x1xf32>
    %mul3A_2806 = arith.mulf %mul3A_2805, %max3A_2803 : vector<512x1xf32>
    %exp3A_2807 = math.exp %mul3A_2806 : vector<512x1xf32>
    %convert_element_type3A_2808 = arith.truncf %exp3A_2807 : vector<512x1xf32> to vector<512x1xbf16>
    %mul3A_2809 = vector.broadcast %convert_element_type3A_2800 : vector<512x1xbf16> to vector<512x512xbf16>
    %mul3A_2810 = vector.broadcast %convert_element_type3A_2785 : vector<1x512xbf16> to vector<512x512xbf16>
    %mul3A_2811 = arith.mulf %mul3A_2809, %mul3A_2810 : vector<512x512xbf16>
    %mul3A_2812 = vector.broadcast %convert_element_type3A_2808 : vector<512x1xbf16> to vector<512x512xbf16>
    %mul3A_2813 = vector.broadcast %convert_element_type3A_2792 : vector<1x512xbf16> to vector<512x512xbf16>
    %mul3A_2814 = arith.mulf %mul3A_2812, %mul3A_2813 : vector<512x512xbf16>
    %max3A_2815 = arith.maximumf %mul3A_2811, %mul3A_2814 : vector<512x512xbf16>
    %mul3A_2816 = arith.mulf %convert_element_type3A, %max3A_2815 : vector<512x512xbf16>
    %convert_element_type3A_2817 = arith.truncf %slice3A_2772 : vector<512x32xf32> to vector<512x32xbf16>
    %concatenate3A_2818 = tpu.concatenate %convert_element_type3A_2817, %broadcast_in_dim3A_2714 in 1 : vector<512x32xbf16>, vector<512x1xbf16> -> vector<512x33xbf16>
    %dot_general3A_2819 = arith.constant dense<0.000000e+00> : vector<512x33xf32>
    %dot_general3A_2820 = tpu.matmul %mul3A_2816, %concatenate3A_2818, %dot_general3A_2819 {dimension_numbers = #tpu.dot_dimension_numbers<[1], [0], [0], [1], [0, 0, 1, 1], [], []>, transpose_lhs_hint = false} : vector<512x512xbf16>, vector<512x33xbf16>, vector<512x33xf32> -> vector<512x33xf32>
    %slice3A_2821 = vector.extract_strided_slice %dot_general3A_2820 {offsets = [0, 0], sizes = [512, 32], strides = [1, 1]} : vector<512x33xf32> to vector<512x32xf32>
    %slice3A_2822 = vector.extract_strided_slice %dot_general3A_2820 {offsets = [0, 32], sizes = [512, 1], strides = [1, 1]} : vector<512x33xf32> to vector<512x1xf32>
    %max3A_2823 = arith.constant 1.000000e-30 : f32
    %max3A_2824 = vector.broadcast %max3A_2823 : f32 to vector<512x1xf32>
    %max3A_2825 = arith.maximumf %slice3A_2822, %max3A_2824 : vector<512x1xf32>
    %reciprocal3A_2826 = tpu.reciprocal %max3A_2825 {approx = true} : vector<512x1xf32> -> vector<512x1xf32>
    %mul3A_2827 = vector.broadcast %reciprocal3A_2826 : vector<512x1xf32> to vector<512x32xf32>
    %mul3A_2828 = arith.mulf %slice3A_2821, %mul3A_2827 : vector<512x32xf32>
    %add3A_2829 = arith.addf %mul3A_2771, %mul3A_2828 : vector<512x32xf32>
    %mul3A_2830 = arith.constant 5.000000e-01 : f32
    %mul3A_2831 = vector.broadcast %mul3A_2830 : f32 to vector<512x32xf32>
    %mul3A_2832 = arith.mulf %mul3A_2831, %add3A_2829 : vector<512x32xf32>
    %get3A_2833 = arith.constant 0 : index
    %get3A_2834 = vector.load %arg15[%get3A_2833] : memref<32xf32, #tpu.memory_space<vmem>>, vector<32xf32>
    %broadcast_in_dim3A_2835 = vector.shape_cast %get3A_2834 : vector<32xf32> to vector<1x32xf32>
    %add3A_2836 = vector.broadcast %broadcast_in_dim3A_2835 : vector<1x32xf32> to vector<512x32xf32>
    %add3A_2837 = arith.addf %mul3A_2832, %add3A_2836 : vector<512x32xf32>
    %gt3A_2838 = arith.constant 0.000000e+00 : f32
    %gt3A_2839 = vector.broadcast %gt3A_2838 : f32 to vector<512x32xf32>
    %gt3A_2840 = arith.cmpf ogt, %add3A_2837, %gt3A_2839 : vector<512x32xf32>
    %exp3A_2841 = math.exp %add3A_2837 : vector<512x32xf32>
    %sub3A_2842 = arith.constant 1.000000e+00 : f32
    %sub3A_2843 = vector.broadcast %sub3A_2842 : f32 to vector<512x32xf32>
    %sub3A_2844 = arith.subf %exp3A_2841, %sub3A_2843 : vector<512x32xf32>
    %mul3A_2845 = arith.constant 1.67326319 : f32
    %mul3A_2846 = vector.broadcast %mul3A_2845 : f32 to vector<512x32xf32>
    %mul3A_2847 = arith.mulf %mul3A_2846, %sub3A_2844 : vector<512x32xf32>
    %select_n3A_2848 = arith.select %gt3A_2840, %add3A_2837, %mul3A_2847 : vector<512x32xi1>, vector<512x32xf32>
    %mul3A_2849 = arith.constant 1.05070102 : f32
    %mul3A_2850 = vector.broadcast %mul3A_2849 : f32 to vector<512x32xf32>
    %mul3A_2851 = arith.mulf %mul3A_2850, %select_n3A_2848 : vector<512x32xf32>
    %get3A_2852 = arith.constant 0 : index
    %get3A_2853 = arith.constant 0 : index
    %get3A_2854 = vector.load %arg16[%get3A_2852, %get3A_2853] : memref<1x32xf32, #tpu.memory_space<vmem>>, vector<1x32xf32>
    %mul3A_2855 = vector.broadcast %get3A_2854 : vector<1x32xf32> to vector<512x32xf32>
    %mul3A_2856 = arith.mulf %mul3A_2851, %mul3A_2855 : vector<512x32xf32>
    %reduce_sum3A_2857 = arith.constant dense<0.000000e+00> : vector<512xf32>
    %reduce_sum3A_2858 = vector.multi_reduction <add>, %mul3A_2856, %reduce_sum3A_2857 [1] : vector<512x32xf32> to vector<512xf32>
    %broadcast_in_dim3A_2859 = vector.shape_cast %reduce_sum3A_2858 : vector<512xf32> to vector<512x1xf32>
    %get3A_2860 = arith.constant 0 : index
    %get3A_2861 = vector.load %arg17[%get3A_2860] : memref<1xf32, #tpu.memory_space<vmem>>, vector<1xf32>
    %get3A_2862 = vector.extract %get3A_2861[0] : f32 from vector<1xf32>
    %add3A_2863 = vector.broadcast %get3A_2862 : f32 to vector<512x1xf32>
    %add3A_2864 = arith.addf %broadcast_in_dim3A_2859, %add3A_2863 : vector<512x1xf32>
    %broadcast_in_dim3A_2865 = vector.shape_cast %add3A_2864 : vector<512x1xf32> to vector<1x512x1xf32>
    %swap3A_2866 = arith.constant 5 : index
    %swap3A_2867 = arith.constant 0 : index
    %swap3A_2868 = arith.constant 0 : index
    %swap3A_2869 = vector.load %arg18[%swap3A_2866, %swap3A_2867, %swap3A_2868] : memref<8x512x1xf32, #tpu.memory_space<vmem>>, vector<1x512x1xf32>
    tpu.vector_store %arg18[%swap3A_2866, %swap3A_2867, %swap3A_2868], %broadcast_in_dim3A_2865 {strides = array<i32>} : memref<8x512x1xf32, #tpu.memory_space<vmem>>, vector<1x512x1xf32>,
    %mul3A_2870 = arith.constant 8 : i32
    %mul3A_2871 = arith.muli %arg0, %mul3A_2870 : i32
    %add3A_2872 = arith.constant 6 : i32
    %add3A_2873 = arith.addi %mul3A_2871, %add3A_2872 : i32
    %get3A_2874 = arith.index_cast %add3A_2873 : i32 to index
    %get3A_2875 = arith.constant 0 : index
    %get3A_2876 = vector.load %arg1[%get3A_2874, %get3A_2875] : memref<64x64xf32, #tpu.memory_space<vmem>>, vector<1x64xf32>
    %dot_general3A_2877 = arith.constant dense<0.000000e+00> : vector<1x256xf32>
    %dot_general3A_2878 = tpu.matmul %get3A_2876, %slice3A_9, %dot_general3A_2877 {dimension_numbers = #tpu.dot_dimension_numbers<[1], [1], [0], [0], [0, 0, 1, 0], [], []>, transpose_lhs_hint = false} : vector<1x64xf32>, vector<256x64xf32>, vector<1x256xf32> -> vector<1x256xf32>
    %add3A_2879 = vector.broadcast %dot_general3A_2878 : vector<1x256xf32> to vector<512x256xf32>
    %add3A_2880 = arith.addf %dot_general3A_8, %add3A_2879 : vector<512x256xf32>
    %dot_general3A_2881 = arith.constant dense<0.000000e+00> : vector<512x2xf32>
    %dot_general3A_2882 = tpu.matmul %add3A_2880, %concatenate3A_29, %dot_general3A_2881 {dimension_numbers = #tpu.dot_dimension_numbers<[1], [1], [0], [0], [0, 0, 1, 0], [], []>, transpose_lhs_hint = false} : vector<512x256xf32>, vector<2x256xf32>, vector<512x2xf32> -> vector<512x2xf32>
    %dot_general3A_2883 = arith.constant dense<0.000000e+00> : vector<2x512xf32>
    %dot_general3A_2884 = tpu.matmul %concatenate3A_18, %add3A_2880, %dot_general3A_2883 {dimension_numbers = #tpu.dot_dimension_numbers<[1], [1], [0], [0], [0, 0, 1, 0], [], []>, transpose_lhs_hint = false} : vector<2x256xf32>, vector<512x256xf32>, vector<2x512xf32> -> vector<2x512xf32>
    %broadcast_in_dim3A_2885 = arith.constant 1.000000e+00 : bf16
    %broadcast_in_dim3A_2886 = vector.broadcast %broadcast_in_dim3A_2885 : bf16 to vector<512x1xbf16>
    %slice3A_2887 = vector.extract_strided_slice %add3A_2880 {offsets = [0, 0], sizes = [512, 128], strides = [1, 1]} : vector<512x256xf32> to vector<512x128xf32>
    %slice3A_2888 = vector.extract_strided_slice %dot_general3A_2884 {offsets = [0, 0], sizes = [1, 512], strides = [1, 1]} : vector<2x512xf32> to vector<1x512xf32>
    %slice3A_2889 = vector.extract_strided_slice %dot_general3A_2882 {offsets = [0, 0], sizes = [512, 1], strides = [1, 1]} : vector<512x2xf32> to vector<512x1xf32>
    %reduce_max3A_2890 = vector.shape_cast %slice3A_2888 : vector<1x512xf32> to vector<1x1x512xf32>
    %reduce_max3A_2891 = arith.constant dense<0xFF800000> : vector<1xf32>
    %reduce_max3A_2892 = vector.multi_reduction <maximumf>, %reduce_max3A_2890, %reduce_max3A_2891 [1, 2] : vector<1x1x512xf32> to vector<1xf32>
    %reduce_max3A_2893 = vector.shape_cast %reduce_max3A_2892 : vector<1xf32> to vector<1x1x1xf32>
    %reduce_max3A_2894 = vector.extract %reduce_max3A_2893[0, 0, 0] : f32 from vector<1x1x1xf32>
    %add3A_2895 = vector.broadcast %reduce_max3A_2894 : f32 to vector<512x1xf32>
    %add3A_2896 = arith.addf %slice3A_2889, %add3A_2895 : vector<512x1xf32>
    %sub3A_2897 = vector.broadcast %reduce_max3A_2894 : f32 to vector<1x512xf32>
    %sub3A_2898 = arith.subf %slice3A_2888, %sub3A_2897 : vector<1x512xf32>
    %exp3A_2899 = math.exp %sub3A_2898 : vector<1x512xf32>
    %convert_element_type3A_2900 = arith.truncf %exp3A_2899 : vector<1x512xf32> to vector<1x512xbf16>
    %sub3A_2901 = vector.broadcast %reduce_max3A_2894 : f32 to vector<1x512xf32>
    %sub3A_2902 = arith.subf %slice3A_2888, %sub3A_2901 : vector<1x512xf32>
    %mul3A_2903 = arith.constant 2.000000e-01 : f32
    %mul3A_2904 = vector.broadcast %mul3A_2903 : f32 to vector<1x512xf32>
    %mul3A_2905 = arith.mulf %mul3A_2904, %sub3A_2902 : vector<1x512xf32>
    %exp3A_2906 = math.exp %mul3A_2905 : vector<1x512xf32>
    %convert_element_type3A_2907 = arith.truncf %exp3A_2906 : vector<1x512xf32> to vector<1x512xbf16>
    %min3A_2908 = arith.constant 0.000000e+00 : f32
    %min3A_2909 = vector.broadcast %min3A_2908 : f32 to vector<512x1xf32>
    %min3A_2910 = arith.minimumf %add3A_2896, %min3A_2909 : vector<512x1xf32>
    %mul3A_2911 = arith.constant 8.000000e-01 : f32
    %mul3A_2912 = vector.broadcast %mul3A_2911 : f32 to vector<512x1xf32>
    %mul3A_2913 = arith.mulf %mul3A_2912, %min3A_2910 : vector<512x1xf32>
    %exp3A_2914 = math.exp %mul3A_2913 : vector<512x1xf32>
    %convert_element_type3A_2915 = arith.truncf %exp3A_2914 : vector<512x1xf32> to vector<512x1xbf16>
    %max3A_2916 = arith.constant 0.000000e+00 : f32
    %max3A_2917 = vector.broadcast %max3A_2916 : f32 to vector<512x1xf32>
    %max3A_2918 = arith.maximumf %add3A_2896, %max3A_2917 : vector<512x1xf32>
    %mul3A_2919 = arith.constant -8.000000e-01 : f32
    %mul3A_2920 = vector.broadcast %mul3A_2919 : f32 to vector<512x1xf32>
    %mul3A_2921 = arith.mulf %mul3A_2920, %max3A_2918 : vector<512x1xf32>
    %exp3A_2922 = math.exp %mul3A_2921 : vector<512x1xf32>
    %convert_element_type3A_2923 = arith.truncf %exp3A_2922 : vector<512x1xf32> to vector<512x1xbf16>
    %mul3A_2924 = vector.broadcast %convert_element_type3A_2915 : vector<512x1xbf16> to vector<512x512xbf16>
    %mul3A_2925 = vector.broadcast %convert_element_type3A_2900 : vector<1x512xbf16> to vector<512x512xbf16>
    %mul3A_2926 = arith.mulf %mul3A_2924, %mul3A_2925 : vector<512x512xbf16>
    %mul3A_2927 = vector.broadcast %convert_element_type3A_2923 : vector<512x1xbf16> to vector<512x512xbf16>
    %mul3A_2928 = vector.broadcast %convert_element_type3A_2907 : vector<1x512xbf16> to vector<512x512xbf16>
    %mul3A_2929 = arith.mulf %mul3A_2927, %mul3A_2928 : vector<512x512xbf16>
    %max3A_2930 = arith.maximumf %mul3A_2926, %mul3A_2929 : vector<512x512xbf16>
    %mul3A_2931 = arith.mulf %convert_element_type3A, %max3A_2930 : vector<512x512xbf16>
    %convert_element_type3A_2932 = arith.truncf %slice3A_2887 : vector<512x128xf32> to vector<512x128xbf16>
    %concatenate3A_2933 = tpu.concatenate %convert_element_type3A_2932, %broadcast_in_dim3A_2886 in 1 : vector<512x128xbf16>, vector<512x1xbf16> -> vector<512x129xbf16>
    %dot_general3A_2934 = arith.constant dense<0.000000e+00> : vector<512x129xf32>
    %dot_general3A_2935 = tpu.matmul %mul3A_2931, %concatenate3A_2933, %dot_general3A_2934 {dimension_numbers = #tpu.dot_dimension_numbers<[1], [0], [0], [1], [0, 0, 1, 1], [], []>, transpose_lhs_hint = false} : vector<512x512xbf16>, vector<512x129xbf16>, vector<512x129xf32> -> vector<512x129xf32>
    %slice3A_2936 = vector.extract_strided_slice %dot_general3A_2935 {offsets = [0, 0], sizes = [512, 128], strides = [1, 1]} : vector<512x129xf32> to vector<512x128xf32>
    %slice3A_2937 = vector.extract_strided_slice %dot_general3A_2935 {offsets = [0, 128], sizes = [512, 1], strides = [1, 1]} : vector<512x129xf32> to vector<512x1xf32>
    %max3A_2938 = arith.constant 1.000000e-30 : f32
    %max3A_2939 = vector.broadcast %max3A_2938 : f32 to vector<512x1xf32>
    %max3A_2940 = arith.maximumf %slice3A_2937, %max3A_2939 : vector<512x1xf32>
    %reciprocal3A_2941 = tpu.reciprocal %max3A_2940 {approx = true} : vector<512x1xf32> -> vector<512x1xf32>
    %mul3A_2942 = vector.broadcast %reciprocal3A_2941 : vector<512x1xf32> to vector<512x128xf32>
    %mul3A_2943 = arith.mulf %slice3A_2936, %mul3A_2942 : vector<512x128xf32>
    %slice3A_2944 = vector.extract_strided_slice %add3A_2880 {offsets = [0, 128], sizes = [512, 128], strides = [1, 1]} : vector<512x256xf32> to vector<512x128xf32>
    %slice3A_2945 = vector.extract_strided_slice %dot_general3A_2884 {offsets = [1, 0], sizes = [1, 512], strides = [1, 1]} : vector<2x512xf32> to vector<1x512xf32>
    %slice3A_2946 = vector.extract_strided_slice %dot_general3A_2882 {offsets = [0, 1], sizes = [512, 1], strides = [1, 1]} : vector<512x2xf32> to vector<512x1xf32>
    %reduce_max3A_2947 = vector.shape_cast %slice3A_2945 : vector<1x512xf32> to vector<1x1x512xf32>
    %reduce_max3A_2948 = arith.constant dense<0xFF800000> : vector<1xf32>
    %reduce_max3A_2949 = vector.multi_reduction <maximumf>, %reduce_max3A_2947, %reduce_max3A_2948 [1, 2] : vector<1x1x512xf32> to vector<1xf32>
    %reduce_max3A_2950 = vector.shape_cast %reduce_max3A_2949 : vector<1xf32> to vector<1x1x1xf32>
    %reduce_max3A_2951 = vector.extract %reduce_max3A_2950[0, 0, 0] : f32 from vector<1x1x1xf32>
    %add3A_2952 = vector.broadcast %reduce_max3A_2951 : f32 to vector<512x1xf32>
    %add3A_2953 = arith.addf %slice3A_2946, %add3A_2952 : vector<512x1xf32>
    %sub3A_2954 = vector.broadcast %reduce_max3A_2951 : f32 to vector<1x512xf32>
    %sub3A_2955 = arith.subf %slice3A_2945, %sub3A_2954 : vector<1x512xf32>
    %exp3A_2956 = math.exp %sub3A_2955 : vector<1x512xf32>
    %convert_element_type3A_2957 = arith.truncf %exp3A_2956 : vector<1x512xf32> to vector<1x512xbf16>
    %sub3A_2958 = vector.broadcast %reduce_max3A_2951 : f32 to vector<1x512xf32>
    %sub3A_2959 = arith.subf %slice3A_2945, %sub3A_2958 : vector<1x512xf32>
    %mul3A_2960 = arith.constant 2.000000e-01 : f32
    %mul3A_2961 = vector.broadcast %mul3A_2960 : f32 to vector<1x512xf32>
    %mul3A_2962 = arith.mulf %mul3A_2961, %sub3A_2959 : vector<1x512xf32>
    %exp3A_2963 = math.exp %mul3A_2962 : vector<1x512xf32>
    %convert_element_type3A_2964 = arith.truncf %exp3A_2963 : vector<1x512xf32> to vector<1x512xbf16>
    %min3A_2965 = arith.constant 0.000000e+00 : f32
    %min3A_2966 = vector.broadcast %min3A_2965 : f32 to vector<512x1xf32>
    %min3A_2967 = arith.minimumf %add3A_2953, %min3A_2966 : vector<512x1xf32>
    %mul3A_2968 = arith.constant 8.000000e-01 : f32
    %mul3A_2969 = vector.broadcast %mul3A_2968 : f32 to vector<512x1xf32>
    %mul3A_2970 = arith.mulf %mul3A_2969, %min3A_2967 : vector<512x1xf32>
    %exp3A_2971 = math.exp %mul3A_2970 : vector<512x1xf32>
    %convert_element_type3A_2972 = arith.truncf %exp3A_2971 : vector<512x1xf32> to vector<512x1xbf16>
    %max3A_2973 = arith.constant 0.000000e+00 : f32
    %max3A_2974 = vector.broadcast %max3A_2973 : f32 to vector<512x1xf32>
    %max3A_2975 = arith.maximumf %add3A_2953, %max3A_2974 : vector<512x1xf32>
    %mul3A_2976 = arith.constant -8.000000e-01 : f32
    %mul3A_2977 = vector.broadcast %mul3A_2976 : f32 to vector<512x1xf32>
    %mul3A_2978 = arith.mulf %mul3A_2977, %max3A_2975 : vector<512x1xf32>
    %exp3A_2979 = math.exp %mul3A_2978 : vector<512x1xf32>
    %convert_element_type3A_2980 = arith.truncf %exp3A_2979 : vector<512x1xf32> to vector<512x1xbf16>
    %mul3A_2981 = vector.broadcast %convert_element_type3A_2972 : vector<512x1xbf16> to vector<512x512xbf16>
    %mul3A_2982 = vector.broadcast %convert_element_type3A_2957 : vector<1x512xbf16> to vector<512x512xbf16>
    %mul3A_2983 = arith.mulf %mul3A_2981, %mul3A_2982 : vector<512x512xbf16>
    %mul3A_2984 = vector.broadcast %convert_element_type3A_2980 : vector<512x1xbf16> to vector<512x512xbf16>
    %mul3A_2985 = vector.broadcast %convert_element_type3A_2964 : vector<1x512xbf16> to vector<512x512xbf16>
    %mul3A_2986 = arith.mulf %mul3A_2984, %mul3A_2985 : vector<512x512xbf16>
    %max3A_2987 = arith.maximumf %mul3A_2983, %mul3A_2986 : vector<512x512xbf16>
    %mul3A_2988 = arith.mulf %convert_element_type3A, %max3A_2987 : vector<512x512xbf16>
    %convert_element_type3A_2989 = arith.truncf %slice3A_2944 : vector<512x128xf32> to vector<512x128xbf16>
    %concatenate3A_2990 = tpu.concatenate %convert_element_type3A_2989, %broadcast_in_dim3A_2886 in 1 : vector<512x128xbf16>, vector<512x1xbf16> -> vector<512x129xbf16>
    %dot_general3A_2991 = arith.constant dense<0.000000e+00> : vector<512x129xf32>
    %dot_general3A_2992 = tpu.matmul %mul3A_2988, %concatenate3A_2990, %dot_general3A_2991 {dimension_numbers = #tpu.dot_dimension_numbers<[1], [0], [0], [1], [0, 0, 1, 1], [], []>, transpose_lhs_hint = false} : vector<512x512xbf16>, vector<512x129xbf16>, vector<512x129xf32> -> vector<512x129xf32>
    %slice3A_2993 = vector.extract_strided_slice %dot_general3A_2992 {offsets = [0, 0], sizes = [512, 128], strides = [1, 1]} : vector<512x129xf32> to vector<512x128xf32>
    %slice3A_2994 = vector.extract_strided_slice %dot_general3A_2992 {offsets = [0, 128], sizes = [512, 1], strides = [1, 1]} : vector<512x129xf32> to vector<512x1xf32>
    %max3A_2995 = arith.constant 1.000000e-30 : f32
    %max3A_2996 = vector.broadcast %max3A_2995 : f32 to vector<512x1xf32>
    %max3A_2997 = arith.maximumf %slice3A_2994, %max3A_2996 : vector<512x1xf32>
    %reciprocal3A_2998 = tpu.reciprocal %max3A_2997 {approx = true} : vector<512x1xf32> -> vector<512x1xf32>
    %mul3A_2999 = vector.broadcast %reciprocal3A_2998 : vector<512x1xf32> to vector<512x128xf32>
    %mul3A_3000 = arith.mulf %slice3A_2993, %mul3A_2999 : vector<512x128xf32>
    %add3A_3001 = arith.addf %mul3A_2943, %mul3A_3000 : vector<512x128xf32>
    %mul3A_3002 = arith.constant 5.000000e-01 : f32
    %mul3A_3003 = vector.broadcast %mul3A_3002 : f32 to vector<512x128xf32>
    %mul3A_3004 = arith.mulf %mul3A_3003, %add3A_3001 : vector<512x128xf32>
    %get3A_3005 = arith.constant 0 : index
    %get3A_3006 = vector.load %arg7[%get3A_3005] : memref<128xf32, #tpu.memory_space<vmem>>, vector<128xf32>
    %broadcast_in_dim3A_3007 = vector.shape_cast %get3A_3006 : vector<128xf32> to vector<1x128xf32>
    %add3A_3008 = vector.broadcast %broadcast_in_dim3A_3007 : vector<1x128xf32> to vector<512x128xf32>
    %add3A_3009 = arith.addf %mul3A_3004, %add3A_3008 : vector<512x128xf32>
    %gt3A_3010 = arith.constant 0.000000e+00 : f32
    %gt3A_3011 = vector.broadcast %gt3A_3010 : f32 to vector<512x128xf32>
    %gt3A_3012 = arith.cmpf ogt, %add3A_3009, %gt3A_3011 : vector<512x128xf32>
    %exp3A_3013 = math.exp %add3A_3009 : vector<512x128xf32>
    %sub3A_3014 = arith.constant 1.000000e+00 : f32
    %sub3A_3015 = vector.broadcast %sub3A_3014 : f32 to vector<512x128xf32>
    %sub3A_3016 = arith.subf %exp3A_3013, %sub3A_3015 : vector<512x128xf32>
    %mul3A_3017 = arith.constant 1.67326319 : f32
    %mul3A_3018 = vector.broadcast %mul3A_3017 : f32 to vector<512x128xf32>
    %mul3A_3019 = arith.mulf %mul3A_3018, %sub3A_3016 : vector<512x128xf32>
    %select_n3A_3020 = arith.select %gt3A_3012, %add3A_3009, %mul3A_3019 : vector<512x128xi1>, vector<512x128xf32>
    %mul3A_3021 = arith.constant 1.05070102 : f32
    %mul3A_3022 = vector.broadcast %mul3A_3021 : f32 to vector<512x128xf32>
    %mul3A_3023 = arith.mulf %mul3A_3022, %select_n3A_3020 : vector<512x128xf32>
    %get3A_3024 = arith.constant 0 : index
    %get3A_3025 = arith.constant 0 : index
    %get3A_3026 = vector.load %arg8[%get3A_3024, %get3A_3025] : memref<128x128xf32, #tpu.memory_space<vmem>>, vector<128x128xf32>
    %dot_general3A_3027 = arith.constant dense<0.000000e+00> : vector<512x128xf32>
    %dot_general3A_3028 = tpu.matmul %mul3A_3023, %get3A_3026, %dot_general3A_3027 {dimension_numbers = #tpu.dot_dimension_numbers<[1], [1], [0], [0], [0, 0, 1, 0], [], []>, transpose_lhs_hint = false} : vector<512x128xf32>, vector<128x128xf32>, vector<512x128xf32> -> vector<512x128xf32>
    %dot_general3A_3029 = arith.constant dense<0.000000e+00> : vector<512x2xf32>
    %dot_general3A_3030 = tpu.matmul %dot_general3A_3028, %concatenate3A_51, %dot_general3A_3029 {dimension_numbers = #tpu.dot_dimension_numbers<[1], [1], [0], [0], [0, 0, 1, 0], [], []>, transpose_lhs_hint = false} : vector<512x128xf32>, vector<2x128xf32>, vector<512x2xf32> -> vector<512x2xf32>
    %dot_general3A_3031 = arith.constant dense<0.000000e+00> : vector<2x512xf32>
    %dot_general3A_3032 = tpu.matmul %concatenate3A_40, %dot_general3A_3028, %dot_general3A_3031 {dimension_numbers = #tpu.dot_dimension_numbers<[1], [1], [0], [0], [0, 0, 1, 0], [], []>, transpose_lhs_hint = false} : vector<2x128xf32>, vector<512x128xf32>, vector<2x512xf32> -> vector<2x512xf32>
    %broadcast_in_dim3A_3033 = arith.constant 1.000000e+00 : bf16
    %broadcast_in_dim3A_3034 = vector.broadcast %broadcast_in_dim3A_3033 : bf16 to vector<512x1xbf16>
    %slice3A_3035 = vector.extract_strided_slice %dot_general3A_3028 {offsets = [0, 0], sizes = [512, 64], strides = [1, 1]} : vector<512x128xf32> to vector<512x64xf32>
    %slice3A_3036 = vector.extract_strided_slice %dot_general3A_3032 {offsets = [0, 0], sizes = [1, 512], strides = [1, 1]} : vector<2x512xf32> to vector<1x512xf32>
    %slice3A_3037 = vector.extract_strided_slice %dot_general3A_3030 {offsets = [0, 0], sizes = [512, 1], strides = [1, 1]} : vector<512x2xf32> to vector<512x1xf32>
    %reduce_max3A_3038 = vector.shape_cast %slice3A_3036 : vector<1x512xf32> to vector<1x1x512xf32>
    %reduce_max3A_3039 = arith.constant dense<0xFF800000> : vector<1xf32>
    %reduce_max3A_3040 = vector.multi_reduction <maximumf>, %reduce_max3A_3038, %reduce_max3A_3039 [1, 2] : vector<1x1x512xf32> to vector<1xf32>
    %reduce_max3A_3041 = vector.shape_cast %reduce_max3A_3040 : vector<1xf32> to vector<1x1x1xf32>
    %reduce_max3A_3042 = vector.extract %reduce_max3A_3041[0, 0, 0] : f32 from vector<1x1x1xf32>
    %add3A_3043 = vector.broadcast %reduce_max3A_3042 : f32 to vector<512x1xf32>
    %add3A_3044 = arith.addf %slice3A_3037, %add3A_3043 : vector<512x1xf32>
    %sub3A_3045 = vector.broadcast %reduce_max3A_3042 : f32 to vector<1x512xf32>
    %sub3A_3046 = arith.subf %slice3A_3036, %sub3A_3045 : vector<1x512xf32>
    %exp3A_3047 = math.exp %sub3A_3046 : vector<1x512xf32>
    %convert_element_type3A_3048 = arith.truncf %exp3A_3047 : vector<1x512xf32> to vector<1x512xbf16>
    %sub3A_3049 = vector.broadcast %reduce_max3A_3042 : f32 to vector<1x512xf32>
    %sub3A_3050 = arith.subf %slice3A_3036, %sub3A_3049 : vector<1x512xf32>
    %mul3A_3051 = arith.constant 2.000000e-01 : f32
    %mul3A_3052 = vector.broadcast %mul3A_3051 : f32 to vector<1x512xf32>
    %mul3A_3053 = arith.mulf %mul3A_3052, %sub3A_3050 : vector<1x512xf32>
    %exp3A_3054 = math.exp %mul3A_3053 : vector<1x512xf32>
    %convert_element_type3A_3055 = arith.truncf %exp3A_3054 : vector<1x512xf32> to vector<1x512xbf16>
    %min3A_3056 = arith.constant 0.000000e+00 : f32
    %min3A_3057 = vector.broadcast %min3A_3056 : f32 to vector<512x1xf32>
    %min3A_3058 = arith.minimumf %add3A_3044, %min3A_3057 : vector<512x1xf32>
    %mul3A_3059 = arith.constant 8.000000e-01 : f32
    %mul3A_3060 = vector.broadcast %mul3A_3059 : f32 to vector<512x1xf32>
    %mul3A_3061 = arith.mulf %mul3A_3060, %min3A_3058 : vector<512x1xf32>
    %exp3A_3062 = math.exp %mul3A_3061 : vector<512x1xf32>
    %convert_element_type3A_3063 = arith.truncf %exp3A_3062 : vector<512x1xf32> to vector<512x1xbf16>
    %max3A_3064 = arith.constant 0.000000e+00 : f32
    %max3A_3065 = vector.broadcast %max3A_3064 : f32 to vector<512x1xf32>
    %max3A_3066 = arith.maximumf %add3A_3044, %max3A_3065 : vector<512x1xf32>
    %mul3A_3067 = arith.constant -8.000000e-01 : f32
    %mul3A_3068 = vector.broadcast %mul3A_3067 : f32 to vector<512x1xf32>
    %mul3A_3069 = arith.mulf %mul3A_3068, %max3A_3066 : vector<512x1xf32>
    %exp3A_3070 = math.exp %mul3A_3069 : vector<512x1xf32>
    %convert_element_type3A_3071 = arith.truncf %exp3A_3070 : vector<512x1xf32> to vector<512x1xbf16>
    %mul3A_3072 = vector.broadcast %convert_element_type3A_3063 : vector<512x1xbf16> to vector<512x512xbf16>
    %mul3A_3073 = vector.broadcast %convert_element_type3A_3048 : vector<1x512xbf16> to vector<512x512xbf16>
    %mul3A_3074 = arith.mulf %mul3A_3072, %mul3A_3073 : vector<512x512xbf16>
    %mul3A_3075 = vector.broadcast %convert_element_type3A_3071 : vector<512x1xbf16> to vector<512x512xbf16>
    %mul3A_3076 = vector.broadcast %convert_element_type3A_3055 : vector<1x512xbf16> to vector<512x512xbf16>
    %mul3A_3077 = arith.mulf %mul3A_3075, %mul3A_3076 : vector<512x512xbf16>
    %max3A_3078 = arith.maximumf %mul3A_3074, %mul3A_3077 : vector<512x512xbf16>
    %mul3A_3079 = arith.mulf %convert_element_type3A, %max3A_3078 : vector<512x512xbf16>
    %convert_element_type3A_3080 = arith.truncf %slice3A_3035 : vector<512x64xf32> to vector<512x64xbf16>
    %concatenate3A_3081 = tpu.concatenate %convert_element_type3A_3080, %broadcast_in_dim3A_3034 in 1 : vector<512x64xbf16>, vector<512x1xbf16> -> vector<512x65xbf16>
    %dot_general3A_3082 = arith.constant dense<0.000000e+00> : vector<512x65xf32>
    %dot_general3A_3083 = tpu.matmul %mul3A_3079, %concatenate3A_3081, %dot_general3A_3082 {dimension_numbers = #tpu.dot_dimension_numbers<[1], [0], [0], [1], [0, 0, 1, 1], [], []>, transpose_lhs_hint = false} : vector<512x512xbf16>, vector<512x65xbf16>, vector<512x65xf32> -> vector<512x65xf32>
    %slice3A_3084 = vector.extract_strided_slice %dot_general3A_3083 {offsets = [0, 0], sizes = [512, 64], strides = [1, 1]} : vector<512x65xf32> to vector<512x64xf32>
    %slice3A_3085 = vector.extract_strided_slice %dot_general3A_3083 {offsets = [0, 64], sizes = [512, 1], strides = [1, 1]} : vector<512x65xf32> to vector<512x1xf32>
    %max3A_3086 = arith.constant 1.000000e-30 : f32
    %max3A_3087 = vector.broadcast %max3A_3086 : f32 to vector<512x1xf32>
    %max3A_3088 = arith.maximumf %slice3A_3085, %max3A_3087 : vector<512x1xf32>
    %reciprocal3A_3089 = tpu.reciprocal %max3A_3088 {approx = true} : vector<512x1xf32> -> vector<512x1xf32>
    %mul3A_3090 = vector.broadcast %reciprocal3A_3089 : vector<512x1xf32> to vector<512x64xf32>
    %mul3A_3091 = arith.mulf %slice3A_3084, %mul3A_3090 : vector<512x64xf32>
    %slice3A_3092 = vector.extract_strided_slice %dot_general3A_3028 {offsets = [0, 64], sizes = [512, 64], strides = [1, 1]} : vector<512x128xf32> to vector<512x64xf32>
    %slice3A_3093 = vector.extract_strided_slice %dot_general3A_3032 {offsets = [1, 0], sizes = [1, 512], strides = [1, 1]} : vector<2x512xf32> to vector<1x512xf32>
    %slice3A_3094 = vector.extract_strided_slice %dot_general3A_3030 {offsets = [0, 1], sizes = [512, 1], strides = [1, 1]} : vector<512x2xf32> to vector<512x1xf32>
    %reduce_max3A_3095 = vector.shape_cast %slice3A_3093 : vector<1x512xf32> to vector<1x1x512xf32>
    %reduce_max3A_3096 = arith.constant dense<0xFF800000> : vector<1xf32>
    %reduce_max3A_3097 = vector.multi_reduction <maximumf>, %reduce_max3A_3095, %reduce_max3A_3096 [1, 2] : vector<1x1x512xf32> to vector<1xf32>
    %reduce_max3A_3098 = vector.shape_cast %reduce_max3A_3097 : vector<1xf32> to vector<1x1x1xf32>
    %reduce_max3A_3099 = vector.extract %reduce_max3A_3098[0, 0, 0] : f32 from vector<1x1x1xf32>
    %add3A_3100 = vector.broadcast %reduce_max3A_3099 : f32 to vector<512x1xf32>
    %add3A_3101 = arith.addf %slice3A_3094, %add3A_3100 : vector<512x1xf32>
    %sub3A_3102 = vector.broadcast %reduce_max3A_3099 : f32 to vector<1x512xf32>
    %sub3A_3103 = arith.subf %slice3A_3093, %sub3A_3102 : vector<1x512xf32>
    %exp3A_3104 = math.exp %sub3A_3103 : vector<1x512xf32>
    %convert_element_type3A_3105 = arith.truncf %exp3A_3104 : vector<1x512xf32> to vector<1x512xbf16>
    %sub3A_3106 = vector.broadcast %reduce_max3A_3099 : f32 to vector<1x512xf32>
    %sub3A_3107 = arith.subf %slice3A_3093, %sub3A_3106 : vector<1x512xf32>
    %mul3A_3108 = arith.constant 2.000000e-01 : f32
    %mul3A_3109 = vector.broadcast %mul3A_3108 : f32 to vector<1x512xf32>
    %mul3A_3110 = arith.mulf %mul3A_3109, %sub3A_3107 : vector<1x512xf32>
    %exp3A_3111 = math.exp %mul3A_3110 : vector<1x512xf32>
    %convert_element_type3A_3112 = arith.truncf %exp3A_3111 : vector<1x512xf32> to vector<1x512xbf16>
    %min3A_3113 = arith.constant 0.000000e+00 : f32
    %min3A_3114 = vector.broadcast %min3A_3113 : f32 to vector<512x1xf32>
    %min3A_3115 = arith.minimumf %add3A_3101, %min3A_3114 : vector<512x1xf32>
    %mul3A_3116 = arith.constant 8.000000e-01 : f32
    %mul3A_3117 = vector.broadcast %mul3A_3116 : f32 to vector<512x1xf32>
    %mul3A_3118 = arith.mulf %mul3A_3117, %min3A_3115 : vector<512x1xf32>
    %exp3A_3119 = math.exp %mul3A_3118 : vector<512x1xf32>
    %convert_element_type3A_3120 = arith.truncf %exp3A_3119 : vector<512x1xf32> to vector<512x1xbf16>
    %max3A_3121 = arith.constant 0.000000e+00 : f32
    %max3A_3122 = vector.broadcast %max3A_3121 : f32 to vector<512x1xf32>
    %max3A_3123 = arith.maximumf %add3A_3101, %max3A_3122 : vector<512x1xf32>
    %mul3A_3124 = arith.constant -8.000000e-01 : f32
    %mul3A_3125 = vector.broadcast %mul3A_3124 : f32 to vector<512x1xf32>
    %mul3A_3126 = arith.mulf %mul3A_3125, %max3A_3123 : vector<512x1xf32>
    %exp3A_3127 = math.exp %mul3A_3126 : vector<512x1xf32>
    %convert_element_type3A_3128 = arith.truncf %exp3A_3127 : vector<512x1xf32> to vector<512x1xbf16>
    %mul3A_3129 = vector.broadcast %convert_element_type3A_3120 : vector<512x1xbf16> to vector<512x512xbf16>
    %mul3A_3130 = vector.broadcast %convert_element_type3A_3105 : vector<1x512xbf16> to vector<512x512xbf16>
    %mul3A_3131 = arith.mulf %mul3A_3129, %mul3A_3130 : vector<512x512xbf16>
    %mul3A_3132 = vector.broadcast %convert_element_type3A_3128 : vector<512x1xbf16> to vector<512x512xbf16>
    %mul3A_3133 = vector.broadcast %convert_element_type3A_3112 : vector<1x512xbf16> to vector<512x512xbf16>
    %mul3A_3134 = arith.mulf %mul3A_3132, %mul3A_3133 : vector<512x512xbf16>
    %max3A_3135 = arith.maximumf %mul3A_3131, %mul3A_3134 : vector<512x512xbf16>
    %mul3A_3136 = arith.mulf %convert_element_type3A, %max3A_3135 : vector<512x512xbf16>
    %convert_element_type3A_3137 = arith.truncf %slice3A_3092 : vector<512x64xf32> to vector<512x64xbf16>
    %concatenate3A_3138 = tpu.concatenate %convert_element_type3A_3137, %broadcast_in_dim3A_3034 in 1 : vector<512x64xbf16>, vector<512x1xbf16> -> vector<512x65xbf16>
    %dot_general3A_3139 = arith.constant dense<0.000000e+00> : vector<512x65xf32>
    %dot_general3A_3140 = tpu.matmul %mul3A_3136, %concatenate3A_3138, %dot_general3A_3139 {dimension_numbers = #tpu.dot_dimension_numbers<[1], [0], [0], [1], [0, 0, 1, 1], [], []>, transpose_lhs_hint = false} : vector<512x512xbf16>, vector<512x65xbf16>, vector<512x65xf32> -> vector<512x65xf32>
    %slice3A_3141 = vector.extract_strided_slice %dot_general3A_3140 {offsets = [0, 0], sizes = [512, 64], strides = [1, 1]} : vector<512x65xf32> to vector<512x64xf32>
    %slice3A_3142 = vector.extract_strided_slice %dot_general3A_3140 {offsets = [0, 64], sizes = [512, 1], strides = [1, 1]} : vector<512x65xf32> to vector<512x1xf32>
    %max3A_3143 = arith.constant 1.000000e-30 : f32
    %max3A_3144 = vector.broadcast %max3A_3143 : f32 to vector<512x1xf32>
    %max3A_3145 = arith.maximumf %slice3A_3142, %max3A_3144 : vector<512x1xf32>
    %reciprocal3A_3146 = tpu.reciprocal %max3A_3145 {approx = true} : vector<512x1xf32> -> vector<512x1xf32>
    %mul3A_3147 = vector.broadcast %reciprocal3A_3146 : vector<512x1xf32> to vector<512x64xf32>
    %mul3A_3148 = arith.mulf %slice3A_3141, %mul3A_3147 : vector<512x64xf32>
    %add3A_3149 = arith.addf %mul3A_3091, %mul3A_3148 : vector<512x64xf32>
    %mul3A_3150 = arith.constant 5.000000e-01 : f32
    %mul3A_3151 = vector.broadcast %mul3A_3150 : f32 to vector<512x64xf32>
    %mul3A_3152 = arith.mulf %mul3A_3151, %add3A_3149 : vector<512x64xf32>
    %get3A_3153 = arith.constant 0 : index
    %get3A_3154 = vector.load %arg11[%get3A_3153] : memref<64xf32, #tpu.memory_space<vmem>>, vector<64xf32>
    %broadcast_in_dim3A_3155 = vector.shape_cast %get3A_3154 : vector<64xf32> to vector<1x64xf32>
    %add3A_3156 = vector.broadcast %broadcast_in_dim3A_3155 : vector<1x64xf32> to vector<512x64xf32>
    %add3A_3157 = arith.addf %mul3A_3152, %add3A_3156 : vector<512x64xf32>
    %gt3A_3158 = arith.constant 0.000000e+00 : f32
    %gt3A_3159 = vector.broadcast %gt3A_3158 : f32 to vector<512x64xf32>
    %gt3A_3160 = arith.cmpf ogt, %add3A_3157, %gt3A_3159 : vector<512x64xf32>
    %exp3A_3161 = math.exp %add3A_3157 : vector<512x64xf32>
    %sub3A_3162 = arith.constant 1.000000e+00 : f32
    %sub3A_3163 = vector.broadcast %sub3A_3162 : f32 to vector<512x64xf32>
    %sub3A_3164 = arith.subf %exp3A_3161, %sub3A_3163 : vector<512x64xf32>
    %mul3A_3165 = arith.constant 1.67326319 : f32
    %mul3A_3166 = vector.broadcast %mul3A_3165 : f32 to vector<512x64xf32>
    %mul3A_3167 = arith.mulf %mul3A_3166, %sub3A_3164 : vector<512x64xf32>
    %select_n3A_3168 = arith.select %gt3A_3160, %add3A_3157, %mul3A_3167 : vector<512x64xi1>, vector<512x64xf32>
    %mul3A_3169 = arith.constant 1.05070102 : f32
    %mul3A_3170 = vector.broadcast %mul3A_3169 : f32 to vector<512x64xf32>
    %mul3A_3171 = arith.mulf %mul3A_3170, %select_n3A_3168 : vector<512x64xf32>
    %get3A_3172 = arith.constant 0 : index
    %get3A_3173 = arith.constant 0 : index
    %get3A_3174 = vector.load %arg12[%get3A_3172, %get3A_3173] : memref<64x64xf32, #tpu.memory_space<vmem>>, vector<64x64xf32>
    %dot_general3A_3175 = arith.constant dense<0.000000e+00> : vector<512x64xf32>
    %dot_general3A_3176 = tpu.matmul %mul3A_3171, %get3A_3174, %dot_general3A_3175 {dimension_numbers = #tpu.dot_dimension_numbers<[1], [1], [0], [0], [0, 0, 1, 0], [], []>, transpose_lhs_hint = false} : vector<512x64xf32>, vector<64x64xf32>, vector<512x64xf32> -> vector<512x64xf32>
    %dot_general3A_3177 = arith.constant dense<0.000000e+00> : vector<512x2xf32>
    %dot_general3A_3178 = tpu.matmul %dot_general3A_3176, %concatenate3A_73, %dot_general3A_3177 {dimension_numbers = #tpu.dot_dimension_numbers<[1], [1], [0], [0], [0, 0, 1, 0], [], []>, transpose_lhs_hint = false} : vector<512x64xf32>, vector<2x64xf32>, vector<512x2xf32> -> vector<512x2xf32>
    %dot_general3A_3179 = arith.constant dense<0.000000e+00> : vector<2x512xf32>
    %dot_general3A_3180 = tpu.matmul %concatenate3A_62, %dot_general3A_3176, %dot_general3A_3179 {dimension_numbers = #tpu.dot_dimension_numbers<[1], [1], [0], [0], [0, 0, 1, 0], [], []>, transpose_lhs_hint = false} : vector<2x64xf32>, vector<512x64xf32>, vector<2x512xf32> -> vector<2x512xf32>
    %broadcast_in_dim3A_3181 = arith.constant 1.000000e+00 : bf16
    %broadcast_in_dim3A_3182 = vector.broadcast %broadcast_in_dim3A_3181 : bf16 to vector<512x1xbf16>
    %slice3A_3183 = vector.extract_strided_slice %dot_general3A_3176 {offsets = [0, 0], sizes = [512, 32], strides = [1, 1]} : vector<512x64xf32> to vector<512x32xf32>
    %slice3A_3184 = vector.extract_strided_slice %dot_general3A_3180 {offsets = [0, 0], sizes = [1, 512], strides = [1, 1]} : vector<2x512xf32> to vector<1x512xf32>
    %slice3A_3185 = vector.extract_strided_slice %dot_general3A_3178 {offsets = [0, 0], sizes = [512, 1], strides = [1, 1]} : vector<512x2xf32> to vector<512x1xf32>
    %reduce_max3A_3186 = vector.shape_cast %slice3A_3184 : vector<1x512xf32> to vector<1x1x512xf32>
    %reduce_max3A_3187 = arith.constant dense<0xFF800000> : vector<1xf32>
    %reduce_max3A_3188 = vector.multi_reduction <maximumf>, %reduce_max3A_3186, %reduce_max3A_3187 [1, 2] : vector<1x1x512xf32> to vector<1xf32>
    %reduce_max3A_3189 = vector.shape_cast %reduce_max3A_3188 : vector<1xf32> to vector<1x1x1xf32>
    %reduce_max3A_3190 = vector.extract %reduce_max3A_3189[0, 0, 0] : f32 from vector<1x1x1xf32>
    %add3A_3191 = vector.broadcast %reduce_max3A_3190 : f32 to vector<512x1xf32>
    %add3A_3192 = arith.addf %slice3A_3185, %add3A_3191 : vector<512x1xf32>
    %sub3A_3193 = vector.broadcast %reduce_max3A_3190 : f32 to vector<1x512xf32>
    %sub3A_3194 = arith.subf %slice3A_3184, %sub3A_3193 : vector<1x512xf32>
    %exp3A_3195 = math.exp %sub3A_3194 : vector<1x512xf32>
    %convert_element_type3A_3196 = arith.truncf %exp3A_3195 : vector<1x512xf32> to vector<1x512xbf16>
    %sub3A_3197 = vector.broadcast %reduce_max3A_3190 : f32 to vector<1x512xf32>
    %sub3A_3198 = arith.subf %slice3A_3184, %sub3A_3197 : vector<1x512xf32>
    %mul3A_3199 = arith.constant 2.000000e-01 : f32
    %mul3A_3200 = vector.broadcast %mul3A_3199 : f32 to vector<1x512xf32>
    %mul3A_3201 = arith.mulf %mul3A_3200, %sub3A_3198 : vector<1x512xf32>
    %exp3A_3202 = math.exp %mul3A_3201 : vector<1x512xf32>
    %convert_element_type3A_3203 = arith.truncf %exp3A_3202 : vector<1x512xf32> to vector<1x512xbf16>
    %min3A_3204 = arith.constant 0.000000e+00 : f32
    %min3A_3205 = vector.broadcast %min3A_3204 : f32 to vector<512x1xf32>
    %min3A_3206 = arith.minimumf %add3A_3192, %min3A_3205 : vector<512x1xf32>
    %mul3A_3207 = arith.constant 8.000000e-01 : f32
    %mul3A_3208 = vector.broadcast %mul3A_3207 : f32 to vector<512x1xf32>
    %mul3A_3209 = arith.mulf %mul3A_3208, %min3A_3206 : vector<512x1xf32>
    %exp3A_3210 = math.exp %mul3A_3209 : vector<512x1xf32>
    %convert_element_type3A_3211 = arith.truncf %exp3A_3210 : vector<512x1xf32> to vector<512x1xbf16>
    %max3A_3212 = arith.constant 0.000000e+00 : f32
    %max3A_3213 = vector.broadcast %max3A_3212 : f32 to vector<512x1xf32>
    %max3A_3214 = arith.maximumf %add3A_3192, %max3A_3213 : vector<512x1xf32>
    %mul3A_3215 = arith.constant -8.000000e-01 : f32
    %mul3A_3216 = vector.broadcast %mul3A_3215 : f32 to vector<512x1xf32>
    %mul3A_3217 = arith.mulf %mul3A_3216, %max3A_3214 : vector<512x1xf32>
    %exp3A_3218 = math.exp %mul3A_3217 : vector<512x1xf32>
    %convert_element_type3A_3219 = arith.truncf %exp3A_3218 : vector<512x1xf32> to vector<512x1xbf16>
    %mul3A_3220 = vector.broadcast %convert_element_type3A_3211 : vector<512x1xbf16> to vector<512x512xbf16>
    %mul3A_3221 = vector.broadcast %convert_element_type3A_3196 : vector<1x512xbf16> to vector<512x512xbf16>
    %mul3A_3222 = arith.mulf %mul3A_3220, %mul3A_3221 : vector<512x512xbf16>
    %mul3A_3223 = vector.broadcast %convert_element_type3A_3219 : vector<512x1xbf16> to vector<512x512xbf16>
    %mul3A_3224 = vector.broadcast %convert_element_type3A_3203 : vector<1x512xbf16> to vector<512x512xbf16>
    %mul3A_3225 = arith.mulf %mul3A_3223, %mul3A_3224 : vector<512x512xbf16>
    %max3A_3226 = arith.maximumf %mul3A_3222, %mul3A_3225 : vector<512x512xbf16>
    %mul3A_3227 = arith.mulf %convert_element_type3A, %max3A_3226 : vector<512x512xbf16>
    %convert_element_type3A_3228 = arith.truncf %slice3A_3183 : vector<512x32xf32> to vector<512x32xbf16>
    %concatenate3A_3229 = tpu.concatenate %convert_element_type3A_3228, %broadcast_in_dim3A_3182 in 1 : vector<512x32xbf16>, vector<512x1xbf16> -> vector<512x33xbf16>
    %dot_general3A_3230 = arith.constant dense<0.000000e+00> : vector<512x33xf32>
    %dot_general3A_3231 = tpu.matmul %mul3A_3227, %concatenate3A_3229, %dot_general3A_3230 {dimension_numbers = #tpu.dot_dimension_numbers<[1], [0], [0], [1], [0, 0, 1, 1], [], []>, transpose_lhs_hint = false} : vector<512x512xbf16>, vector<512x33xbf16>, vector<512x33xf32> -> vector<512x33xf32>
    %slice3A_3232 = vector.extract_strided_slice %dot_general3A_3231 {offsets = [0, 0], sizes = [512, 32], strides = [1, 1]} : vector<512x33xf32> to vector<512x32xf32>
    %slice3A_3233 = vector.extract_strided_slice %dot_general3A_3231 {offsets = [0, 32], sizes = [512, 1], strides = [1, 1]} : vector<512x33xf32> to vector<512x1xf32>
    %max3A_3234 = arith.constant 1.000000e-30 : f32
    %max3A_3235 = vector.broadcast %max3A_3234 : f32 to vector<512x1xf32>
    %max3A_3236 = arith.maximumf %slice3A_3233, %max3A_3235 : vector<512x1xf32>
    %reciprocal3A_3237 = tpu.reciprocal %max3A_3236 {approx = true} : vector<512x1xf32> -> vector<512x1xf32>
    %mul3A_3238 = vector.broadcast %reciprocal3A_3237 : vector<512x1xf32> to vector<512x32xf32>
    %mul3A_3239 = arith.mulf %slice3A_3232, %mul3A_3238 : vector<512x32xf32>
    %slice3A_3240 = vector.extract_strided_slice %dot_general3A_3176 {offsets = [0, 32], sizes = [512, 32], strides = [1, 1]} : vector<512x64xf32> to vector<512x32xf32>
    %slice3A_3241 = vector.extract_strided_slice %dot_general3A_3180 {offsets = [1, 0], sizes = [1, 512], strides = [1, 1]} : vector<2x512xf32> to vector<1x512xf32>
    %slice3A_3242 = vector.extract_strided_slice %dot_general3A_3178 {offsets = [0, 1], sizes = [512, 1], strides = [1, 1]} : vector<512x2xf32> to vector<512x1xf32>
    %reduce_max3A_3243 = vector.shape_cast %slice3A_3241 : vector<1x512xf32> to vector<1x1x512xf32>
    %reduce_max3A_3244 = arith.constant dense<0xFF800000> : vector<1xf32>
    %reduce_max3A_3245 = vector.multi_reduction <maximumf>, %reduce_max3A_3243, %reduce_max3A_3244 [1, 2] : vector<1x1x512xf32> to vector<1xf32>
    %reduce_max3A_3246 = vector.shape_cast %reduce_max3A_3245 : vector<1xf32> to vector<1x1x1xf32>
    %reduce_max3A_3247 = vector.extract %reduce_max3A_3246[0, 0, 0] : f32 from vector<1x1x1xf32>
    %add3A_3248 = vector.broadcast %reduce_max3A_3247 : f32 to vector<512x1xf32>
    %add3A_3249 = arith.addf %slice3A_3242, %add3A_3248 : vector<512x1xf32>
    %sub3A_3250 = vector.broadcast %reduce_max3A_3247 : f32 to vector<1x512xf32>
    %sub3A_3251 = arith.subf %slice3A_3241, %sub3A_3250 : vector<1x512xf32>
    %exp3A_3252 = math.exp %sub3A_3251 : vector<1x512xf32>
    %convert_element_type3A_3253 = arith.truncf %exp3A_3252 : vector<1x512xf32> to vector<1x512xbf16>
    %sub3A_3254 = vector.broadcast %reduce_max3A_3247 : f32 to vector<1x512xf32>
    %sub3A_3255 = arith.subf %slice3A_3241, %sub3A_3254 : vector<1x512xf32>
    %mul3A_3256 = arith.constant 2.000000e-01 : f32
    %mul3A_3257 = vector.broadcast %mul3A_3256 : f32 to vector<1x512xf32>
    %mul3A_3258 = arith.mulf %mul3A_3257, %sub3A_3255 : vector<1x512xf32>
    %exp3A_3259 = math.exp %mul3A_3258 : vector<1x512xf32>
    %convert_element_type3A_3260 = arith.truncf %exp3A_3259 : vector<1x512xf32> to vector<1x512xbf16>
    %min3A_3261 = arith.constant 0.000000e+00 : f32
    %min3A_3262 = vector.broadcast %min3A_3261 : f32 to vector<512x1xf32>
    %min3A_3263 = arith.minimumf %add3A_3249, %min3A_3262 : vector<512x1xf32>
    %mul3A_3264 = arith.constant 8.000000e-01 : f32
    %mul3A_3265 = vector.broadcast %mul3A_3264 : f32 to vector<512x1xf32>
    %mul3A_3266 = arith.mulf %mul3A_3265, %min3A_3263 : vector<512x1xf32>
    %exp3A_3267 = math.exp %mul3A_3266 : vector<512x1xf32>
    %convert_element_type3A_3268 = arith.truncf %exp3A_3267 : vector<512x1xf32> to vector<512x1xbf16>
    %max3A_3269 = arith.constant 0.000000e+00 : f32
    %max3A_3270 = vector.broadcast %max3A_3269 : f32 to vector<512x1xf32>
    %max3A_3271 = arith.maximumf %add3A_3249, %max3A_3270 : vector<512x1xf32>
    %mul3A_3272 = arith.constant -8.000000e-01 : f32
    %mul3A_3273 = vector.broadcast %mul3A_3272 : f32 to vector<512x1xf32>
    %mul3A_3274 = arith.mulf %mul3A_3273, %max3A_3271 : vector<512x1xf32>
    %exp3A_3275 = math.exp %mul3A_3274 : vector<512x1xf32>
    %convert_element_type3A_3276 = arith.truncf %exp3A_3275 : vector<512x1xf32> to vector<512x1xbf16>
    %mul3A_3277 = vector.broadcast %convert_element_type3A_3268 : vector<512x1xbf16> to vector<512x512xbf16>
    %mul3A_3278 = vector.broadcast %convert_element_type3A_3253 : vector<1x512xbf16> to vector<512x512xbf16>
    %mul3A_3279 = arith.mulf %mul3A_3277, %mul3A_3278 : vector<512x512xbf16>
    %mul3A_3280 = vector.broadcast %convert_element_type3A_3276 : vector<512x1xbf16> to vector<512x512xbf16>
    %mul3A_3281 = vector.broadcast %convert_element_type3A_3260 : vector<1x512xbf16> to vector<512x512xbf16>
    %mul3A_3282 = arith.mulf %mul3A_3280, %mul3A_3281 : vector<512x512xbf16>
    %max3A_3283 = arith.maximumf %mul3A_3279, %mul3A_3282 : vector<512x512xbf16>
    %mul3A_3284 = arith.mulf %convert_element_type3A, %max3A_3283 : vector<512x512xbf16>
    %convert_element_type3A_3285 = arith.truncf %slice3A_3240 : vector<512x32xf32> to vector<512x32xbf16>
    %concatenate3A_3286 = tpu.concatenate %convert_element_type3A_3285, %broadcast_in_dim3A_3182 in 1 : vector<512x32xbf16>, vector<512x1xbf16> -> vector<512x33xbf16>
    %dot_general3A_3287 = arith.constant dense<0.000000e+00> : vector<512x33xf32>
    %dot_general3A_3288 = tpu.matmul %mul3A_3284, %concatenate3A_3286, %dot_general3A_3287 {dimension_numbers = #tpu.dot_dimension_numbers<[1], [0], [0], [1], [0, 0, 1, 1], [], []>, transpose_lhs_hint = false} : vector<512x512xbf16>, vector<512x33xbf16>, vector<512x33xf32> -> vector<512x33xf32>
    %slice3A_3289 = vector.extract_strided_slice %dot_general3A_3288 {offsets = [0, 0], sizes = [512, 32], strides = [1, 1]} : vector<512x33xf32> to vector<512x32xf32>
    %slice3A_3290 = vector.extract_strided_slice %dot_general3A_3288 {offsets = [0, 32], sizes = [512, 1], strides = [1, 1]} : vector<512x33xf32> to vector<512x1xf32>
    %max3A_3291 = arith.constant 1.000000e-30 : f32
    %max3A_3292 = vector.broadcast %max3A_3291 : f32 to vector<512x1xf32>
    %max3A_3293 = arith.maximumf %slice3A_3290, %max3A_3292 : vector<512x1xf32>
    %reciprocal3A_3294 = tpu.reciprocal %max3A_3293 {approx = true} : vector<512x1xf32> -> vector<512x1xf32>
    %mul3A_3295 = vector.broadcast %reciprocal3A_3294 : vector<512x1xf32> to vector<512x32xf32>
    %mul3A_3296 = arith.mulf %slice3A_3289, %mul3A_3295 : vector<512x32xf32>
    %add3A_3297 = arith.addf %mul3A_3239, %mul3A_3296 : vector<512x32xf32>
    %mul3A_3298 = arith.constant 5.000000e-01 : f32
    %mul3A_3299 = vector.broadcast %mul3A_3298 : f32 to vector<512x32xf32>
    %mul3A_3300 = arith.mulf %mul3A_3299, %add3A_3297 : vector<512x32xf32>
    %get3A_3301 = arith.constant 0 : index
    %get3A_3302 = vector.load %arg15[%get3A_3301] : memref<32xf32, #tpu.memory_space<vmem>>, vector<32xf32>
    %broadcast_in_dim3A_3303 = vector.shape_cast %get3A_3302 : vector<32xf32> to vector<1x32xf32>
    %add3A_3304 = vector.broadcast %broadcast_in_dim3A_3303 : vector<1x32xf32> to vector<512x32xf32>
    %add3A_3305 = arith.addf %mul3A_3300, %add3A_3304 : vector<512x32xf32>
    %gt3A_3306 = arith.constant 0.000000e+00 : f32
    %gt3A_3307 = vector.broadcast %gt3A_3306 : f32 to vector<512x32xf32>
    %gt3A_3308 = arith.cmpf ogt, %add3A_3305, %gt3A_3307 : vector<512x32xf32>
    %exp3A_3309 = math.exp %add3A_3305 : vector<512x32xf32>
    %sub3A_3310 = arith.constant 1.000000e+00 : f32
    %sub3A_3311 = vector.broadcast %sub3A_3310 : f32 to vector<512x32xf32>
    %sub3A_3312 = arith.subf %exp3A_3309, %sub3A_3311 : vector<512x32xf32>
    %mul3A_3313 = arith.constant 1.67326319 : f32
    %mul3A_3314 = vector.broadcast %mul3A_3313 : f32 to vector<512x32xf32>
    %mul3A_3315 = arith.mulf %mul3A_3314, %sub3A_3312 : vector<512x32xf32>
    %select_n3A_3316 = arith.select %gt3A_3308, %add3A_3305, %mul3A_3315 : vector<512x32xi1>, vector<512x32xf32>
    %mul3A_3317 = arith.constant 1.05070102 : f32
    %mul3A_3318 = vector.broadcast %mul3A_3317 : f32 to vector<512x32xf32>
    %mul3A_3319 = arith.mulf %mul3A_3318, %select_n3A_3316 : vector<512x32xf32>
    %get3A_3320 = arith.constant 0 : index
    %get3A_3321 = arith.constant 0 : index
    %get3A_3322 = vector.load %arg16[%get3A_3320, %get3A_3321] : memref<1x32xf32, #tpu.memory_space<vmem>>, vector<1x32xf32>
    %mul3A_3323 = vector.broadcast %get3A_3322 : vector<1x32xf32> to vector<512x32xf32>
    %mul3A_3324 = arith.mulf %mul3A_3319, %mul3A_3323 : vector<512x32xf32>
    %reduce_sum3A_3325 = arith.constant dense<0.000000e+00> : vector<512xf32>
    %reduce_sum3A_3326 = vector.multi_reduction <add>, %mul3A_3324, %reduce_sum3A_3325 [1] : vector<512x32xf32> to vector<512xf32>
    %broadcast_in_dim3A_3327 = vector.shape_cast %reduce_sum3A_3326 : vector<512xf32> to vector<512x1xf32>
    %get3A_3328 = arith.constant 0 : index
    %get3A_3329 = vector.load %arg17[%get3A_3328] : memref<1xf32, #tpu.memory_space<vmem>>, vector<1xf32>
    %get3A_3330 = vector.extract %get3A_3329[0] : f32 from vector<1xf32>
    %add3A_3331 = vector.broadcast %get3A_3330 : f32 to vector<512x1xf32>
    %add3A_3332 = arith.addf %broadcast_in_dim3A_3327, %add3A_3331 : vector<512x1xf32>
    %broadcast_in_dim3A_3333 = vector.shape_cast %add3A_3332 : vector<512x1xf32> to vector<1x512x1xf32>
    %swap3A_3334 = arith.constant 6 : index
    %swap3A_3335 = arith.constant 0 : index
    %swap3A_3336 = arith.constant 0 : index
    %swap3A_3337 = vector.load %arg18[%swap3A_3334, %swap3A_3335, %swap3A_3336] : memref<8x512x1xf32, #tpu.memory_space<vmem>>, vector<1x512x1xf32>
    tpu.vector_store %arg18[%swap3A_3334, %swap3A_3335, %swap3A_3336], %broadcast_in_dim3A_3333 {strides = array<i32>} : memref<8x512x1xf32, #tpu.memory_space<vmem>>, vector<1x512x1xf32>,
    %mul3A_3338 = arith.constant 8 : i32
    %mul3A_3339 = arith.muli %arg0, %mul3A_3338 : i32
    %add3A_3340 = arith.constant 7 : i32
    %add3A_3341 = arith.addi %mul3A_3339, %add3A_3340 : i32
    %get3A_3342 = arith.index_cast %add3A_3341 : i32 to index
    %get3A_3343 = arith.constant 0 : index
    %get3A_3344 = vector.load %arg1[%get3A_3342, %get3A_3343] : memref<64x64xf32, #tpu.memory_space<vmem>>, vector<1x64xf32>
    %dot_general3A_3345 = arith.constant dense<0.000000e+00> : vector<1x256xf32>
    %dot_general3A_3346 = tpu.matmul %get3A_3344, %slice3A_9, %dot_general3A_3345 {dimension_numbers = #tpu.dot_dimension_numbers<[1], [1], [0], [0], [0, 0, 1, 0], [], []>, transpose_lhs_hint = false} : vector<1x64xf32>, vector<256x64xf32>, vector<1x256xf32> -> vector<1x256xf32>
    %add3A_3347 = vector.broadcast %dot_general3A_3346 : vector<1x256xf32> to vector<512x256xf32>
    %add3A_3348 = arith.addf %dot_general3A_8, %add3A_3347 : vector<512x256xf32>
    %dot_general3A_3349 = arith.constant dense<0.000000e+00> : vector<512x2xf32>
    %dot_general3A_3350 = tpu.matmul %add3A_3348, %concatenate3A_29, %dot_general3A_3349 {dimension_numbers = #tpu.dot_dimension_numbers<[1], [1], [0], [0], [0, 0, 1, 0], [], []>, transpose_lhs_hint = false} : vector<512x256xf32>, vector<2x256xf32>, vector<512x2xf32> -> vector<512x2xf32>
    %dot_general3A_3351 = arith.constant dense<0.000000e+00> : vector<2x512xf32>
    %dot_general3A_3352 = tpu.matmul %concatenate3A_18, %add3A_3348, %dot_general3A_3351 {dimension_numbers = #tpu.dot_dimension_numbers<[1], [1], [0], [0], [0, 0, 1, 0], [], []>, transpose_lhs_hint = false} : vector<2x256xf32>, vector<512x256xf32>, vector<2x512xf32> -> vector<2x512xf32>
    %broadcast_in_dim3A_3353 = arith.constant 1.000000e+00 : bf16
    %broadcast_in_dim3A_3354 = vector.broadcast %broadcast_in_dim3A_3353 : bf16 to vector<512x1xbf16>
    %slice3A_3355 = vector.extract_strided_slice %add3A_3348 {offsets = [0, 0], sizes = [512, 128], strides = [1, 1]} : vector<512x256xf32> to vector<512x128xf32>
    %slice3A_3356 = vector.extract_strided_slice %dot_general3A_3352 {offsets = [0, 0], sizes = [1, 512], strides = [1, 1]} : vector<2x512xf32> to vector<1x512xf32>
    %slice3A_3357 = vector.extract_strided_slice %dot_general3A_3350 {offsets = [0, 0], sizes = [512, 1], strides = [1, 1]} : vector<512x2xf32> to vector<512x1xf32>
    %reduce_max3A_3358 = vector.shape_cast %slice3A_3356 : vector<1x512xf32> to vector<1x1x512xf32>
    %reduce_max3A_3359 = arith.constant dense<0xFF800000> : vector<1xf32>
    %reduce_max3A_3360 = vector.multi_reduction <maximumf>, %reduce_max3A_3358, %reduce_max3A_3359 [1, 2] : vector<1x1x512xf32> to vector<1xf32>
    %reduce_max3A_3361 = vector.shape_cast %reduce_max3A_3360 : vector<1xf32> to vector<1x1x1xf32>
    %reduce_max3A_3362 = vector.extract %reduce_max3A_3361[0, 0, 0] : f32 from vector<1x1x1xf32>
    %add3A_3363 = vector.broadcast %reduce_max3A_3362 : f32 to vector<512x1xf32>
    %add3A_3364 = arith.addf %slice3A_3357, %add3A_3363 : vector<512x1xf32>
    %sub3A_3365 = vector.broadcast %reduce_max3A_3362 : f32 to vector<1x512xf32>
    %sub3A_3366 = arith.subf %slice3A_3356, %sub3A_3365 : vector<1x512xf32>
    %exp3A_3367 = math.exp %sub3A_3366 : vector<1x512xf32>
    %convert_element_type3A_3368 = arith.truncf %exp3A_3367 : vector<1x512xf32> to vector<1x512xbf16>
    %sub3A_3369 = vector.broadcast %reduce_max3A_3362 : f32 to vector<1x512xf32>
    %sub3A_3370 = arith.subf %slice3A_3356, %sub3A_3369 : vector<1x512xf32>
    %mul3A_3371 = arith.constant 2.000000e-01 : f32
    %mul3A_3372 = vector.broadcast %mul3A_3371 : f32 to vector<1x512xf32>
    %mul3A_3373 = arith.mulf %mul3A_3372, %sub3A_3370 : vector<1x512xf32>
    %exp3A_3374 = math.exp %mul3A_3373 : vector<1x512xf32>
    %convert_element_type3A_3375 = arith.truncf %exp3A_3374 : vector<1x512xf32> to vector<1x512xbf16>
    %min3A_3376 = arith.constant 0.000000e+00 : f32
    %min3A_3377 = vector.broadcast %min3A_3376 : f32 to vector<512x1xf32>
    %min3A_3378 = arith.minimumf %add3A_3364, %min3A_3377 : vector<512x1xf32>
    %mul3A_3379 = arith.constant 8.000000e-01 : f32
    %mul3A_3380 = vector.broadcast %mul3A_3379 : f32 to vector<512x1xf32>
    %mul3A_3381 = arith.mulf %mul3A_3380, %min3A_3378 : vector<512x1xf32>
    %exp3A_3382 = math.exp %mul3A_3381 : vector<512x1xf32>
    %convert_element_type3A_3383 = arith.truncf %exp3A_3382 : vector<512x1xf32> to vector<512x1xbf16>
    %max3A_3384 = arith.constant 0.000000e+00 : f32
    %max3A_3385 = vector.broadcast %max3A_3384 : f32 to vector<512x1xf32>
    %max3A_3386 = arith.maximumf %add3A_3364, %max3A_3385 : vector<512x1xf32>
    %mul3A_3387 = arith.constant -8.000000e-01 : f32
    %mul3A_3388 = vector.broadcast %mul3A_3387 : f32 to vector<512x1xf32>
    %mul3A_3389 = arith.mulf %mul3A_3388, %max3A_3386 : vector<512x1xf32>
    %exp3A_3390 = math.exp %mul3A_3389 : vector<512x1xf32>
    %convert_element_type3A_3391 = arith.truncf %exp3A_3390 : vector<512x1xf32> to vector<512x1xbf16>
    %mul3A_3392 = vector.broadcast %convert_element_type3A_3383 : vector<512x1xbf16> to vector<512x512xbf16>
    %mul3A_3393 = vector.broadcast %convert_element_type3A_3368 : vector<1x512xbf16> to vector<512x512xbf16>
    %mul3A_3394 = arith.mulf %mul3A_3392, %mul3A_3393 : vector<512x512xbf16>
    %mul3A_3395 = vector.broadcast %convert_element_type3A_3391 : vector<512x1xbf16> to vector<512x512xbf16>
    %mul3A_3396 = vector.broadcast %convert_element_type3A_3375 : vector<1x512xbf16> to vector<512x512xbf16>
    %mul3A_3397 = arith.mulf %mul3A_3395, %mul3A_3396 : vector<512x512xbf16>
    %max3A_3398 = arith.maximumf %mul3A_3394, %mul3A_3397 : vector<512x512xbf16>
    %mul3A_3399 = arith.mulf %convert_element_type3A, %max3A_3398 : vector<512x512xbf16>
    %convert_element_type3A_3400 = arith.truncf %slice3A_3355 : vector<512x128xf32> to vector<512x128xbf16>
    %concatenate3A_3401 = tpu.concatenate %convert_element_type3A_3400, %broadcast_in_dim3A_3354 in 1 : vector<512x128xbf16>, vector<512x1xbf16> -> vector<512x129xbf16>
    %dot_general3A_3402 = arith.constant dense<0.000000e+00> : vector<512x129xf32>
    %dot_general3A_3403 = tpu.matmul %mul3A_3399, %concatenate3A_3401, %dot_general3A_3402 {dimension_numbers = #tpu.dot_dimension_numbers<[1], [0], [0], [1], [0, 0, 1, 1], [], []>, transpose_lhs_hint = false} : vector<512x512xbf16>, vector<512x129xbf16>, vector<512x129xf32> -> vector<512x129xf32>
    %slice3A_3404 = vector.extract_strided_slice %dot_general3A_3403 {offsets = [0, 0], sizes = [512, 128], strides = [1, 1]} : vector<512x129xf32> to vector<512x128xf32>
    %slice3A_3405 = vector.extract_strided_slice %dot_general3A_3403 {offsets = [0, 128], sizes = [512, 1], strides = [1, 1]} : vector<512x129xf32> to vector<512x1xf32>
    %max3A_3406 = arith.constant 1.000000e-30 : f32
    %max3A_3407 = vector.broadcast %max3A_3406 : f32 to vector<512x1xf32>
    %max3A_3408 = arith.maximumf %slice3A_3405, %max3A_3407 : vector<512x1xf32>
    %reciprocal3A_3409 = tpu.reciprocal %max3A_3408 {approx = true} : vector<512x1xf32> -> vector<512x1xf32>
    %mul3A_3410 = vector.broadcast %reciprocal3A_3409 : vector<512x1xf32> to vector<512x128xf32>
    %mul3A_3411 = arith.mulf %slice3A_3404, %mul3A_3410 : vector<512x128xf32>
    %slice3A_3412 = vector.extract_strided_slice %add3A_3348 {offsets = [0, 128], sizes = [512, 128], strides = [1, 1]} : vector<512x256xf32> to vector<512x128xf32>
    %slice3A_3413 = vector.extract_strided_slice %dot_general3A_3352 {offsets = [1, 0], sizes = [1, 512], strides = [1, 1]} : vector<2x512xf32> to vector<1x512xf32>
    %slice3A_3414 = vector.extract_strided_slice %dot_general3A_3350 {offsets = [0, 1], sizes = [512, 1], strides = [1, 1]} : vector<512x2xf32> to vector<512x1xf32>
    %reduce_max3A_3415 = vector.shape_cast %slice3A_3413 : vector<1x512xf32> to vector<1x1x512xf32>
    %reduce_max3A_3416 = arith.constant dense<0xFF800000> : vector<1xf32>
    %reduce_max3A_3417 = vector.multi_reduction <maximumf>, %reduce_max3A_3415, %reduce_max3A_3416 [1, 2] : vector<1x1x512xf32> to vector<1xf32>
    %reduce_max3A_3418 = vector.shape_cast %reduce_max3A_3417 : vector<1xf32> to vector<1x1x1xf32>
    %reduce_max3A_3419 = vector.extract %reduce_max3A_3418[0, 0, 0] : f32 from vector<1x1x1xf32>
    %add3A_3420 = vector.broadcast %reduce_max3A_3419 : f32 to vector<512x1xf32>
    %add3A_3421 = arith.addf %slice3A_3414, %add3A_3420 : vector<512x1xf32>
    %sub3A_3422 = vector.broadcast %reduce_max3A_3419 : f32 to vector<1x512xf32>
    %sub3A_3423 = arith.subf %slice3A_3413, %sub3A_3422 : vector<1x512xf32>
    %exp3A_3424 = math.exp %sub3A_3423 : vector<1x512xf32>
    %convert_element_type3A_3425 = arith.truncf %exp3A_3424 : vector<1x512xf32> to vector<1x512xbf16>
    %sub3A_3426 = vector.broadcast %reduce_max3A_3419 : f32 to vector<1x512xf32>
    %sub3A_3427 = arith.subf %slice3A_3413, %sub3A_3426 : vector<1x512xf32>
    %mul3A_3428 = arith.constant 2.000000e-01 : f32
    %mul3A_3429 = vector.broadcast %mul3A_3428 : f32 to vector<1x512xf32>
    %mul3A_3430 = arith.mulf %mul3A_3429, %sub3A_3427 : vector<1x512xf32>
    %exp3A_3431 = math.exp %mul3A_3430 : vector<1x512xf32>
    %convert_element_type3A_3432 = arith.truncf %exp3A_3431 : vector<1x512xf32> to vector<1x512xbf16>
    %min3A_3433 = arith.constant 0.000000e+00 : f32
    %min3A_3434 = vector.broadcast %min3A_3433 : f32 to vector<512x1xf32>
    %min3A_3435 = arith.minimumf %add3A_3421, %min3A_3434 : vector<512x1xf32>
    %mul3A_3436 = arith.constant 8.000000e-01 : f32
    %mul3A_3437 = vector.broadcast %mul3A_3436 : f32 to vector<512x1xf32>
    %mul3A_3438 = arith.mulf %mul3A_3437, %min3A_3435 : vector<512x1xf32>
    %exp3A_3439 = math.exp %mul3A_3438 : vector<512x1xf32>
    %convert_element_type3A_3440 = arith.truncf %exp3A_3439 : vector<512x1xf32> to vector<512x1xbf16>
    %max3A_3441 = arith.constant 0.000000e+00 : f32
    %max3A_3442 = vector.broadcast %max3A_3441 : f32 to vector<512x1xf32>
    %max3A_3443 = arith.maximumf %add3A_3421, %max3A_3442 : vector<512x1xf32>
    %mul3A_3444 = arith.constant -8.000000e-01 : f32
    %mul3A_3445 = vector.broadcast %mul3A_3444 : f32 to vector<512x1xf32>
    %mul3A_3446 = arith.mulf %mul3A_3445, %max3A_3443 : vector<512x1xf32>
    %exp3A_3447 = math.exp %mul3A_3446 : vector<512x1xf32>
    %convert_element_type3A_3448 = arith.truncf %exp3A_3447 : vector<512x1xf32> to vector<512x1xbf16>
    %mul3A_3449 = vector.broadcast %convert_element_type3A_3440 : vector<512x1xbf16> to vector<512x512xbf16>
    %mul3A_3450 = vector.broadcast %convert_element_type3A_3425 : vector<1x512xbf16> to vector<512x512xbf16>
    %mul3A_3451 = arith.mulf %mul3A_3449, %mul3A_3450 : vector<512x512xbf16>
    %mul3A_3452 = vector.broadcast %convert_element_type3A_3448 : vector<512x1xbf16> to vector<512x512xbf16>
    %mul3A_3453 = vector.broadcast %convert_element_type3A_3432 : vector<1x512xbf16> to vector<512x512xbf16>
    %mul3A_3454 = arith.mulf %mul3A_3452, %mul3A_3453 : vector<512x512xbf16>
    %max3A_3455 = arith.maximumf %mul3A_3451, %mul3A_3454 : vector<512x512xbf16>
    %mul3A_3456 = arith.mulf %convert_element_type3A, %max3A_3455 : vector<512x512xbf16>
    %convert_element_type3A_3457 = arith.truncf %slice3A_3412 : vector<512x128xf32> to vector<512x128xbf16>
    %concatenate3A_3458 = tpu.concatenate %convert_element_type3A_3457, %broadcast_in_dim3A_3354 in 1 : vector<512x128xbf16>, vector<512x1xbf16> -> vector<512x129xbf16>
    %dot_general3A_3459 = arith.constant dense<0.000000e+00> : vector<512x129xf32>
    %dot_general3A_3460 = tpu.matmul %mul3A_3456, %concatenate3A_3458, %dot_general3A_3459 {dimension_numbers = #tpu.dot_dimension_numbers<[1], [0], [0], [1], [0, 0, 1, 1], [], []>, transpose_lhs_hint = false} : vector<512x512xbf16>, vector<512x129xbf16>, vector<512x129xf32> -> vector<512x129xf32>
    %slice3A_3461 = vector.extract_strided_slice %dot_general3A_3460 {offsets = [0, 0], sizes = [512, 128], strides = [1, 1]} : vector<512x129xf32> to vector<512x128xf32>
    %slice3A_3462 = vector.extract_strided_slice %dot_general3A_3460 {offsets = [0, 128], sizes = [512, 1], strides = [1, 1]} : vector<512x129xf32> to vector<512x1xf32>
    %max3A_3463 = arith.constant 1.000000e-30 : f32
    %max3A_3464 = vector.broadcast %max3A_3463 : f32 to vector<512x1xf32>
    %max3A_3465 = arith.maximumf %slice3A_3462, %max3A_3464 : vector<512x1xf32>
    %reciprocal3A_3466 = tpu.reciprocal %max3A_3465 {approx = true} : vector<512x1xf32> -> vector<512x1xf32>
    %mul3A_3467 = vector.broadcast %reciprocal3A_3466 : vector<512x1xf32> to vector<512x128xf32>
    %mul3A_3468 = arith.mulf %slice3A_3461, %mul3A_3467 : vector<512x128xf32>
    %add3A_3469 = arith.addf %mul3A_3411, %mul3A_3468 : vector<512x128xf32>
    %mul3A_3470 = arith.constant 5.000000e-01 : f32
    %mul3A_3471 = vector.broadcast %mul3A_3470 : f32 to vector<512x128xf32>
    %mul3A_3472 = arith.mulf %mul3A_3471, %add3A_3469 : vector<512x128xf32>
    %get3A_3473 = arith.constant 0 : index
    %get3A_3474 = vector.load %arg7[%get3A_3473] : memref<128xf32, #tpu.memory_space<vmem>>, vector<128xf32>
    %broadcast_in_dim3A_3475 = vector.shape_cast %get3A_3474 : vector<128xf32> to vector<1x128xf32>
    %add3A_3476 = vector.broadcast %broadcast_in_dim3A_3475 : vector<1x128xf32> to vector<512x128xf32>
    %add3A_3477 = arith.addf %mul3A_3472, %add3A_3476 : vector<512x128xf32>
    %gt3A_3478 = arith.constant 0.000000e+00 : f32
    %gt3A_3479 = vector.broadcast %gt3A_3478 : f32 to vector<512x128xf32>
    %gt3A_3480 = arith.cmpf ogt, %add3A_3477, %gt3A_3479 : vector<512x128xf32>
    %exp3A_3481 = math.exp %add3A_3477 : vector<512x128xf32>
    %sub3A_3482 = arith.constant 1.000000e+00 : f32
    %sub3A_3483 = vector.broadcast %sub3A_3482 : f32 to vector<512x128xf32>
    %sub3A_3484 = arith.subf %exp3A_3481, %sub3A_3483 : vector<512x128xf32>
    %mul3A_3485 = arith.constant 1.67326319 : f32
    %mul3A_3486 = vector.broadcast %mul3A_3485 : f32 to vector<512x128xf32>
    %mul3A_3487 = arith.mulf %mul3A_3486, %sub3A_3484 : vector<512x128xf32>
    %select_n3A_3488 = arith.select %gt3A_3480, %add3A_3477, %mul3A_3487 : vector<512x128xi1>, vector<512x128xf32>
    %mul3A_3489 = arith.constant 1.05070102 : f32
    %mul3A_3490 = vector.broadcast %mul3A_3489 : f32 to vector<512x128xf32>
    %mul3A_3491 = arith.mulf %mul3A_3490, %select_n3A_3488 : vector<512x128xf32>
    %get3A_3492 = arith.constant 0 : index
    %get3A_3493 = arith.constant 0 : index
    %get3A_3494 = vector.load %arg8[%get3A_3492, %get3A_3493] : memref<128x128xf32, #tpu.memory_space<vmem>>, vector<128x128xf32>
    %dot_general3A_3495 = arith.constant dense<0.000000e+00> : vector<512x128xf32>
    %dot_general3A_3496 = tpu.matmul %mul3A_3491, %get3A_3494, %dot_general3A_3495 {dimension_numbers = #tpu.dot_dimension_numbers<[1], [1], [0], [0], [0, 0, 1, 0], [], []>, transpose_lhs_hint = false} : vector<512x128xf32>, vector<128x128xf32>, vector<512x128xf32> -> vector<512x128xf32>
    %dot_general3A_3497 = arith.constant dense<0.000000e+00> : vector<512x2xf32>
    %dot_general3A_3498 = tpu.matmul %dot_general3A_3496, %concatenate3A_51, %dot_general3A_3497 {dimension_numbers = #tpu.dot_dimension_numbers<[1], [1], [0], [0], [0, 0, 1, 0], [], []>, transpose_lhs_hint = false} : vector<512x128xf32>, vector<2x128xf32>, vector<512x2xf32> -> vector<512x2xf32>
    %dot_general3A_3499 = arith.constant dense<0.000000e+00> : vector<2x512xf32>
    %dot_general3A_3500 = tpu.matmul %concatenate3A_40, %dot_general3A_3496, %dot_general3A_3499 {dimension_numbers = #tpu.dot_dimension_numbers<[1], [1], [0], [0], [0, 0, 1, 0], [], []>, transpose_lhs_hint = false} : vector<2x128xf32>, vector<512x128xf32>, vector<2x512xf32> -> vector<2x512xf32>
    %broadcast_in_dim3A_3501 = arith.constant 1.000000e+00 : bf16
    %broadcast_in_dim3A_3502 = vector.broadcast %broadcast_in_dim3A_3501 : bf16 to vector<512x1xbf16>
    %slice3A_3503 = vector.extract_strided_slice %dot_general3A_3496 {offsets = [0, 0], sizes = [512, 64], strides = [1, 1]} : vector<512x128xf32> to vector<512x64xf32>
    %slice3A_3504 = vector.extract_strided_slice %dot_general3A_3500 {offsets = [0, 0], sizes = [1, 512], strides = [1, 1]} : vector<2x512xf32> to vector<1x512xf32>
    %slice3A_3505 = vector.extract_strided_slice %dot_general3A_3498 {offsets = [0, 0], sizes = [512, 1], strides = [1, 1]} : vector<512x2xf32> to vector<512x1xf32>
    %reduce_max3A_3506 = vector.shape_cast %slice3A_3504 : vector<1x512xf32> to vector<1x1x512xf32>
    %reduce_max3A_3507 = arith.constant dense<0xFF800000> : vector<1xf32>
    %reduce_max3A_3508 = vector.multi_reduction <maximumf>, %reduce_max3A_3506, %reduce_max3A_3507 [1, 2] : vector<1x1x512xf32> to vector<1xf32>
    %reduce_max3A_3509 = vector.shape_cast %reduce_max3A_3508 : vector<1xf32> to vector<1x1x1xf32>
    %reduce_max3A_3510 = vector.extract %reduce_max3A_3509[0, 0, 0] : f32 from vector<1x1x1xf32>
    %add3A_3511 = vector.broadcast %reduce_max3A_3510 : f32 to vector<512x1xf32>
    %add3A_3512 = arith.addf %slice3A_3505, %add3A_3511 : vector<512x1xf32>
    %sub3A_3513 = vector.broadcast %reduce_max3A_3510 : f32 to vector<1x512xf32>
    %sub3A_3514 = arith.subf %slice3A_3504, %sub3A_3513 : vector<1x512xf32>
    %exp3A_3515 = math.exp %sub3A_3514 : vector<1x512xf32>
    %convert_element_type3A_3516 = arith.truncf %exp3A_3515 : vector<1x512xf32> to vector<1x512xbf16>
    %sub3A_3517 = vector.broadcast %reduce_max3A_3510 : f32 to vector<1x512xf32>
    %sub3A_3518 = arith.subf %slice3A_3504, %sub3A_3517 : vector<1x512xf32>
    %mul3A_3519 = arith.constant 2.000000e-01 : f32
    %mul3A_3520 = vector.broadcast %mul3A_3519 : f32 to vector<1x512xf32>
    %mul3A_3521 = arith.mulf %mul3A_3520, %sub3A_3518 : vector<1x512xf32>
    %exp3A_3522 = math.exp %mul3A_3521 : vector<1x512xf32>
    %convert_element_type3A_3523 = arith.truncf %exp3A_3522 : vector<1x512xf32> to vector<1x512xbf16>
    %min3A_3524 = arith.constant 0.000000e+00 : f32
    %min3A_3525 = vector.broadcast %min3A_3524 : f32 to vector<512x1xf32>
    %min3A_3526 = arith.minimumf %add3A_3512, %min3A_3525 : vector<512x1xf32>
    %mul3A_3527 = arith.constant 8.000000e-01 : f32
    %mul3A_3528 = vector.broadcast %mul3A_3527 : f32 to vector<512x1xf32>
    %mul3A_3529 = arith.mulf %mul3A_3528, %min3A_3526 : vector<512x1xf32>
    %exp3A_3530 = math.exp %mul3A_3529 : vector<512x1xf32>
    %convert_element_type3A_3531 = arith.truncf %exp3A_3530 : vector<512x1xf32> to vector<512x1xbf16>
    %max3A_3532 = arith.constant 0.000000e+00 : f32
    %max3A_3533 = vector.broadcast %max3A_3532 : f32 to vector<512x1xf32>
    %max3A_3534 = arith.maximumf %add3A_3512, %max3A_3533 : vector<512x1xf32>
    %mul3A_3535 = arith.constant -8.000000e-01 : f32
    %mul3A_3536 = vector.broadcast %mul3A_3535 : f32 to vector<512x1xf32>
    %mul3A_3537 = arith.mulf %mul3A_3536, %max3A_3534 : vector<512x1xf32>
    %exp3A_3538 = math.exp %mul3A_3537 : vector<512x1xf32>
    %convert_element_type3A_3539 = arith.truncf %exp3A_3538 : vector<512x1xf32> to vector<512x1xbf16>
    %mul3A_3540 = vector.broadcast %convert_element_type3A_3531 : vector<512x1xbf16> to vector<512x512xbf16>
    %mul3A_3541 = vector.broadcast %convert_element_type3A_3516 : vector<1x512xbf16> to vector<512x512xbf16>
    %mul3A_3542 = arith.mulf %mul3A_3540, %mul3A_3541 : vector<512x512xbf16>
    %mul3A_3543 = vector.broadcast %convert_element_type3A_3539 : vector<512x1xbf16> to vector<512x512xbf16>
    %mul3A_3544 = vector.broadcast %convert_element_type3A_3523 : vector<1x512xbf16> to vector<512x512xbf16>
    %mul3A_3545 = arith.mulf %mul3A_3543, %mul3A_3544 : vector<512x512xbf16>
    %max3A_3546 = arith.maximumf %mul3A_3542, %mul3A_3545 : vector<512x512xbf16>
    %mul3A_3547 = arith.mulf %convert_element_type3A, %max3A_3546 : vector<512x512xbf16>
    %convert_element_type3A_3548 = arith.truncf %slice3A_3503 : vector<512x64xf32> to vector<512x64xbf16>
    %concatenate3A_3549 = tpu.concatenate %convert_element_type3A_3548, %broadcast_in_dim3A_3502 in 1 : vector<512x64xbf16>, vector<512x1xbf16> -> vector<512x65xbf16>
    %dot_general3A_3550 = arith.constant dense<0.000000e+00> : vector<512x65xf32>
    %dot_general3A_3551 = tpu.matmul %mul3A_3547, %concatenate3A_3549, %dot_general3A_3550 {dimension_numbers = #tpu.dot_dimension_numbers<[1], [0], [0], [1], [0, 0, 1, 1], [], []>, transpose_lhs_hint = false} : vector<512x512xbf16>, vector<512x65xbf16>, vector<512x65xf32> -> vector<512x65xf32>
    %slice3A_3552 = vector.extract_strided_slice %dot_general3A_3551 {offsets = [0, 0], sizes = [512, 64], strides = [1, 1]} : vector<512x65xf32> to vector<512x64xf32>
    %slice3A_3553 = vector.extract_strided_slice %dot_general3A_3551 {offsets = [0, 64], sizes = [512, 1], strides = [1, 1]} : vector<512x65xf32> to vector<512x1xf32>
    %max3A_3554 = arith.constant 1.000000e-30 : f32
    %max3A_3555 = vector.broadcast %max3A_3554 : f32 to vector<512x1xf32>
    %max3A_3556 = arith.maximumf %slice3A_3553, %max3A_3555 : vector<512x1xf32>
    %reciprocal3A_3557 = tpu.reciprocal %max3A_3556 {approx = true} : vector<512x1xf32> -> vector<512x1xf32>
    %mul3A_3558 = vector.broadcast %reciprocal3A_3557 : vector<512x1xf32> to vector<512x64xf32>
    %mul3A_3559 = arith.mulf %slice3A_3552, %mul3A_3558 : vector<512x64xf32>
    %slice3A_3560 = vector.extract_strided_slice %dot_general3A_3496 {offsets = [0, 64], sizes = [512, 64], strides = [1, 1]} : vector<512x128xf32> to vector<512x64xf32>
    %slice3A_3561 = vector.extract_strided_slice %dot_general3A_3500 {offsets = [1, 0], sizes = [1, 512], strides = [1, 1]} : vector<2x512xf32> to vector<1x512xf32>
    %slice3A_3562 = vector.extract_strided_slice %dot_general3A_3498 {offsets = [0, 1], sizes = [512, 1], strides = [1, 1]} : vector<512x2xf32> to vector<512x1xf32>
    %reduce_max3A_3563 = vector.shape_cast %slice3A_3561 : vector<1x512xf32> to vector<1x1x512xf32>
    %reduce_max3A_3564 = arith.constant dense<0xFF800000> : vector<1xf32>
    %reduce_max3A_3565 = vector.multi_reduction <maximumf>, %reduce_max3A_3563, %reduce_max3A_3564 [1, 2] : vector<1x1x512xf32> to vector<1xf32>
    %reduce_max3A_3566 = vector.shape_cast %reduce_max3A_3565 : vector<1xf32> to vector<1x1x1xf32>
    %reduce_max3A_3567 = vector.extract %reduce_max3A_3566[0, 0, 0] : f32 from vector<1x1x1xf32>
    %add3A_3568 = vector.broadcast %reduce_max3A_3567 : f32 to vector<512x1xf32>
    %add3A_3569 = arith.addf %slice3A_3562, %add3A_3568 : vector<512x1xf32>
    %sub3A_3570 = vector.broadcast %reduce_max3A_3567 : f32 to vector<1x512xf32>
    %sub3A_3571 = arith.subf %slice3A_3561, %sub3A_3570 : vector<1x512xf32>
    %exp3A_3572 = math.exp %sub3A_3571 : vector<1x512xf32>
    %convert_element_type3A_3573 = arith.truncf %exp3A_3572 : vector<1x512xf32> to vector<1x512xbf16>
    %sub3A_3574 = vector.broadcast %reduce_max3A_3567 : f32 to vector<1x512xf32>
    %sub3A_3575 = arith.subf %slice3A_3561, %sub3A_3574 : vector<1x512xf32>
    %mul3A_3576 = arith.constant 2.000000e-01 : f32
    %mul3A_3577 = vector.broadcast %mul3A_3576 : f32 to vector<1x512xf32>
    %mul3A_3578 = arith.mulf %mul3A_3577, %sub3A_3575 : vector<1x512xf32>
    %exp3A_3579 = math.exp %mul3A_3578 : vector<1x512xf32>
    %convert_element_type3A_3580 = arith.truncf %exp3A_3579 : vector<1x512xf32> to vector<1x512xbf16>
    %min3A_3581 = arith.constant 0.000000e+00 : f32
    %min3A_3582 = vector.broadcast %min3A_3581 : f32 to vector<512x1xf32>
    %min3A_3583 = arith.minimumf %add3A_3569, %min3A_3582 : vector<512x1xf32>
    %mul3A_3584 = arith.constant 8.000000e-01 : f32
    %mul3A_3585 = vector.broadcast %mul3A_3584 : f32 to vector<512x1xf32>
    %mul3A_3586 = arith.mulf %mul3A_3585, %min3A_3583 : vector<512x1xf32>
    %exp3A_3587 = math.exp %mul3A_3586 : vector<512x1xf32>
    %convert_element_type3A_3588 = arith.truncf %exp3A_3587 : vector<512x1xf32> to vector<512x1xbf16>
    %max3A_3589 = arith.constant 0.000000e+00 : f32
    %max3A_3590 = vector.broadcast %max3A_3589 : f32 to vector<512x1xf32>
    %max3A_3591 = arith.maximumf %add3A_3569, %max3A_3590 : vector<512x1xf32>
    %mul3A_3592 = arith.constant -8.000000e-01 : f32
    %mul3A_3593 = vector.broadcast %mul3A_3592 : f32 to vector<512x1xf32>
    %mul3A_3594 = arith.mulf %mul3A_3593, %max3A_3591 : vector<512x1xf32>
    %exp3A_3595 = math.exp %mul3A_3594 : vector<512x1xf32>
    %convert_element_type3A_3596 = arith.truncf %exp3A_3595 : vector<512x1xf32> to vector<512x1xbf16>
    %mul3A_3597 = vector.broadcast %convert_element_type3A_3588 : vector<512x1xbf16> to vector<512x512xbf16>
    %mul3A_3598 = vector.broadcast %convert_element_type3A_3573 : vector<1x512xbf16> to vector<512x512xbf16>
    %mul3A_3599 = arith.mulf %mul3A_3597, %mul3A_3598 : vector<512x512xbf16>
    %mul3A_3600 = vector.broadcast %convert_element_type3A_3596 : vector<512x1xbf16> to vector<512x512xbf16>
    %mul3A_3601 = vector.broadcast %convert_element_type3A_3580 : vector<1x512xbf16> to vector<512x512xbf16>
    %mul3A_3602 = arith.mulf %mul3A_3600, %mul3A_3601 : vector<512x512xbf16>
    %max3A_3603 = arith.maximumf %mul3A_3599, %mul3A_3602 : vector<512x512xbf16>
    %mul3A_3604 = arith.mulf %convert_element_type3A, %max3A_3603 : vector<512x512xbf16>
    %convert_element_type3A_3605 = arith.truncf %slice3A_3560 : vector<512x64xf32> to vector<512x64xbf16>
    %concatenate3A_3606 = tpu.concatenate %convert_element_type3A_3605, %broadcast_in_dim3A_3502 in 1 : vector<512x64xbf16>, vector<512x1xbf16> -> vector<512x65xbf16>
    %dot_general3A_3607 = arith.constant dense<0.000000e+00> : vector<512x65xf32>
    %dot_general3A_3608 = tpu.matmul %mul3A_3604, %concatenate3A_3606, %dot_general3A_3607 {dimension_numbers = #tpu.dot_dimension_numbers<[1], [0], [0], [1], [0, 0, 1, 1], [], []>, transpose_lhs_hint = false} : vector<512x512xbf16>, vector<512x65xbf16>, vector<512x65xf32> -> vector<512x65xf32>
    %slice3A_3609 = vector.extract_strided_slice %dot_general3A_3608 {offsets = [0, 0], sizes = [512, 64], strides = [1, 1]} : vector<512x65xf32> to vector<512x64xf32>
    %slice3A_3610 = vector.extract_strided_slice %dot_general3A_3608 {offsets = [0, 64], sizes = [512, 1], strides = [1, 1]} : vector<512x65xf32> to vector<512x1xf32>
    %max3A_3611 = arith.constant 1.000000e-30 : f32
    %max3A_3612 = vector.broadcast %max3A_3611 : f32 to vector<512x1xf32>
    %max3A_3613 = arith.maximumf %slice3A_3610, %max3A_3612 : vector<512x1xf32>
    %reciprocal3A_3614 = tpu.reciprocal %max3A_3613 {approx = true} : vector<512x1xf32> -> vector<512x1xf32>
    %mul3A_3615 = vector.broadcast %reciprocal3A_3614 : vector<512x1xf32> to vector<512x64xf32>
    %mul3A_3616 = arith.mulf %slice3A_3609, %mul3A_3615 : vector<512x64xf32>
    %add3A_3617 = arith.addf %mul3A_3559, %mul3A_3616 : vector<512x64xf32>
    %mul3A_3618 = arith.constant 5.000000e-01 : f32
    %mul3A_3619 = vector.broadcast %mul3A_3618 : f32 to vector<512x64xf32>
    %mul3A_3620 = arith.mulf %mul3A_3619, %add3A_3617 : vector<512x64xf32>
    %get3A_3621 = arith.constant 0 : index
    %get3A_3622 = vector.load %arg11[%get3A_3621] : memref<64xf32, #tpu.memory_space<vmem>>, vector<64xf32>
    %broadcast_in_dim3A_3623 = vector.shape_cast %get3A_3622 : vector<64xf32> to vector<1x64xf32>
    %add3A_3624 = vector.broadcast %broadcast_in_dim3A_3623 : vector<1x64xf32> to vector<512x64xf32>
    %add3A_3625 = arith.addf %mul3A_3620, %add3A_3624 : vector<512x64xf32>
    %gt3A_3626 = arith.constant 0.000000e+00 : f32
    %gt3A_3627 = vector.broadcast %gt3A_3626 : f32 to vector<512x64xf32>
    %gt3A_3628 = arith.cmpf ogt, %add3A_3625, %gt3A_3627 : vector<512x64xf32>
    %exp3A_3629 = math.exp %add3A_3625 : vector<512x64xf32>
    %sub3A_3630 = arith.constant 1.000000e+00 : f32
    %sub3A_3631 = vector.broadcast %sub3A_3630 : f32 to vector<512x64xf32>
    %sub3A_3632 = arith.subf %exp3A_3629, %sub3A_3631 : vector<512x64xf32>
    %mul3A_3633 = arith.constant 1.67326319 : f32
    %mul3A_3634 = vector.broadcast %mul3A_3633 : f32 to vector<512x64xf32>
    %mul3A_3635 = arith.mulf %mul3A_3634, %sub3A_3632 : vector<512x64xf32>
    %select_n3A_3636 = arith.select %gt3A_3628, %add3A_3625, %mul3A_3635 : vector<512x64xi1>, vector<512x64xf32>
    %mul3A_3637 = arith.constant 1.05070102 : f32
    %mul3A_3638 = vector.broadcast %mul3A_3637 : f32 to vector<512x64xf32>
    %mul3A_3639 = arith.mulf %mul3A_3638, %select_n3A_3636 : vector<512x64xf32>
    %get3A_3640 = arith.constant 0 : index
    %get3A_3641 = arith.constant 0 : index
    %get3A_3642 = vector.load %arg12[%get3A_3640, %get3A_3641] : memref<64x64xf32, #tpu.memory_space<vmem>>, vector<64x64xf32>
    %dot_general3A_3643 = arith.constant dense<0.000000e+00> : vector<512x64xf32>
    %dot_general3A_3644 = tpu.matmul %mul3A_3639, %get3A_3642, %dot_general3A_3643 {dimension_numbers = #tpu.dot_dimension_numbers<[1], [1], [0], [0], [0, 0, 1, 0], [], []>, transpose_lhs_hint = false} : vector<512x64xf32>, vector<64x64xf32>, vector<512x64xf32> -> vector<512x64xf32>
    %dot_general3A_3645 = arith.constant dense<0.000000e+00> : vector<512x2xf32>
    %dot_general3A_3646 = tpu.matmul %dot_general3A_3644, %concatenate3A_73, %dot_general3A_3645 {dimension_numbers = #tpu.dot_dimension_numbers<[1], [1], [0], [0], [0, 0, 1, 0], [], []>, transpose_lhs_hint = false} : vector<512x64xf32>, vector<2x64xf32>, vector<512x2xf32> -> vector<512x2xf32>
    %dot_general3A_3647 = arith.constant dense<0.000000e+00> : vector<2x512xf32>
    %dot_general3A_3648 = tpu.matmul %concatenate3A_62, %dot_general3A_3644, %dot_general3A_3647 {dimension_numbers = #tpu.dot_dimension_numbers<[1], [1], [0], [0], [0, 0, 1, 0], [], []>, transpose_lhs_hint = false} : vector<2x64xf32>, vector<512x64xf32>, vector<2x512xf32> -> vector<2x512xf32>
    %broadcast_in_dim3A_3649 = arith.constant 1.000000e+00 : bf16
    %broadcast_in_dim3A_3650 = vector.broadcast %broadcast_in_dim3A_3649 : bf16 to vector<512x1xbf16>
    %slice3A_3651 = vector.extract_strided_slice %dot_general3A_3644 {offsets = [0, 0], sizes = [512, 32], strides = [1, 1]} : vector<512x64xf32> to vector<512x32xf32>
    %slice3A_3652 = vector.extract_strided_slice %dot_general3A_3648 {offsets = [0, 0], sizes = [1, 512], strides = [1, 1]} : vector<2x512xf32> to vector<1x512xf32>
    %slice3A_3653 = vector.extract_strided_slice %dot_general3A_3646 {offsets = [0, 0], sizes = [512, 1], strides = [1, 1]} : vector<512x2xf32> to vector<512x1xf32>
    %reduce_max3A_3654 = vector.shape_cast %slice3A_3652 : vector<1x512xf32> to vector<1x1x512xf32>
    %reduce_max3A_3655 = arith.constant dense<0xFF800000> : vector<1xf32>
    %reduce_max3A_3656 = vector.multi_reduction <maximumf>, %reduce_max3A_3654, %reduce_max3A_3655 [1, 2] : vector<1x1x512xf32> to vector<1xf32>
    %reduce_max3A_3657 = vector.shape_cast %reduce_max3A_3656 : vector<1xf32> to vector<1x1x1xf32>
    %reduce_max3A_3658 = vector.extract %reduce_max3A_3657[0, 0, 0] : f32 from vector<1x1x1xf32>
    %add3A_3659 = vector.broadcast %reduce_max3A_3658 : f32 to vector<512x1xf32>
    %add3A_3660 = arith.addf %slice3A_3653, %add3A_3659 : vector<512x1xf32>
    %sub3A_3661 = vector.broadcast %reduce_max3A_3658 : f32 to vector<1x512xf32>
    %sub3A_3662 = arith.subf %slice3A_3652, %sub3A_3661 : vector<1x512xf32>
    %exp3A_3663 = math.exp %sub3A_3662 : vector<1x512xf32>
    %convert_element_type3A_3664 = arith.truncf %exp3A_3663 : vector<1x512xf32> to vector<1x512xbf16>
    %sub3A_3665 = vector.broadcast %reduce_max3A_3658 : f32 to vector<1x512xf32>
    %sub3A_3666 = arith.subf %slice3A_3652, %sub3A_3665 : vector<1x512xf32>
    %mul3A_3667 = arith.constant 2.000000e-01 : f32
    %mul3A_3668 = vector.broadcast %mul3A_3667 : f32 to vector<1x512xf32>
    %mul3A_3669 = arith.mulf %mul3A_3668, %sub3A_3666 : vector<1x512xf32>
    %exp3A_3670 = math.exp %mul3A_3669 : vector<1x512xf32>
    %convert_element_type3A_3671 = arith.truncf %exp3A_3670 : vector<1x512xf32> to vector<1x512xbf16>
    %min3A_3672 = arith.constant 0.000000e+00 : f32
    %min3A_3673 = vector.broadcast %min3A_3672 : f32 to vector<512x1xf32>
    %min3A_3674 = arith.minimumf %add3A_3660, %min3A_3673 : vector<512x1xf32>
    %mul3A_3675 = arith.constant 8.000000e-01 : f32
    %mul3A_3676 = vector.broadcast %mul3A_3675 : f32 to vector<512x1xf32>
    %mul3A_3677 = arith.mulf %mul3A_3676, %min3A_3674 : vector<512x1xf32>
    %exp3A_3678 = math.exp %mul3A_3677 : vector<512x1xf32>
    %convert_element_type3A_3679 = arith.truncf %exp3A_3678 : vector<512x1xf32> to vector<512x1xbf16>
    %max3A_3680 = arith.constant 0.000000e+00 : f32
    %max3A_3681 = vector.broadcast %max3A_3680 : f32 to vector<512x1xf32>
    %max3A_3682 = arith.maximumf %add3A_3660, %max3A_3681 : vector<512x1xf32>
    %mul3A_3683 = arith.constant -8.000000e-01 : f32
    %mul3A_3684 = vector.broadcast %mul3A_3683 : f32 to vector<512x1xf32>
    %mul3A_3685 = arith.mulf %mul3A_3684, %max3A_3682 : vector<512x1xf32>
    %exp3A_3686 = math.exp %mul3A_3685 : vector<512x1xf32>
    %convert_element_type3A_3687 = arith.truncf %exp3A_3686 : vector<512x1xf32> to vector<512x1xbf16>
    %mul3A_3688 = vector.broadcast %convert_element_type3A_3679 : vector<512x1xbf16> to vector<512x512xbf16>
    %mul3A_3689 = vector.broadcast %convert_element_type3A_3664 : vector<1x512xbf16> to vector<512x512xbf16>
    %mul3A_3690 = arith.mulf %mul3A_3688, %mul3A_3689 : vector<512x512xbf16>
    %mul3A_3691 = vector.broadcast %convert_element_type3A_3687 : vector<512x1xbf16> to vector<512x512xbf16>
    %mul3A_3692 = vector.broadcast %convert_element_type3A_3671 : vector<1x512xbf16> to vector<512x512xbf16>
    %mul3A_3693 = arith.mulf %mul3A_3691, %mul3A_3692 : vector<512x512xbf16>
    %max3A_3694 = arith.maximumf %mul3A_3690, %mul3A_3693 : vector<512x512xbf16>
    %mul3A_3695 = arith.mulf %convert_element_type3A, %max3A_3694 : vector<512x512xbf16>
    %convert_element_type3A_3696 = arith.truncf %slice3A_3651 : vector<512x32xf32> to vector<512x32xbf16>
    %concatenate3A_3697 = tpu.concatenate %convert_element_type3A_3696, %broadcast_in_dim3A_3650 in 1 : vector<512x32xbf16>, vector<512x1xbf16> -> vector<512x33xbf16>
    %dot_general3A_3698 = arith.constant dense<0.000000e+00> : vector<512x33xf32>
    %dot_general3A_3699 = tpu.matmul %mul3A_3695, %concatenate3A_3697, %dot_general3A_3698 {dimension_numbers = #tpu.dot_dimension_numbers<[1], [0], [0], [1], [0, 0, 1, 1], [], []>, transpose_lhs_hint = false} : vector<512x512xbf16>, vector<512x33xbf16>, vector<512x33xf32> -> vector<512x33xf32>
    %slice3A_3700 = vector.extract_strided_slice %dot_general3A_3699 {offsets = [0, 0], sizes = [512, 32], strides = [1, 1]} : vector<512x33xf32> to vector<512x32xf32>
    %slice3A_3701 = vector.extract_strided_slice %dot_general3A_3699 {offsets = [0, 32], sizes = [512, 1], strides = [1, 1]} : vector<512x33xf32> to vector<512x1xf32>
    %max3A_3702 = arith.constant 1.000000e-30 : f32
    %max3A_3703 = vector.broadcast %max3A_3702 : f32 to vector<512x1xf32>
    %max3A_3704 = arith.maximumf %slice3A_3701, %max3A_3703 : vector<512x1xf32>
    %reciprocal3A_3705 = tpu.reciprocal %max3A_3704 {approx = true} : vector<512x1xf32> -> vector<512x1xf32>
    %mul3A_3706 = vector.broadcast %reciprocal3A_3705 : vector<512x1xf32> to vector<512x32xf32>
    %mul3A_3707 = arith.mulf %slice3A_3700, %mul3A_3706 : vector<512x32xf32>
    %slice3A_3708 = vector.extract_strided_slice %dot_general3A_3644 {offsets = [0, 32], sizes = [512, 32], strides = [1, 1]} : vector<512x64xf32> to vector<512x32xf32>
    %slice3A_3709 = vector.extract_strided_slice %dot_general3A_3648 {offsets = [1, 0], sizes = [1, 512], strides = [1, 1]} : vector<2x512xf32> to vector<1x512xf32>
    %slice3A_3710 = vector.extract_strided_slice %dot_general3A_3646 {offsets = [0, 1], sizes = [512, 1], strides = [1, 1]} : vector<512x2xf32> to vector<512x1xf32>
    %reduce_max3A_3711 = vector.shape_cast %slice3A_3709 : vector<1x512xf32> to vector<1x1x512xf32>
    %reduce_max3A_3712 = arith.constant dense<0xFF800000> : vector<1xf32>
    %reduce_max3A_3713 = vector.multi_reduction <maximumf>, %reduce_max3A_3711, %reduce_max3A_3712 [1, 2] : vector<1x1x512xf32> to vector<1xf32>
    %reduce_max3A_3714 = vector.shape_cast %reduce_max3A_3713 : vector<1xf32> to vector<1x1x1xf32>
    %reduce_max3A_3715 = vector.extract %reduce_max3A_3714[0, 0, 0] : f32 from vector<1x1x1xf32>
    %add3A_3716 = vector.broadcast %reduce_max3A_3715 : f32 to vector<512x1xf32>
    %add3A_3717 = arith.addf %slice3A_3710, %add3A_3716 : vector<512x1xf32>
    %sub3A_3718 = vector.broadcast %reduce_max3A_3715 : f32 to vector<1x512xf32>
    %sub3A_3719 = arith.subf %slice3A_3709, %sub3A_3718 : vector<1x512xf32>
    %exp3A_3720 = math.exp %sub3A_3719 : vector<1x512xf32>
    %convert_element_type3A_3721 = arith.truncf %exp3A_3720 : vector<1x512xf32> to vector<1x512xbf16>
    %sub3A_3722 = vector.broadcast %reduce_max3A_3715 : f32 to vector<1x512xf32>
    %sub3A_3723 = arith.subf %slice3A_3709, %sub3A_3722 : vector<1x512xf32>
    %mul3A_3724 = arith.constant 2.000000e-01 : f32
    %mul3A_3725 = vector.broadcast %mul3A_3724 : f32 to vector<1x512xf32>
    %mul3A_3726 = arith.mulf %mul3A_3725, %sub3A_3723 : vector<1x512xf32>
    %exp3A_3727 = math.exp %mul3A_3726 : vector<1x512xf32>
    %convert_element_type3A_3728 = arith.truncf %exp3A_3727 : vector<1x512xf32> to vector<1x512xbf16>
    %min3A_3729 = arith.constant 0.000000e+00 : f32
    %min3A_3730 = vector.broadcast %min3A_3729 : f32 to vector<512x1xf32>
    %min3A_3731 = arith.minimumf %add3A_3717, %min3A_3730 : vector<512x1xf32>
    %mul3A_3732 = arith.constant 8.000000e-01 : f32
    %mul3A_3733 = vector.broadcast %mul3A_3732 : f32 to vector<512x1xf32>
    %mul3A_3734 = arith.mulf %mul3A_3733, %min3A_3731 : vector<512x1xf32>
    %exp3A_3735 = math.exp %mul3A_3734 : vector<512x1xf32>
    %convert_element_type3A_3736 = arith.truncf %exp3A_3735 : vector<512x1xf32> to vector<512x1xbf16>
    %max3A_3737 = arith.constant 0.000000e+00 : f32
    %max3A_3738 = vector.broadcast %max3A_3737 : f32 to vector<512x1xf32>
    %max3A_3739 = arith.maximumf %add3A_3717, %max3A_3738 : vector<512x1xf32>
    %mul3A_3740 = arith.constant -8.000000e-01 : f32
    %mul3A_3741 = vector.broadcast %mul3A_3740 : f32 to vector<512x1xf32>
    %mul3A_3742 = arith.mulf %mul3A_3741, %max3A_3739 : vector<512x1xf32>
    %exp3A_3743 = math.exp %mul3A_3742 : vector<512x1xf32>
    %convert_element_type3A_3744 = arith.truncf %exp3A_3743 : vector<512x1xf32> to vector<512x1xbf16>
    %mul3A_3745 = vector.broadcast %convert_element_type3A_3736 : vector<512x1xbf16> to vector<512x512xbf16>
    %mul3A_3746 = vector.broadcast %convert_element_type3A_3721 : vector<1x512xbf16> to vector<512x512xbf16>
    %mul3A_3747 = arith.mulf %mul3A_3745, %mul3A_3746 : vector<512x512xbf16>
    %mul3A_3748 = vector.broadcast %convert_element_type3A_3744 : vector<512x1xbf16> to vector<512x512xbf16>
    %mul3A_3749 = vector.broadcast %convert_element_type3A_3728 : vector<1x512xbf16> to vector<512x512xbf16>
    %mul3A_3750 = arith.mulf %mul3A_3748, %mul3A_3749 : vector<512x512xbf16>
    %max3A_3751 = arith.maximumf %mul3A_3747, %mul3A_3750 : vector<512x512xbf16>
    %mul3A_3752 = arith.mulf %convert_element_type3A, %max3A_3751 : vector<512x512xbf16>
    %convert_element_type3A_3753 = arith.truncf %slice3A_3708 : vector<512x32xf32> to vector<512x32xbf16>
    %concatenate3A_3754 = tpu.concatenate %convert_element_type3A_3753, %broadcast_in_dim3A_3650 in 1 : vector<512x32xbf16>, vector<512x1xbf16> -> vector<512x33xbf16>
    %dot_general3A_3755 = arith.constant dense<0.000000e+00> : vector<512x33xf32>
    %dot_general3A_3756 = tpu.matmul %mul3A_3752, %concatenate3A_3754, %dot_general3A_3755 {dimension_numbers = #tpu.dot_dimension_numbers<[1], [0], [0], [1], [0, 0, 1, 1], [], []>, transpose_lhs_hint = false} : vector<512x512xbf16>, vector<512x33xbf16>, vector<512x33xf32> -> vector<512x33xf32>
    %slice3A_3757 = vector.extract_strided_slice %dot_general3A_3756 {offsets = [0, 0], sizes = [512, 32], strides = [1, 1]} : vector<512x33xf32> to vector<512x32xf32>
    %slice3A_3758 = vector.extract_strided_slice %dot_general3A_3756 {offsets = [0, 32], sizes = [512, 1], strides = [1, 1]} : vector<512x33xf32> to vector<512x1xf32>
    %max3A_3759 = arith.constant 1.000000e-30 : f32
    %max3A_3760 = vector.broadcast %max3A_3759 : f32 to vector<512x1xf32>
    %max3A_3761 = arith.maximumf %slice3A_3758, %max3A_3760 : vector<512x1xf32>
    %reciprocal3A_3762 = tpu.reciprocal %max3A_3761 {approx = true} : vector<512x1xf32> -> vector<512x1xf32>
    %mul3A_3763 = vector.broadcast %reciprocal3A_3762 : vector<512x1xf32> to vector<512x32xf32>
    %mul3A_3764 = arith.mulf %slice3A_3757, %mul3A_3763 : vector<512x32xf32>
    %add3A_3765 = arith.addf %mul3A_3707, %mul3A_3764 : vector<512x32xf32>
    %mul3A_3766 = arith.constant 5.000000e-01 : f32
    %mul3A_3767 = vector.broadcast %mul3A_3766 : f32 to vector<512x32xf32>
    %mul3A_3768 = arith.mulf %mul3A_3767, %add3A_3765 : vector<512x32xf32>
    %get3A_3769 = arith.constant 0 : index
    %get3A_3770 = vector.load %arg15[%get3A_3769] : memref<32xf32, #tpu.memory_space<vmem>>, vector<32xf32>
    %broadcast_in_dim3A_3771 = vector.shape_cast %get3A_3770 : vector<32xf32> to vector<1x32xf32>
    %add3A_3772 = vector.broadcast %broadcast_in_dim3A_3771 : vector<1x32xf32> to vector<512x32xf32>
    %add3A_3773 = arith.addf %mul3A_3768, %add3A_3772 : vector<512x32xf32>
    %gt3A_3774 = arith.constant 0.000000e+00 : f32
    %gt3A_3775 = vector.broadcast %gt3A_3774 : f32 to vector<512x32xf32>
    %gt3A_3776 = arith.cmpf ogt, %add3A_3773, %gt3A_3775 : vector<512x32xf32>
    %exp3A_3777 = math.exp %add3A_3773 : vector<512x32xf32>
    %sub3A_3778 = arith.constant 1.000000e+00 : f32
    %sub3A_3779 = vector.broadcast %sub3A_3778 : f32 to vector<512x32xf32>
    %sub3A_3780 = arith.subf %exp3A_3777, %sub3A_3779 : vector<512x32xf32>
    %mul3A_3781 = arith.constant 1.67326319 : f32
    %mul3A_3782 = vector.broadcast %mul3A_3781 : f32 to vector<512x32xf32>
    %mul3A_3783 = arith.mulf %mul3A_3782, %sub3A_3780 : vector<512x32xf32>
    %select_n3A_3784 = arith.select %gt3A_3776, %add3A_3773, %mul3A_3783 : vector<512x32xi1>, vector<512x32xf32>
    %mul3A_3785 = arith.constant 1.05070102 : f32
    %mul3A_3786 = vector.broadcast %mul3A_3785 : f32 to vector<512x32xf32>
    %mul3A_3787 = arith.mulf %mul3A_3786, %select_n3A_3784 : vector<512x32xf32>
    %get3A_3788 = arith.constant 0 : index
    %get3A_3789 = arith.constant 0 : index
    %get3A_3790 = vector.load %arg16[%get3A_3788, %get3A_3789] : memref<1x32xf32, #tpu.memory_space<vmem>>, vector<1x32xf32>
    %mul3A_3791 = vector.broadcast %get3A_3790 : vector<1x32xf32> to vector<512x32xf32>
    %mul3A_3792 = arith.mulf %mul3A_3787, %mul3A_3791 : vector<512x32xf32>
    %reduce_sum3A_3793 = arith.constant dense<0.000000e+00> : vector<512xf32>
    %reduce_sum3A_3794 = vector.multi_reduction <add>, %mul3A_3792, %reduce_sum3A_3793 [1] : vector<512x32xf32> to vector<512xf32>
    %broadcast_in_dim3A_3795 = vector.shape_cast %reduce_sum3A_3794 : vector<512xf32> to vector<512x1xf32>
    %get3A_3796 = arith.constant 0 : index
    %get3A_3797 = vector.load %arg17[%get3A_3796] : memref<1xf32, #tpu.memory_space<vmem>>, vector<1xf32>
    %get3A_3798 = vector.extract %get3A_3797[0] : f32 from vector<1xf32>
    %add3A_3799 = vector.broadcast %get3A_3798 : f32 to vector<512x1xf32>
    %add3A_3800 = arith.addf %broadcast_in_dim3A_3795, %add3A_3799 : vector<512x1xf32>
    %broadcast_in_dim3A_3801 = vector.shape_cast %add3A_3800 : vector<512x1xf32> to vector<1x512x1xf32>
    %swap3A_3802 = arith.constant 7 : index
    %swap3A_3803 = arith.constant 0 : index
    %swap3A_3804 = arith.constant 0 : index
    %swap3A_3805 = vector.load %arg18[%swap3A_3802, %swap3A_3803, %swap3A_3804] : memref<8x512x1xf32, #tpu.memory_space<vmem>>, vector<1x512x1xf32>
    tpu.vector_store %arg18[%swap3A_3802, %swap3A_3803, %swap3A_3804], %broadcast_in_dim3A_3801 {strides = array<i32>} : memref<8x512x1xf32, #tpu.memory_space<vmem>>, vector<1x512x1xf32>,
    return
  }
  func.func @transform_0(%arg0: i32) -> (i32, i32) {
    %c0_i32 = arith.constant 0 : i32
    %c0_i32_0 = arith.constant 0 : i32
    %c0_i32_1 = arith.constant 0 : i32
    return %c0_i32, %c0_i32_0 : i32, i32
  }
  func.func @transform_1(%arg0: i32) -> (i32, i32) {
    %c0_i32 = arith.constant 0 : i32
    %c0_i32_0 = arith.constant 0 : i32
    %c0_i32_1 = arith.constant 0 : i32
    return %c0_i32, %c0_i32_0 : i32, i32
  }
  func.func @transform_2(%arg0: i32) -> (i32, i32) {
    %c0_i32 = arith.constant 0 : i32
    %c0_i32_0 = arith.constant 0 : i32
    %c0_i32_1 = arith.constant 0 : i32
    return %c0_i32, %c0_i32_0 : i32, i32
  }
  func.func @transform_3(%arg0: i32) -> (i32, i32) {
    %c0_i32 = arith.constant 0 : i32
    %c0_i32_0 = arith.constant 0 : i32
    %c0_i32_1 = arith.constant 0 : i32
    return %c0_i32, %c0_i32_0 : i32, i32
  }
  func.func @transform_4(%arg0: i32) -> (i32, i32) {
    %c0_i32 = arith.constant 0 : i32
    %c0_i32_0 = arith.constant 0 : i32
    %c0_i32_1 = arith.constant 0 : i32
    return %c0_i32, %c0_i32_0 : i32, i32
  }
  func.func @transform_5(%arg0: i32) -> (i32, i32) {
    %c0_i32 = arith.constant 0 : i32
    %c0_i32_0 = arith.constant 0 : i32
    %c0_i32_1 = arith.constant 0 : i32
    return %c0_i32, %c0_i32_0 : i32, i32
  }
  func.func @transform_6(%arg0: i32) -> i32 {
    %c0_i32 = arith.constant 0 : i32
    %c0_i32_0 = arith.constant 0 : i32
    return %c0_i32 : i32
  }
  func.func @transform_7(%arg0: i32) -> (i32, i32) {
    %c0_i32 = arith.constant 0 : i32
    %c0_i32_0 = arith.constant 0 : i32
    %c0_i32_1 = arith.constant 0 : i32
    return %c0_i32, %c0_i32_0 : i32, i32
  }
  func.func @transform_8(%arg0: i32) -> (i32, i32) {
    %c0_i32 = arith.constant 0 : i32
    %c0_i32_0 = arith.constant 0 : i32
    %c0_i32_1 = arith.constant 0 : i32
    return %c0_i32, %c0_i32_0 : i32, i32
  }
  func.func @transform_9(%arg0: i32) -> (i32, i32) {
    %c0_i32 = arith.constant 0 : i32
    %c0_i32_0 = arith.constant 0 : i32
    %c0_i32_1 = arith.constant 0 : i32
    return %c0_i32, %c0_i32_0 : i32, i32
  }
  func.func @transform_10(%arg0: i32) -> i32 {
    %c0_i32 = arith.constant 0 : i32
    %c0_i32_0 = arith.constant 0 : i32
    return %c0_i32 : i32
  }
  func.func @transform_11(%arg0: i32) -> (i32, i32) {
    %c0_i32 = arith.constant 0 : i32
    %c0_i32_0 = arith.constant 0 : i32
    %c0_i32_1 = arith.constant 0 : i32
    return %c0_i32, %c0_i32_0 : i32, i32
  }
  func.func @transform_12(%arg0: i32) -> (i32, i32) {
    %c0_i32 = arith.constant 0 : i32
    %c0_i32_0 = arith.constant 0 : i32
    %c0_i32_1 = arith.constant 0 : i32
    return %c0_i32, %c0_i32_0 : i32, i32
  }
  func.func @transform_13(%arg0: i32) -> (i32, i32) {
    %c0_i32 = arith.constant 0 : i32
    %c0_i32_0 = arith.constant 0 : i32
    %c0_i32_1 = arith.constant 0 : i32
    return %c0_i32, %c0_i32_0 : i32, i32
  }
  func.func @transform_14(%arg0: i32) -> i32 {
    %c0_i32 = arith.constant 0 : i32
    %c0_i32_0 = arith.constant 0 : i32
    return %c0_i32 : i32
  }
  func.func @transform_15(%arg0: i32) -> (i32, i32) {
    %c0_i32 = arith.constant 0 : i32
    %c0_i32_0 = arith.constant 0 : i32
    %c0_i32_1 = arith.constant 0 : i32
    return %c0_i32, %c0_i32_0 : i32, i32
  }
  func.func @transform_16(%arg0: i32) -> i32 {
    %c0_i32 = arith.constant 0 : i32
    %c0_i32_0 = arith.constant 0 : i32
    return %c0_i32 : i32
  }
  func.func @transform_17(%arg0: i32) -> (i32, i32, i32) {
    %c0_i32 = arith.constant 0 : i32
    %c0_i32_0 = arith.constant 0 : i32
    %c0_i32_1 = arith.constant 0 : i32
    return %arg0, %c0_i32, %c0_i32_0 : i32, i32, i32
  }
}

</mosaic_0001>

<sc_bundles>
// kernel: kernel.4.cloned.1.call-start
scs
__scs_entry_jumppad:
0x0: {  	(pc) =	sbr.rel $0x88, $3  }
0x1: {  	(tag) =	ssettag $0x0;
	lr =	simm.s32 $0x1  }
0x2: {  	[smem:$0x3F90] =	sst lr;
	_ =	strace $0xD0000000  }
0x3: {  	_ = 	snop  }
0x4: {  	_ = 	snop  }
0x5: {  	_ = 	snop  }
0x6: {  	_ = 	snop  }
0x7: {  	_ = 	snop  }
__scs_overlays_trampoline_lowered:
0x8: {  	[smem:$0x3F9F] =	sst s0  }
0x9: {  	[smem:$0x3FA0] =	sst s1  }
0xa: {  	[smem:$0x3FA1] =	sst s2  }
0xb: {  	[smem:$0x3FA2] =	sst s3  }
0xc: {  	[smem:$0x3FA3] =	sst s4  }
0xd: {  	[smem:$0x3FA4] =	sst s5  }
0xe: {  	[smem:$0x3FA5] =	sst s6  }
0xf: {  	[smem:$0x3FA6] =	sst s7  }
0x10: {  	[smem:$0x3FA7] =	sst s8  }
0x11: {  	[smem:$0x3FA8] =	sst s9;
	s0 =	simm.s32 @!p0 $0x0  }
0x12: {  	s1 =	sld [smem:$0x3F8E];
	s0 =	simm.s32 @p0 $0x1  }
0x13: {  	[smem:$0x3FA9] =	sst s0;
	s0 =	simm.s32 @!p1 $0x0  }
0x14: {  	s2 =	sld [smem:$0x3F8D];
	s0 =	simm.s32 @p1 $0x1  }
0x15: {  	[smem:$0x3FAA] =	sst s0;
	s0 =	simm.s32 @!p2 $0x0  }
0x16: {  	s3 =	sld [smem:$0x3FDB];
	s0 =	simm.s32 @p2 $0x1  }
0x17: {  	s4 =	simm.s32 $0x1BF5;
	[smem:$0x3FAC] =	sst s0  }
0x18: {  	s0 =	sld [smem:$0x3F8F];
	_ =	swait.ge [sflag:s4], $0x0  }
0x19: {  	s7 =	sld [smem:$0x3F90]  }
0x1a: {  	s8 =	sadd.s32 $0xFFFFE003, lr  }
0x1b: {  	s9 =	sadd.s32 $0xFFFFFEF7, lr;
	s5 =	simm.s32 $0xFFFFFFFF;
	p2 =	slt.u32 s8, $0xFFFFF086  }
0x1c: {  	p1 =	slt.u32 s9, $0xF7A;
	s5 =	simm.s32 @!p2 $0x0  }
0x1d: {  	s5 =	simm.s32 @p1 $0x1;
	p0 =	seq.s32 s7, s2  }
0x1e: {  	s7 =	smul.u32 @!p0 $0xF7A, s2;
	p2 =	seq.s32 @!p0 s5, $0x0  }
0x1f: {  	s9 =	smul.u32 $0xF7A, s1;
	s8 =	simm.s32 @!p0 $0x1BF5;
	p2 =	por !p2, p0  }
0x20: {  	[sflag:s8] =	ssyncset.s32 @!p0 $0xFFFFF086;
	s6 =	sadd.s32 @!p0 s3, s7;
	s7 =	simm.s32 @!p0 $0x108  }
0x21: {  	s3 =	sadd.s32 s3, s9;
	s6 =	sadd.s32 @!p0 $0x88, s6;
	s7 =	simm.s32 @p2 $0x1082  }
0x22: {  	[simem:s7], [sflag:s8] =	dma.local @!p0 [hbm:s6], $0xF7A  }
0x23: {  	s9 =	sor.u32 $0xD0000000, s2;
	s6 =	simm.s32 $0x108;
	_ =	swait.ge @!p0 [sflag:s8], $0x0  }
0x24: {  	s3 =	sadd.s32 $0x88, s3;
	s6 =	simm.s32 @!p1 $0x1082;
	[sflag:s4] =	ssyncset.s32 $0xFFFFF086  }
0x25: {  	[simem:s6], [sflag:s4] =	dma.local [hbm:s3], $0xF7A  }
0x26: {  	[smem:$0x3F90] =	sst s1;
	(tag) =	ssettag s2;
	_ =	strace s9  }
0x27: {  	s1 =	sld [smem:$0x3FA0]  }
0x28: {  	s2 =	sld [smem:$0x3FA1]  }
0x29: {  	s4 =	sld [smem:$0x3FA3]  }
0x2a: {  	p0 =	seq.s32 s5, $0x0;
	s5 =	sld [smem:$0x3FA4]  }
0x2b: {  	s6 =	sld [smem:$0x3FA5]  }
0x2c: {  	s7 =	sld [smem:$0x3FA6]  }
0x2d: {  	s3 =	simm.s32 $0x108;
	s8 =	sld [smem:$0x3FA7]  }
0x2e: {  	s3 =	simm.s32 @!p0 $0x1082;
	s9 =	sld [smem:$0x3FA8]  }
0x2f: {  	lr =	sadd.s32 s0, s3;
	s0 =	sld [smem:$0x3F9F]  }
0x30: {  	s3 =	sld [smem:$0x3FA2]  }
0x31: {  	[smem:$0x3FAB] =	sst s10  }
0x32: {  	s10 =	sld [smem:$0x3FA9];
	_ =	sdelay $0x3  }
0x33: {  	p0 =	seq.s32 s10, $0x1;
	s10 =	sld [smem:$0x3FAB];
	_ =	sdelay $0x3  }
0x34: {  	[smem:$0x3FAB] =	sst s10  }
0x35: {  	s10 =	sld [smem:$0x3FAA];
	_ =	sdelay $0x3  }
0x36: {  	p1 =	seq.s32 s10, $0x1;
	s10 =	sld [smem:$0x3FAB];
	_ =	sdelay $0x3  }
0x37: {  	[smem:$0x3FAB] =	sst s10  }
0x38: {  	s10 =	sld [smem:$0x3FAC]  }
0x39: {  	_ = 	snop;
	(pc) =	sbr.ind lr, $3  }
0x3a: {  	_ = 	snop  }
0x3b: {  	_ = 	snop  }
0x3c: {  	p2 =	seq.s32 s10, $0x1;
	s10 =	sld [smem:$0x3FAB]  }
0x3d: {  	_ =	shalt  }
0x3e: {  	_ =	shalt  }
0x3f: {  	_ =	shalt  }
0x40: {  	_ =	shalt  }
0x41: {  	_ =	shalt  }
0x42: {  	_ =	shalt  }
0x43: {  	_ =	shalt  }
0x44: {  	_ =	shalt  }
0x45: {  	_ =	shalt  }
0x46: {  	_ =	shalt  }
0x47: {  	_ =	shalt  }
0x48: {  	_ =	shalt  }
0x49: {  	_ =	shalt  }
0x4a: {  	_ =	shalt  }
0x4b: {  	_ =	shalt  }
0x4c: {  	_ =	shalt  }
0x4d: {  	_ =	shalt  }
0x4e: {  	_ =	shalt  }
0x4f: {  	_ =	shalt  }
0x50: {  	_ =	shalt  }
0x51: {  	_ =	shalt  }
0x52: {  	_ =	shalt  }
0x53: {  	_ =	shalt  }
0x54: {  	_ =	shalt  }
0x55: {  	_ =	shalt  }
0x56: {  	_ =	shalt  }
0x57: {  	_ =	shalt  }
0x58: {  	_ =	shalt  }
0x59: {  	_ =	shalt  }
0x5a: {  	_ =	shalt  }
0x5b: {  	_ =	shalt  }
0x5c: {  	_ =	shalt  }
0x5d: {  	_ =	shalt  }
0x5e: {  	_ =	shalt  }
0x5f: {  	_ =	shalt  }
0x60: {  	_ =	shalt  }
0x61: {  	_ =	shalt  }
0x62: {  	_ =	shalt  }
0x63: {  	_ =	shalt  }
0x64: {  	_ =	shalt  }
0x65: {  	_ =	shalt  }
0x66: {  	_ =	shalt  }
0x67: {  	_ =	shalt  }
0x68: {  	_ =	shalt  }
0x69: {  	_ =	shalt  }
0x6a: {  	_ =	shalt  }
0x6b: {  	_ =	shalt  }
0x6c: {  	_ =	shalt  }
0x6d: {  	_ =	shalt  }
0x6e: {  	_ =	shalt  }
0x6f: {  	_ =	shalt  }
0x70: {  	_ =	shalt  }
0x71: {  	_ =	shalt  }
0x72: {  	_ =	shalt  }
0x73: {  	_ =	shalt  }
0x74: {  	_ =	shalt  }
0x75: {  	_ =	shalt  }
0x76: {  	_ =	shalt  }
0x77: {  	_ =	shalt  }
0x78: {  	_ =	shalt  }
0x79: {  	_ =	shalt  }
0x7a: {  	_ =	shalt  }
0x7b: {  	_ =	shalt  }
0x7c: {  	_ =	shalt  }
0x7d: {  	_ =	shalt  }
0x7e: {  	_ =	shalt  }
0x7f: {  	_ =	shalt  }
0x80: {  	_ =	shalt  }
0x81: {  	_ =	shalt  }
0x82: {  	_ =	shalt  }
0x83: {  	_ =	shalt  }
0x84: {  	_ =	shalt  }
0x85: {  	_ =	shalt  }
0x86: {  	_ =	shalt  }
0x87: {  	_ =	shalt  }
.Lfunc_end0:
.L_simem_size_0:
called_computation_lowered:
.L_overlay_start_0:
0x88: {  	s2 =	sld [smem:$0x3FD9]  }
0x89: {  	s3 =	sld [smem:$0x3FFE];
	_ =	sdelay $0x1  }
0x8a: {  	s1 =	srdreg.scid  }
0x8b: {  	s0 =	sand.u32 $0x1, s1  }
0x8c: {  	s17 =	sshll.u32 s0, $0xA;
	s2 =	sadd.s32 s3, s2  }
0x8d: {  	s2 =	sadd.s32 s2, s17  }
0x8e: {  	[smem:$0x3FB7] =	sst s2  }
0x8f: {  	_ = 	snop  }
0x90: {  	s2 =	sld [smem:$0x3FD0];
	(tm) =	ssettm $0x1  }
0x91: {  	s18 =	sld [smem:$0x3FFB];
	_ =	sdelay $0x3  }
0x92: {  	_ =	strace s18  }
0x93: {  	s3 =	sld [smem:$0x3FFC];
	_ =	sdelay $0x3  }
0x94: {  	_ =	strace s3  }
0x95: {  	s3 =	sld [smem:$0x3FFD];
	_ =	sdelay $0x3  }
0x96: {  	_ =	strace s3  }
0x97: {  	_ =	strace $0x8FFFFFFF  }
0x98: {  	s19 =	sld [smem:$0x3FDB];
	_ =	sdelay $0x1  }
0x99: {  	s4 =	simm.s32 $_scs_section_size  }
0x9a: {  	s5 =	simm.s32 $_size__tile_overlayer_lowered;
	s6 =	simm.s32 $_tile_overlayer_lowered  }
0x9b: {  	s22 =	simm.s32 $0x1BFF;
	s21 =	sshll.u32 s6, $0x1;
	s3 =	sadd.s32 s4, s19  }
0x9c: {  	s7 =	simm.s32 $0x0;
	s20 =	sshll.u32 s5, $0x1;
	s5 =	sadd.s32 s21, s3  }
0x9d: {  	[timem:s7], [sflag:s22] =	dma.local [hbm:s5], s20  }
0x9e: {  	_ =	swait.ge [sflag:s22], s20  }
0x9f: {  	s4 =	ssub.s32 $0x0, s20;
	[sflag:s22] =	ssyncset.done $0x0  }
0xa0: {  	[sflag:s22] =	ssyncadd.s32 s4;
	_ =	sdelay $0x1  }
0xa1: {  	s23 =	simm.s32 $0x1B8B  }
0xa2: {  	_ =	swait.ge [sflag:s23], $0x1  }
0xa3: {  	[sflag:s23] =	ssyncset.done $0x0  }
0xa4: {  	s25 =	simm.s32 $0x1B8E;
	s24 =	sld [smem:$0x3FFE];
	[sflag:s23] =	ssyncadd.s32 $0xFFFFFFFF  }
0xa5: {  	s26 =	simm.s32 $execute0_lowered;
	[smem:$0x3FD2] =	sst s25  }
0xa6: {  	s5 =	sshll.u32 s26, $0x1;
	_ =	strace $0x80000046;
	[dreg:$0x1] =	wrdreg $0xFFFFFFFF  }
0xa7: {  	s28 =	simm.s32 $_size_execute0_lowered;
	s3 =	sadd.s32 s3, s5;
	[dreg:$0x0] =	wrdreg $0x0  }
0xa8: {  	s5 =	sshll.u32 s28, $0x1;
	[dreg:$0x2] =	wrdreg s3  }
0xa9: {  	[dreg:$0x3] =	wrdreg s5  }
0xaa: {  	[dreg:$0x4] =	wrdreg $0xC0  }
0xab: {  	_ =	task [dreg:s7], $0x5FFFF  }
0xac: {  	[dreg:$0x1] =	wrdreg $0xFFFFFFFF  }
0xad: {  	[dreg:$0x0] =	wrdreg $0x60  }
0xae: {  	[dreg:$0x2] =	wrdreg s24  }
0xaf: {  	[dreg:$0x3] =	wrdreg s2  }
0xb0: {  	[dreg:$0x4] =	wrdreg $0x9  }
0xb1: {  	_ =	task.clear_ibuf [dreg:s7], $0x5FFFF;
	_ =	strace $0x90000046  }
0xb2: {  	s29 =	simm.s32 $0x9;
	_ =	strace $0x80000048  }
0xb3: {  	_ =	swait.ge [sflag:s29], $0x1  }
0xb4: {  	[sflag:s29] =	ssyncadd.s32 $0xFFFFFFFF  }
0xb5: {  	_ =	strace $0x90000048  }
0xb6: {  	_ =	sfence  }
0xb7: {  	s30 =	sld [smem:$0x0];
	_ =	sdelay $0x2  }
0xb8: {  	s31 =	sshll.u32 s1, $0xD;
	s1 =	sshrl.u32 s1, $0x2  }
0xb9: {  	s3 =	sand.u32 $0x4000, s31;
	s1 =	sadd.s32 s1, s30  }
0xba: {  	s0 =	sor.u32 s3, s0;
	s1 =	sshll.u32 s1, $0x11  }
0xbb: {  	s0 =	sor.u32 s1, s0  }
0xbc: {  	s0 =	sadd.s32 $0x8F2B, s0  }
0xbd: {  	[sflag:s0] =	ssyncadd.remote.s32 $0x1  }
0xbe: {  	_ =	sfence.sel $0xFFFF  }
0xbf: {  	[dreg:$0x0] =	wrdreg $0xFFFFFFFF;
	(pc) =	sbr.abs _section_cstart, $3  }
0xc0: {  	[dreg:$0x1] =	wrdreg $0xFFFFFFFF  }
0xc1: {  	_ =	task.clear_ibuf [dreg:s7], $0x2FFFF;
	_ =	strace $0x9FFFFFFF  }
0xc2: {  	(tm) =	ssettm $0x7FFFFFFF  }
0xc3: {  	_ =	shalt  }
tec
execute0_lowered:
.L_overlay_start_1:
0x0: {  	(tag) =	ssettag $0x1  }
0x1: {  	s1 =	srdreg.scid  }
0x2: {  	s0 =	stileid.u32;
	s6 =	rddreg [dreg:$0x0]  }
0x3: {  	v0 =	vlaneseq.u32;
	s2 =	rddreg [dreg:$0x1];
	s3 =	simm.s32 $0x0;
	vm0 =	vmmov $0x1;
	v3 =	vimm.s32 $0x0;
	s9 =	simm.s32 $0x4000  }
0x4: {  	vm9 =	vcmask $0xB08;
	vm10 =	vcmask $0xF0C;
	vm11 =	vcmask $0x1310;
	s10 =	simm.s32 $0x0;
	s4 =	sand.u32 $0x1, s1;
	s30 =	sshll.u32 s0, $0x1  }
0x5: {  	vm12 =	vcmask $0x1714;
	vm14 =	vcmask $0x1F1C;
	v1 =	vmul.u32 $0x200, v0;
	[smem:$0x7FF] =	sst s3;
	s5 =	sor.u32 s4, s30;
	s7 =	ssub.s32 $0x2, s4  }
0x6: {  	vm15 =	vcmask $0x2320;
	vm13 =	vcmask $0x2724;
	v3 =	vsel vm0, $0xFFFFFFFF, v3;
	s1 =	sshll.u32 s5, $0x4;
	s5 =	sshll.u32 s5, $0xA;
	s8 =	sshrl.u32 s7, $0x1  }
0x7: {  	vm0 =	vcmask $0x3F3C;
	s4 =	sadd.s32 $0x1E00, s6;
	v0 =	vor.u32 s1, v0;
	v1 =	vor.u32 s1, v1;
	s5 =	sadd.s32 s5, s6;
	s31 =	ssub.s32 s7, s8  }
0x8: {  	[tilespmem:$0x1FFF0] =	vst v3;
	s7 =	simm.s32 $0x1;
	s8 =	simm.s32 $0x2000;
	v1 =	vand.u32 $0x7FFFFF80, v1;
	v2 =	vand.u32 $0x7F, v0;
	v0 =	vmov s1;
	s1 =	rddreg [dreg:$0x2]  }
0x9: {  	v3 =	vimm.f32 $1.000000000e+00;
	_ =	strace $0x80000047;
	s5 =	sadd.s32 $0x2200, s5;
	s6 =	smax.u32 s31, $0x1;
	v1 =	vor.u32 v2, v1;
	v2 =	vimm.f32 $0.0e+00  }
.LBB2_1:
0xa: {  	[tilespmem:s3], [sflag:$0x1] =	stream.linear.gather [hbm4b:s4+s3], $0x2000, $0x38;
	[tilespmem:$0x6000] =	vst v63  }
0xb: {  	_ =	swait.ge [sflag:s7], $0x2000  }
0xc: {  	[sflag:s7] =	ssyncset.done $0x0  }
0xd: {  	[sflag:s7] =	ssyncadd.s32 $0xFFFFE000  }
0xe: {  	[tilespmem:s8], [sflag:$0x1] =	stream.linear.gather [hbm4b:s2+s3], $0x2000, $0x38;
	[tilespmem:$0x6000] =	vst v63  }
0xf: {  	_ =	swait.ge [sflag:s7], $0x2000  }
0x10: {  	[sflag:s7] =	ssyncset.done $0x0  }
0x11: {  	vm3 =	vmmov vm13;
	s11 =	simm.s32 $0x0;
	[sflag:s7] =	ssyncadd.s32 $0xFFFFE000  }
.LBB2_2:
0x12: {  	p0 =	sne.s32 s11, $0x7FC0  }
.Ltmp0:
0x13: {  	_ = 	snop;
	(pc) =	sbr.rel @p0 .LBB2_2-.Ltmp0, $3  }
0x14: {  	_ =	sdelay $0x1  }
0x15: {  	s12 =	sshra.s32 s11, $0x2  }
0x16: {  	s11 =	sadd.s32 $0x40, s11;
	[tilespmem:s12+$0x4000] =	vst v2  }
0x17: {  	s11 =	simm.s32 $0x0  }
0x18: {  	v4 =	vld [tilespmem:s11+$0x2000];
	_ =	sdelay $0x4  }
0x19: {  	v5 =	vld [tilespmem:s11+$0x0];
	v4 =	vsub.s32 v4, v0  }
0x1a: {  	vm1 =	vgt.s32 v4, $0x0  }
0x1b: {  	v6 =	vnsel vm1, $0x0, v4  }
0x1c: {  	vm2 =	vcmask $0x704;
	vm1 =	vlt.u32 v4, $0x10;
	v4 =	vmin.u32 v6, $0xF  }
0x1d: {  	vm6 =	vmand vm1, vm2;
	v4 =	vshll.u32 v4, $0x9  }
0x1e: {  	v6 =	vld [tilespmem:$0x1FFF0];
	vm2 =	vmand vm1, vm10;
	v4 =	vadd.s32 v5, v4;
	v5 =	vimm.s32 $0x0  }
0x1f: {  	v5 =	vsel vm2, $0xFFFFFFFF, v5  }
0x20: {  	vm2 =	vmand vm1, vm11;
	[tilespmem:$0x1FFC0] =	vst v5;
	v5 =	vimm.s32 $0x0  }
0x21: {  	v5 =	vsel vm2, $0xFFFFFFFF, v5  }
0x22: {  	[tilespmem:$0x1FFD0] =	vst v5;
	v5 =	vld [tilespmem:$0x1FFC0]  }
0x23: {  	vm8 =	vnez.u8 v6  }
0x24: {  	vm5 =	vmand vm1, vm8;
	_ =	sdelay $0x1  }
0x25: {  	vm7 =	vmand vm1, vm9  }
0x26: {  	vm2 =	vnez.u8 v5  }
0x27: {  	v5 =	vld [tilespmem:$0x1FFD0];
	_ =	sdelay $0x1  }
0x28: {  	[tilespmem:v4+s9+$0x0] =	vst.idx.add.f32.msk vm5, v3  }
0x29: {  	[tilespmem:v4+s9+$0x0] =	vst.idx.add.f32.msk vm6, v3  }
0x2a: {  	[tilespmem:v4+s9+$0x0] =	vst.idx.add.f32.msk vm7, v3  }
0x2b: {  	[tilespmem:v4+s9+$0x0] =	vst.idx.add.f32.msk vm2, v3;
	vm2 =	vnez.u8 v5;
	_ =	sdelay $0x5  }
0x2c: {  	vm13 =	vcmask $0x1B18;
	vm4 =	vmand vm1, vm12;
	[tilespmem:v4+s9+$0x0] =	vst.idx.add.f32.msk vm2, v3;
	vm2 =	vcmask $0x2B28  }
0x2d: {  	vm5 =	vmand vm1, vm13;
	v5 =	vimm.s32 $0x0;
	vm2 =	vmand vm1, vm2  }
0x2e: {  	vm6 =	vmand vm1, vm14;
	v5 =	vsel vm2, $0xFFFFFFFF, v5  }
0x2f: {  	vm7 =	vmand vm1, vm15;
	[tilespmem:$0x1FFE0] =	vst v5  }
0x30: {  	v5 =	vld [tilespmem:$0x1FFE0]  }
0x31: {  	vm2 =	vcmask $0x2F2C  }
0x32: {  	[tilespmem:v4+s9+$0x0] =	vst.idx.add.f32.msk vm4, v3;
	vm4 =	vmand vm1, vm2;
	vm2 =	vcmask $0x3330  }
0x33: {  	vm13 =	vmmov vm3;
	[tilespmem:v4+s9+$0x0] =	vst.idx.add.f32.msk vm5, v3;
	vm5 =	vmand vm1, vm2;
	vm2 =	vcmask $0x3734  }
0x34: {  	vm3 =	vmand vm1, vm3;
	[tilespmem:v4+s9+$0x0] =	vst.idx.add.f32.msk vm6, v3;
	vm6 =	vmand vm1, vm2;
	vm2 =	vcmask $0x3B38  }
0x35: {  	[tilespmem:v4+s9+$0x0] =	vst.idx.add.f32.msk vm7, v3;
	vm7 =	vmand vm1, vm2;
	vm2 =	vnez.u8 v5;
	_ =	sdelay $0x4  }
0x36: {  	[tilespmem:v4+s9+$0x0] =	vst.idx.add.f32.msk vm3, v3  }
0x37: {  	vm1 =	vmand vm1, vm0;
	[tilespmem:v4+s9+$0x0] =	vst.idx.add.f32.msk vm2, v3  }
0x38: {  	[tilespmem:v4+s9+$0x0] =	vst.idx.add.f32.msk vm4, v3  }
0x39: {  	[tilespmem:v4+s9+$0x0] =	vst.idx.add.f32.msk vm5, v3  }
0x3a: {  	[tilespmem:v4+s9+$0x0] =	vst.idx.add.f32.msk vm6, v3  }
0x3b: {  	s12 =	simm.s32 $0x80;
	s11 =	simm.s32 $0x40;
	[tilespmem:v4+s9+$0x0] =	vst.idx.add.f32.msk vm7, v3  }
.LBB2_4:
0x3c: {  	p0 =	sne.s32 s12, $0x7FC0  }
0x3d: {  	s13 =	sshra.s32 s11, $0x2;
	[tilespmem:v4+s9+$0x0] =	vst.idx.add.f32.msk vm1, v3;
	s11 =	smov.u32 s12;
	s12 =	sadd.s32 $0x40, s12  }
0x3e: {  	v4 =	vld [tilespmem:s13+$0x2000];
	_ =	sdelay $0x4  }
0x3f: {  	v5 =	vld [tilespmem:s13+$0x0];
	v4 =	vsub.s32 v4, v0  }
0x40: {  	vm1 =	vlt.u32 v4, $0x10;
	vm2 =	vgt.s32 v4, $0x0  }
0x41: {  	v4 =	vnsel vm2, $0x0, v4  }
0x42: {  	v4 =	vmin.u32 v4, $0xF  }
0x43: {  	vm3 =	vcmask $0x704;
	vm2 =	vmand vm1, vm8;
	v4 =	vshll.u32 v4, $0x9  }
0x44: {  	vm3 =	vmand vm1, vm3;
	v4 =	vadd.s32 v5, v4  }
0x45: {  	vm4 =	vmand vm1, vm9  }
0x46: {  	vm5 =	vmand vm1, vm10  }
0x47: {  	vm6 =	vmand vm1, vm11  }
0x48: {  	vm7 =	vmand vm1, vm12  }
0x49: {  	[tilespmem:v4+s9+$0x0] =	vst.idx.add.f32.msk vm2, v3;
	vm2 =	vcmask $0x1B18  }
0x4a: {  	vm2 =	vmand vm1, vm2  }
0x4b: {  	[tilespmem:v4+s9+$0x0] =	vst.idx.add.f32.msk vm3, v3;
	vm3 =	vmand vm1, vm14  }
0x4c: {  	[tilespmem:v4+s9+$0x0] =	vst.idx.add.f32.msk vm4, v3;
	vm4 =	vmand vm1, vm15  }
0x4d: {  	[tilespmem:v4+s9+$0x0] =	vst.idx.add.f32.msk vm5, v3;
	vm5 =	vmand vm1, vm13  }
0x4e: {  	[tilespmem:v4+s9+$0x0] =	vst.idx.add.f32.msk vm6, v3;
	vm6 =	vcmask $0x2B28  }
0x4f: {  	vm6 =	vmand vm1, vm6  }
0x50: {  	[tilespmem:v4+s9+$0x0] =	vst.idx.add.f32.msk vm7, v3;
	vm7 =	vcmask $0x2F2C  }
0x51: {  	vm7 =	vmand vm1, vm7  }
0x52: {  	[tilespmem:v4+s9+$0x0] =	vst.idx.add.f32.msk vm2, v3;
	vm2 =	vcmask $0x3330  }
0x53: {  	vm2 =	vmand vm1, vm2  }
0x54: {  	[tilespmem:v4+s9+$0x0] =	vst.idx.add.f32.msk vm3, v3;
	vm3 =	vcmask $0x3734  }
0x55: {  	vm3 =	vmand vm1, vm3  }
0x56: {  	[tilespmem:v4+s9+$0x0] =	vst.idx.add.f32.msk vm4, v3;
	vm4 =	vcmask $0x3B38  }
0x57: {  	vm4 =	vmand vm1, vm4  }
0x58: {  	vm1 =	vmand vm1, vm0;
	[tilespmem:v4+s9+$0x0] =	vst.idx.add.f32.msk vm5, v3  }
.Ltmp1:
0x59: {  	[tilespmem:v4+s9+$0x0] =	vst.idx.add.f32.msk vm6, v3;
	(pc) =	sbr.rel @p0 .LBB2_4-.Ltmp1, $4  }
0x5a: {  	[tilespmem:v4+s9+$0x0] =	vst.idx.add.f32.msk vm7, v3  }
0x5b: {  	[tilespmem:v4+s9+$0x0] =	vst.idx.add.f32.msk vm2, v3  }
0x5c: {  	[tilespmem:v4+s9+$0x0] =	vst.idx.add.f32.msk vm3, v3;
	vm3 =	vcmask $0x704  }
0x5d: {  	[tilespmem:v4+s9+$0x0] =	vst.idx.add.f32.msk vm4, v3  }
0x5e: {  	_ =	sdelay $0x4  }
0x5f: {  	s11 =	sshra.s32 s11, $0x2;
	[tilespmem:v4+s9+$0x0] =	vst.idx.add.f32.msk vm1, v3  }
0x60: {  	v4 =	vld [tilespmem:s11+$0x2000];
	_ =	sdelay $0x4  }
0x61: {  	v5 =	vld [tilespmem:s11+$0x0];
	v4 =	vsub.s32 v4, v0  }
0x62: {  	vm1 =	vgt.s32 v4, $0x0  }
0x63: {  	v6 =	vnsel vm1, $0x0, v4  }
0x64: {  	vm1 =	vlt.u32 v4, $0x10;
	v4 =	vmin.u32 v6, $0xF  }
0x65: {  	vm2 =	vmand vm1, vm8;
	v4 =	vshll.u32 v4, $0x9  }
0x66: {  	v4 =	vadd.s32 v5, v4  }
0x67: {  	vm3 =	vmand vm1, vm3  }
0x68: {  	vm4 =	vmand vm1, vm9  }
0x69: {  	vm5 =	vmand vm1, vm10  }
0x6a: {  	vm6 =	vmand vm1, vm11  }
0x6b: {  	vm7 =	vmand vm1, vm12;
	[tilespmem:v4+s9+$0x0] =	vst.idx.add.f32.msk vm2, v3;
	vm2 =	vcmask $0x1B18  }
0x6c: {  	vm2 =	vmand vm1, vm2  }
0x6d: {  	[tilespmem:v4+s9+$0x0] =	vst.idx.add.f32.msk vm3, v3;
	vm3 =	vmand vm1, vm14  }
0x6e: {  	[tilespmem:v4+s9+$0x0] =	vst.idx.add.f32.msk vm4, v3;
	vm4 =	vmand vm1, vm15  }
0x6f: {  	[tilespmem:v4+s9+$0x0] =	vst.idx.add.f32.msk vm5, v3  }
0x70: {  	vm5 =	vmand vm1, vm13;
	[tilespmem:v4+s9+$0x0] =	vst.idx.add.f32.msk vm6, v3;
	vm6 =	vcmask $0x2B28  }
0x71: {  	vm6 =	vmand vm1, vm6;
	[tilespmem:v4+s9+$0x0] =	vst.idx.add.f32.msk vm7, v3;
	vm7 =	vcmask $0x2F2C  }
0x72: {  	vm7 =	vmand vm1, vm7;
	[tilespmem:v4+s9+$0x0] =	vst.idx.add.f32.msk vm2, v3;
	vm2 =	vcmask $0x3330  }
0x73: {  	vm2 =	vmand vm1, vm2;
	[tilespmem:v4+s9+$0x0] =	vst.idx.add.f32.msk vm3, v3;
	vm3 =	vcmask $0x3734  }
0x74: {  	vm3 =	vmand vm1, vm3;
	[tilespmem:v4+s9+$0x0] =	vst.idx.add.f32.msk vm4, v3;
	vm4 =	vcmask $0x3B38  }
0x75: {  	vm4 =	vmand vm1, vm4  }
0x76: {  	[tilespmem:v4+s9+$0x0] =	vst.idx.add.f32.msk vm5, v3;
	vm1 =	vmand vm1, vm0  }
0x77: {  	[tilespmem:v4+s9+$0x0] =	vst.idx.add.f32.msk vm6, v3  }
0x78: {  	[tilespmem:v4+s9+$0x0] =	vst.idx.add.f32.msk vm7, v3  }
0x79: {  	[tilespmem:v4+s9+$0x0] =	vst.idx.add.f32.msk vm2, v3  }
0x7a: {  	[tilespmem:v4+s9+$0x0] =	vst.idx.add.f32.msk vm3, v3  }
0x7b: {  	s10 =	sadd.s32 $0x1, s10;
	[tilespmem:v4+s9+$0x0] =	vst.idx.add.f32.msk vm4, v3  }
0x7c: {  	p0 =	sne.s32 s10, s6;
	[tilespmem:v4+s9+$0x0] =	vst.idx.add.f32.msk vm1, v3  }
.Ltmp2:
0x7d: {  	[tilespmem:v1+s9+$0x0] =	vst.idx.msk $0xffff, v3;
	(pc) =	sbr.rel @p0 .LBB2_1-.Ltmp2, $4  }
0x7e: {  	[hbm4b:s5+s3] =	stream.linear.scatter [tilespmem:s9], [sflag:$0x1], $0x2000, $0x38;
	[tilespmem:$0x6000] =	vst v63  }
0x7f: {  	_ =	swait.ge [sflag:s7], $0x2000  }
0x80: {  	[sflag:s7] =	ssyncset.done $0x0  }
0x81: {  	[sflag:s7] =	ssyncadd.s32 $0xFFFFE000  }
0x82: {  	_ =	sfence.sel $0x180000  }
0x83: {  	[bflag:$0x0] =	sbarrier.arrive $0xFFFF  }
0x84: {  	p0 =	sne.s32 s0, $0x0;
	_ =	strace $0x90000047  }
0x85: {  	s0 =	sadd.s32 @!p0 $0x100000, s1;
	[bflag:$0x2] =	sbarrier.arrive $0xFFFF  }
0x86: {  	[sflag:s0] =	ssyncadd.tile.s32 @!p0 $0x1;
	_ =	shalt  }
.Lfunc_end2:
_tile_overlayer_lowered:
.L_overlay_start_2:
0x87: {  	(tag) =	ssettag $0x2  }
0x88: {  	s0 =	rddreg [dreg:$0x0];
	s2 =	stileid.u32  }
0x89: {  	s1 =	rddreg [dreg:$0x1];
	p0 =	sne.s32 s2, $0x0  }
0x8a: {  	s3 =	rddreg [dreg:$0x2];
	[bflag:$0x3] =	sbarrier.arrive $0xFFFF;
	s2 =	simm.s32 @!p0 $0x1C01  }
0x8b: {  	[timem:s3], [sflag:s2] =	dma.local @!p0 [hbm:s0], s1  }
0x8c: {  	s0 =	simm.s32 @!p0 $0x1  }
0x8d: {  	_ =	swait.ge @!p0 [sflag:s0], s1  }
0x8e: {  	s1 =	ssub.s32 @!p0 $0x0, s1;
	[sflag:s0] =	ssyncset.done @!p0 $0x0  }
0x8f: {  	[sflag:s0] =	ssyncadd.s32 @!p0 s1  }
0x90: {  	[bflag:$0x3] =	sbarrier.arrive $0xFFFF  }
0x91: {  	_ =	shalt  }

</sc_bundles>
